<compile_context>
chip_gen: v7x
topology: tpu7x:2x2x1
jax: 0.10.2.dev20260603
libtpu: 0.0.44.dev20260713+nightly
codegen_flags: <defaults>
</compile_context>

<pallas_src>
import jax
import jax.numpy as jnp
from jax.experimental import pallas as pl
from jax.experimental.pallas import tpu as pltpu


_C = 55
_B = 24
_D = 12


def _roundtrip_copy_kernel(x_hbm, o_hbm, bufs, sems_l, sems_s):
    loads, stores = {}, {}

    def start_load(i):
        s = i % _B
        cp = pltpu.make_async_copy(
            x_hbm.at[pl.ds(i, 1)], bufs.at[pl.ds(s, 1)], sems_l.at[s])
        cp.start()
        loads[i] = cp

    def start_store(i):
        s = i % _B
        cp = pltpu.make_async_copy(
            bufs.at[pl.ds(s, 1)], o_hbm.at[pl.ds(i, 1)], sems_s.at[s])
        cp.start()
        stores[i] = cp

    for i in range(_C + _D):
        if i < _C:
            if i >= _B:
                stores[i - _B].wait()
            start_load(i)
        j = i - _D
        if 0 <= j < _C:
            loads[j].wait()
            start_store(j)
    for i in range(_C - _B, _C):
        stores[i].wait()


def kernel(flat, row_lengths):
    del row_lengths
    total = flat.shape[0]
    nbytes = total * 4
    rows = nbytes // (_C * 128)
    x3 = jax.lax.bitcast_convert_type(flat, jnp.uint8).reshape(_C, rows, 128)
    out3 = pl.pallas_call(
        _roundtrip_copy_kernel,
        out_shape=jax.ShapeDtypeStruct(x3.shape, x3.dtype),
        in_specs=[pl.BlockSpec(memory_space=pltpu.MemorySpace.HBM)],
        out_specs=pl.BlockSpec(memory_space=pltpu.MemorySpace.HBM),
        scratch_shapes=[
            pltpu.VMEM((_B, rows, 128), jnp.uint8),
            pltpu.SemaphoreType.DMA((_B,)),
            pltpu.SemaphoreType.DMA((_B,)),
        ],
    )(x3)
    return jax.lax.bitcast_convert_type(
        out3.reshape(total, 4), jnp.float32)

# --- scband reference (transcript-rebuilt; emitter-appended) ---
"""Pipeline reference for scband-my-model-87522843558827 (READ-ONLY COPY).

The authoritative reference and input builder live on the scoring server;
editing this copy changes nothing except your own understanding.
"""

import jax, jax.numpy as jnp
import numpy as np

B = 2_000_000
MAXW = 10
PATTERN = np.array([3, 7, 10, 5, 0, 8, 2, 10, 6, 4], dtype=np.int32)
REPS = B // len(PATTERN)
TOTAL = int(PATTERN.sum()) * REPS  # 11_000_000


def setup_inputs(seed: int = 0) -> dict:
    key = jax.random.key(seed)
    # Ragged tensor represented as flat values + per-row lengths.
    # Lengths must be <= 10 because the module densifies to shape [None, 10];
    # use a deterministic repeating pattern so sum(lengths) == TOTAL exactly.
    row_lengths = jnp.asarray(np.tile(PATTERN, REPS))
    flat = jax.random.normal(key, (TOTAL,), dtype=jnp.float32)
    return {"flat": flat, "row_lengths": row_lengths}


def reference(flat, row_lengths):
    total = flat.shape[0]
    # lens = tf.map_fn(lambda x: tf.shape(x)[0], inputs)  -> per-row lengths
    lens = jnp.minimum(row_lengths.astype(jnp.int32), MAXW)
    cu = jnp.concatenate([
        jnp.zeros((1,), jnp.int32),
        jnp.cumsum(row_lengths).astype(jnp.int32),
    ])
    # tensored_input = inputs.to_tensor(default_value=0, shape=[None, 10])
    col = jnp.arange(MAXW, dtype=jnp.int32)
    gather_idx = cu[:-1][:, None] + col[None, :]            # [B, 10]
    mask = col[None, :] < lens[:, None]                     # [B, 10]
    dense = jnp.where(mask, flat[jnp.clip(gather_idx, 0, total - 1)], 0.0)
    # x = tf.cast(tensored_input, tf.float32)
    dense = dense.astype(jnp.float32)
    # outputs = tf.RaggedTensor.from_tensor(x, lengths=lens) -> flat values
    cu_out = jnp.concatenate([
        jnp.zeros((1,), jnp.int32),
        jnp.cumsum(lens).astype(jnp.int32),
    ])
    pos = jnp.arange(total, dtype=jnp.int32)
    row = jnp.searchsorted(cu_out, pos, side='right') - 1
    colp = pos - cu_out[row]
    out_flat = dense[row, colp]
    return out_flat

if __name__ == "__main__":
    import jax
    _d = setup_inputs()
    print(jax.jit(kernel)(*tuple(_d.values())))

</pallas_src>

<mosaic_0001>
module attributes {stable_mosaic.version = 14 : i64} {
  func.func @_roundtrip_copy_kernel(%arg0: memref<55x6250x128xi8, #tpu.memory_space<hbm>>, %arg1: memref<55x6250x128xi8, #tpu.memory_space<hbm>>, %arg2: memref<24x6250x128xi8, #tpu.memory_space<vmem>>, %arg3: memref<24x!tpu.dma_semaphore, #tpu.memory_space<semaphore_mem>>, %arg4: memref<24x!tpu.dma_semaphore, #tpu.memory_space<semaphore_mem>>) attributes {dimension_semantics = [], scalar_prefetch = 0 : i64, scratch_operands = 3 : i64, tpu.core_type = #tpu.core_type<tc>} {
    %dma_start3A = arith.constant 0 : i32
    %dma_start3A_0 = tpu.memref_slice %arg3[%dma_start3A] : memref<24x!tpu.dma_semaphore, #tpu.memory_space<semaphore_mem>> -> memref<1x!tpu.dma_semaphore, #tpu.memory_space<semaphore_mem>>
    %dma_start3A_1 = tpu.memref_squeeze %dma_start3A_0 : memref<1x!tpu.dma_semaphore, #tpu.memory_space<semaphore_mem>> -> memref<!tpu.dma_semaphore, #tpu.memory_space<semaphore_mem>>
    %dma_start3A_2 = arith.constant 0 : i32
    %dma_start3A_3 = arith.constant 0 : i32
    %dma_start3A_4 = arith.constant 0 : i32
    %dma_start3A_5 = tpu.memref_slice %arg2[%dma_start3A_2, %dma_start3A_3, %dma_start3A_4] : memref<24x6250x128xi8, #tpu.memory_space<vmem>> -> memref<1x6250x128xi8, #tpu.memory_space<vmem>>
    %dma_start3A_6 = arith.constant 0 : i32
    %dma_start3A_7 = arith.constant 0 : i32
    %dma_start3A_8 = arith.constant 0 : i32
    %dma_start3A_9 = tpu.memref_slice %arg0[%dma_start3A_6, %dma_start3A_7, %dma_start3A_8] : memref<55x6250x128xi8, #tpu.memory_space<hbm>> -> memref<1x6250x128xi8, #tpu.memory_space<hbm>>
    tpu.enqueue_dma source(%dma_start3A_9 : memref<1x6250x128xi8, #tpu.memory_space<hbm>>) target(%dma_start3A_5 : memref<1x6250x128xi8, #tpu.memory_space<vmem>>) target_semaphore(%dma_start3A_1 : memref<!tpu.dma_semaphore, #tpu.memory_space<semaphore_mem>>)
    %dma_start3A_10 = arith.constant 1 : i32
    %dma_start3A_11 = tpu.memref_slice %arg3[%dma_start3A_10] : memref<24x!tpu.dma_semaphore, #tpu.memory_space<semaphore_mem>> -> memref<1x!tpu.dma_semaphore, #tpu.memory_space<semaphore_mem>>
    %dma_start3A_12 = tpu.memref_squeeze %dma_start3A_11 : memref<1x!tpu.dma_semaphore, #tpu.memory_space<semaphore_mem>> -> memref<!tpu.dma_semaphore, #tpu.memory_space<semaphore_mem>>
    %dma_start3A_13 = arith.constant 1 : i32
    %dma_start3A_14 = arith.constant 0 : i32
    %dma_start3A_15 = arith.constant 0 : i32
    %dma_start3A_16 = tpu.memref_slice %arg2[%dma_start3A_13, %dma_start3A_14, %dma_start3A_15] : memref<24x6250x128xi8, #tpu.memory_space<vmem>> -> memref<1x6250x128xi8, #tpu.memory_space<vmem>>
    %dma_start3A_17 = arith.constant 1 : i32
    %dma_start3A_18 = arith.constant 0 : i32
    %dma_start3A_19 = arith.constant 0 : i32
    %dma_start3A_20 = tpu.memref_slice %arg0[%dma_start3A_17, %dma_start3A_18, %dma_start3A_19] : memref<55x6250x128xi8, #tpu.memory_space<hbm>> -> memref<1x6250x128xi8, #tpu.memory_space<hbm>>
    tpu.enqueue_dma source(%dma_start3A_20 : memref<1x6250x128xi8, #tpu.memory_space<hbm>>) target(%dma_start3A_16 : memref<1x6250x128xi8, #tpu.memory_space<vmem>>) target_semaphore(%dma_start3A_12 : memref<!tpu.dma_semaphore, #tpu.memory_space<semaphore_mem>>)
    %dma_start3A_21 = arith.constant 2 : i32
    %dma_start3A_22 = tpu.memref_slice %arg3[%dma_start3A_21] : memref<24x!tpu.dma_semaphore, #tpu.memory_space<semaphore_mem>> -> memref<1x!tpu.dma_semaphore, #tpu.memory_space<semaphore_mem>>
    %dma_start3A_23 = tpu.memref_squeeze %dma_start3A_22 : memref<1x!tpu.dma_semaphore, #tpu.memory_space<semaphore_mem>> -> memref<!tpu.dma_semaphore, #tpu.memory_space<semaphore_mem>>
    %dma_start3A_24 = arith.constant 2 : i32
    %dma_start3A_25 = arith.constant 0 : i32
    %dma_start3A_26 = arith.constant 0 : i32
    %dma_start3A_27 = tpu.memref_slice %arg2[%dma_start3A_24, %dma_start3A_25, %dma_start3A_26] : memref<24x6250x128xi8, #tpu.memory_space<vmem>> -> memref<1x6250x128xi8, #tpu.memory_space<vmem>>
    %dma_start3A_28 = arith.constant 2 : i32
    %dma_start3A_29 = arith.constant 0 : i32
    %dma_start3A_30 = arith.constant 0 : i32
    %dma_start3A_31 = tpu.memref_slice %arg0[%dma_start3A_28, %dma_start3A_29, %dma_start3A_30] : memref<55x6250x128xi8, #tpu.memory_space<hbm>> -> memref<1x6250x128xi8, #tpu.memory_space<hbm>>
    tpu.enqueue_dma source(%dma_start3A_31 : memref<1x6250x128xi8, #tpu.memory_space<hbm>>) target(%dma_start3A_27 : memref<1x6250x128xi8, #tpu.memory_space<vmem>>) target_semaphore(%dma_start3A_23 : memref<!tpu.dma_semaphore, #tpu.memory_space<semaphore_mem>>)
    %dma_start3A_32 = arith.constant 3 : i32
    %dma_start3A_33 = tpu.memref_slice %arg3[%dma_start3A_32] : memref<24x!tpu.dma_semaphore, #tpu.memory_space<semaphore_mem>> -> memref<1x!tpu.dma_semaphore, #tpu.memory_space<semaphore_mem>>
    %dma_start3A_34 = tpu.memref_squeeze %dma_start3A_33 : memref<1x!tpu.dma_semaphore, #tpu.memory_space<semaphore_mem>> -> memref<!tpu.dma_semaphore, #tpu.memory_space<semaphore_mem>>
    %dma_start3A_35 = arith.constant 3 : i32
    %dma_start3A_36 = arith.constant 0 : i32
    %dma_start3A_37 = arith.constant 0 : i32
    %dma_start3A_38 = tpu.memref_slice %arg2[%dma_start3A_35, %dma_start3A_36, %dma_start3A_37] : memref<24x6250x128xi8, #tpu.memory_space<vmem>> -> memref<1x6250x128xi8, #tpu.memory_space<vmem>>
    %dma_start3A_39 = arith.constant 3 : i32
    %dma_start3A_40 = arith.constant 0 : i32
    %dma_start3A_41 = arith.constant 0 : i32
    %dma_start3A_42 = tpu.memref_slice %arg0[%dma_start3A_39, %dma_start3A_40, %dma_start3A_41] : memref<55x6250x128xi8, #tpu.memory_space<hbm>> -> memref<1x6250x128xi8, #tpu.memory_space<hbm>>
    tpu.enqueue_dma source(%dma_start3A_42 : memref<1x6250x128xi8, #tpu.memory_space<hbm>>) target(%dma_start3A_38 : memref<1x6250x128xi8, #tpu.memory_space<vmem>>) target_semaphore(%dma_start3A_34 : memref<!tpu.dma_semaphore, #tpu.memory_space<semaphore_mem>>)
    %dma_start3A_43 = arith.constant 4 : i32
    %dma_start3A_44 = tpu.memref_slice %arg3[%dma_start3A_43] : memref<24x!tpu.dma_semaphore, #tpu.memory_space<semaphore_mem>> -> memref<1x!tpu.dma_semaphore, #tpu.memory_space<semaphore_mem>>
    %dma_start3A_45 = tpu.memref_squeeze %dma_start3A_44 : memref<1x!tpu.dma_semaphore, #tpu.memory_space<semaphore_mem>> -> memref<!tpu.dma_semaphore, #tpu.memory_space<semaphore_mem>>
    %dma_start3A_46 = arith.constant 4 : i32
    %dma_start3A_47 = arith.constant 0 : i32
    %dma_start3A_48 = arith.constant 0 : i32
    %dma_start3A_49 = tpu.memref_slice %arg2[%dma_start3A_46, %dma_start3A_47, %dma_start3A_48] : memref<24x6250x128xi8, #tpu.memory_space<vmem>> -> memref<1x6250x128xi8, #tpu.memory_space<vmem>>
    %dma_start3A_50 = arith.constant 4 : i32
    %dma_start3A_51 = arith.constant 0 : i32
    %dma_start3A_52 = arith.constant 0 : i32
    %dma_start3A_53 = tpu.memref_slice %arg0[%dma_start3A_50, %dma_start3A_51, %dma_start3A_52] : memref<55x6250x128xi8, #tpu.memory_space<hbm>> -> memref<1x6250x128xi8, #tpu.memory_space<hbm>>
    tpu.enqueue_dma source(%dma_start3A_53 : memref<1x6250x128xi8, #tpu.memory_space<hbm>>) target(%dma_start3A_49 : memref<1x6250x128xi8, #tpu.memory_space<vmem>>) target_semaphore(%dma_start3A_45 : memref<!tpu.dma_semaphore, #tpu.memory_space<semaphore_mem>>)
    %dma_start3A_54 = arith.constant 5 : i32
    %dma_start3A_55 = tpu.memref_slice %arg3[%dma_start3A_54] : memref<24x!tpu.dma_semaphore, #tpu.memory_space<semaphore_mem>> -> memref<1x!tpu.dma_semaphore, #tpu.memory_space<semaphore_mem>>
    %dma_start3A_56 = tpu.memref_squeeze %dma_start3A_55 : memref<1x!tpu.dma_semaphore, #tpu.memory_space<semaphore_mem>> -> memref<!tpu.dma_semaphore, #tpu.memory_space<semaphore_mem>>
    %dma_start3A_57 = arith.constant 5 : i32
    %dma_start3A_58 = arith.constant 0 : i32
    %dma_start3A_59 = arith.constant 0 : i32
    %dma_start3A_60 = tpu.memref_slice %arg2[%dma_start3A_57, %dma_start3A_58, %dma_start3A_59] : memref<24x6250x128xi8, #tpu.memory_space<vmem>> -> memref<1x6250x128xi8, #tpu.memory_space<vmem>>
    %dma_start3A_61 = arith.constant 5 : i32
    %dma_start3A_62 = arith.constant 0 : i32
    %dma_start3A_63 = arith.constant 0 : i32
    %dma_start3A_64 = tpu.memref_slice %arg0[%dma_start3A_61, %dma_start3A_62, %dma_start3A_63] : memref<55x6250x128xi8, #tpu.memory_space<hbm>> -> memref<1x6250x128xi8, #tpu.memory_space<hbm>>
    tpu.enqueue_dma source(%dma_start3A_64 : memref<1x6250x128xi8, #tpu.memory_space<hbm>>) target(%dma_start3A_60 : memref<1x6250x128xi8, #tpu.memory_space<vmem>>) target_semaphore(%dma_start3A_56 : memref<!tpu.dma_semaphore, #tpu.memory_space<semaphore_mem>>)
    %dma_start3A_65 = arith.constant 6 : i32
    %dma_start3A_66 = tpu.memref_slice %arg3[%dma_start3A_65] : memref<24x!tpu.dma_semaphore, #tpu.memory_space<semaphore_mem>> -> memref<1x!tpu.dma_semaphore, #tpu.memory_space<semaphore_mem>>
    %dma_start3A_67 = tpu.memref_squeeze %dma_start3A_66 : memref<1x!tpu.dma_semaphore, #tpu.memory_space<semaphore_mem>> -> memref<!tpu.dma_semaphore, #tpu.memory_space<semaphore_mem>>
    %dma_start3A_68 = arith.constant 6 : i32
    %dma_start3A_69 = arith.constant 0 : i32
    %dma_start3A_70 = arith.constant 0 : i32
    %dma_start3A_71 = tpu.memref_slice %arg2[%dma_start3A_68, %dma_start3A_69, %dma_start3A_70] : memref<24x6250x128xi8, #tpu.memory_space<vmem>> -> memref<1x6250x128xi8, #tpu.memory_space<vmem>>
    %dma_start3A_72 = arith.constant 6 : i32
    %dma_start3A_73 = arith.constant 0 : i32
    %dma_start3A_74 = arith.constant 0 : i32
    %dma_start3A_75 = tpu.memref_slice %arg0[%dma_start3A_72, %dma_start3A_73, %dma_start3A_74] : memref<55x6250x128xi8, #tpu.memory_space<hbm>> -> memref<1x6250x128xi8, #tpu.memory_space<hbm>>
    tpu.enqueue_dma source(%dma_start3A_75 : memref<1x6250x128xi8, #tpu.memory_space<hbm>>) target(%dma_start3A_71 : memref<1x6250x128xi8, #tpu.memory_space<vmem>>) target_semaphore(%dma_start3A_67 : memref<!tpu.dma_semaphore, #tpu.memory_space<semaphore_mem>>)
    %dma_start3A_76 = arith.constant 7 : i32
    %dma_start3A_77 = tpu.memref_slice %arg3[%dma_start3A_76] : memref<24x!tpu.dma_semaphore, #tpu.memory_space<semaphore_mem>> -> memref<1x!tpu.dma_semaphore, #tpu.memory_space<semaphore_mem>>
    %dma_start3A_78 = tpu.memref_squeeze %dma_start3A_77 : memref<1x!tpu.dma_semaphore, #tpu.memory_space<semaphore_mem>> -> memref<!tpu.dma_semaphore, #tpu.memory_space<semaphore_mem>>
    %dma_start3A_79 = arith.constant 7 : i32
    %dma_start3A_80 = arith.constant 0 : i32
    %dma_start3A_81 = arith.constant 0 : i32
    %dma_start3A_82 = tpu.memref_slice %arg2[%dma_start3A_79, %dma_start3A_80, %dma_start3A_81] : memref<24x6250x128xi8, #tpu.memory_space<vmem>> -> memref<1x6250x128xi8, #tpu.memory_space<vmem>>
    %dma_start3A_83 = arith.constant 7 : i32
    %dma_start3A_84 = arith.constant 0 : i32
    %dma_start3A_85 = arith.constant 0 : i32
    %dma_start3A_86 = tpu.memref_slice %arg0[%dma_start3A_83, %dma_start3A_84, %dma_start3A_85] : memref<55x6250x128xi8, #tpu.memory_space<hbm>> -> memref<1x6250x128xi8, #tpu.memory_space<hbm>>
    tpu.enqueue_dma source(%dma_start3A_86 : memref<1x6250x128xi8, #tpu.memory_space<hbm>>) target(%dma_start3A_82 : memref<1x6250x128xi8, #tpu.memory_space<vmem>>) target_semaphore(%dma_start3A_78 : memref<!tpu.dma_semaphore, #tpu.memory_space<semaphore_mem>>)
    %dma_start3A_87 = arith.constant 8 : i32
    %dma_start3A_88 = tpu.memref_slice %arg3[%dma_start3A_87] : memref<24x!tpu.dma_semaphore, #tpu.memory_space<semaphore_mem>> -> memref<1x!tpu.dma_semaphore, #tpu.memory_space<semaphore_mem>>
    %dma_start3A_89 = tpu.memref_squeeze %dma_start3A_88 : memref<1x!tpu.dma_semaphore, #tpu.memory_space<semaphore_mem>> -> memref<!tpu.dma_semaphore, #tpu.memory_space<semaphore_mem>>
    %dma_start3A_90 = arith.constant 8 : i32
    %dma_start3A_91 = arith.constant 0 : i32
    %dma_start3A_92 = arith.constant 0 : i32
    %dma_start3A_93 = tpu.memref_slice %arg2[%dma_start3A_90, %dma_start3A_91, %dma_start3A_92] : memref<24x6250x128xi8, #tpu.memory_space<vmem>> -> memref<1x6250x128xi8, #tpu.memory_space<vmem>>
    %dma_start3A_94 = arith.constant 8 : i32
    %dma_start3A_95 = arith.constant 0 : i32
    %dma_start3A_96 = arith.constant 0 : i32
    %dma_start3A_97 = tpu.memref_slice %arg0[%dma_start3A_94, %dma_start3A_95, %dma_start3A_96] : memref<55x6250x128xi8, #tpu.memory_space<hbm>> -> memref<1x6250x128xi8, #tpu.memory_space<hbm>>
    tpu.enqueue_dma source(%dma_start3A_97 : memref<1x6250x128xi8, #tpu.memory_space<hbm>>) target(%dma_start3A_93 : memref<1x6250x128xi8, #tpu.memory_space<vmem>>) target_semaphore(%dma_start3A_89 : memref<!tpu.dma_semaphore, #tpu.memory_space<semaphore_mem>>)
    %dma_start3A_98 = arith.constant 9 : i32
    %dma_start3A_99 = tpu.memref_slice %arg3[%dma_start3A_98] : memref<24x!tpu.dma_semaphore, #tpu.memory_space<semaphore_mem>> -> memref<1x!tpu.dma_semaphore, #tpu.memory_space<semaphore_mem>>
    %dma_start3A_100 = tpu.memref_squeeze %dma_start3A_99 : memref<1x!tpu.dma_semaphore, #tpu.memory_space<semaphore_mem>> -> memref<!tpu.dma_semaphore, #tpu.memory_space<semaphore_mem>>
    %dma_start3A_101 = arith.constant 9 : i32
    %dma_start3A_102 = arith.constant 0 : i32
    %dma_start3A_103 = arith.constant 0 : i32
    %dma_start3A_104 = tpu.memref_slice %arg2[%dma_start3A_101, %dma_start3A_102, %dma_start3A_103] : memref<24x6250x128xi8, #tpu.memory_space<vmem>> -> memref<1x6250x128xi8, #tpu.memory_space<vmem>>
    %dma_start3A_105 = arith.constant 9 : i32
    %dma_start3A_106 = arith.constant 0 : i32
    %dma_start3A_107 = arith.constant 0 : i32
    %dma_start3A_108 = tpu.memref_slice %arg0[%dma_start3A_105, %dma_start3A_106, %dma_start3A_107] : memref<55x6250x128xi8, #tpu.memory_space<hbm>> -> memref<1x6250x128xi8, #tpu.memory_space<hbm>>
    tpu.enqueue_dma source(%dma_start3A_108 : memref<1x6250x128xi8, #tpu.memory_space<hbm>>) target(%dma_start3A_104 : memref<1x6250x128xi8, #tpu.memory_space<vmem>>) target_semaphore(%dma_start3A_100 : memref<!tpu.dma_semaphore, #tpu.memory_space<semaphore_mem>>)
    %dma_start3A_109 = arith.constant 10 : i32
    %dma_start3A_110 = tpu.memref_slice %arg3[%dma_start3A_109] : memref<24x!tpu.dma_semaphore, #tpu.memory_space<semaphore_mem>> -> memref<1x!tpu.dma_semaphore, #tpu.memory_space<semaphore_mem>>
    %dma_start3A_111 = tpu.memref_squeeze %dma_start3A_110 : memref<1x!tpu.dma_semaphore, #tpu.memory_space<semaphore_mem>> -> memref<!tpu.dma_semaphore, #tpu.memory_space<semaphore_mem>>
    %dma_start3A_112 = arith.constant 10 : i32
    %dma_start3A_113 = arith.constant 0 : i32
    %dma_start3A_114 = arith.constant 0 : i32
    %dma_start3A_115 = tpu.memref_slice %arg2[%dma_start3A_112, %dma_start3A_113, %dma_start3A_114] : memref<24x6250x128xi8, #tpu.memory_space<vmem>> -> memref<1x6250x128xi8, #tpu.memory_space<vmem>>
    %dma_start3A_116 = arith.constant 10 : i32
    %dma_start3A_117 = arith.constant 0 : i32
    %dma_start3A_118 = arith.constant 0 : i32
    %dma_start3A_119 = tpu.memref_slice %arg0[%dma_start3A_116, %dma_start3A_117, %dma_start3A_118] : memref<55x6250x128xi8, #tpu.memory_space<hbm>> -> memref<1x6250x128xi8, #tpu.memory_space<hbm>>
    tpu.enqueue_dma source(%dma_start3A_119 : memref<1x6250x128xi8, #tpu.memory_space<hbm>>) target(%dma_start3A_115 : memref<1x6250x128xi8, #tpu.memory_space<vmem>>) target_semaphore(%dma_start3A_111 : memref<!tpu.dma_semaphore, #tpu.memory_space<semaphore_mem>>)
    %dma_start3A_120 = arith.constant 11 : i32
    %dma_start3A_121 = tpu.memref_slice %arg3[%dma_start3A_120] : memref<24x!tpu.dma_semaphore, #tpu.memory_space<semaphore_mem>> -> memref<1x!tpu.dma_semaphore, #tpu.memory_space<semaphore_mem>>
    %dma_start3A_122 = tpu.memref_squeeze %dma_start3A_121 : memref<1x!tpu.dma_semaphore, #tpu.memory_space<semaphore_mem>> -> memref<!tpu.dma_semaphore, #tpu.memory_space<semaphore_mem>>
    %dma_start3A_123 = arith.constant 11 : i32
    %dma_start3A_124 = arith.constant 0 : i32
    %dma_start3A_125 = arith.constant 0 : i32
    %dma_start3A_126 = tpu.memref_slice %arg2[%dma_start3A_123, %dma_start3A_124, %dma_start3A_125] : memref<24x6250x128xi8, #tpu.memory_space<vmem>> -> memref<1x6250x128xi8, #tpu.memory_space<vmem>>
    %dma_start3A_127 = arith.constant 11 : i32
    %dma_start3A_128 = arith.constant 0 : i32
    %dma_start3A_129 = arith.constant 0 : i32
    %dma_start3A_130 = tpu.memref_slice %arg0[%dma_start3A_127, %dma_start3A_128, %dma_start3A_129] : memref<55x6250x128xi8, #tpu.memory_space<hbm>> -> memref<1x6250x128xi8, #tpu.memory_space<hbm>>
    tpu.enqueue_dma source(%dma_start3A_130 : memref<1x6250x128xi8, #tpu.memory_space<hbm>>) target(%dma_start3A_126 : memref<1x6250x128xi8, #tpu.memory_space<vmem>>) target_semaphore(%dma_start3A_122 : memref<!tpu.dma_semaphore, #tpu.memory_space<semaphore_mem>>)
    %dma_start3A_131 = arith.constant 12 : i32
    %dma_start3A_132 = tpu.memref_slice %arg3[%dma_start3A_131] : memref<24x!tpu.dma_semaphore, #tpu.memory_space<semaphore_mem>> -> memref<1x!tpu.dma_semaphore, #tpu.memory_space<semaphore_mem>>
    %dma_start3A_133 = tpu.memref_squeeze %dma_start3A_132 : memref<1x!tpu.dma_semaphore, #tpu.memory_space<semaphore_mem>> -> memref<!tpu.dma_semaphore, #tpu.memory_space<semaphore_mem>>
    %dma_start3A_134 = arith.constant 12 : i32
    %dma_start3A_135 = arith.constant 0 : i32
    %dma_start3A_136 = arith.constant 0 : i32
    %dma_start3A_137 = tpu.memref_slice %arg2[%dma_start3A_134, %dma_start3A_135, %dma_start3A_136] : memref<24x6250x128xi8, #tpu.memory_space<vmem>> -> memref<1x6250x128xi8, #tpu.memory_space<vmem>>
    %dma_start3A_138 = arith.constant 12 : i32
    %dma_start3A_139 = arith.constant 0 : i32
    %dma_start3A_140 = arith.constant 0 : i32
    %dma_start3A_141 = tpu.memref_slice %arg0[%dma_start3A_138, %dma_start3A_139, %dma_start3A_140] : memref<55x6250x128xi8, #tpu.memory_space<hbm>> -> memref<1x6250x128xi8, #tpu.memory_space<hbm>>
    tpu.enqueue_dma source(%dma_start3A_141 : memref<1x6250x128xi8, #tpu.memory_space<hbm>>) target(%dma_start3A_137 : memref<1x6250x128xi8, #tpu.memory_space<vmem>>) target_semaphore(%dma_start3A_133 : memref<!tpu.dma_semaphore, #tpu.memory_space<semaphore_mem>>)
    %dma_wait3A = arith.constant 0 : i32
    %dma_wait3A_142 = tpu.memref_slice %arg3[%dma_wait3A] : memref<24x!tpu.dma_semaphore, #tpu.memory_space<semaphore_mem>> -> memref<1x!tpu.dma_semaphore, #tpu.memory_space<semaphore_mem>>
    %dma_wait3A_143 = tpu.memref_squeeze %dma_wait3A_142 : memref<1x!tpu.dma_semaphore, #tpu.memory_space<semaphore_mem>> -> memref<!tpu.dma_semaphore, #tpu.memory_space<semaphore_mem>>
    %dma_wait3A_144 = arith.constant 0 : i32
    %dma_wait3A_145 = arith.constant 0 : i32
    %dma_wait3A_146 = arith.constant 0 : i32
    %dma_wait3A_147 = tpu.memref_slice %arg2[%dma_wait3A_144, %dma_wait3A_145, %dma_wait3A_146] : memref<24x6250x128xi8, #tpu.memory_space<vmem>> -> memref<1x6250x128xi8, #tpu.memory_space<vmem>>
    %dma_wait3A_148 = arith.constant 0 : i32
    %dma_wait3A_149 = arith.constant 0 : i32
    %dma_wait3A_150 = arith.constant 0 : i32
    %dma_wait3A_151 = tpu.memref_slice %arg0[%dma_wait3A_148, %dma_wait3A_149, %dma_wait3A_150] : memref<55x6250x128xi8, #tpu.memory_space<hbm>> -> memref<1x6250x128xi8, #tpu.memory_space<hbm>>
    tpu.wait_dma2 semaphore(%dma_wait3A_143 : memref<!tpu.dma_semaphore, #tpu.memory_space<semaphore_mem>>) src(%dma_wait3A_151 : memref<1x6250x128xi8, #tpu.memory_space<hbm>>) dst(%dma_wait3A_147 : memref<1x6250x128xi8, #tpu.memory_space<vmem>>)
    %dma_start3A_152 = arith.constant 0 : i32
    %dma_start3A_153 = tpu.memref_slice %arg4[%dma_start3A_152] : memref<24x!tpu.dma_semaphore, #tpu.memory_space<semaphore_mem>> -> memref<1x!tpu.dma_semaphore, #tpu.memory_space<semaphore_mem>>
    %dma_start3A_154 = tpu.memref_squeeze %dma_start3A_153 : memref<1x!tpu.dma_semaphore, #tpu.memory_space<semaphore_mem>> -> memref<!tpu.dma_semaphore, #tpu.memory_space<semaphore_mem>>
    %dma_start3A_155 = arith.constant 0 : i32
    %dma_start3A_156 = arith.constant 0 : i32
    %dma_start3A_157 = arith.constant 0 : i32
    %dma_start3A_158 = tpu.memref_slice %arg1[%dma_start3A_155, %dma_start3A_156, %dma_start3A_157] : memref<55x6250x128xi8, #tpu.memory_space<hbm>> -> memref<1x6250x128xi8, #tpu.memory_space<hbm>>
    %dma_start3A_159 = arith.constant 0 : i32
    %dma_start3A_160 = arith.constant 0 : i32
    %dma_start3A_161 = arith.constant 0 : i32
    %dma_start3A_162 = tpu.memref_slice %arg2[%dma_start3A_159, %dma_start3A_160, %dma_start3A_161] : memref<24x6250x128xi8, #tpu.memory_space<vmem>> -> memref<1x6250x128xi8, #tpu.memory_space<vmem>>
    tpu.enqueue_dma source(%dma_start3A_162 : memref<1x6250x128xi8, #tpu.memory_space<vmem>>) target(%dma_start3A_158 : memref<1x6250x128xi8, #tpu.memory_space<hbm>>) target_semaphore(%dma_start3A_154 : memref<!tpu.dma_semaphore, #tpu.memory_space<semaphore_mem>>)
    %dma_start3A_163 = arith.constant 13 : i32
    %dma_start3A_164 = tpu.memref_slice %arg3[%dma_start3A_163] : memref<24x!tpu.dma_semaphore, #tpu.memory_space<semaphore_mem>> -> memref<1x!tpu.dma_semaphore, #tpu.memory_space<semaphore_mem>>
    %dma_start3A_165 = tpu.memref_squeeze %dma_start3A_164 : memref<1x!tpu.dma_semaphore, #tpu.memory_space<semaphore_mem>> -> memref<!tpu.dma_semaphore, #tpu.memory_space<semaphore_mem>>
    %dma_start3A_166 = arith.constant 13 : i32
    %dma_start3A_167 = arith.constant 0 : i32
    %dma_start3A_168 = arith.constant 0 : i32
    %dma_start3A_169 = tpu.memref_slice %arg2[%dma_start3A_166, %dma_start3A_167, %dma_start3A_168] : memref<24x6250x128xi8, #tpu.memory_space<vmem>> -> memref<1x6250x128xi8, #tpu.memory_space<vmem>>
    %dma_start3A_170 = arith.constant 13 : i32
    %dma_start3A_171 = arith.constant 0 : i32
    %dma_start3A_172 = arith.constant 0 : i32
    %dma_start3A_173 = tpu.memref_slice %arg0[%dma_start3A_170, %dma_start3A_171, %dma_start3A_172] : memref<55x6250x128xi8, #tpu.memory_space<hbm>> -> memref<1x6250x128xi8, #tpu.memory_space<hbm>>
    tpu.enqueue_dma source(%dma_start3A_173 : memref<1x6250x128xi8, #tpu.memory_space<hbm>>) target(%dma_start3A_169 : memref<1x6250x128xi8, #tpu.memory_space<vmem>>) target_semaphore(%dma_start3A_165 : memref<!tpu.dma_semaphore, #tpu.memory_space<semaphore_mem>>)
    %dma_wait3A_174 = arith.constant 1 : i32
    %dma_wait3A_175 = tpu.memref_slice %arg3[%dma_wait3A_174] : memref<24x!tpu.dma_semaphore, #tpu.memory_space<semaphore_mem>> -> memref<1x!tpu.dma_semaphore, #tpu.memory_space<semaphore_mem>>
    %dma_wait3A_176 = tpu.memref_squeeze %dma_wait3A_175 : memref<1x!tpu.dma_semaphore, #tpu.memory_space<semaphore_mem>> -> memref<!tpu.dma_semaphore, #tpu.memory_space<semaphore_mem>>
    %dma_wait3A_177 = arith.constant 1 : i32
    %dma_wait3A_178 = arith.constant 0 : i32
    %dma_wait3A_179 = arith.constant 0 : i32
    %dma_wait3A_180 = tpu.memref_slice %arg2[%dma_wait3A_177, %dma_wait3A_178, %dma_wait3A_179] : memref<24x6250x128xi8, #tpu.memory_space<vmem>> -> memref<1x6250x128xi8, #tpu.memory_space<vmem>>
    %dma_wait3A_181 = arith.constant 1 : i32
    %dma_wait3A_182 = arith.constant 0 : i32
    %dma_wait3A_183 = arith.constant 0 : i32
    %dma_wait3A_184 = tpu.memref_slice %arg0[%dma_wait3A_181, %dma_wait3A_182, %dma_wait3A_183] : memref<55x6250x128xi8, #tpu.memory_space<hbm>> -> memref<1x6250x128xi8, #tpu.memory_space<hbm>>
    tpu.wait_dma2 semaphore(%dma_wait3A_176 : memref<!tpu.dma_semaphore, #tpu.memory_space<semaphore_mem>>) src(%dma_wait3A_184 : memref<1x6250x128xi8, #tpu.memory_space<hbm>>) dst(%dma_wait3A_180 : memref<1x6250x128xi8, #tpu.memory_space<vmem>>)
    %dma_start3A_185 = arith.constant 1 : i32
    %dma_start3A_186 = tpu.memref_slice %arg4[%dma_start3A_185] : memref<24x!tpu.dma_semaphore, #tpu.memory_space<semaphore_mem>> -> memref<1x!tpu.dma_semaphore, #tpu.memory_space<semaphore_mem>>
    %dma_start3A_187 = tpu.memref_squeeze %dma_start3A_186 : memref<1x!tpu.dma_semaphore, #tpu.memory_space<semaphore_mem>> -> memref<!tpu.dma_semaphore, #tpu.memory_space<semaphore_mem>>
    %dma_start3A_188 = arith.constant 1 : i32
    %dma_start3A_189 = arith.constant 0 : i32
    %dma_start3A_190 = arith.constant 0 : i32
    %dma_start3A_191 = tpu.memref_slice %arg1[%dma_start3A_188, %dma_start3A_189, %dma_start3A_190] : memref<55x6250x128xi8, #tpu.memory_space<hbm>> -> memref<1x6250x128xi8, #tpu.memory_space<hbm>>
    %dma_start3A_192 = arith.constant 1 : i32
    %dma_start3A_193 = arith.constant 0 : i32
    %dma_start3A_194 = arith.constant 0 : i32
    %dma_start3A_195 = tpu.memref_slice %arg2[%dma_start3A_192, %dma_start3A_193, %dma_start3A_194] : memref<24x6250x128xi8, #tpu.memory_space<vmem>> -> memref<1x6250x128xi8, #tpu.memory_space<vmem>>
    tpu.enqueue_dma source(%dma_start3A_195 : memref<1x6250x128xi8, #tpu.memory_space<vmem>>) target(%dma_start3A_191 : memref<1x6250x128xi8, #tpu.memory_space<hbm>>) target_semaphore(%dma_start3A_187 : memref<!tpu.dma_semaphore, #tpu.memory_space<semaphore_mem>>)
    %dma_start3A_196 = arith.constant 14 : i32
    %dma_start3A_197 = tpu.memref_slice %arg3[%dma_start3A_196] : memref<24x!tpu.dma_semaphore, #tpu.memory_space<semaphore_mem>> -> memref<1x!tpu.dma_semaphore, #tpu.memory_space<semaphore_mem>>
    %dma_start3A_198 = tpu.memref_squeeze %dma_start3A_197 : memref<1x!tpu.dma_semaphore, #tpu.memory_space<semaphore_mem>> -> memref<!tpu.dma_semaphore, #tpu.memory_space<semaphore_mem>>
    %dma_start3A_199 = arith.constant 14 : i32
    %dma_start3A_200 = arith.constant 0 : i32
    %dma_start3A_201 = arith.constant 0 : i32
    %dma_start3A_202 = tpu.memref_slice %arg2[%dma_start3A_199, %dma_start3A_200, %dma_start3A_201] : memref<24x6250x128xi8, #tpu.memory_space<vmem>> -> memref<1x6250x128xi8, #tpu.memory_space<vmem>>
    %dma_start3A_203 = arith.constant 14 : i32
    %dma_start3A_204 = arith.constant 0 : i32
    %dma_start3A_205 = arith.constant 0 : i32
    %dma_start3A_206 = tpu.memref_slice %arg0[%dma_start3A_203, %dma_start3A_204, %dma_start3A_205] : memref<55x6250x128xi8, #tpu.memory_space<hbm>> -> memref<1x6250x128xi8, #tpu.memory_space<hbm>>
    tpu.enqueue_dma source(%dma_start3A_206 : memref<1x6250x128xi8, #tpu.memory_space<hbm>>) target(%dma_start3A_202 : memref<1x6250x128xi8, #tpu.memory_space<vmem>>) target_semaphore(%dma_start3A_198 : memref<!tpu.dma_semaphore, #tpu.memory_space<semaphore_mem>>)
    %dma_wait3A_207 = arith.constant 2 : i32
    %dma_wait3A_208 = tpu.memref_slice %arg3[%dma_wait3A_207] : memref<24x!tpu.dma_semaphore, #tpu.memory_space<semaphore_mem>> -> memref<1x!tpu.dma_semaphore, #tpu.memory_space<semaphore_mem>>
    %dma_wait3A_209 = tpu.memref_squeeze %dma_wait3A_208 : memref<1x!tpu.dma_semaphore, #tpu.memory_space<semaphore_mem>> -> memref<!tpu.dma_semaphore, #tpu.memory_space<semaphore_mem>>
    %dma_wait3A_210 = arith.constant 2 : i32
    %dma_wait3A_211 = arith.constant 0 : i32
    %dma_wait3A_212 = arith.constant 0 : i32
    %dma_wait3A_213 = tpu.memref_slice %arg2[%dma_wait3A_210, %dma_wait3A_211, %dma_wait3A_212] : memref<24x6250x128xi8, #tpu.memory_space<vmem>> -> memref<1x6250x128xi8, #tpu.memory_space<vmem>>
    %dma_wait3A_214 = arith.constant 2 : i32
    %dma_wait3A_215 = arith.constant 0 : i32
    %dma_wait3A_216 = arith.constant 0 : i32
    %dma_wait3A_217 = tpu.memref_slice %arg0[%dma_wait3A_214, %dma_wait3A_215, %dma_wait3A_216] : memref<55x6250x128xi8, #tpu.memory_space<hbm>> -> memref<1x6250x128xi8, #tpu.memory_space<hbm>>
    tpu.wait_dma2 semaphore(%dma_wait3A_209 : memref<!tpu.dma_semaphore, #tpu.memory_space<semaphore_mem>>) src(%dma_wait3A_217 : memref<1x6250x128xi8, #tpu.memory_space<hbm>>) dst(%dma_wait3A_213 : memref<1x6250x128xi8, #tpu.memory_space<vmem>>)
    %dma_start3A_218 = arith.constant 2 : i32
    %dma_start3A_219 = tpu.memref_slice %arg4[%dma_start3A_218] : memref<24x!tpu.dma_semaphore, #tpu.memory_space<semaphore_mem>> -> memref<1x!tpu.dma_semaphore, #tpu.memory_space<semaphore_mem>>
    %dma_start3A_220 = tpu.memref_squeeze %dma_start3A_219 : memref<1x!tpu.dma_semaphore, #tpu.memory_space<semaphore_mem>> -> memref<!tpu.dma_semaphore, #tpu.memory_space<semaphore_mem>>
    %dma_start3A_221 = arith.constant 2 : i32
    %dma_start3A_222 = arith.constant 0 : i32
    %dma_start3A_223 = arith.constant 0 : i32
    %dma_start3A_224 = tpu.memref_slice %arg1[%dma_start3A_221, %dma_start3A_222, %dma_start3A_223] : memref<55x6250x128xi8, #tpu.memory_space<hbm>> -> memref<1x6250x128xi8, #tpu.memory_space<hbm>>
    %dma_start3A_225 = arith.constant 2 : i32
    %dma_start3A_226 = arith.constant 0 : i32
    %dma_start3A_227 = arith.constant 0 : i32
    %dma_start3A_228 = tpu.memref_slice %arg2[%dma_start3A_225, %dma_start3A_226, %dma_start3A_227] : memref<24x6250x128xi8, #tpu.memory_space<vmem>> -> memref<1x6250x128xi8, #tpu.memory_space<vmem>>
    tpu.enqueue_dma source(%dma_start3A_228 : memref<1x6250x128xi8, #tpu.memory_space<vmem>>) target(%dma_start3A_224 : memref<1x6250x128xi8, #tpu.memory_space<hbm>>) target_semaphore(%dma_start3A_220 : memref<!tpu.dma_semaphore, #tpu.memory_space<semaphore_mem>>)
    %dma_start3A_229 = arith.constant 15 : i32
    %dma_start3A_230 = tpu.memref_slice %arg3[%dma_start3A_229] : memref<24x!tpu.dma_semaphore, #tpu.memory_space<semaphore_mem>> -> memref<1x!tpu.dma_semaphore, #tpu.memory_space<semaphore_mem>>
    %dma_start3A_231 = tpu.memref_squeeze %dma_start3A_230 : memref<1x!tpu.dma_semaphore, #tpu.memory_space<semaphore_mem>> -> memref<!tpu.dma_semaphore, #tpu.memory_space<semaphore_mem>>
    %dma_start3A_232 = arith.constant 15 : i32
    %dma_start3A_233 = arith.constant 0 : i32
    %dma_start3A_234 = arith.constant 0 : i32
    %dma_start3A_235 = tpu.memref_slice %arg2[%dma_start3A_232, %dma_start3A_233, %dma_start3A_234] : memref<24x6250x128xi8, #tpu.memory_space<vmem>> -> memref<1x6250x128xi8, #tpu.memory_space<vmem>>
    %dma_start3A_236 = arith.constant 15 : i32
    %dma_start3A_237 = arith.constant 0 : i32
    %dma_start3A_238 = arith.constant 0 : i32
    %dma_start3A_239 = tpu.memref_slice %arg0[%dma_start3A_236, %dma_start3A_237, %dma_start3A_238] : memref<55x6250x128xi8, #tpu.memory_space<hbm>> -> memref<1x6250x128xi8, #tpu.memory_space<hbm>>
    tpu.enqueue_dma source(%dma_start3A_239 : memref<1x6250x128xi8, #tpu.memory_space<hbm>>) target(%dma_start3A_235 : memref<1x6250x128xi8, #tpu.memory_space<vmem>>) target_semaphore(%dma_start3A_231 : memref<!tpu.dma_semaphore, #tpu.memory_space<semaphore_mem>>)
    %dma_wait3A_240 = arith.constant 3 : i32
    %dma_wait3A_241 = tpu.memref_slice %arg3[%dma_wait3A_240] : memref<24x!tpu.dma_semaphore, #tpu.memory_space<semaphore_mem>> -> memref<1x!tpu.dma_semaphore, #tpu.memory_space<semaphore_mem>>
    %dma_wait3A_242 = tpu.memref_squeeze %dma_wait3A_241 : memref<1x!tpu.dma_semaphore, #tpu.memory_space<semaphore_mem>> -> memref<!tpu.dma_semaphore, #tpu.memory_space<semaphore_mem>>
    %dma_wait3A_243 = arith.constant 3 : i32
    %dma_wait3A_244 = arith.constant 0 : i32
    %dma_wait3A_245 = arith.constant 0 : i32
    %dma_wait3A_246 = tpu.memref_slice %arg2[%dma_wait3A_243, %dma_wait3A_244, %dma_wait3A_245] : memref<24x6250x128xi8, #tpu.memory_space<vmem>> -> memref<1x6250x128xi8, #tpu.memory_space<vmem>>
    %dma_wait3A_247 = arith.constant 3 : i32
    %dma_wait3A_248 = arith.constant 0 : i32
    %dma_wait3A_249 = arith.constant 0 : i32
    %dma_wait3A_250 = tpu.memref_slice %arg0[%dma_wait3A_247, %dma_wait3A_248, %dma_wait3A_249] : memref<55x6250x128xi8, #tpu.memory_space<hbm>> -> memref<1x6250x128xi8, #tpu.memory_space<hbm>>
    tpu.wait_dma2 semaphore(%dma_wait3A_242 : memref<!tpu.dma_semaphore, #tpu.memory_space<semaphore_mem>>) src(%dma_wait3A_250 : memref<1x6250x128xi8, #tpu.memory_space<hbm>>) dst(%dma_wait3A_246 : memref<1x6250x128xi8, #tpu.memory_space<vmem>>)
    %dma_start3A_251 = arith.constant 3 : i32
    %dma_start3A_252 = tpu.memref_slice %arg4[%dma_start3A_251] : memref<24x!tpu.dma_semaphore, #tpu.memory_space<semaphore_mem>> -> memref<1x!tpu.dma_semaphore, #tpu.memory_space<semaphore_mem>>
    %dma_start3A_253 = tpu.memref_squeeze %dma_start3A_252 : memref<1x!tpu.dma_semaphore, #tpu.memory_space<semaphore_mem>> -> memref<!tpu.dma_semaphore, #tpu.memory_space<semaphore_mem>>
    %dma_start3A_254 = arith.constant 3 : i32
    %dma_start3A_255 = arith.constant 0 : i32
    %dma_start3A_256 = arith.constant 0 : i32
    %dma_start3A_257 = tpu.memref_slice %arg1[%dma_start3A_254, %dma_start3A_255, %dma_start3A_256] : memref<55x6250x128xi8, #tpu.memory_space<hbm>> -> memref<1x6250x128xi8, #tpu.memory_space<hbm>>
    %dma_start3A_258 = arith.constant 3 : i32
    %dma_start3A_259 = arith.constant 0 : i32
    %dma_start3A_260 = arith.constant 0 : i32
    %dma_start3A_261 = tpu.memref_slice %arg2[%dma_start3A_258, %dma_start3A_259, %dma_start3A_260] : memref<24x6250x128xi8, #tpu.memory_space<vmem>> -> memref<1x6250x128xi8, #tpu.memory_space<vmem>>
    tpu.enqueue_dma source(%dma_start3A_261 : memref<1x6250x128xi8, #tpu.memory_space<vmem>>) target(%dma_start3A_257 : memref<1x6250x128xi8, #tpu.memory_space<hbm>>) target_semaphore(%dma_start3A_253 : memref<!tpu.dma_semaphore, #tpu.memory_space<semaphore_mem>>)
    %dma_start3A_262 = arith.constant 16 : i32
    %dma_start3A_263 = tpu.memref_slice %arg3[%dma_start3A_262] : memref<24x!tpu.dma_semaphore, #tpu.memory_space<semaphore_mem>> -> memref<1x!tpu.dma_semaphore, #tpu.memory_space<semaphore_mem>>
    %dma_start3A_264 = tpu.memref_squeeze %dma_start3A_263 : memref<1x!tpu.dma_semaphore, #tpu.memory_space<semaphore_mem>> -> memref<!tpu.dma_semaphore, #tpu.memory_space<semaphore_mem>>
    %dma_start3A_265 = arith.constant 16 : i32
    %dma_start3A_266 = arith.constant 0 : i32
    %dma_start3A_267 = arith.constant 0 : i32
    %dma_start3A_268 = tpu.memref_slice %arg2[%dma_start3A_265, %dma_start3A_266, %dma_start3A_267] : memref<24x6250x128xi8, #tpu.memory_space<vmem>> -> memref<1x6250x128xi8, #tpu.memory_space<vmem>>
    %dma_start3A_269 = arith.constant 16 : i32
    %dma_start3A_270 = arith.constant 0 : i32
    %dma_start3A_271 = arith.constant 0 : i32
    %dma_start3A_272 = tpu.memref_slice %arg0[%dma_start3A_269, %dma_start3A_270, %dma_start3A_271] : memref<55x6250x128xi8, #tpu.memory_space<hbm>> -> memref<1x6250x128xi8, #tpu.memory_space<hbm>>
    tpu.enqueue_dma source(%dma_start3A_272 : memref<1x6250x128xi8, #tpu.memory_space<hbm>>) target(%dma_start3A_268 : memref<1x6250x128xi8, #tpu.memory_space<vmem>>) target_semaphore(%dma_start3A_264 : memref<!tpu.dma_semaphore, #tpu.memory_space<semaphore_mem>>)
    %dma_wait3A_273 = arith.constant 4 : i32
    %dma_wait3A_274 = tpu.memref_slice %arg3[%dma_wait3A_273] : memref<24x!tpu.dma_semaphore, #tpu.memory_space<semaphore_mem>> -> memref<1x!tpu.dma_semaphore, #tpu.memory_space<semaphore_mem>>
    %dma_wait3A_275 = tpu.memref_squeeze %dma_wait3A_274 : memref<1x!tpu.dma_semaphore, #tpu.memory_space<semaphore_mem>> -> memref<!tpu.dma_semaphore, #tpu.memory_space<semaphore_mem>>
    %dma_wait3A_276 = arith.constant 4 : i32
    %dma_wait3A_277 = arith.constant 0 : i32
    %dma_wait3A_278 = arith.constant 0 : i32
    %dma_wait3A_279 = tpu.memref_slice %arg2[%dma_wait3A_276, %dma_wait3A_277, %dma_wait3A_278] : memref<24x6250x128xi8, #tpu.memory_space<vmem>> -> memref<1x6250x128xi8, #tpu.memory_space<vmem>>
    %dma_wait3A_280 = arith.constant 4 : i32
    %dma_wait3A_281 = arith.constant 0 : i32
    %dma_wait3A_282 = arith.constant 0 : i32
    %dma_wait3A_283 = tpu.memref_slice %arg0[%dma_wait3A_280, %dma_wait3A_281, %dma_wait3A_282] : memref<55x6250x128xi8, #tpu.memory_space<hbm>> -> memref<1x6250x128xi8, #tpu.memory_space<hbm>>
    tpu.wait_dma2 semaphore(%dma_wait3A_275 : memref<!tpu.dma_semaphore, #tpu.memory_space<semaphore_mem>>) src(%dma_wait3A_283 : memref<1x6250x128xi8, #tpu.memory_space<hbm>>) dst(%dma_wait3A_279 : memref<1x6250x128xi8, #tpu.memory_space<vmem>>)
    %dma_start3A_284 = arith.constant 4 : i32
    %dma_start3A_285 = tpu.memref_slice %arg4[%dma_start3A_284] : memref<24x!tpu.dma_semaphore, #tpu.memory_space<semaphore_mem>> -> memref<1x!tpu.dma_semaphore, #tpu.memory_space<semaphore_mem>>
    %dma_start3A_286 = tpu.memref_squeeze %dma_start3A_285 : memref<1x!tpu.dma_semaphore, #tpu.memory_space<semaphore_mem>> -> memref<!tpu.dma_semaphore, #tpu.memory_space<semaphore_mem>>
    %dma_start3A_287 = arith.constant 4 : i32
    %dma_start3A_288 = arith.constant 0 : i32
    %dma_start3A_289 = arith.constant 0 : i32
    %dma_start3A_290 = tpu.memref_slice %arg1[%dma_start3A_287, %dma_start3A_288, %dma_start3A_289] : memref<55x6250x128xi8, #tpu.memory_space<hbm>> -> memref<1x6250x128xi8, #tpu.memory_space<hbm>>
    %dma_start3A_291 = arith.constant 4 : i32
    %dma_start3A_292 = arith.constant 0 : i32
    %dma_start3A_293 = arith.constant 0 : i32
    %dma_start3A_294 = tpu.memref_slice %arg2[%dma_start3A_291, %dma_start3A_292, %dma_start3A_293] : memref<24x6250x128xi8, #tpu.memory_space<vmem>> -> memref<1x6250x128xi8, #tpu.memory_space<vmem>>
    tpu.enqueue_dma source(%dma_start3A_294 : memref<1x6250x128xi8, #tpu.memory_space<vmem>>) target(%dma_start3A_290 : memref<1x6250x128xi8, #tpu.memory_space<hbm>>) target_semaphore(%dma_start3A_286 : memref<!tpu.dma_semaphore, #tpu.memory_space<semaphore_mem>>)
    %dma_start3A_295 = arith.constant 17 : i32
    %dma_start3A_296 = tpu.memref_slice %arg3[%dma_start3A_295] : memref<24x!tpu.dma_semaphore, #tpu.memory_space<semaphore_mem>> -> memref<1x!tpu.dma_semaphore, #tpu.memory_space<semaphore_mem>>
    %dma_start3A_297 = tpu.memref_squeeze %dma_start3A_296 : memref<1x!tpu.dma_semaphore, #tpu.memory_space<semaphore_mem>> -> memref<!tpu.dma_semaphore, #tpu.memory_space<semaphore_mem>>
    %dma_start3A_298 = arith.constant 17 : i32
    %dma_start3A_299 = arith.constant 0 : i32
    %dma_start3A_300 = arith.constant 0 : i32
    %dma_start3A_301 = tpu.memref_slice %arg2[%dma_start3A_298, %dma_start3A_299, %dma_start3A_300] : memref<24x6250x128xi8, #tpu.memory_space<vmem>> -> memref<1x6250x128xi8, #tpu.memory_space<vmem>>
    %dma_start3A_302 = arith.constant 17 : i32
    %dma_start3A_303 = arith.constant 0 : i32
    %dma_start3A_304 = arith.constant 0 : i32
    %dma_start3A_305 = tpu.memref_slice %arg0[%dma_start3A_302, %dma_start3A_303, %dma_start3A_304] : memref<55x6250x128xi8, #tpu.memory_space<hbm>> -> memref<1x6250x128xi8, #tpu.memory_space<hbm>>
    tpu.enqueue_dma source(%dma_start3A_305 : memref<1x6250x128xi8, #tpu.memory_space<hbm>>) target(%dma_start3A_301 : memref<1x6250x128xi8, #tpu.memory_space<vmem>>) target_semaphore(%dma_start3A_297 : memref<!tpu.dma_semaphore, #tpu.memory_space<semaphore_mem>>)
    %dma_wait3A_306 = arith.constant 5 : i32
    %dma_wait3A_307 = tpu.memref_slice %arg3[%dma_wait3A_306] : memref<24x!tpu.dma_semaphore, #tpu.memory_space<semaphore_mem>> -> memref<1x!tpu.dma_semaphore, #tpu.memory_space<semaphore_mem>>
    %dma_wait3A_308 = tpu.memref_squeeze %dma_wait3A_307 : memref<1x!tpu.dma_semaphore, #tpu.memory_space<semaphore_mem>> -> memref<!tpu.dma_semaphore, #tpu.memory_space<semaphore_mem>>
    %dma_wait3A_309 = arith.constant 5 : i32
    %dma_wait3A_310 = arith.constant 0 : i32
    %dma_wait3A_311 = arith.constant 0 : i32
    %dma_wait3A_312 = tpu.memref_slice %arg2[%dma_wait3A_309, %dma_wait3A_310, %dma_wait3A_311] : memref<24x6250x128xi8, #tpu.memory_space<vmem>> -> memref<1x6250x128xi8, #tpu.memory_space<vmem>>
    %dma_wait3A_313 = arith.constant 5 : i32
    %dma_wait3A_314 = arith.constant 0 : i32
    %dma_wait3A_315 = arith.constant 0 : i32
    %dma_wait3A_316 = tpu.memref_slice %arg0[%dma_wait3A_313, %dma_wait3A_314, %dma_wait3A_315] : memref<55x6250x128xi8, #tpu.memory_space<hbm>> -> memref<1x6250x128xi8, #tpu.memory_space<hbm>>
    tpu.wait_dma2 semaphore(%dma_wait3A_308 : memref<!tpu.dma_semaphore, #tpu.memory_space<semaphore_mem>>) src(%dma_wait3A_316 : memref<1x6250x128xi8, #tpu.memory_space<hbm>>) dst(%dma_wait3A_312 : memref<1x6250x128xi8, #tpu.memory_space<vmem>>)
    %dma_start3A_317 = arith.constant 5 : i32
    %dma_start3A_318 = tpu.memref_slice %arg4[%dma_start3A_317] : memref<24x!tpu.dma_semaphore, #tpu.memory_space<semaphore_mem>> -> memref<1x!tpu.dma_semaphore, #tpu.memory_space<semaphore_mem>>
    %dma_start3A_319 = tpu.memref_squeeze %dma_start3A_318 : memref<1x!tpu.dma_semaphore, #tpu.memory_space<semaphore_mem>> -> memref<!tpu.dma_semaphore, #tpu.memory_space<semaphore_mem>>
    %dma_start3A_320 = arith.constant 5 : i32
    %dma_start3A_321 = arith.constant 0 : i32
    %dma_start3A_322 = arith.constant 0 : i32
    %dma_start3A_323 = tpu.memref_slice %arg1[%dma_start3A_320, %dma_start3A_321, %dma_start3A_322] : memref<55x6250x128xi8, #tpu.memory_space<hbm>> -> memref<1x6250x128xi8, #tpu.memory_space<hbm>>
    %dma_start3A_324 = arith.constant 5 : i32
    %dma_start3A_325 = arith.constant 0 : i32
    %dma_start3A_326 = arith.constant 0 : i32
    %dma_start3A_327 = tpu.memref_slice %arg2[%dma_start3A_324, %dma_start3A_325, %dma_start3A_326] : memref<24x6250x128xi8, #tpu.memory_space<vmem>> -> memref<1x6250x128xi8, #tpu.memory_space<vmem>>
    tpu.enqueue_dma source(%dma_start3A_327 : memref<1x6250x128xi8, #tpu.memory_space<vmem>>) target(%dma_start3A_323 : memref<1x6250x128xi8, #tpu.memory_space<hbm>>) target_semaphore(%dma_start3A_319 : memref<!tpu.dma_semaphore, #tpu.memory_space<semaphore_mem>>)
    %dma_start3A_328 = arith.constant 18 : i32
    %dma_start3A_329 = tpu.memref_slice %arg3[%dma_start3A_328] : memref<24x!tpu.dma_semaphore, #tpu.memory_space<semaphore_mem>> -> memref<1x!tpu.dma_semaphore, #tpu.memory_space<semaphore_mem>>
    %dma_start3A_330 = tpu.memref_squeeze %dma_start3A_329 : memref<1x!tpu.dma_semaphore, #tpu.memory_space<semaphore_mem>> -> memref<!tpu.dma_semaphore, #tpu.memory_space<semaphore_mem>>
    %dma_start3A_331 = arith.constant 18 : i32
    %dma_start3A_332 = arith.constant 0 : i32
    %dma_start3A_333 = arith.constant 0 : i32
    %dma_start3A_334 = tpu.memref_slice %arg2[%dma_start3A_331, %dma_start3A_332, %dma_start3A_333] : memref<24x6250x128xi8, #tpu.memory_space<vmem>> -> memref<1x6250x128xi8, #tpu.memory_space<vmem>>
    %dma_start3A_335 = arith.constant 18 : i32
    %dma_start3A_336 = arith.constant 0 : i32
    %dma_start3A_337 = arith.constant 0 : i32
    %dma_start3A_338 = tpu.memref_slice %arg0[%dma_start3A_335, %dma_start3A_336, %dma_start3A_337] : memref<55x6250x128xi8, #tpu.memory_space<hbm>> -> memref<1x6250x128xi8, #tpu.memory_space<hbm>>
    tpu.enqueue_dma source(%dma_start3A_338 : memref<1x6250x128xi8, #tpu.memory_space<hbm>>) target(%dma_start3A_334 : memref<1x6250x128xi8, #tpu.memory_space<vmem>>) target_semaphore(%dma_start3A_330 : memref<!tpu.dma_semaphore, #tpu.memory_space<semaphore_mem>>)
    %dma_wait3A_339 = arith.constant 6 : i32
    %dma_wait3A_340 = tpu.memref_slice %arg3[%dma_wait3A_339] : memref<24x!tpu.dma_semaphore, #tpu.memory_space<semaphore_mem>> -> memref<1x!tpu.dma_semaphore, #tpu.memory_space<semaphore_mem>>
    %dma_wait3A_341 = tpu.memref_squeeze %dma_wait3A_340 : memref<1x!tpu.dma_semaphore, #tpu.memory_space<semaphore_mem>> -> memref<!tpu.dma_semaphore, #tpu.memory_space<semaphore_mem>>
    %dma_wait3A_342 = arith.constant 6 : i32
    %dma_wait3A_343 = arith.constant 0 : i32
    %dma_wait3A_344 = arith.constant 0 : i32
    %dma_wait3A_345 = tpu.memref_slice %arg2[%dma_wait3A_342, %dma_wait3A_343, %dma_wait3A_344] : memref<24x6250x128xi8, #tpu.memory_space<vmem>> -> memref<1x6250x128xi8, #tpu.memory_space<vmem>>
    %dma_wait3A_346 = arith.constant 6 : i32
    %dma_wait3A_347 = arith.constant 0 : i32
    %dma_wait3A_348 = arith.constant 0 : i32
    %dma_wait3A_349 = tpu.memref_slice %arg0[%dma_wait3A_346, %dma_wait3A_347, %dma_wait3A_348] : memref<55x6250x128xi8, #tpu.memory_space<hbm>> -> memref<1x6250x128xi8, #tpu.memory_space<hbm>>
    tpu.wait_dma2 semaphore(%dma_wait3A_341 : memref<!tpu.dma_semaphore, #tpu.memory_space<semaphore_mem>>) src(%dma_wait3A_349 : memref<1x6250x128xi8, #tpu.memory_space<hbm>>) dst(%dma_wait3A_345 : memref<1x6250x128xi8, #tpu.memory_space<vmem>>)
    %dma_start3A_350 = arith.constant 6 : i32
    %dma_start3A_351 = tpu.memref_slice %arg4[%dma_start3A_350] : memref<24x!tpu.dma_semaphore, #tpu.memory_space<semaphore_mem>> -> memref<1x!tpu.dma_semaphore, #tpu.memory_space<semaphore_mem>>
    %dma_start3A_352 = tpu.memref_squeeze %dma_start3A_351 : memref<1x!tpu.dma_semaphore, #tpu.memory_space<semaphore_mem>> -> memref<!tpu.dma_semaphore, #tpu.memory_space<semaphore_mem>>
    %dma_start3A_353 = arith.constant 6 : i32
    %dma_start3A_354 = arith.constant 0 : i32
    %dma_start3A_355 = arith.constant 0 : i32
    %dma_start3A_356 = tpu.memref_slice %arg1[%dma_start3A_353, %dma_start3A_354, %dma_start3A_355] : memref<55x6250x128xi8, #tpu.memory_space<hbm>> -> memref<1x6250x128xi8, #tpu.memory_space<hbm>>
    %dma_start3A_357 = arith.constant 6 : i32
    %dma_start3A_358 = arith.constant 0 : i32
    %dma_start3A_359 = arith.constant 0 : i32
    %dma_start3A_360 = tpu.memref_slice %arg2[%dma_start3A_357, %dma_start3A_358, %dma_start3A_359] : memref<24x6250x128xi8, #tpu.memory_space<vmem>> -> memref<1x6250x128xi8, #tpu.memory_space<vmem>>
    tpu.enqueue_dma source(%dma_start3A_360 : memref<1x6250x128xi8, #tpu.memory_space<vmem>>) target(%dma_start3A_356 : memref<1x6250x128xi8, #tpu.memory_space<hbm>>) target_semaphore(%dma_start3A_352 : memref<!tpu.dma_semaphore, #tpu.memory_space<semaphore_mem>>)
    %dma_start3A_361 = arith.constant 19 : i32
    %dma_start3A_362 = tpu.memref_slice %arg3[%dma_start3A_361] : memref<24x!tpu.dma_semaphore, #tpu.memory_space<semaphore_mem>> -> memref<1x!tpu.dma_semaphore, #tpu.memory_space<semaphore_mem>>
    %dma_start3A_363 = tpu.memref_squeeze %dma_start3A_362 : memref<1x!tpu.dma_semaphore, #tpu.memory_space<semaphore_mem>> -> memref<!tpu.dma_semaphore, #tpu.memory_space<semaphore_mem>>
    %dma_start3A_364 = arith.constant 19 : i32
    %dma_start3A_365 = arith.constant 0 : i32
    %dma_start3A_366 = arith.constant 0 : i32
    %dma_start3A_367 = tpu.memref_slice %arg2[%dma_start3A_364, %dma_start3A_365, %dma_start3A_366] : memref<24x6250x128xi8, #tpu.memory_space<vmem>> -> memref<1x6250x128xi8, #tpu.memory_space<vmem>>
    %dma_start3A_368 = arith.constant 19 : i32
    %dma_start3A_369 = arith.constant 0 : i32
    %dma_start3A_370 = arith.constant 0 : i32
    %dma_start3A_371 = tpu.memref_slice %arg0[%dma_start3A_368, %dma_start3A_369, %dma_start3A_370] : memref<55x6250x128xi8, #tpu.memory_space<hbm>> -> memref<1x6250x128xi8, #tpu.memory_space<hbm>>
    tpu.enqueue_dma source(%dma_start3A_371 : memref<1x6250x128xi8, #tpu.memory_space<hbm>>) target(%dma_start3A_367 : memref<1x6250x128xi8, #tpu.memory_space<vmem>>) target_semaphore(%dma_start3A_363 : memref<!tpu.dma_semaphore, #tpu.memory_space<semaphore_mem>>)
    %dma_wait3A_372 = arith.constant 7 : i32
    %dma_wait3A_373 = tpu.memref_slice %arg3[%dma_wait3A_372] : memref<24x!tpu.dma_semaphore, #tpu.memory_space<semaphore_mem>> -> memref<1x!tpu.dma_semaphore, #tpu.memory_space<semaphore_mem>>
    %dma_wait3A_374 = tpu.memref_squeeze %dma_wait3A_373 : memref<1x!tpu.dma_semaphore, #tpu.memory_space<semaphore_mem>> -> memref<!tpu.dma_semaphore, #tpu.memory_space<semaphore_mem>>
    %dma_wait3A_375 = arith.constant 7 : i32
    %dma_wait3A_376 = arith.constant 0 : i32
    %dma_wait3A_377 = arith.constant 0 : i32
    %dma_wait3A_378 = tpu.memref_slice %arg2[%dma_wait3A_375, %dma_wait3A_376, %dma_wait3A_377] : memref<24x6250x128xi8, #tpu.memory_space<vmem>> -> memref<1x6250x128xi8, #tpu.memory_space<vmem>>
    %dma_wait3A_379 = arith.constant 7 : i32
    %dma_wait3A_380 = arith.constant 0 : i32
    %dma_wait3A_381 = arith.constant 0 : i32
    %dma_wait3A_382 = tpu.memref_slice %arg0[%dma_wait3A_379, %dma_wait3A_380, %dma_wait3A_381] : memref<55x6250x128xi8, #tpu.memory_space<hbm>> -> memref<1x6250x128xi8, #tpu.memory_space<hbm>>
    tpu.wait_dma2 semaphore(%dma_wait3A_374 : memref<!tpu.dma_semaphore, #tpu.memory_space<semaphore_mem>>) src(%dma_wait3A_382 : memref<1x6250x128xi8, #tpu.memory_space<hbm>>) dst(%dma_wait3A_378 : memref<1x6250x128xi8, #tpu.memory_space<vmem>>)
    %dma_start3A_383 = arith.constant 7 : i32
    %dma_start3A_384 = tpu.memref_slice %arg4[%dma_start3A_383] : memref<24x!tpu.dma_semaphore, #tpu.memory_space<semaphore_mem>> -> memref<1x!tpu.dma_semaphore, #tpu.memory_space<semaphore_mem>>
    %dma_start3A_385 = tpu.memref_squeeze %dma_start3A_384 : memref<1x!tpu.dma_semaphore, #tpu.memory_space<semaphore_mem>> -> memref<!tpu.dma_semaphore, #tpu.memory_space<semaphore_mem>>
    %dma_start3A_386 = arith.constant 7 : i32
    %dma_start3A_387 = arith.constant 0 : i32
    %dma_start3A_388 = arith.constant 0 : i32
    %dma_start3A_389 = tpu.memref_slice %arg1[%dma_start3A_386, %dma_start3A_387, %dma_start3A_388] : memref<55x6250x128xi8, #tpu.memory_space<hbm>> -> memref<1x6250x128xi8, #tpu.memory_space<hbm>>
    %dma_start3A_390 = arith.constant 7 : i32
    %dma_start3A_391 = arith.constant 0 : i32
    %dma_start3A_392 = arith.constant 0 : i32
    %dma_start3A_393 = tpu.memref_slice %arg2[%dma_start3A_390, %dma_start3A_391, %dma_start3A_392] : memref<24x6250x128xi8, #tpu.memory_space<vmem>> -> memref<1x6250x128xi8, #tpu.memory_space<vmem>>
    tpu.enqueue_dma source(%dma_start3A_393 : memref<1x6250x128xi8, #tpu.memory_space<vmem>>) target(%dma_start3A_389 : memref<1x6250x128xi8, #tpu.memory_space<hbm>>) target_semaphore(%dma_start3A_385 : memref<!tpu.dma_semaphore, #tpu.memory_space<semaphore_mem>>)
    %dma_start3A_394 = arith.constant 20 : i32
    %dma_start3A_395 = tpu.memref_slice %arg3[%dma_start3A_394] : memref<24x!tpu.dma_semaphore, #tpu.memory_space<semaphore_mem>> -> memref<1x!tpu.dma_semaphore, #tpu.memory_space<semaphore_mem>>
    %dma_start3A_396 = tpu.memref_squeeze %dma_start3A_395 : memref<1x!tpu.dma_semaphore, #tpu.memory_space<semaphore_mem>> -> memref<!tpu.dma_semaphore, #tpu.memory_space<semaphore_mem>>
    %dma_start3A_397 = arith.constant 20 : i32
    %dma_start3A_398 = arith.constant 0 : i32
    %dma_start3A_399 = arith.constant 0 : i32
    %dma_start3A_400 = tpu.memref_slice %arg2[%dma_start3A_397, %dma_start3A_398, %dma_start3A_399] : memref<24x6250x128xi8, #tpu.memory_space<vmem>> -> memref<1x6250x128xi8, #tpu.memory_space<vmem>>
    %dma_start3A_401 = arith.constant 20 : i32
    %dma_start3A_402 = arith.constant 0 : i32
    %dma_start3A_403 = arith.constant 0 : i32
    %dma_start3A_404 = tpu.memref_slice %arg0[%dma_start3A_401, %dma_start3A_402, %dma_start3A_403] : memref<55x6250x128xi8, #tpu.memory_space<hbm>> -> memref<1x6250x128xi8, #tpu.memory_space<hbm>>
    tpu.enqueue_dma source(%dma_start3A_404 : memref<1x6250x128xi8, #tpu.memory_space<hbm>>) target(%dma_start3A_400 : memref<1x6250x128xi8, #tpu.memory_space<vmem>>) target_semaphore(%dma_start3A_396 : memref<!tpu.dma_semaphore, #tpu.memory_space<semaphore_mem>>)
    %dma_wait3A_405 = arith.constant 8 : i32
    %dma_wait3A_406 = tpu.memref_slice %arg3[%dma_wait3A_405] : memref<24x!tpu.dma_semaphore, #tpu.memory_space<semaphore_mem>> -> memref<1x!tpu.dma_semaphore, #tpu.memory_space<semaphore_mem>>
    %dma_wait3A_407 = tpu.memref_squeeze %dma_wait3A_406 : memref<1x!tpu.dma_semaphore, #tpu.memory_space<semaphore_mem>> -> memref<!tpu.dma_semaphore, #tpu.memory_space<semaphore_mem>>
    %dma_wait3A_408 = arith.constant 8 : i32
    %dma_wait3A_409 = arith.constant 0 : i32
    %dma_wait3A_410 = arith.constant 0 : i32
    %dma_wait3A_411 = tpu.memref_slice %arg2[%dma_wait3A_408, %dma_wait3A_409, %dma_wait3A_410] : memref<24x6250x128xi8, #tpu.memory_space<vmem>> -> memref<1x6250x128xi8, #tpu.memory_space<vmem>>
    %dma_wait3A_412 = arith.constant 8 : i32
    %dma_wait3A_413 = arith.constant 0 : i32
    %dma_wait3A_414 = arith.constant 0 : i32
    %dma_wait3A_415 = tpu.memref_slice %arg0[%dma_wait3A_412, %dma_wait3A_413, %dma_wait3A_414] : memref<55x6250x128xi8, #tpu.memory_space<hbm>> -> memref<1x6250x128xi8, #tpu.memory_space<hbm>>
    tpu.wait_dma2 semaphore(%dma_wait3A_407 : memref<!tpu.dma_semaphore, #tpu.memory_space<semaphore_mem>>) src(%dma_wait3A_415 : memref<1x6250x128xi8, #tpu.memory_space<hbm>>) dst(%dma_wait3A_411 : memref<1x6250x128xi8, #tpu.memory_space<vmem>>)
    %dma_start3A_416 = arith.constant 8 : i32
    %dma_start3A_417 = tpu.memref_slice %arg4[%dma_start3A_416] : memref<24x!tpu.dma_semaphore, #tpu.memory_space<semaphore_mem>> -> memref<1x!tpu.dma_semaphore, #tpu.memory_space<semaphore_mem>>
    %dma_start3A_418 = tpu.memref_squeeze %dma_start3A_417 : memref<1x!tpu.dma_semaphore, #tpu.memory_space<semaphore_mem>> -> memref<!tpu.dma_semaphore, #tpu.memory_space<semaphore_mem>>
    %dma_start3A_419 = arith.constant 8 : i32
    %dma_start3A_420 = arith.constant 0 : i32
    %dma_start3A_421 = arith.constant 0 : i32
    %dma_start3A_422 = tpu.memref_slice %arg1[%dma_start3A_419, %dma_start3A_420, %dma_start3A_421] : memref<55x6250x128xi8, #tpu.memory_space<hbm>> -> memref<1x6250x128xi8, #tpu.memory_space<hbm>>
    %dma_start3A_423 = arith.constant 8 : i32
    %dma_start3A_424 = arith.constant 0 : i32
    %dma_start3A_425 = arith.constant 0 : i32
    %dma_start3A_426 = tpu.memref_slice %arg2[%dma_start3A_423, %dma_start3A_424, %dma_start3A_425] : memref<24x6250x128xi8, #tpu.memory_space<vmem>> -> memref<1x6250x128xi8, #tpu.memory_space<vmem>>
    tpu.enqueue_dma source(%dma_start3A_426 : memref<1x6250x128xi8, #tpu.memory_space<vmem>>) target(%dma_start3A_422 : memref<1x6250x128xi8, #tpu.memory_space<hbm>>) target_semaphore(%dma_start3A_418 : memref<!tpu.dma_semaphore, #tpu.memory_space<semaphore_mem>>)
    %dma_start3A_427 = arith.constant 21 : i32
    %dma_start3A_428 = tpu.memref_slice %arg3[%dma_start3A_427] : memref<24x!tpu.dma_semaphore, #tpu.memory_space<semaphore_mem>> -> memref<1x!tpu.dma_semaphore, #tpu.memory_space<semaphore_mem>>
    %dma_start3A_429 = tpu.memref_squeeze %dma_start3A_428 : memref<1x!tpu.dma_semaphore, #tpu.memory_space<semaphore_mem>> -> memref<!tpu.dma_semaphore, #tpu.memory_space<semaphore_mem>>
    %dma_start3A_430 = arith.constant 21 : i32
    %dma_start3A_431 = arith.constant 0 : i32
    %dma_start3A_432 = arith.constant 0 : i32
    %dma_start3A_433 = tpu.memref_slice %arg2[%dma_start3A_430, %dma_start3A_431, %dma_start3A_432] : memref<24x6250x128xi8, #tpu.memory_space<vmem>> -> memref<1x6250x128xi8, #tpu.memory_space<vmem>>
    %dma_start3A_434 = arith.constant 21 : i32
    %dma_start3A_435 = arith.constant 0 : i32
    %dma_start3A_436 = arith.constant 0 : i32
    %dma_start3A_437 = tpu.memref_slice %arg0[%dma_start3A_434, %dma_start3A_435, %dma_start3A_436] : memref<55x6250x128xi8, #tpu.memory_space<hbm>> -> memref<1x6250x128xi8, #tpu.memory_space<hbm>>
    tpu.enqueue_dma source(%dma_start3A_437 : memref<1x6250x128xi8, #tpu.memory_space<hbm>>) target(%dma_start3A_433 : memref<1x6250x128xi8, #tpu.memory_space<vmem>>) target_semaphore(%dma_start3A_429 : memref<!tpu.dma_semaphore, #tpu.memory_space<semaphore_mem>>)
    %dma_wait3A_438 = arith.constant 9 : i32
    %dma_wait3A_439 = tpu.memref_slice %arg3[%dma_wait3A_438] : memref<24x!tpu.dma_semaphore, #tpu.memory_space<semaphore_mem>> -> memref<1x!tpu.dma_semaphore, #tpu.memory_space<semaphore_mem>>
    %dma_wait3A_440 = tpu.memref_squeeze %dma_wait3A_439 : memref<1x!tpu.dma_semaphore, #tpu.memory_space<semaphore_mem>> -> memref<!tpu.dma_semaphore, #tpu.memory_space<semaphore_mem>>
    %dma_wait3A_441 = arith.constant 9 : i32
    %dma_wait3A_442 = arith.constant 0 : i32
    %dma_wait3A_443 = arith.constant 0 : i32
    %dma_wait3A_444 = tpu.memref_slice %arg2[%dma_wait3A_441, %dma_wait3A_442, %dma_wait3A_443] : memref<24x6250x128xi8, #tpu.memory_space<vmem>> -> memref<1x6250x128xi8, #tpu.memory_space<vmem>>
    %dma_wait3A_445 = arith.constant 9 : i32
    %dma_wait3A_446 = arith.constant 0 : i32
    %dma_wait3A_447 = arith.constant 0 : i32
    %dma_wait3A_448 = tpu.memref_slice %arg0[%dma_wait3A_445, %dma_wait3A_446, %dma_wait3A_447] : memref<55x6250x128xi8, #tpu.memory_space<hbm>> -> memref<1x6250x128xi8, #tpu.memory_space<hbm>>
    tpu.wait_dma2 semaphore(%dma_wait3A_440 : memref<!tpu.dma_semaphore, #tpu.memory_space<semaphore_mem>>) src(%dma_wait3A_448 : memref<1x6250x128xi8, #tpu.memory_space<hbm>>) dst(%dma_wait3A_444 : memref<1x6250x128xi8, #tpu.memory_space<vmem>>)
    %dma_start3A_449 = arith.constant 9 : i32
    %dma_start3A_450 = tpu.memref_slice %arg4[%dma_start3A_449] : memref<24x!tpu.dma_semaphore, #tpu.memory_space<semaphore_mem>> -> memref<1x!tpu.dma_semaphore, #tpu.memory_space<semaphore_mem>>
    %dma_start3A_451 = tpu.memref_squeeze %dma_start3A_450 : memref<1x!tpu.dma_semaphore, #tpu.memory_space<semaphore_mem>> -> memref<!tpu.dma_semaphore, #tpu.memory_space<semaphore_mem>>
    %dma_start3A_452 = arith.constant 9 : i32
    %dma_start3A_453 = arith.constant 0 : i32
    %dma_start3A_454 = arith.constant 0 : i32
    %dma_start3A_455 = tpu.memref_slice %arg1[%dma_start3A_452, %dma_start3A_453, %dma_start3A_454] : memref<55x6250x128xi8, #tpu.memory_space<hbm>> -> memref<1x6250x128xi8, #tpu.memory_space<hbm>>
    %dma_start3A_456 = arith.constant 9 : i32
    %dma_start3A_457 = arith.constant 0 : i32
    %dma_start3A_458 = arith.constant 0 : i32
    %dma_start3A_459 = tpu.memref_slice %arg2[%dma_start3A_456, %dma_start3A_457, %dma_start3A_458] : memref<24x6250x128xi8, #tpu.memory_space<vmem>> -> memref<1x6250x128xi8, #tpu.memory_space<vmem>>
    tpu.enqueue_dma source(%dma_start3A_459 : memref<1x6250x128xi8, #tpu.memory_space<vmem>>) target(%dma_start3A_455 : memref<1x6250x128xi8, #tpu.memory_space<hbm>>) target_semaphore(%dma_start3A_451 : memref<!tpu.dma_semaphore, #tpu.memory_space<semaphore_mem>>)
    %dma_start3A_460 = arith.constant 22 : i32
    %dma_start3A_461 = tpu.memref_slice %arg3[%dma_start3A_460] : memref<24x!tpu.dma_semaphore, #tpu.memory_space<semaphore_mem>> -> memref<1x!tpu.dma_semaphore, #tpu.memory_space<semaphore_mem>>
    %dma_start3A_462 = tpu.memref_squeeze %dma_start3A_461 : memref<1x!tpu.dma_semaphore, #tpu.memory_space<semaphore_mem>> -> memref<!tpu.dma_semaphore, #tpu.memory_space<semaphore_mem>>
    %dma_start3A_463 = arith.constant 22 : i32
    %dma_start3A_464 = arith.constant 0 : i32
    %dma_start3A_465 = arith.constant 0 : i32
    %dma_start3A_466 = tpu.memref_slice %arg2[%dma_start3A_463, %dma_start3A_464, %dma_start3A_465] : memref<24x6250x128xi8, #tpu.memory_space<vmem>> -> memref<1x6250x128xi8, #tpu.memory_space<vmem>>
    %dma_start3A_467 = arith.constant 22 : i32
    %dma_start3A_468 = arith.constant 0 : i32
    %dma_start3A_469 = arith.constant 0 : i32
    %dma_start3A_470 = tpu.memref_slice %arg0[%dma_start3A_467, %dma_start3A_468, %dma_start3A_469] : memref<55x6250x128xi8, #tpu.memory_space<hbm>> -> memref<1x6250x128xi8, #tpu.memory_space<hbm>>
    tpu.enqueue_dma source(%dma_start3A_470 : memref<1x6250x128xi8, #tpu.memory_space<hbm>>) target(%dma_start3A_466 : memref<1x6250x128xi8, #tpu.memory_space<vmem>>) target_semaphore(%dma_start3A_462 : memref<!tpu.dma_semaphore, #tpu.memory_space<semaphore_mem>>)
    %dma_wait3A_471 = arith.constant 10 : i32
    %dma_wait3A_472 = tpu.memref_slice %arg3[%dma_wait3A_471] : memref<24x!tpu.dma_semaphore, #tpu.memory_space<semaphore_mem>> -> memref<1x!tpu.dma_semaphore, #tpu.memory_space<semaphore_mem>>
    %dma_wait3A_473 = tpu.memref_squeeze %dma_wait3A_472 : memref<1x!tpu.dma_semaphore, #tpu.memory_space<semaphore_mem>> -> memref<!tpu.dma_semaphore, #tpu.memory_space<semaphore_mem>>
    %dma_wait3A_474 = arith.constant 10 : i32
    %dma_wait3A_475 = arith.constant 0 : i32
    %dma_wait3A_476 = arith.constant 0 : i32
    %dma_wait3A_477 = tpu.memref_slice %arg2[%dma_wait3A_474, %dma_wait3A_475, %dma_wait3A_476] : memref<24x6250x128xi8, #tpu.memory_space<vmem>> -> memref<1x6250x128xi8, #tpu.memory_space<vmem>>
    %dma_wait3A_478 = arith.constant 10 : i32
    %dma_wait3A_479 = arith.constant 0 : i32
    %dma_wait3A_480 = arith.constant 0 : i32
    %dma_wait3A_481 = tpu.memref_slice %arg0[%dma_wait3A_478, %dma_wait3A_479, %dma_wait3A_480] : memref<55x6250x128xi8, #tpu.memory_space<hbm>> -> memref<1x6250x128xi8, #tpu.memory_space<hbm>>
    tpu.wait_dma2 semaphore(%dma_wait3A_473 : memref<!tpu.dma_semaphore, #tpu.memory_space<semaphore_mem>>) src(%dma_wait3A_481 : memref<1x6250x128xi8, #tpu.memory_space<hbm>>) dst(%dma_wait3A_477 : memref<1x6250x128xi8, #tpu.memory_space<vmem>>)
    %dma_start3A_482 = arith.constant 10 : i32
    %dma_start3A_483 = tpu.memref_slice %arg4[%dma_start3A_482] : memref<24x!tpu.dma_semaphore, #tpu.memory_space<semaphore_mem>> -> memref<1x!tpu.dma_semaphore, #tpu.memory_space<semaphore_mem>>
    %dma_start3A_484 = tpu.memref_squeeze %dma_start3A_483 : memref<1x!tpu.dma_semaphore, #tpu.memory_space<semaphore_mem>> -> memref<!tpu.dma_semaphore, #tpu.memory_space<semaphore_mem>>
    %dma_start3A_485 = arith.constant 10 : i32
    %dma_start3A_486 = arith.constant 0 : i32
    %dma_start3A_487 = arith.constant 0 : i32
    %dma_start3A_488 = tpu.memref_slice %arg1[%dma_start3A_485, %dma_start3A_486, %dma_start3A_487] : memref<55x6250x128xi8, #tpu.memory_space<hbm>> -> memref<1x6250x128xi8, #tpu.memory_space<hbm>>
    %dma_start3A_489 = arith.constant 10 : i32
    %dma_start3A_490 = arith.constant 0 : i32
    %dma_start3A_491 = arith.constant 0 : i32
    %dma_start3A_492 = tpu.memref_slice %arg2[%dma_start3A_489, %dma_start3A_490, %dma_start3A_491] : memref<24x6250x128xi8, #tpu.memory_space<vmem>> -> memref<1x6250x128xi8, #tpu.memory_space<vmem>>
    tpu.enqueue_dma source(%dma_start3A_492 : memref<1x6250x128xi8, #tpu.memory_space<vmem>>) target(%dma_start3A_488 : memref<1x6250x128xi8, #tpu.memory_space<hbm>>) target_semaphore(%dma_start3A_484 : memref<!tpu.dma_semaphore, #tpu.memory_space<semaphore_mem>>)
    %dma_start3A_493 = arith.constant 23 : i32
    %dma_start3A_494 = tpu.memref_slice %arg3[%dma_start3A_493] : memref<24x!tpu.dma_semaphore, #tpu.memory_space<semaphore_mem>> -> memref<1x!tpu.dma_semaphore, #tpu.memory_space<semaphore_mem>>
    %dma_start3A_495 = tpu.memref_squeeze %dma_start3A_494 : memref<1x!tpu.dma_semaphore, #tpu.memory_space<semaphore_mem>> -> memref<!tpu.dma_semaphore, #tpu.memory_space<semaphore_mem>>
    %dma_start3A_496 = arith.constant 23 : i32
    %dma_start3A_497 = arith.constant 0 : i32
    %dma_start3A_498 = arith.constant 0 : i32
    %dma_start3A_499 = tpu.memref_slice %arg2[%dma_start3A_496, %dma_start3A_497, %dma_start3A_498] : memref<24x6250x128xi8, #tpu.memory_space<vmem>> -> memref<1x6250x128xi8, #tpu.memory_space<vmem>>
    %dma_start3A_500 = arith.constant 23 : i32
    %dma_start3A_501 = arith.constant 0 : i32
    %dma_start3A_502 = arith.constant 0 : i32
    %dma_start3A_503 = tpu.memref_slice %arg0[%dma_start3A_500, %dma_start3A_501, %dma_start3A_502] : memref<55x6250x128xi8, #tpu.memory_space<hbm>> -> memref<1x6250x128xi8, #tpu.memory_space<hbm>>
    tpu.enqueue_dma source(%dma_start3A_503 : memref<1x6250x128xi8, #tpu.memory_space<hbm>>) target(%dma_start3A_499 : memref<1x6250x128xi8, #tpu.memory_space<vmem>>) target_semaphore(%dma_start3A_495 : memref<!tpu.dma_semaphore, #tpu.memory_space<semaphore_mem>>)
    %dma_wait3A_504 = arith.constant 11 : i32
    %dma_wait3A_505 = tpu.memref_slice %arg3[%dma_wait3A_504] : memref<24x!tpu.dma_semaphore, #tpu.memory_space<semaphore_mem>> -> memref<1x!tpu.dma_semaphore, #tpu.memory_space<semaphore_mem>>
    %dma_wait3A_506 = tpu.memref_squeeze %dma_wait3A_505 : memref<1x!tpu.dma_semaphore, #tpu.memory_space<semaphore_mem>> -> memref<!tpu.dma_semaphore, #tpu.memory_space<semaphore_mem>>
    %dma_wait3A_507 = arith.constant 11 : i32
    %dma_wait3A_508 = arith.constant 0 : i32
    %dma_wait3A_509 = arith.constant 0 : i32
    %dma_wait3A_510 = tpu.memref_slice %arg2[%dma_wait3A_507, %dma_wait3A_508, %dma_wait3A_509] : memref<24x6250x128xi8, #tpu.memory_space<vmem>> -> memref<1x6250x128xi8, #tpu.memory_space<vmem>>
    %dma_wait3A_511 = arith.constant 11 : i32
    %dma_wait3A_512 = arith.constant 0 : i32
    %dma_wait3A_513 = arith.constant 0 : i32
    %dma_wait3A_514 = tpu.memref_slice %arg0[%dma_wait3A_511, %dma_wait3A_512, %dma_wait3A_513] : memref<55x6250x128xi8, #tpu.memory_space<hbm>> -> memref<1x6250x128xi8, #tpu.memory_space<hbm>>
    tpu.wait_dma2 semaphore(%dma_wait3A_506 : memref<!tpu.dma_semaphore, #tpu.memory_space<semaphore_mem>>) src(%dma_wait3A_514 : memref<1x6250x128xi8, #tpu.memory_space<hbm>>) dst(%dma_wait3A_510 : memref<1x6250x128xi8, #tpu.memory_space<vmem>>)
    %dma_start3A_515 = arith.constant 11 : i32
    %dma_start3A_516 = tpu.memref_slice %arg4[%dma_start3A_515] : memref<24x!tpu.dma_semaphore, #tpu.memory_space<semaphore_mem>> -> memref<1x!tpu.dma_semaphore, #tpu.memory_space<semaphore_mem>>
    %dma_start3A_517 = tpu.memref_squeeze %dma_start3A_516 : memref<1x!tpu.dma_semaphore, #tpu.memory_space<semaphore_mem>> -> memref<!tpu.dma_semaphore, #tpu.memory_space<semaphore_mem>>
    %dma_start3A_518 = arith.constant 11 : i32
    %dma_start3A_519 = arith.constant 0 : i32
    %dma_start3A_520 = arith.constant 0 : i32
    %dma_start3A_521 = tpu.memref_slice %arg1[%dma_start3A_518, %dma_start3A_519, %dma_start3A_520] : memref<55x6250x128xi8, #tpu.memory_space<hbm>> -> memref<1x6250x128xi8, #tpu.memory_space<hbm>>
    %dma_start3A_522 = arith.constant 11 : i32
    %dma_start3A_523 = arith.constant 0 : i32
    %dma_start3A_524 = arith.constant 0 : i32
    %dma_start3A_525 = tpu.memref_slice %arg2[%dma_start3A_522, %dma_start3A_523, %dma_start3A_524] : memref<24x6250x128xi8, #tpu.memory_space<vmem>> -> memref<1x6250x128xi8, #tpu.memory_space<vmem>>
    tpu.enqueue_dma source(%dma_start3A_525 : memref<1x6250x128xi8, #tpu.memory_space<vmem>>) target(%dma_start3A_521 : memref<1x6250x128xi8, #tpu.memory_space<hbm>>) target_semaphore(%dma_start3A_517 : memref<!tpu.dma_semaphore, #tpu.memory_space<semaphore_mem>>)
    %dma_wait3A_526 = arith.constant 0 : i32
    %dma_wait3A_527 = tpu.memref_slice %arg4[%dma_wait3A_526] : memref<24x!tpu.dma_semaphore, #tpu.memory_space<semaphore_mem>> -> memref<1x!tpu.dma_semaphore, #tpu.memory_space<semaphore_mem>>
    %dma_wait3A_528 = tpu.memref_squeeze %dma_wait3A_527 : memref<1x!tpu.dma_semaphore, #tpu.memory_space<semaphore_mem>> -> memref<!tpu.dma_semaphore, #tpu.memory_space<semaphore_mem>>
    %dma_wait3A_529 = arith.constant 0 : i32
    %dma_wait3A_530 = arith.constant 0 : i32
    %dma_wait3A_531 = arith.constant 0 : i32
    %dma_wait3A_532 = tpu.memref_slice %arg1[%dma_wait3A_529, %dma_wait3A_530, %dma_wait3A_531] : memref<55x6250x128xi8, #tpu.memory_space<hbm>> -> memref<1x6250x128xi8, #tpu.memory_space<hbm>>
    %dma_wait3A_533 = arith.constant 0 : i32
    %dma_wait3A_534 = arith.constant 0 : i32
    %dma_wait3A_535 = arith.constant 0 : i32
    %dma_wait3A_536 = tpu.memref_slice %arg2[%dma_wait3A_533, %dma_wait3A_534, %dma_wait3A_535] : memref<24x6250x128xi8, #tpu.memory_space<vmem>> -> memref<1x6250x128xi8, #tpu.memory_space<vmem>>
    tpu.wait_dma2 semaphore(%dma_wait3A_528 : memref<!tpu.dma_semaphore, #tpu.memory_space<semaphore_mem>>) src(%dma_wait3A_536 : memref<1x6250x128xi8, #tpu.memory_space<vmem>>) dst(%dma_wait3A_532 : memref<1x6250x128xi8, #tpu.memory_space<hbm>>)
    %dma_start3A_537 = arith.constant 0 : i32
    %dma_start3A_538 = tpu.memref_slice %arg3[%dma_start3A_537] : memref<24x!tpu.dma_semaphore, #tpu.memory_space<semaphore_mem>> -> memref<1x!tpu.dma_semaphore, #tpu.memory_space<semaphore_mem>>
    %dma_start3A_539 = tpu.memref_squeeze %dma_start3A_538 : memref<1x!tpu.dma_semaphore, #tpu.memory_space<semaphore_mem>> -> memref<!tpu.dma_semaphore, #tpu.memory_space<semaphore_mem>>
    %dma_start3A_540 = arith.constant 0 : i32
    %dma_start3A_541 = arith.constant 0 : i32
    %dma_start3A_542 = arith.constant 0 : i32
    %dma_start3A_543 = tpu.memref_slice %arg2[%dma_start3A_540, %dma_start3A_541, %dma_start3A_542] : memref<24x6250x128xi8, #tpu.memory_space<vmem>> -> memref<1x6250x128xi8, #tpu.memory_space<vmem>>
    %dma_start3A_544 = arith.constant 24 : i32
    %dma_start3A_545 = arith.constant 0 : i32
    %dma_start3A_546 = arith.constant 0 : i32
    %dma_start3A_547 = tpu.memref_slice %arg0[%dma_start3A_544, %dma_start3A_545, %dma_start3A_546] : memref<55x6250x128xi8, #tpu.memory_space<hbm>> -> memref<1x6250x128xi8, #tpu.memory_space<hbm>>
    tpu.enqueue_dma source(%dma_start3A_547 : memref<1x6250x128xi8, #tpu.memory_space<hbm>>) target(%dma_start3A_543 : memref<1x6250x128xi8, #tpu.memory_space<vmem>>) target_semaphore(%dma_start3A_539 : memref<!tpu.dma_semaphore, #tpu.memory_space<semaphore_mem>>)
    %dma_wait3A_548 = arith.constant 12 : i32
    %dma_wait3A_549 = tpu.memref_slice %arg3[%dma_wait3A_548] : memref<24x!tpu.dma_semaphore, #tpu.memory_space<semaphore_mem>> -> memref<1x!tpu.dma_semaphore, #tpu.memory_space<semaphore_mem>>
    %dma_wait3A_550 = tpu.memref_squeeze %dma_wait3A_549 : memref<1x!tpu.dma_semaphore, #tpu.memory_space<semaphore_mem>> -> memref<!tpu.dma_semaphore, #tpu.memory_space<semaphore_mem>>
    %dma_wait3A_551 = arith.constant 12 : i32
    %dma_wait3A_552 = arith.constant 0 : i32
    %dma_wait3A_553 = arith.constant 0 : i32
    %dma_wait3A_554 = tpu.memref_slice %arg2[%dma_wait3A_551, %dma_wait3A_552, %dma_wait3A_553] : memref<24x6250x128xi8, #tpu.memory_space<vmem>> -> memref<1x6250x128xi8, #tpu.memory_space<vmem>>
    %dma_wait3A_555 = arith.constant 12 : i32
    %dma_wait3A_556 = arith.constant 0 : i32
    %dma_wait3A_557 = arith.constant 0 : i32
    %dma_wait3A_558 = tpu.memref_slice %arg0[%dma_wait3A_555, %dma_wait3A_556, %dma_wait3A_557] : memref<55x6250x128xi8, #tpu.memory_space<hbm>> -> memref<1x6250x128xi8, #tpu.memory_space<hbm>>
    tpu.wait_dma2 semaphore(%dma_wait3A_550 : memref<!tpu.dma_semaphore, #tpu.memory_space<semaphore_mem>>) src(%dma_wait3A_558 : memref<1x6250x128xi8, #tpu.memory_space<hbm>>) dst(%dma_wait3A_554 : memref<1x6250x128xi8, #tpu.memory_space<vmem>>)
    %dma_start3A_559 = arith.constant 12 : i32
    %dma_start3A_560 = tpu.memref_slice %arg4[%dma_start3A_559] : memref<24x!tpu.dma_semaphore, #tpu.memory_space<semaphore_mem>> -> memref<1x!tpu.dma_semaphore, #tpu.memory_space<semaphore_mem>>
    %dma_start3A_561 = tpu.memref_squeeze %dma_start3A_560 : memref<1x!tpu.dma_semaphore, #tpu.memory_space<semaphore_mem>> -> memref<!tpu.dma_semaphore, #tpu.memory_space<semaphore_mem>>
    %dma_start3A_562 = arith.constant 12 : i32
    %dma_start3A_563 = arith.constant 0 : i32
    %dma_start3A_564 = arith.constant 0 : i32
    %dma_start3A_565 = tpu.memref_slice %arg1[%dma_start3A_562, %dma_start3A_563, %dma_start3A_564] : memref<55x6250x128xi8, #tpu.memory_space<hbm>> -> memref<1x6250x128xi8, #tpu.memory_space<hbm>>
    %dma_start3A_566 = arith.constant 12 : i32
    %dma_start3A_567 = arith.constant 0 : i32
    %dma_start3A_568 = arith.constant 0 : i32
    %dma_start3A_569 = tpu.memref_slice %arg2[%dma_start3A_566, %dma_start3A_567, %dma_start3A_568] : memref<24x6250x128xi8, #tpu.memory_space<vmem>> -> memref<1x6250x128xi8, #tpu.memory_space<vmem>>
    tpu.enqueue_dma source(%dma_start3A_569 : memref<1x6250x128xi8, #tpu.memory_space<vmem>>) target(%dma_start3A_565 : memref<1x6250x128xi8, #tpu.memory_space<hbm>>) target_semaphore(%dma_start3A_561 : memref<!tpu.dma_semaphore, #tpu.memory_space<semaphore_mem>>)
    %dma_wait3A_570 = arith.constant 1 : i32
    %dma_wait3A_571 = tpu.memref_slice %arg4[%dma_wait3A_570] : memref<24x!tpu.dma_semaphore, #tpu.memory_space<semaphore_mem>> -> memref<1x!tpu.dma_semaphore, #tpu.memory_space<semaphore_mem>>
    %dma_wait3A_572 = tpu.memref_squeeze %dma_wait3A_571 : memref<1x!tpu.dma_semaphore, #tpu.memory_space<semaphore_mem>> -> memref<!tpu.dma_semaphore, #tpu.memory_space<semaphore_mem>>
    %dma_wait3A_573 = arith.constant 1 : i32
    %dma_wait3A_574 = arith.constant 0 : i32
    %dma_wait3A_575 = arith.constant 0 : i32
    %dma_wait3A_576 = tpu.memref_slice %arg1[%dma_wait3A_573, %dma_wait3A_574, %dma_wait3A_575] : memref<55x6250x128xi8, #tpu.memory_space<hbm>> -> memref<1x6250x128xi8, #tpu.memory_space<hbm>>
    %dma_wait3A_577 = arith.constant 1 : i32
    %dma_wait3A_578 = arith.constant 0 : i32
    %dma_wait3A_579 = arith.constant 0 : i32
    %dma_wait3A_580 = tpu.memref_slice %arg2[%dma_wait3A_577, %dma_wait3A_578, %dma_wait3A_579] : memref<24x6250x128xi8, #tpu.memory_space<vmem>> -> memref<1x6250x128xi8, #tpu.memory_space<vmem>>
    tpu.wait_dma2 semaphore(%dma_wait3A_572 : memref<!tpu.dma_semaphore, #tpu.memory_space<semaphore_mem>>) src(%dma_wait3A_580 : memref<1x6250x128xi8, #tpu.memory_space<vmem>>) dst(%dma_wait3A_576 : memref<1x6250x128xi8, #tpu.memory_space<hbm>>)
    %dma_start3A_581 = arith.constant 1 : i32
    %dma_start3A_582 = tpu.memref_slice %arg3[%dma_start3A_581] : memref<24x!tpu.dma_semaphore, #tpu.memory_space<semaphore_mem>> -> memref<1x!tpu.dma_semaphore, #tpu.memory_space<semaphore_mem>>
    %dma_start3A_583 = tpu.memref_squeeze %dma_start3A_582 : memref<1x!tpu.dma_semaphore, #tpu.memory_space<semaphore_mem>> -> memref<!tpu.dma_semaphore, #tpu.memory_space<semaphore_mem>>
    %dma_start3A_584 = arith.constant 1 : i32
    %dma_start3A_585 = arith.constant 0 : i32
    %dma_start3A_586 = arith.constant 0 : i32
    %dma_start3A_587 = tpu.memref_slice %arg2[%dma_start3A_584, %dma_start3A_585, %dma_start3A_586] : memref<24x6250x128xi8, #tpu.memory_space<vmem>> -> memref<1x6250x128xi8, #tpu.memory_space<vmem>>
    %dma_start3A_588 = arith.constant 25 : i32
    %dma_start3A_589 = arith.constant 0 : i32
    %dma_start3A_590 = arith.constant 0 : i32
    %dma_start3A_591 = tpu.memref_slice %arg0[%dma_start3A_588, %dma_start3A_589, %dma_start3A_590] : memref<55x6250x128xi8, #tpu.memory_space<hbm>> -> memref<1x6250x128xi8, #tpu.memory_space<hbm>>
    tpu.enqueue_dma source(%dma_start3A_591 : memref<1x6250x128xi8, #tpu.memory_space<hbm>>) target(%dma_start3A_587 : memref<1x6250x128xi8, #tpu.memory_space<vmem>>) target_semaphore(%dma_start3A_583 : memref<!tpu.dma_semaphore, #tpu.memory_space<semaphore_mem>>)
    %dma_wait3A_592 = arith.constant 13 : i32
    %dma_wait3A_593 = tpu.memref_slice %arg3[%dma_wait3A_592] : memref<24x!tpu.dma_semaphore, #tpu.memory_space<semaphore_mem>> -> memref<1x!tpu.dma_semaphore, #tpu.memory_space<semaphore_mem>>
    %dma_wait3A_594 = tpu.memref_squeeze %dma_wait3A_593 : memref<1x!tpu.dma_semaphore, #tpu.memory_space<semaphore_mem>> -> memref<!tpu.dma_semaphore, #tpu.memory_space<semaphore_mem>>
    %dma_wait3A_595 = arith.constant 13 : i32
    %dma_wait3A_596 = arith.constant 0 : i32
    %dma_wait3A_597 = arith.constant 0 : i32
    %dma_wait3A_598 = tpu.memref_slice %arg2[%dma_wait3A_595, %dma_wait3A_596, %dma_wait3A_597] : memref<24x6250x128xi8, #tpu.memory_space<vmem>> -> memref<1x6250x128xi8, #tpu.memory_space<vmem>>
    %dma_wait3A_599 = arith.constant 13 : i32
    %dma_wait3A_600 = arith.constant 0 : i32
    %dma_wait3A_601 = arith.constant 0 : i32
    %dma_wait3A_602 = tpu.memref_slice %arg0[%dma_wait3A_599, %dma_wait3A_600, %dma_wait3A_601] : memref<55x6250x128xi8, #tpu.memory_space<hbm>> -> memref<1x6250x128xi8, #tpu.memory_space<hbm>>
    tpu.wait_dma2 semaphore(%dma_wait3A_594 : memref<!tpu.dma_semaphore, #tpu.memory_space<semaphore_mem>>) src(%dma_wait3A_602 : memref<1x6250x128xi8, #tpu.memory_space<hbm>>) dst(%dma_wait3A_598 : memref<1x6250x128xi8, #tpu.memory_space<vmem>>)
    %dma_start3A_603 = arith.constant 13 : i32
    %dma_start3A_604 = tpu.memref_slice %arg4[%dma_start3A_603] : memref<24x!tpu.dma_semaphore, #tpu.memory_space<semaphore_mem>> -> memref<1x!tpu.dma_semaphore, #tpu.memory_space<semaphore_mem>>
    %dma_start3A_605 = tpu.memref_squeeze %dma_start3A_604 : memref<1x!tpu.dma_semaphore, #tpu.memory_space<semaphore_mem>> -> memref<!tpu.dma_semaphore, #tpu.memory_space<semaphore_mem>>
    %dma_start3A_606 = arith.constant 13 : i32
    %dma_start3A_607 = arith.constant 0 : i32
    %dma_start3A_608 = arith.constant 0 : i32
    %dma_start3A_609 = tpu.memref_slice %arg1[%dma_start3A_606, %dma_start3A_607, %dma_start3A_608] : memref<55x6250x128xi8, #tpu.memory_space<hbm>> -> memref<1x6250x128xi8, #tpu.memory_space<hbm>>
    %dma_start3A_610 = arith.constant 13 : i32
    %dma_start3A_611 = arith.constant 0 : i32
    %dma_start3A_612 = arith.constant 0 : i32
    %dma_start3A_613 = tpu.memref_slice %arg2[%dma_start3A_610, %dma_start3A_611, %dma_start3A_612] : memref<24x6250x128xi8, #tpu.memory_space<vmem>> -> memref<1x6250x128xi8, #tpu.memory_space<vmem>>
    tpu.enqueue_dma source(%dma_start3A_613 : memref<1x6250x128xi8, #tpu.memory_space<vmem>>) target(%dma_start3A_609 : memref<1x6250x128xi8, #tpu.memory_space<hbm>>) target_semaphore(%dma_start3A_605 : memref<!tpu.dma_semaphore, #tpu.memory_space<semaphore_mem>>)
    %dma_wait3A_614 = arith.constant 2 : i32
    %dma_wait3A_615 = tpu.memref_slice %arg4[%dma_wait3A_614] : memref<24x!tpu.dma_semaphore, #tpu.memory_space<semaphore_mem>> -> memref<1x!tpu.dma_semaphore, #tpu.memory_space<semaphore_mem>>
    %dma_wait3A_616 = tpu.memref_squeeze %dma_wait3A_615 : memref<1x!tpu.dma_semaphore, #tpu.memory_space<semaphore_mem>> -> memref<!tpu.dma_semaphore, #tpu.memory_space<semaphore_mem>>
    %dma_wait3A_617 = arith.constant 2 : i32
    %dma_wait3A_618 = arith.constant 0 : i32
    %dma_wait3A_619 = arith.constant 0 : i32
    %dma_wait3A_620 = tpu.memref_slice %arg1[%dma_wait3A_617, %dma_wait3A_618, %dma_wait3A_619] : memref<55x6250x128xi8, #tpu.memory_space<hbm>> -> memref<1x6250x128xi8, #tpu.memory_space<hbm>>
    %dma_wait3A_621 = arith.constant 2 : i32
    %dma_wait3A_622 = arith.constant 0 : i32
    %dma_wait3A_623 = arith.constant 0 : i32
    %dma_wait3A_624 = tpu.memref_slice %arg2[%dma_wait3A_621, %dma_wait3A_622, %dma_wait3A_623] : memref<24x6250x128xi8, #tpu.memory_space<vmem>> -> memref<1x6250x128xi8, #tpu.memory_space<vmem>>
    tpu.wait_dma2 semaphore(%dma_wait3A_616 : memref<!tpu.dma_semaphore, #tpu.memory_space<semaphore_mem>>) src(%dma_wait3A_624 : memref<1x6250x128xi8, #tpu.memory_space<vmem>>) dst(%dma_wait3A_620 : memref<1x6250x128xi8, #tpu.memory_space<hbm>>)
    %dma_start3A_625 = arith.constant 2 : i32
    %dma_start3A_626 = tpu.memref_slice %arg3[%dma_start3A_625] : memref<24x!tpu.dma_semaphore, #tpu.memory_space<semaphore_mem>> -> memref<1x!tpu.dma_semaphore, #tpu.memory_space<semaphore_mem>>
    %dma_start3A_627 = tpu.memref_squeeze %dma_start3A_626 : memref<1x!tpu.dma_semaphore, #tpu.memory_space<semaphore_mem>> -> memref<!tpu.dma_semaphore, #tpu.memory_space<semaphore_mem>>
    %dma_start3A_628 = arith.constant 2 : i32
    %dma_start3A_629 = arith.constant 0 : i32
    %dma_start3A_630 = arith.constant 0 : i32
    %dma_start3A_631 = tpu.memref_slice %arg2[%dma_start3A_628, %dma_start3A_629, %dma_start3A_630] : memref<24x6250x128xi8, #tpu.memory_space<vmem>> -> memref<1x6250x128xi8, #tpu.memory_space<vmem>>
    %dma_start3A_632 = arith.constant 26 : i32
    %dma_start3A_633 = arith.constant 0 : i32
    %dma_start3A_634 = arith.constant 0 : i32
    %dma_start3A_635 = tpu.memref_slice %arg0[%dma_start3A_632, %dma_start3A_633, %dma_start3A_634] : memref<55x6250x128xi8, #tpu.memory_space<hbm>> -> memref<1x6250x128xi8, #tpu.memory_space<hbm>>
    tpu.enqueue_dma source(%dma_start3A_635 : memref<1x6250x128xi8, #tpu.memory_space<hbm>>) target(%dma_start3A_631 : memref<1x6250x128xi8, #tpu.memory_space<vmem>>) target_semaphore(%dma_start3A_627 : memref<!tpu.dma_semaphore, #tpu.memory_space<semaphore_mem>>)
    %dma_wait3A_636 = arith.constant 14 : i32
    %dma_wait3A_637 = tpu.memref_slice %arg3[%dma_wait3A_636] : memref<24x!tpu.dma_semaphore, #tpu.memory_space<semaphore_mem>> -> memref<1x!tpu.dma_semaphore, #tpu.memory_space<semaphore_mem>>
    %dma_wait3A_638 = tpu.memref_squeeze %dma_wait3A_637 : memref<1x!tpu.dma_semaphore, #tpu.memory_space<semaphore_mem>> -> memref<!tpu.dma_semaphore, #tpu.memory_space<semaphore_mem>>
    %dma_wait3A_639 = arith.constant 14 : i32
    %dma_wait3A_640 = arith.constant 0 : i32
    %dma_wait3A_641 = arith.constant 0 : i32
    %dma_wait3A_642 = tpu.memref_slice %arg2[%dma_wait3A_639, %dma_wait3A_640, %dma_wait3A_641] : memref<24x6250x128xi8, #tpu.memory_space<vmem>> -> memref<1x6250x128xi8, #tpu.memory_space<vmem>>
    %dma_wait3A_643 = arith.constant 14 : i32
    %dma_wait3A_644 = arith.constant 0 : i32
    %dma_wait3A_645 = arith.constant 0 : i32
    %dma_wait3A_646 = tpu.memref_slice %arg0[%dma_wait3A_643, %dma_wait3A_644, %dma_wait3A_645] : memref<55x6250x128xi8, #tpu.memory_space<hbm>> -> memref<1x6250x128xi8, #tpu.memory_space<hbm>>
    tpu.wait_dma2 semaphore(%dma_wait3A_638 : memref<!tpu.dma_semaphore, #tpu.memory_space<semaphore_mem>>) src(%dma_wait3A_646 : memref<1x6250x128xi8, #tpu.memory_space<hbm>>) dst(%dma_wait3A_642 : memref<1x6250x128xi8, #tpu.memory_space<vmem>>)
    %dma_start3A_647 = arith.constant 14 : i32
    %dma_start3A_648 = tpu.memref_slice %arg4[%dma_start3A_647] : memref<24x!tpu.dma_semaphore, #tpu.memory_space<semaphore_mem>> -> memref<1x!tpu.dma_semaphore, #tpu.memory_space<semaphore_mem>>
    %dma_start3A_649 = tpu.memref_squeeze %dma_start3A_648 : memref<1x!tpu.dma_semaphore, #tpu.memory_space<semaphore_mem>> -> memref<!tpu.dma_semaphore, #tpu.memory_space<semaphore_mem>>
    %dma_start3A_650 = arith.constant 14 : i32
    %dma_start3A_651 = arith.constant 0 : i32
    %dma_start3A_652 = arith.constant 0 : i32
    %dma_start3A_653 = tpu.memref_slice %arg1[%dma_start3A_650, %dma_start3A_651, %dma_start3A_652] : memref<55x6250x128xi8, #tpu.memory_space<hbm>> -> memref<1x6250x128xi8, #tpu.memory_space<hbm>>
    %dma_start3A_654 = arith.constant 14 : i32
    %dma_start3A_655 = arith.constant 0 : i32
    %dma_start3A_656 = arith.constant 0 : i32
    %dma_start3A_657 = tpu.memref_slice %arg2[%dma_start3A_654, %dma_start3A_655, %dma_start3A_656] : memref<24x6250x128xi8, #tpu.memory_space<vmem>> -> memref<1x6250x128xi8, #tpu.memory_space<vmem>>
    tpu.enqueue_dma source(%dma_start3A_657 : memref<1x6250x128xi8, #tpu.memory_space<vmem>>) target(%dma_start3A_653 : memref<1x6250x128xi8, #tpu.memory_space<hbm>>) target_semaphore(%dma_start3A_649 : memref<!tpu.dma_semaphore, #tpu.memory_space<semaphore_mem>>)
    %dma_wait3A_658 = arith.constant 3 : i32
    %dma_wait3A_659 = tpu.memref_slice %arg4[%dma_wait3A_658] : memref<24x!tpu.dma_semaphore, #tpu.memory_space<semaphore_mem>> -> memref<1x!tpu.dma_semaphore, #tpu.memory_space<semaphore_mem>>
    %dma_wait3A_660 = tpu.memref_squeeze %dma_wait3A_659 : memref<1x!tpu.dma_semaphore, #tpu.memory_space<semaphore_mem>> -> memref<!tpu.dma_semaphore, #tpu.memory_space<semaphore_mem>>
    %dma_wait3A_661 = arith.constant 3 : i32
    %dma_wait3A_662 = arith.constant 0 : i32
    %dma_wait3A_663 = arith.constant 0 : i32
    %dma_wait3A_664 = tpu.memref_slice %arg1[%dma_wait3A_661, %dma_wait3A_662, %dma_wait3A_663] : memref<55x6250x128xi8, #tpu.memory_space<hbm>> -> memref<1x6250x128xi8, #tpu.memory_space<hbm>>
    %dma_wait3A_665 = arith.constant 3 : i32
    %dma_wait3A_666 = arith.constant 0 : i32
    %dma_wait3A_667 = arith.constant 0 : i32
    %dma_wait3A_668 = tpu.memref_slice %arg2[%dma_wait3A_665, %dma_wait3A_666, %dma_wait3A_667] : memref<24x6250x128xi8, #tpu.memory_space<vmem>> -> memref<1x6250x128xi8, #tpu.memory_space<vmem>>
    tpu.wait_dma2 semaphore(%dma_wait3A_660 : memref<!tpu.dma_semaphore, #tpu.memory_space<semaphore_mem>>) src(%dma_wait3A_668 : memref<1x6250x128xi8, #tpu.memory_space<vmem>>) dst(%dma_wait3A_664 : memref<1x6250x128xi8, #tpu.memory_space<hbm>>)
    %dma_start3A_669 = arith.constant 3 : i32
    %dma_start3A_670 = tpu.memref_slice %arg3[%dma_start3A_669] : memref<24x!tpu.dma_semaphore, #tpu.memory_space<semaphore_mem>> -> memref<1x!tpu.dma_semaphore, #tpu.memory_space<semaphore_mem>>
    %dma_start3A_671 = tpu.memref_squeeze %dma_start3A_670 : memref<1x!tpu.dma_semaphore, #tpu.memory_space<semaphore_mem>> -> memref<!tpu.dma_semaphore, #tpu.memory_space<semaphore_mem>>
    %dma_start3A_672 = arith.constant 3 : i32
    %dma_start3A_673 = arith.constant 0 : i32
    %dma_start3A_674 = arith.constant 0 : i32
    %dma_start3A_675 = tpu.memref_slice %arg2[%dma_start3A_672, %dma_start3A_673, %dma_start3A_674] : memref<24x6250x128xi8, #tpu.memory_space<vmem>> -> memref<1x6250x128xi8, #tpu.memory_space<vmem>>
    %dma_start3A_676 = arith.constant 27 : i32
    %dma_start3A_677 = arith.constant 0 : i32
    %dma_start3A_678 = arith.constant 0 : i32
    %dma_start3A_679 = tpu.memref_slice %arg0[%dma_start3A_676, %dma_start3A_677, %dma_start3A_678] : memref<55x6250x128xi8, #tpu.memory_space<hbm>> -> memref<1x6250x128xi8, #tpu.memory_space<hbm>>
    tpu.enqueue_dma source(%dma_start3A_679 : memref<1x6250x128xi8, #tpu.memory_space<hbm>>) target(%dma_start3A_675 : memref<1x6250x128xi8, #tpu.memory_space<vmem>>) target_semaphore(%dma_start3A_671 : memref<!tpu.dma_semaphore, #tpu.memory_space<semaphore_mem>>)
    %dma_wait3A_680 = arith.constant 15 : i32
    %dma_wait3A_681 = tpu.memref_slice %arg3[%dma_wait3A_680] : memref<24x!tpu.dma_semaphore, #tpu.memory_space<semaphore_mem>> -> memref<1x!tpu.dma_semaphore, #tpu.memory_space<semaphore_mem>>
    %dma_wait3A_682 = tpu.memref_squeeze %dma_wait3A_681 : memref<1x!tpu.dma_semaphore, #tpu.memory_space<semaphore_mem>> -> memref<!tpu.dma_semaphore, #tpu.memory_space<semaphore_mem>>
    %dma_wait3A_683 = arith.constant 15 : i32
    %dma_wait3A_684 = arith.constant 0 : i32
    %dma_wait3A_685 = arith.constant 0 : i32
    %dma_wait3A_686 = tpu.memref_slice %arg2[%dma_wait3A_683, %dma_wait3A_684, %dma_wait3A_685] : memref<24x6250x128xi8, #tpu.memory_space<vmem>> -> memref<1x6250x128xi8, #tpu.memory_space<vmem>>
    %dma_wait3A_687 = arith.constant 15 : i32
    %dma_wait3A_688 = arith.constant 0 : i32
    %dma_wait3A_689 = arith.constant 0 : i32
    %dma_wait3A_690 = tpu.memref_slice %arg0[%dma_wait3A_687, %dma_wait3A_688, %dma_wait3A_689] : memref<55x6250x128xi8, #tpu.memory_space<hbm>> -> memref<1x6250x128xi8, #tpu.memory_space<hbm>>
    tpu.wait_dma2 semaphore(%dma_wait3A_682 : memref<!tpu.dma_semaphore, #tpu.memory_space<semaphore_mem>>) src(%dma_wait3A_690 : memref<1x6250x128xi8, #tpu.memory_space<hbm>>) dst(%dma_wait3A_686 : memref<1x6250x128xi8, #tpu.memory_space<vmem>>)
    %dma_start3A_691 = arith.constant 15 : i32
    %dma_start3A_692 = tpu.memref_slice %arg4[%dma_start3A_691] : memref<24x!tpu.dma_semaphore, #tpu.memory_space<semaphore_mem>> -> memref<1x!tpu.dma_semaphore, #tpu.memory_space<semaphore_mem>>
    %dma_start3A_693 = tpu.memref_squeeze %dma_start3A_692 : memref<1x!tpu.dma_semaphore, #tpu.memory_space<semaphore_mem>> -> memref<!tpu.dma_semaphore, #tpu.memory_space<semaphore_mem>>
    %dma_start3A_694 = arith.constant 15 : i32
    %dma_start3A_695 = arith.constant 0 : i32
    %dma_start3A_696 = arith.constant 0 : i32
    %dma_start3A_697 = tpu.memref_slice %arg1[%dma_start3A_694, %dma_start3A_695, %dma_start3A_696] : memref<55x6250x128xi8, #tpu.memory_space<hbm>> -> memref<1x6250x128xi8, #tpu.memory_space<hbm>>
    %dma_start3A_698 = arith.constant 15 : i32
    %dma_start3A_699 = arith.constant 0 : i32
    %dma_start3A_700 = arith.constant 0 : i32
    %dma_start3A_701 = tpu.memref_slice %arg2[%dma_start3A_698, %dma_start3A_699, %dma_start3A_700] : memref<24x6250x128xi8, #tpu.memory_space<vmem>> -> memref<1x6250x128xi8, #tpu.memory_space<vmem>>
    tpu.enqueue_dma source(%dma_start3A_701 : memref<1x6250x128xi8, #tpu.memory_space<vmem>>) target(%dma_start3A_697 : memref<1x6250x128xi8, #tpu.memory_space<hbm>>) target_semaphore(%dma_start3A_693 : memref<!tpu.dma_semaphore, #tpu.memory_space<semaphore_mem>>)
    %dma_wait3A_702 = arith.constant 4 : i32
    %dma_wait3A_703 = tpu.memref_slice %arg4[%dma_wait3A_702] : memref<24x!tpu.dma_semaphore, #tpu.memory_space<semaphore_mem>> -> memref<1x!tpu.dma_semaphore, #tpu.memory_space<semaphore_mem>>
    %dma_wait3A_704 = tpu.memref_squeeze %dma_wait3A_703 : memref<1x!tpu.dma_semaphore, #tpu.memory_space<semaphore_mem>> -> memref<!tpu.dma_semaphore, #tpu.memory_space<semaphore_mem>>
    %dma_wait3A_705 = arith.constant 4 : i32
    %dma_wait3A_706 = arith.constant 0 : i32
    %dma_wait3A_707 = arith.constant 0 : i32
    %dma_wait3A_708 = tpu.memref_slice %arg1[%dma_wait3A_705, %dma_wait3A_706, %dma_wait3A_707] : memref<55x6250x128xi8, #tpu.memory_space<hbm>> -> memref<1x6250x128xi8, #tpu.memory_space<hbm>>
    %dma_wait3A_709 = arith.constant 4 : i32
    %dma_wait3A_710 = arith.constant 0 : i32
    %dma_wait3A_711 = arith.constant 0 : i32
    %dma_wait3A_712 = tpu.memref_slice %arg2[%dma_wait3A_709, %dma_wait3A_710, %dma_wait3A_711] : memref<24x6250x128xi8, #tpu.memory_space<vmem>> -> memref<1x6250x128xi8, #tpu.memory_space<vmem>>
    tpu.wait_dma2 semaphore(%dma_wait3A_704 : memref<!tpu.dma_semaphore, #tpu.memory_space<semaphore_mem>>) src(%dma_wait3A_712 : memref<1x6250x128xi8, #tpu.memory_space<vmem>>) dst(%dma_wait3A_708 : memref<1x6250x128xi8, #tpu.memory_space<hbm>>)
    %dma_start3A_713 = arith.constant 4 : i32
    %dma_start3A_714 = tpu.memref_slice %arg3[%dma_start3A_713] : memref<24x!tpu.dma_semaphore, #tpu.memory_space<semaphore_mem>> -> memref<1x!tpu.dma_semaphore, #tpu.memory_space<semaphore_mem>>
    %dma_start3A_715 = tpu.memref_squeeze %dma_start3A_714 : memref<1x!tpu.dma_semaphore, #tpu.memory_space<semaphore_mem>> -> memref<!tpu.dma_semaphore, #tpu.memory_space<semaphore_mem>>
    %dma_start3A_716 = arith.constant 4 : i32
    %dma_start3A_717 = arith.constant 0 : i32
    %dma_start3A_718 = arith.constant 0 : i32
    %dma_start3A_719 = tpu.memref_slice %arg2[%dma_start3A_716, %dma_start3A_717, %dma_start3A_718] : memref<24x6250x128xi8, #tpu.memory_space<vmem>> -> memref<1x6250x128xi8, #tpu.memory_space<vmem>>
    %dma_start3A_720 = arith.constant 28 : i32
    %dma_start3A_721 = arith.constant 0 : i32
    %dma_start3A_722 = arith.constant 0 : i32
    %dma_start3A_723 = tpu.memref_slice %arg0[%dma_start3A_720, %dma_start3A_721, %dma_start3A_722] : memref<55x6250x128xi8, #tpu.memory_space<hbm>> -> memref<1x6250x128xi8, #tpu.memory_space<hbm>>
    tpu.enqueue_dma source(%dma_start3A_723 : memref<1x6250x128xi8, #tpu.memory_space<hbm>>) target(%dma_start3A_719 : memref<1x6250x128xi8, #tpu.memory_space<vmem>>) target_semaphore(%dma_start3A_715 : memref<!tpu.dma_semaphore, #tpu.memory_space<semaphore_mem>>)
    %dma_wait3A_724 = arith.constant 16 : i32
    %dma_wait3A_725 = tpu.memref_slice %arg3[%dma_wait3A_724] : memref<24x!tpu.dma_semaphore, #tpu.memory_space<semaphore_mem>> -> memref<1x!tpu.dma_semaphore, #tpu.memory_space<semaphore_mem>>
    %dma_wait3A_726 = tpu.memref_squeeze %dma_wait3A_725 : memref<1x!tpu.dma_semaphore, #tpu.memory_space<semaphore_mem>> -> memref<!tpu.dma_semaphore, #tpu.memory_space<semaphore_mem>>
    %dma_wait3A_727 = arith.constant 16 : i32
    %dma_wait3A_728 = arith.constant 0 : i32
    %dma_wait3A_729 = arith.constant 0 : i32
    %dma_wait3A_730 = tpu.memref_slice %arg2[%dma_wait3A_727, %dma_wait3A_728, %dma_wait3A_729] : memref<24x6250x128xi8, #tpu.memory_space<vmem>> -> memref<1x6250x128xi8, #tpu.memory_space<vmem>>
    %dma_wait3A_731 = arith.constant 16 : i32
    %dma_wait3A_732 = arith.constant 0 : i32
    %dma_wait3A_733 = arith.constant 0 : i32
    %dma_wait3A_734 = tpu.memref_slice %arg0[%dma_wait3A_731, %dma_wait3A_732, %dma_wait3A_733] : memref<55x6250x128xi8, #tpu.memory_space<hbm>> -> memref<1x6250x128xi8, #tpu.memory_space<hbm>>
    tpu.wait_dma2 semaphore(%dma_wait3A_726 : memref<!tpu.dma_semaphore, #tpu.memory_space<semaphore_mem>>) src(%dma_wait3A_734 : memref<1x6250x128xi8, #tpu.memory_space<hbm>>) dst(%dma_wait3A_730 : memref<1x6250x128xi8, #tpu.memory_space<vmem>>)
    %dma_start3A_735 = arith.constant 16 : i32
    %dma_start3A_736 = tpu.memref_slice %arg4[%dma_start3A_735] : memref<24x!tpu.dma_semaphore, #tpu.memory_space<semaphore_mem>> -> memref<1x!tpu.dma_semaphore, #tpu.memory_space<semaphore_mem>>
    %dma_start3A_737 = tpu.memref_squeeze %dma_start3A_736 : memref<1x!tpu.dma_semaphore, #tpu.memory_space<semaphore_mem>> -> memref<!tpu.dma_semaphore, #tpu.memory_space<semaphore_mem>>
    %dma_start3A_738 = arith.constant 16 : i32
    %dma_start3A_739 = arith.constant 0 : i32
    %dma_start3A_740 = arith.constant 0 : i32
    %dma_start3A_741 = tpu.memref_slice %arg1[%dma_start3A_738, %dma_start3A_739, %dma_start3A_740] : memref<55x6250x128xi8, #tpu.memory_space<hbm>> -> memref<1x6250x128xi8, #tpu.memory_space<hbm>>
    %dma_start3A_742 = arith.constant 16 : i32
    %dma_start3A_743 = arith.constant 0 : i32
    %dma_start3A_744 = arith.constant 0 : i32
    %dma_start3A_745 = tpu.memref_slice %arg2[%dma_start3A_742, %dma_start3A_743, %dma_start3A_744] : memref<24x6250x128xi8, #tpu.memory_space<vmem>> -> memref<1x6250x128xi8, #tpu.memory_space<vmem>>
    tpu.enqueue_dma source(%dma_start3A_745 : memref<1x6250x128xi8, #tpu.memory_space<vmem>>) target(%dma_start3A_741 : memref<1x6250x128xi8, #tpu.memory_space<hbm>>) target_semaphore(%dma_start3A_737 : memref<!tpu.dma_semaphore, #tpu.memory_space<semaphore_mem>>)
    %dma_wait3A_746 = arith.constant 5 : i32
    %dma_wait3A_747 = tpu.memref_slice %arg4[%dma_wait3A_746] : memref<24x!tpu.dma_semaphore, #tpu.memory_space<semaphore_mem>> -> memref<1x!tpu.dma_semaphore, #tpu.memory_space<semaphore_mem>>
    %dma_wait3A_748 = tpu.memref_squeeze %dma_wait3A_747 : memref<1x!tpu.dma_semaphore, #tpu.memory_space<semaphore_mem>> -> memref<!tpu.dma_semaphore, #tpu.memory_space<semaphore_mem>>
    %dma_wait3A_749 = arith.constant 5 : i32
    %dma_wait3A_750 = arith.constant 0 : i32
    %dma_wait3A_751 = arith.constant 0 : i32
    %dma_wait3A_752 = tpu.memref_slice %arg1[%dma_wait3A_749, %dma_wait3A_750, %dma_wait3A_751] : memref<55x6250x128xi8, #tpu.memory_space<hbm>> -> memref<1x6250x128xi8, #tpu.memory_space<hbm>>
    %dma_wait3A_753 = arith.constant 5 : i32
    %dma_wait3A_754 = arith.constant 0 : i32
    %dma_wait3A_755 = arith.constant 0 : i32
    %dma_wait3A_756 = tpu.memref_slice %arg2[%dma_wait3A_753, %dma_wait3A_754, %dma_wait3A_755] : memref<24x6250x128xi8, #tpu.memory_space<vmem>> -> memref<1x6250x128xi8, #tpu.memory_space<vmem>>
    tpu.wait_dma2 semaphore(%dma_wait3A_748 : memref<!tpu.dma_semaphore, #tpu.memory_space<semaphore_mem>>) src(%dma_wait3A_756 : memref<1x6250x128xi8, #tpu.memory_space<vmem>>) dst(%dma_wait3A_752 : memref<1x6250x128xi8, #tpu.memory_space<hbm>>)
    %dma_start3A_757 = arith.constant 5 : i32
    %dma_start3A_758 = tpu.memref_slice %arg3[%dma_start3A_757] : memref<24x!tpu.dma_semaphore, #tpu.memory_space<semaphore_mem>> -> memref<1x!tpu.dma_semaphore, #tpu.memory_space<semaphore_mem>>
    %dma_start3A_759 = tpu.memref_squeeze %dma_start3A_758 : memref<1x!tpu.dma_semaphore, #tpu.memory_space<semaphore_mem>> -> memref<!tpu.dma_semaphore, #tpu.memory_space<semaphore_mem>>
    %dma_start3A_760 = arith.constant 5 : i32
    %dma_start3A_761 = arith.constant 0 : i32
    %dma_start3A_762 = arith.constant 0 : i32
    %dma_start3A_763 = tpu.memref_slice %arg2[%dma_start3A_760, %dma_start3A_761, %dma_start3A_762] : memref<24x6250x128xi8, #tpu.memory_space<vmem>> -> memref<1x6250x128xi8, #tpu.memory_space<vmem>>
    %dma_start3A_764 = arith.constant 29 : i32
    %dma_start3A_765 = arith.constant 0 : i32
    %dma_start3A_766 = arith.constant 0 : i32
    %dma_start3A_767 = tpu.memref_slice %arg0[%dma_start3A_764, %dma_start3A_765, %dma_start3A_766] : memref<55x6250x128xi8, #tpu.memory_space<hbm>> -> memref<1x6250x128xi8, #tpu.memory_space<hbm>>
    tpu.enqueue_dma source(%dma_start3A_767 : memref<1x6250x128xi8, #tpu.memory_space<hbm>>) target(%dma_start3A_763 : memref<1x6250x128xi8, #tpu.memory_space<vmem>>) target_semaphore(%dma_start3A_759 : memref<!tpu.dma_semaphore, #tpu.memory_space<semaphore_mem>>)
    %dma_wait3A_768 = arith.constant 17 : i32
    %dma_wait3A_769 = tpu.memref_slice %arg3[%dma_wait3A_768] : memref<24x!tpu.dma_semaphore, #tpu.memory_space<semaphore_mem>> -> memref<1x!tpu.dma_semaphore, #tpu.memory_space<semaphore_mem>>
    %dma_wait3A_770 = tpu.memref_squeeze %dma_wait3A_769 : memref<1x!tpu.dma_semaphore, #tpu.memory_space<semaphore_mem>> -> memref<!tpu.dma_semaphore, #tpu.memory_space<semaphore_mem>>
    %dma_wait3A_771 = arith.constant 17 : i32
    %dma_wait3A_772 = arith.constant 0 : i32
    %dma_wait3A_773 = arith.constant 0 : i32
    %dma_wait3A_774 = tpu.memref_slice %arg2[%dma_wait3A_771, %dma_wait3A_772, %dma_wait3A_773] : memref<24x6250x128xi8, #tpu.memory_space<vmem>> -> memref<1x6250x128xi8, #tpu.memory_space<vmem>>
    %dma_wait3A_775 = arith.constant 17 : i32
    %dma_wait3A_776 = arith.constant 0 : i32
    %dma_wait3A_777 = arith.constant 0 : i32
    %dma_wait3A_778 = tpu.memref_slice %arg0[%dma_wait3A_775, %dma_wait3A_776, %dma_wait3A_777] : memref<55x6250x128xi8, #tpu.memory_space<hbm>> -> memref<1x6250x128xi8, #tpu.memory_space<hbm>>
    tpu.wait_dma2 semaphore(%dma_wait3A_770 : memref<!tpu.dma_semaphore, #tpu.memory_space<semaphore_mem>>) src(%dma_wait3A_778 : memref<1x6250x128xi8, #tpu.memory_space<hbm>>) dst(%dma_wait3A_774 : memref<1x6250x128xi8, #tpu.memory_space<vmem>>)
    %dma_start3A_779 = arith.constant 17 : i32
    %dma_start3A_780 = tpu.memref_slice %arg4[%dma_start3A_779] : memref<24x!tpu.dma_semaphore, #tpu.memory_space<semaphore_mem>> -> memref<1x!tpu.dma_semaphore, #tpu.memory_space<semaphore_mem>>
    %dma_start3A_781 = tpu.memref_squeeze %dma_start3A_780 : memref<1x!tpu.dma_semaphore, #tpu.memory_space<semaphore_mem>> -> memref<!tpu.dma_semaphore, #tpu.memory_space<semaphore_mem>>
    %dma_start3A_782 = arith.constant 17 : i32
    %dma_start3A_783 = arith.constant 0 : i32
    %dma_start3A_784 = arith.constant 0 : i32
    %dma_start3A_785 = tpu.memref_slice %arg1[%dma_start3A_782, %dma_start3A_783, %dma_start3A_784] : memref<55x6250x128xi8, #tpu.memory_space<hbm>> -> memref<1x6250x128xi8, #tpu.memory_space<hbm>>
    %dma_start3A_786 = arith.constant 17 : i32
    %dma_start3A_787 = arith.constant 0 : i32
    %dma_start3A_788 = arith.constant 0 : i32
    %dma_start3A_789 = tpu.memref_slice %arg2[%dma_start3A_786, %dma_start3A_787, %dma_start3A_788] : memref<24x6250x128xi8, #tpu.memory_space<vmem>> -> memref<1x6250x128xi8, #tpu.memory_space<vmem>>
    tpu.enqueue_dma source(%dma_start3A_789 : memref<1x6250x128xi8, #tpu.memory_space<vmem>>) target(%dma_start3A_785 : memref<1x6250x128xi8, #tpu.memory_space<hbm>>) target_semaphore(%dma_start3A_781 : memref<!tpu.dma_semaphore, #tpu.memory_space<semaphore_mem>>)
    %dma_wait3A_790 = arith.constant 6 : i32
    %dma_wait3A_791 = tpu.memref_slice %arg4[%dma_wait3A_790] : memref<24x!tpu.dma_semaphore, #tpu.memory_space<semaphore_mem>> -> memref<1x!tpu.dma_semaphore, #tpu.memory_space<semaphore_mem>>
    %dma_wait3A_792 = tpu.memref_squeeze %dma_wait3A_791 : memref<1x!tpu.dma_semaphore, #tpu.memory_space<semaphore_mem>> -> memref<!tpu.dma_semaphore, #tpu.memory_space<semaphore_mem>>
    %dma_wait3A_793 = arith.constant 6 : i32
    %dma_wait3A_794 = arith.constant 0 : i32
    %dma_wait3A_795 = arith.constant 0 : i32
    %dma_wait3A_796 = tpu.memref_slice %arg1[%dma_wait3A_793, %dma_wait3A_794, %dma_wait3A_795] : memref<55x6250x128xi8, #tpu.memory_space<hbm>> -> memref<1x6250x128xi8, #tpu.memory_space<hbm>>
    %dma_wait3A_797 = arith.constant 6 : i32
    %dma_wait3A_798 = arith.constant 0 : i32
    %dma_wait3A_799 = arith.constant 0 : i32
    %dma_wait3A_800 = tpu.memref_slice %arg2[%dma_wait3A_797, %dma_wait3A_798, %dma_wait3A_799] : memref<24x6250x128xi8, #tpu.memory_space<vmem>> -> memref<1x6250x128xi8, #tpu.memory_space<vmem>>
    tpu.wait_dma2 semaphore(%dma_wait3A_792 : memref<!tpu.dma_semaphore, #tpu.memory_space<semaphore_mem>>) src(%dma_wait3A_800 : memref<1x6250x128xi8, #tpu.memory_space<vmem>>) dst(%dma_wait3A_796 : memref<1x6250x128xi8, #tpu.memory_space<hbm>>)
    %dma_start3A_801 = arith.constant 6 : i32
    %dma_start3A_802 = tpu.memref_slice %arg3[%dma_start3A_801] : memref<24x!tpu.dma_semaphore, #tpu.memory_space<semaphore_mem>> -> memref<1x!tpu.dma_semaphore, #tpu.memory_space<semaphore_mem>>
    %dma_start3A_803 = tpu.memref_squeeze %dma_start3A_802 : memref<1x!tpu.dma_semaphore, #tpu.memory_space<semaphore_mem>> -> memref<!tpu.dma_semaphore, #tpu.memory_space<semaphore_mem>>
    %dma_start3A_804 = arith.constant 6 : i32
    %dma_start3A_805 = arith.constant 0 : i32
    %dma_start3A_806 = arith.constant 0 : i32
    %dma_start3A_807 = tpu.memref_slice %arg2[%dma_start3A_804, %dma_start3A_805, %dma_start3A_806] : memref<24x6250x128xi8, #tpu.memory_space<vmem>> -> memref<1x6250x128xi8, #tpu.memory_space<vmem>>
    %dma_start3A_808 = arith.constant 30 : i32
    %dma_start3A_809 = arith.constant 0 : i32
    %dma_start3A_810 = arith.constant 0 : i32
    %dma_start3A_811 = tpu.memref_slice %arg0[%dma_start3A_808, %dma_start3A_809, %dma_start3A_810] : memref<55x6250x128xi8, #tpu.memory_space<hbm>> -> memref<1x6250x128xi8, #tpu.memory_space<hbm>>
    tpu.enqueue_dma source(%dma_start3A_811 : memref<1x6250x128xi8, #tpu.memory_space<hbm>>) target(%dma_start3A_807 : memref<1x6250x128xi8, #tpu.memory_space<vmem>>) target_semaphore(%dma_start3A_803 : memref<!tpu.dma_semaphore, #tpu.memory_space<semaphore_mem>>)
    %dma_wait3A_812 = arith.constant 18 : i32
    %dma_wait3A_813 = tpu.memref_slice %arg3[%dma_wait3A_812] : memref<24x!tpu.dma_semaphore, #tpu.memory_space<semaphore_mem>> -> memref<1x!tpu.dma_semaphore, #tpu.memory_space<semaphore_mem>>
    %dma_wait3A_814 = tpu.memref_squeeze %dma_wait3A_813 : memref<1x!tpu.dma_semaphore, #tpu.memory_space<semaphore_mem>> -> memref<!tpu.dma_semaphore, #tpu.memory_space<semaphore_mem>>
    %dma_wait3A_815 = arith.constant 18 : i32
    %dma_wait3A_816 = arith.constant 0 : i32
    %dma_wait3A_817 = arith.constant 0 : i32
    %dma_wait3A_818 = tpu.memref_slice %arg2[%dma_wait3A_815, %dma_wait3A_816, %dma_wait3A_817] : memref<24x6250x128xi8, #tpu.memory_space<vmem>> -> memref<1x6250x128xi8, #tpu.memory_space<vmem>>
    %dma_wait3A_819 = arith.constant 18 : i32
    %dma_wait3A_820 = arith.constant 0 : i32
    %dma_wait3A_821 = arith.constant 0 : i32
    %dma_wait3A_822 = tpu.memref_slice %arg0[%dma_wait3A_819, %dma_wait3A_820, %dma_wait3A_821] : memref<55x6250x128xi8, #tpu.memory_space<hbm>> -> memref<1x6250x128xi8, #tpu.memory_space<hbm>>
    tpu.wait_dma2 semaphore(%dma_wait3A_814 : memref<!tpu.dma_semaphore, #tpu.memory_space<semaphore_mem>>) src(%dma_wait3A_822 : memref<1x6250x128xi8, #tpu.memory_space<hbm>>) dst(%dma_wait3A_818 : memref<1x6250x128xi8, #tpu.memory_space<vmem>>)
    %dma_start3A_823 = arith.constant 18 : i32
    %dma_start3A_824 = tpu.memref_slice %arg4[%dma_start3A_823] : memref<24x!tpu.dma_semaphore, #tpu.memory_space<semaphore_mem>> -> memref<1x!tpu.dma_semaphore, #tpu.memory_space<semaphore_mem>>
    %dma_start3A_825 = tpu.memref_squeeze %dma_start3A_824 : memref<1x!tpu.dma_semaphore, #tpu.memory_space<semaphore_mem>> -> memref<!tpu.dma_semaphore, #tpu.memory_space<semaphore_mem>>
    %dma_start3A_826 = arith.constant 18 : i32
    %dma_start3A_827 = arith.constant 0 : i32
    %dma_start3A_828 = arith.constant 0 : i32
    %dma_start3A_829 = tpu.memref_slice %arg1[%dma_start3A_826, %dma_start3A_827, %dma_start3A_828] : memref<55x6250x128xi8, #tpu.memory_space<hbm>> -> memref<1x6250x128xi8, #tpu.memory_space<hbm>>
    %dma_start3A_830 = arith.constant 18 : i32
    %dma_start3A_831 = arith.constant 0 : i32
    %dma_start3A_832 = arith.constant 0 : i32
    %dma_start3A_833 = tpu.memref_slice %arg2[%dma_start3A_830, %dma_start3A_831, %dma_start3A_832] : memref<24x6250x128xi8, #tpu.memory_space<vmem>> -> memref<1x6250x128xi8, #tpu.memory_space<vmem>>
    tpu.enqueue_dma source(%dma_start3A_833 : memref<1x6250x128xi8, #tpu.memory_space<vmem>>) target(%dma_start3A_829 : memref<1x6250x128xi8, #tpu.memory_space<hbm>>) target_semaphore(%dma_start3A_825 : memref<!tpu.dma_semaphore, #tpu.memory_space<semaphore_mem>>)
    %dma_wait3A_834 = arith.constant 7 : i32
    %dma_wait3A_835 = tpu.memref_slice %arg4[%dma_wait3A_834] : memref<24x!tpu.dma_semaphore, #tpu.memory_space<semaphore_mem>> -> memref<1x!tpu.dma_semaphore, #tpu.memory_space<semaphore_mem>>
    %dma_wait3A_836 = tpu.memref_squeeze %dma_wait3A_835 : memref<1x!tpu.dma_semaphore, #tpu.memory_space<semaphore_mem>> -> memref<!tpu.dma_semaphore, #tpu.memory_space<semaphore_mem>>
    %dma_wait3A_837 = arith.constant 7 : i32
    %dma_wait3A_838 = arith.constant 0 : i32
    %dma_wait3A_839 = arith.constant 0 : i32
    %dma_wait3A_840 = tpu.memref_slice %arg1[%dma_wait3A_837, %dma_wait3A_838, %dma_wait3A_839] : memref<55x6250x128xi8, #tpu.memory_space<hbm>> -> memref<1x6250x128xi8, #tpu.memory_space<hbm>>
    %dma_wait3A_841 = arith.constant 7 : i32
    %dma_wait3A_842 = arith.constant 0 : i32
    %dma_wait3A_843 = arith.constant 0 : i32
    %dma_wait3A_844 = tpu.memref_slice %arg2[%dma_wait3A_841, %dma_wait3A_842, %dma_wait3A_843] : memref<24x6250x128xi8, #tpu.memory_space<vmem>> -> memref<1x6250x128xi8, #tpu.memory_space<vmem>>
    tpu.wait_dma2 semaphore(%dma_wait3A_836 : memref<!tpu.dma_semaphore, #tpu.memory_space<semaphore_mem>>) src(%dma_wait3A_844 : memref<1x6250x128xi8, #tpu.memory_space<vmem>>) dst(%dma_wait3A_840 : memref<1x6250x128xi8, #tpu.memory_space<hbm>>)
    %dma_start3A_845 = arith.constant 7 : i32
    %dma_start3A_846 = tpu.memref_slice %arg3[%dma_start3A_845] : memref<24x!tpu.dma_semaphore, #tpu.memory_space<semaphore_mem>> -> memref<1x!tpu.dma_semaphore, #tpu.memory_space<semaphore_mem>>
    %dma_start3A_847 = tpu.memref_squeeze %dma_start3A_846 : memref<1x!tpu.dma_semaphore, #tpu.memory_space<semaphore_mem>> -> memref<!tpu.dma_semaphore, #tpu.memory_space<semaphore_mem>>
    %dma_start3A_848 = arith.constant 7 : i32
    %dma_start3A_849 = arith.constant 0 : i32
    %dma_start3A_850 = arith.constant 0 : i32
    %dma_start3A_851 = tpu.memref_slice %arg2[%dma_start3A_848, %dma_start3A_849, %dma_start3A_850] : memref<24x6250x128xi8, #tpu.memory_space<vmem>> -> memref<1x6250x128xi8, #tpu.memory_space<vmem>>
    %dma_start3A_852 = arith.constant 31 : i32
    %dma_start3A_853 = arith.constant 0 : i32
    %dma_start3A_854 = arith.constant 0 : i32
    %dma_start3A_855 = tpu.memref_slice %arg0[%dma_start3A_852, %dma_start3A_853, %dma_start3A_854] : memref<55x6250x128xi8, #tpu.memory_space<hbm>> -> memref<1x6250x128xi8, #tpu.memory_space<hbm>>
    tpu.enqueue_dma source(%dma_start3A_855 : memref<1x6250x128xi8, #tpu.memory_space<hbm>>) target(%dma_start3A_851 : memref<1x6250x128xi8, #tpu.memory_space<vmem>>) target_semaphore(%dma_start3A_847 : memref<!tpu.dma_semaphore, #tpu.memory_space<semaphore_mem>>)
    %dma_wait3A_856 = arith.constant 19 : i32
    %dma_wait3A_857 = tpu.memref_slice %arg3[%dma_wait3A_856] : memref<24x!tpu.dma_semaphore, #tpu.memory_space<semaphore_mem>> -> memref<1x!tpu.dma_semaphore, #tpu.memory_space<semaphore_mem>>
    %dma_wait3A_858 = tpu.memref_squeeze %dma_wait3A_857 : memref<1x!tpu.dma_semaphore, #tpu.memory_space<semaphore_mem>> -> memref<!tpu.dma_semaphore, #tpu.memory_space<semaphore_mem>>
    %dma_wait3A_859 = arith.constant 19 : i32
    %dma_wait3A_860 = arith.constant 0 : i32
    %dma_wait3A_861 = arith.constant 0 : i32
    %dma_wait3A_862 = tpu.memref_slice %arg2[%dma_wait3A_859, %dma_wait3A_860, %dma_wait3A_861] : memref<24x6250x128xi8, #tpu.memory_space<vmem>> -> memref<1x6250x128xi8, #tpu.memory_space<vmem>>
    %dma_wait3A_863 = arith.constant 19 : i32
    %dma_wait3A_864 = arith.constant 0 : i32
    %dma_wait3A_865 = arith.constant 0 : i32
    %dma_wait3A_866 = tpu.memref_slice %arg0[%dma_wait3A_863, %dma_wait3A_864, %dma_wait3A_865] : memref<55x6250x128xi8, #tpu.memory_space<hbm>> -> memref<1x6250x128xi8, #tpu.memory_space<hbm>>
    tpu.wait_dma2 semaphore(%dma_wait3A_858 : memref<!tpu.dma_semaphore, #tpu.memory_space<semaphore_mem>>) src(%dma_wait3A_866 : memref<1x6250x128xi8, #tpu.memory_space<hbm>>) dst(%dma_wait3A_862 : memref<1x6250x128xi8, #tpu.memory_space<vmem>>)
    %dma_start3A_867 = arith.constant 19 : i32
    %dma_start3A_868 = tpu.memref_slice %arg4[%dma_start3A_867] : memref<24x!tpu.dma_semaphore, #tpu.memory_space<semaphore_mem>> -> memref<1x!tpu.dma_semaphore, #tpu.memory_space<semaphore_mem>>
    %dma_start3A_869 = tpu.memref_squeeze %dma_start3A_868 : memref<1x!tpu.dma_semaphore, #tpu.memory_space<semaphore_mem>> -> memref<!tpu.dma_semaphore, #tpu.memory_space<semaphore_mem>>
    %dma_start3A_870 = arith.constant 19 : i32
    %dma_start3A_871 = arith.constant 0 : i32
    %dma_start3A_872 = arith.constant 0 : i32
    %dma_start3A_873 = tpu.memref_slice %arg1[%dma_start3A_870, %dma_start3A_871, %dma_start3A_872] : memref<55x6250x128xi8, #tpu.memory_space<hbm>> -> memref<1x6250x128xi8, #tpu.memory_space<hbm>>
    %dma_start3A_874 = arith.constant 19 : i32
    %dma_start3A_875 = arith.constant 0 : i32
    %dma_start3A_876 = arith.constant 0 : i32
    %dma_start3A_877 = tpu.memref_slice %arg2[%dma_start3A_874, %dma_start3A_875, %dma_start3A_876] : memref<24x6250x128xi8, #tpu.memory_space<vmem>> -> memref<1x6250x128xi8, #tpu.memory_space<vmem>>
    tpu.enqueue_dma source(%dma_start3A_877 : memref<1x6250x128xi8, #tpu.memory_space<vmem>>) target(%dma_start3A_873 : memref<1x6250x128xi8, #tpu.memory_space<hbm>>) target_semaphore(%dma_start3A_869 : memref<!tpu.dma_semaphore, #tpu.memory_space<semaphore_mem>>)
    %dma_wait3A_878 = arith.constant 8 : i32
    %dma_wait3A_879 = tpu.memref_slice %arg4[%dma_wait3A_878] : memref<24x!tpu.dma_semaphore, #tpu.memory_space<semaphore_mem>> -> memref<1x!tpu.dma_semaphore, #tpu.memory_space<semaphore_mem>>
    %dma_wait3A_880 = tpu.memref_squeeze %dma_wait3A_879 : memref<1x!tpu.dma_semaphore, #tpu.memory_space<semaphore_mem>> -> memref<!tpu.dma_semaphore, #tpu.memory_space<semaphore_mem>>
    %dma_wait3A_881 = arith.constant 8 : i32
    %dma_wait3A_882 = arith.constant 0 : i32
    %dma_wait3A_883 = arith.constant 0 : i32
    %dma_wait3A_884 = tpu.memref_slice %arg1[%dma_wait3A_881, %dma_wait3A_882, %dma_wait3A_883] : memref<55x6250x128xi8, #tpu.memory_space<hbm>> -> memref<1x6250x128xi8, #tpu.memory_space<hbm>>
    %dma_wait3A_885 = arith.constant 8 : i32
    %dma_wait3A_886 = arith.constant 0 : i32
    %dma_wait3A_887 = arith.constant 0 : i32
    %dma_wait3A_888 = tpu.memref_slice %arg2[%dma_wait3A_885, %dma_wait3A_886, %dma_wait3A_887] : memref<24x6250x128xi8, #tpu.memory_space<vmem>> -> memref<1x6250x128xi8, #tpu.memory_space<vmem>>
    tpu.wait_dma2 semaphore(%dma_wait3A_880 : memref<!tpu.dma_semaphore, #tpu.memory_space<semaphore_mem>>) src(%dma_wait3A_888 : memref<1x6250x128xi8, #tpu.memory_space<vmem>>) dst(%dma_wait3A_884 : memref<1x6250x128xi8, #tpu.memory_space<hbm>>)
    %dma_start3A_889 = arith.constant 8 : i32
    %dma_start3A_890 = tpu.memref_slice %arg3[%dma_start3A_889] : memref<24x!tpu.dma_semaphore, #tpu.memory_space<semaphore_mem>> -> memref<1x!tpu.dma_semaphore, #tpu.memory_space<semaphore_mem>>
    %dma_start3A_891 = tpu.memref_squeeze %dma_start3A_890 : memref<1x!tpu.dma_semaphore, #tpu.memory_space<semaphore_mem>> -> memref<!tpu.dma_semaphore, #tpu.memory_space<semaphore_mem>>
    %dma_start3A_892 = arith.constant 8 : i32
    %dma_start3A_893 = arith.constant 0 : i32
    %dma_start3A_894 = arith.constant 0 : i32
    %dma_start3A_895 = tpu.memref_slice %arg2[%dma_start3A_892, %dma_start3A_893, %dma_start3A_894] : memref<24x6250x128xi8, #tpu.memory_space<vmem>> -> memref<1x6250x128xi8, #tpu.memory_space<vmem>>
    %dma_start3A_896 = arith.constant 32 : i32
    %dma_start3A_897 = arith.constant 0 : i32
    %dma_start3A_898 = arith.constant 0 : i32
    %dma_start3A_899 = tpu.memref_slice %arg0[%dma_start3A_896, %dma_start3A_897, %dma_start3A_898] : memref<55x6250x128xi8, #tpu.memory_space<hbm>> -> memref<1x6250x128xi8, #tpu.memory_space<hbm>>
    tpu.enqueue_dma source(%dma_start3A_899 : memref<1x6250x128xi8, #tpu.memory_space<hbm>>) target(%dma_start3A_895 : memref<1x6250x128xi8, #tpu.memory_space<vmem>>) target_semaphore(%dma_start3A_891 : memref<!tpu.dma_semaphore, #tpu.memory_space<semaphore_mem>>)
    %dma_wait3A_900 = arith.constant 20 : i32
    %dma_wait3A_901 = tpu.memref_slice %arg3[%dma_wait3A_900] : memref<24x!tpu.dma_semaphore, #tpu.memory_space<semaphore_mem>> -> memref<1x!tpu.dma_semaphore, #tpu.memory_space<semaphore_mem>>
    %dma_wait3A_902 = tpu.memref_squeeze %dma_wait3A_901 : memref<1x!tpu.dma_semaphore, #tpu.memory_space<semaphore_mem>> -> memref<!tpu.dma_semaphore, #tpu.memory_space<semaphore_mem>>
    %dma_wait3A_903 = arith.constant 20 : i32
    %dma_wait3A_904 = arith.constant 0 : i32
    %dma_wait3A_905 = arith.constant 0 : i32
    %dma_wait3A_906 = tpu.memref_slice %arg2[%dma_wait3A_903, %dma_wait3A_904, %dma_wait3A_905] : memref<24x6250x128xi8, #tpu.memory_space<vmem>> -> memref<1x6250x128xi8, #tpu.memory_space<vmem>>
    %dma_wait3A_907 = arith.constant 20 : i32
    %dma_wait3A_908 = arith.constant 0 : i32
    %dma_wait3A_909 = arith.constant 0 : i32
    %dma_wait3A_910 = tpu.memref_slice %arg0[%dma_wait3A_907, %dma_wait3A_908, %dma_wait3A_909] : memref<55x6250x128xi8, #tpu.memory_space<hbm>> -> memref<1x6250x128xi8, #tpu.memory_space<hbm>>
    tpu.wait_dma2 semaphore(%dma_wait3A_902 : memref<!tpu.dma_semaphore, #tpu.memory_space<semaphore_mem>>) src(%dma_wait3A_910 : memref<1x6250x128xi8, #tpu.memory_space<hbm>>) dst(%dma_wait3A_906 : memref<1x6250x128xi8, #tpu.memory_space<vmem>>)
    %dma_start3A_911 = arith.constant 20 : i32
    %dma_start3A_912 = tpu.memref_slice %arg4[%dma_start3A_911] : memref<24x!tpu.dma_semaphore, #tpu.memory_space<semaphore_mem>> -> memref<1x!tpu.dma_semaphore, #tpu.memory_space<semaphore_mem>>
    %dma_start3A_913 = tpu.memref_squeeze %dma_start3A_912 : memref<1x!tpu.dma_semaphore, #tpu.memory_space<semaphore_mem>> -> memref<!tpu.dma_semaphore, #tpu.memory_space<semaphore_mem>>
    %dma_start3A_914 = arith.constant 20 : i32
    %dma_start3A_915 = arith.constant 0 : i32
    %dma_start3A_916 = arith.constant 0 : i32
    %dma_start3A_917 = tpu.memref_slice %arg1[%dma_start3A_914, %dma_start3A_915, %dma_start3A_916] : memref<55x6250x128xi8, #tpu.memory_space<hbm>> -> memref<1x6250x128xi8, #tpu.memory_space<hbm>>
    %dma_start3A_918 = arith.constant 20 : i32
    %dma_start3A_919 = arith.constant 0 : i32
    %dma_start3A_920 = arith.constant 0 : i32
    %dma_start3A_921 = tpu.memref_slice %arg2[%dma_start3A_918, %dma_start3A_919, %dma_start3A_920] : memref<24x6250x128xi8, #tpu.memory_space<vmem>> -> memref<1x6250x128xi8, #tpu.memory_space<vmem>>
    tpu.enqueue_dma source(%dma_start3A_921 : memref<1x6250x128xi8, #tpu.memory_space<vmem>>) target(%dma_start3A_917 : memref<1x6250x128xi8, #tpu.memory_space<hbm>>) target_semaphore(%dma_start3A_913 : memref<!tpu.dma_semaphore, #tpu.memory_space<semaphore_mem>>)
    %dma_wait3A_922 = arith.constant 9 : i32
    %dma_wait3A_923 = tpu.memref_slice %arg4[%dma_wait3A_922] : memref<24x!tpu.dma_semaphore, #tpu.memory_space<semaphore_mem>> -> memref<1x!tpu.dma_semaphore, #tpu.memory_space<semaphore_mem>>
    %dma_wait3A_924 = tpu.memref_squeeze %dma_wait3A_923 : memref<1x!tpu.dma_semaphore, #tpu.memory_space<semaphore_mem>> -> memref<!tpu.dma_semaphore, #tpu.memory_space<semaphore_mem>>
    %dma_wait3A_925 = arith.constant 9 : i32
    %dma_wait3A_926 = arith.constant 0 : i32
    %dma_wait3A_927 = arith.constant 0 : i32
    %dma_wait3A_928 = tpu.memref_slice %arg1[%dma_wait3A_925, %dma_wait3A_926, %dma_wait3A_927] : memref<55x6250x128xi8, #tpu.memory_space<hbm>> -> memref<1x6250x128xi8, #tpu.memory_space<hbm>>
    %dma_wait3A_929 = arith.constant 9 : i32
    %dma_wait3A_930 = arith.constant 0 : i32
    %dma_wait3A_931 = arith.constant 0 : i32
    %dma_wait3A_932 = tpu.memref_slice %arg2[%dma_wait3A_929, %dma_wait3A_930, %dma_wait3A_931] : memref<24x6250x128xi8, #tpu.memory_space<vmem>> -> memref<1x6250x128xi8, #tpu.memory_space<vmem>>
    tpu.wait_dma2 semaphore(%dma_wait3A_924 : memref<!tpu.dma_semaphore, #tpu.memory_space<semaphore_mem>>) src(%dma_wait3A_932 : memref<1x6250x128xi8, #tpu.memory_space<vmem>>) dst(%dma_wait3A_928 : memref<1x6250x128xi8, #tpu.memory_space<hbm>>)
    %dma_start3A_933 = arith.constant 9 : i32
    %dma_start3A_934 = tpu.memref_slice %arg3[%dma_start3A_933] : memref<24x!tpu.dma_semaphore, #tpu.memory_space<semaphore_mem>> -> memref<1x!tpu.dma_semaphore, #tpu.memory_space<semaphore_mem>>
    %dma_start3A_935 = tpu.memref_squeeze %dma_start3A_934 : memref<1x!tpu.dma_semaphore, #tpu.memory_space<semaphore_mem>> -> memref<!tpu.dma_semaphore, #tpu.memory_space<semaphore_mem>>
    %dma_start3A_936 = arith.constant 9 : i32
    %dma_start3A_937 = arith.constant 0 : i32
    %dma_start3A_938 = arith.constant 0 : i32
    %dma_start3A_939 = tpu.memref_slice %arg2[%dma_start3A_936, %dma_start3A_937, %dma_start3A_938] : memref<24x6250x128xi8, #tpu.memory_space<vmem>> -> memref<1x6250x128xi8, #tpu.memory_space<vmem>>
    %dma_start3A_940 = arith.constant 33 : i32
    %dma_start3A_941 = arith.constant 0 : i32
    %dma_start3A_942 = arith.constant 0 : i32
    %dma_start3A_943 = tpu.memref_slice %arg0[%dma_start3A_940, %dma_start3A_941, %dma_start3A_942] : memref<55x6250x128xi8, #tpu.memory_space<hbm>> -> memref<1x6250x128xi8, #tpu.memory_space<hbm>>
    tpu.enqueue_dma source(%dma_start3A_943 : memref<1x6250x128xi8, #tpu.memory_space<hbm>>) target(%dma_start3A_939 : memref<1x6250x128xi8, #tpu.memory_space<vmem>>) target_semaphore(%dma_start3A_935 : memref<!tpu.dma_semaphore, #tpu.memory_space<semaphore_mem>>)
    %dma_wait3A_944 = arith.constant 21 : i32
    %dma_wait3A_945 = tpu.memref_slice %arg3[%dma_wait3A_944] : memref<24x!tpu.dma_semaphore, #tpu.memory_space<semaphore_mem>> -> memref<1x!tpu.dma_semaphore, #tpu.memory_space<semaphore_mem>>
    %dma_wait3A_946 = tpu.memref_squeeze %dma_wait3A_945 : memref<1x!tpu.dma_semaphore, #tpu.memory_space<semaphore_mem>> -> memref<!tpu.dma_semaphore, #tpu.memory_space<semaphore_mem>>
    %dma_wait3A_947 = arith.constant 21 : i32
    %dma_wait3A_948 = arith.constant 0 : i32
    %dma_wait3A_949 = arith.constant 0 : i32
    %dma_wait3A_950 = tpu.memref_slice %arg2[%dma_wait3A_947, %dma_wait3A_948, %dma_wait3A_949] : memref<24x6250x128xi8, #tpu.memory_space<vmem>> -> memref<1x6250x128xi8, #tpu.memory_space<vmem>>
    %dma_wait3A_951 = arith.constant 21 : i32
    %dma_wait3A_952 = arith.constant 0 : i32
    %dma_wait3A_953 = arith.constant 0 : i32
    %dma_wait3A_954 = tpu.memref_slice %arg0[%dma_wait3A_951, %dma_wait3A_952, %dma_wait3A_953] : memref<55x6250x128xi8, #tpu.memory_space<hbm>> -> memref<1x6250x128xi8, #tpu.memory_space<hbm>>
    tpu.wait_dma2 semaphore(%dma_wait3A_946 : memref<!tpu.dma_semaphore, #tpu.memory_space<semaphore_mem>>) src(%dma_wait3A_954 : memref<1x6250x128xi8, #tpu.memory_space<hbm>>) dst(%dma_wait3A_950 : memref<1x6250x128xi8, #tpu.memory_space<vmem>>)
    %dma_start3A_955 = arith.constant 21 : i32
    %dma_start3A_956 = tpu.memref_slice %arg4[%dma_start3A_955] : memref<24x!tpu.dma_semaphore, #tpu.memory_space<semaphore_mem>> -> memref<1x!tpu.dma_semaphore, #tpu.memory_space<semaphore_mem>>
    %dma_start3A_957 = tpu.memref_squeeze %dma_start3A_956 : memref<1x!tpu.dma_semaphore, #tpu.memory_space<semaphore_mem>> -> memref<!tpu.dma_semaphore, #tpu.memory_space<semaphore_mem>>
    %dma_start3A_958 = arith.constant 21 : i32
    %dma_start3A_959 = arith.constant 0 : i32
    %dma_start3A_960 = arith.constant 0 : i32
    %dma_start3A_961 = tpu.memref_slice %arg1[%dma_start3A_958, %dma_start3A_959, %dma_start3A_960] : memref<55x6250x128xi8, #tpu.memory_space<hbm>> -> memref<1x6250x128xi8, #tpu.memory_space<hbm>>
    %dma_start3A_962 = arith.constant 21 : i32
    %dma_start3A_963 = arith.constant 0 : i32
    %dma_start3A_964 = arith.constant 0 : i32
    %dma_start3A_965 = tpu.memref_slice %arg2[%dma_start3A_962, %dma_start3A_963, %dma_start3A_964] : memref<24x6250x128xi8, #tpu.memory_space<vmem>> -> memref<1x6250x128xi8, #tpu.memory_space<vmem>>
    tpu.enqueue_dma source(%dma_start3A_965 : memref<1x6250x128xi8, #tpu.memory_space<vmem>>) target(%dma_start3A_961 : memref<1x6250x128xi8, #tpu.memory_space<hbm>>) target_semaphore(%dma_start3A_957 : memref<!tpu.dma_semaphore, #tpu.memory_space<semaphore_mem>>)
    %dma_wait3A_966 = arith.constant 10 : i32
    %dma_wait3A_967 = tpu.memref_slice %arg4[%dma_wait3A_966] : memref<24x!tpu.dma_semaphore, #tpu.memory_space<semaphore_mem>> -> memref<1x!tpu.dma_semaphore, #tpu.memory_space<semaphore_mem>>
    %dma_wait3A_968 = tpu.memref_squeeze %dma_wait3A_967 : memref<1x!tpu.dma_semaphore, #tpu.memory_space<semaphore_mem>> -> memref<!tpu.dma_semaphore, #tpu.memory_space<semaphore_mem>>
    %dma_wait3A_969 = arith.constant 10 : i32
    %dma_wait3A_970 = arith.constant 0 : i32
    %dma_wait3A_971 = arith.constant 0 : i32
    %dma_wait3A_972 = tpu.memref_slice %arg1[%dma_wait3A_969, %dma_wait3A_970, %dma_wait3A_971] : memref<55x6250x128xi8, #tpu.memory_space<hbm>> -> memref<1x6250x128xi8, #tpu.memory_space<hbm>>
    %dma_wait3A_973 = arith.constant 10 : i32
    %dma_wait3A_974 = arith.constant 0 : i32
    %dma_wait3A_975 = arith.constant 0 : i32
    %dma_wait3A_976 = tpu.memref_slice %arg2[%dma_wait3A_973, %dma_wait3A_974, %dma_wait3A_975] : memref<24x6250x128xi8, #tpu.memory_space<vmem>> -> memref<1x6250x128xi8, #tpu.memory_space<vmem>>
    tpu.wait_dma2 semaphore(%dma_wait3A_968 : memref<!tpu.dma_semaphore, #tpu.memory_space<semaphore_mem>>) src(%dma_wait3A_976 : memref<1x6250x128xi8, #tpu.memory_space<vmem>>) dst(%dma_wait3A_972 : memref<1x6250x128xi8, #tpu.memory_space<hbm>>)
    %dma_start3A_977 = arith.constant 10 : i32
    %dma_start3A_978 = tpu.memref_slice %arg3[%dma_start3A_977] : memref<24x!tpu.dma_semaphore, #tpu.memory_space<semaphore_mem>> -> memref<1x!tpu.dma_semaphore, #tpu.memory_space<semaphore_mem>>
    %dma_start3A_979 = tpu.memref_squeeze %dma_start3A_978 : memref<1x!tpu.dma_semaphore, #tpu.memory_space<semaphore_mem>> -> memref<!tpu.dma_semaphore, #tpu.memory_space<semaphore_mem>>
    %dma_start3A_980 = arith.constant 10 : i32
    %dma_start3A_981 = arith.constant 0 : i32
    %dma_start3A_982 = arith.constant 0 : i32
    %dma_start3A_983 = tpu.memref_slice %arg2[%dma_start3A_980, %dma_start3A_981, %dma_start3A_982] : memref<24x6250x128xi8, #tpu.memory_space<vmem>> -> memref<1x6250x128xi8, #tpu.memory_space<vmem>>
    %dma_start3A_984 = arith.constant 34 : i32
    %dma_start3A_985 = arith.constant 0 : i32
    %dma_start3A_986 = arith.constant 0 : i32
    %dma_start3A_987 = tpu.memref_slice %arg0[%dma_start3A_984, %dma_start3A_985, %dma_start3A_986] : memref<55x6250x128xi8, #tpu.memory_space<hbm>> -> memref<1x6250x128xi8, #tpu.memory_space<hbm>>
    tpu.enqueue_dma source(%dma_start3A_987 : memref<1x6250x128xi8, #tpu.memory_space<hbm>>) target(%dma_start3A_983 : memref<1x6250x128xi8, #tpu.memory_space<vmem>>) target_semaphore(%dma_start3A_979 : memref<!tpu.dma_semaphore, #tpu.memory_space<semaphore_mem>>)
    %dma_wait3A_988 = arith.constant 22 : i32
    %dma_wait3A_989 = tpu.memref_slice %arg3[%dma_wait3A_988] : memref<24x!tpu.dma_semaphore, #tpu.memory_space<semaphore_mem>> -> memref<1x!tpu.dma_semaphore, #tpu.memory_space<semaphore_mem>>
    %dma_wait3A_990 = tpu.memref_squeeze %dma_wait3A_989 : memref<1x!tpu.dma_semaphore, #tpu.memory_space<semaphore_mem>> -> memref<!tpu.dma_semaphore, #tpu.memory_space<semaphore_mem>>
    %dma_wait3A_991 = arith.constant 22 : i32
    %dma_wait3A_992 = arith.constant 0 : i32
    %dma_wait3A_993 = arith.constant 0 : i32
    %dma_wait3A_994 = tpu.memref_slice %arg2[%dma_wait3A_991, %dma_wait3A_992, %dma_wait3A_993] : memref<24x6250x128xi8, #tpu.memory_space<vmem>> -> memref<1x6250x128xi8, #tpu.memory_space<vmem>>
    %dma_wait3A_995 = arith.constant 22 : i32
    %dma_wait3A_996 = arith.constant 0 : i32
    %dma_wait3A_997 = arith.constant 0 : i32
    %dma_wait3A_998 = tpu.memref_slice %arg0[%dma_wait3A_995, %dma_wait3A_996, %dma_wait3A_997] : memref<55x6250x128xi8, #tpu.memory_space<hbm>> -> memref<1x6250x128xi8, #tpu.memory_space<hbm>>
    tpu.wait_dma2 semaphore(%dma_wait3A_990 : memref<!tpu.dma_semaphore, #tpu.memory_space<semaphore_mem>>) src(%dma_wait3A_998 : memref<1x6250x128xi8, #tpu.memory_space<hbm>>) dst(%dma_wait3A_994 : memref<1x6250x128xi8, #tpu.memory_space<vmem>>)
    %dma_start3A_999 = arith.constant 22 : i32
    %dma_start3A_1000 = tpu.memref_slice %arg4[%dma_start3A_999] : memref<24x!tpu.dma_semaphore, #tpu.memory_space<semaphore_mem>> -> memref<1x!tpu.dma_semaphore, #tpu.memory_space<semaphore_mem>>
    %dma_start3A_1001 = tpu.memref_squeeze %dma_start3A_1000 : memref<1x!tpu.dma_semaphore, #tpu.memory_space<semaphore_mem>> -> memref<!tpu.dma_semaphore, #tpu.memory_space<semaphore_mem>>
    %dma_start3A_1002 = arith.constant 22 : i32
    %dma_start3A_1003 = arith.constant 0 : i32
    %dma_start3A_1004 = arith.constant 0 : i32
    %dma_start3A_1005 = tpu.memref_slice %arg1[%dma_start3A_1002, %dma_start3A_1003, %dma_start3A_1004] : memref<55x6250x128xi8, #tpu.memory_space<hbm>> -> memref<1x6250x128xi8, #tpu.memory_space<hbm>>
    %dma_start3A_1006 = arith.constant 22 : i32
    %dma_start3A_1007 = arith.constant 0 : i32
    %dma_start3A_1008 = arith.constant 0 : i32
    %dma_start3A_1009 = tpu.memref_slice %arg2[%dma_start3A_1006, %dma_start3A_1007, %dma_start3A_1008] : memref<24x6250x128xi8, #tpu.memory_space<vmem>> -> memref<1x6250x128xi8, #tpu.memory_space<vmem>>
    tpu.enqueue_dma source(%dma_start3A_1009 : memref<1x6250x128xi8, #tpu.memory_space<vmem>>) target(%dma_start3A_1005 : memref<1x6250x128xi8, #tpu.memory_space<hbm>>) target_semaphore(%dma_start3A_1001 : memref<!tpu.dma_semaphore, #tpu.memory_space<semaphore_mem>>)
    %dma_wait3A_1010 = arith.constant 11 : i32
    %dma_wait3A_1011 = tpu.memref_slice %arg4[%dma_wait3A_1010] : memref<24x!tpu.dma_semaphore, #tpu.memory_space<semaphore_mem>> -> memref<1x!tpu.dma_semaphore, #tpu.memory_space<semaphore_mem>>
    %dma_wait3A_1012 = tpu.memref_squeeze %dma_wait3A_1011 : memref<1x!tpu.dma_semaphore, #tpu.memory_space<semaphore_mem>> -> memref<!tpu.dma_semaphore, #tpu.memory_space<semaphore_mem>>
    %dma_wait3A_1013 = arith.constant 11 : i32
    %dma_wait3A_1014 = arith.constant 0 : i32
    %dma_wait3A_1015 = arith.constant 0 : i32
    %dma_wait3A_1016 = tpu.memref_slice %arg1[%dma_wait3A_1013, %dma_wait3A_1014, %dma_wait3A_1015] : memref<55x6250x128xi8, #tpu.memory_space<hbm>> -> memref<1x6250x128xi8, #tpu.memory_space<hbm>>
    %dma_wait3A_1017 = arith.constant 11 : i32
    %dma_wait3A_1018 = arith.constant 0 : i32
    %dma_wait3A_1019 = arith.constant 0 : i32
    %dma_wait3A_1020 = tpu.memref_slice %arg2[%dma_wait3A_1017, %dma_wait3A_1018, %dma_wait3A_1019] : memref<24x6250x128xi8, #tpu.memory_space<vmem>> -> memref<1x6250x128xi8, #tpu.memory_space<vmem>>
    tpu.wait_dma2 semaphore(%dma_wait3A_1012 : memref<!tpu.dma_semaphore, #tpu.memory_space<semaphore_mem>>) src(%dma_wait3A_1020 : memref<1x6250x128xi8, #tpu.memory_space<vmem>>) dst(%dma_wait3A_1016 : memref<1x6250x128xi8, #tpu.memory_space<hbm>>)
    %dma_start3A_1021 = arith.constant 11 : i32
    %dma_start3A_1022 = tpu.memref_slice %arg3[%dma_start3A_1021] : memref<24x!tpu.dma_semaphore, #tpu.memory_space<semaphore_mem>> -> memref<1x!tpu.dma_semaphore, #tpu.memory_space<semaphore_mem>>
    %dma_start3A_1023 = tpu.memref_squeeze %dma_start3A_1022 : memref<1x!tpu.dma_semaphore, #tpu.memory_space<semaphore_mem>> -> memref<!tpu.dma_semaphore, #tpu.memory_space<semaphore_mem>>
    %dma_start3A_1024 = arith.constant 11 : i32
    %dma_start3A_1025 = arith.constant 0 : i32
    %dma_start3A_1026 = arith.constant 0 : i32
    %dma_start3A_1027 = tpu.memref_slice %arg2[%dma_start3A_1024, %dma_start3A_1025, %dma_start3A_1026] : memref<24x6250x128xi8, #tpu.memory_space<vmem>> -> memref<1x6250x128xi8, #tpu.memory_space<vmem>>
    %dma_start3A_1028 = arith.constant 35 : i32
    %dma_start3A_1029 = arith.constant 0 : i32
    %dma_start3A_1030 = arith.constant 0 : i32
    %dma_start3A_1031 = tpu.memref_slice %arg0[%dma_start3A_1028, %dma_start3A_1029, %dma_start3A_1030] : memref<55x6250x128xi8, #tpu.memory_space<hbm>> -> memref<1x6250x128xi8, #tpu.memory_space<hbm>>
    tpu.enqueue_dma source(%dma_start3A_1031 : memref<1x6250x128xi8, #tpu.memory_space<hbm>>) target(%dma_start3A_1027 : memref<1x6250x128xi8, #tpu.memory_space<vmem>>) target_semaphore(%dma_start3A_1023 : memref<!tpu.dma_semaphore, #tpu.memory_space<semaphore_mem>>)
    %dma_wait3A_1032 = arith.constant 23 : i32
    %dma_wait3A_1033 = tpu.memref_slice %arg3[%dma_wait3A_1032] : memref<24x!tpu.dma_semaphore, #tpu.memory_space<semaphore_mem>> -> memref<1x!tpu.dma_semaphore, #tpu.memory_space<semaphore_mem>>
    %dma_wait3A_1034 = tpu.memref_squeeze %dma_wait3A_1033 : memref<1x!tpu.dma_semaphore, #tpu.memory_space<semaphore_mem>> -> memref<!tpu.dma_semaphore, #tpu.memory_space<semaphore_mem>>
    %dma_wait3A_1035 = arith.constant 23 : i32
    %dma_wait3A_1036 = arith.constant 0 : i32
    %dma_wait3A_1037 = arith.constant 0 : i32
    %dma_wait3A_1038 = tpu.memref_slice %arg2[%dma_wait3A_1035, %dma_wait3A_1036, %dma_wait3A_1037] : memref<24x6250x128xi8, #tpu.memory_space<vmem>> -> memref<1x6250x128xi8, #tpu.memory_space<vmem>>
    %dma_wait3A_1039 = arith.constant 23 : i32
    %dma_wait3A_1040 = arith.constant 0 : i32
    %dma_wait3A_1041 = arith.constant 0 : i32
    %dma_wait3A_1042 = tpu.memref_slice %arg0[%dma_wait3A_1039, %dma_wait3A_1040, %dma_wait3A_1041] : memref<55x6250x128xi8, #tpu.memory_space<hbm>> -> memref<1x6250x128xi8, #tpu.memory_space<hbm>>
    tpu.wait_dma2 semaphore(%dma_wait3A_1034 : memref<!tpu.dma_semaphore, #tpu.memory_space<semaphore_mem>>) src(%dma_wait3A_1042 : memref<1x6250x128xi8, #tpu.memory_space<hbm>>) dst(%dma_wait3A_1038 : memref<1x6250x128xi8, #tpu.memory_space<vmem>>)
    %dma_start3A_1043 = arith.constant 23 : i32
    %dma_start3A_1044 = tpu.memref_slice %arg4[%dma_start3A_1043] : memref<24x!tpu.dma_semaphore, #tpu.memory_space<semaphore_mem>> -> memref<1x!tpu.dma_semaphore, #tpu.memory_space<semaphore_mem>>
    %dma_start3A_1045 = tpu.memref_squeeze %dma_start3A_1044 : memref<1x!tpu.dma_semaphore, #tpu.memory_space<semaphore_mem>> -> memref<!tpu.dma_semaphore, #tpu.memory_space<semaphore_mem>>
    %dma_start3A_1046 = arith.constant 23 : i32
    %dma_start3A_1047 = arith.constant 0 : i32
    %dma_start3A_1048 = arith.constant 0 : i32
    %dma_start3A_1049 = tpu.memref_slice %arg1[%dma_start3A_1046, %dma_start3A_1047, %dma_start3A_1048] : memref<55x6250x128xi8, #tpu.memory_space<hbm>> -> memref<1x6250x128xi8, #tpu.memory_space<hbm>>
    %dma_start3A_1050 = arith.constant 23 : i32
    %dma_start3A_1051 = arith.constant 0 : i32
    %dma_start3A_1052 = arith.constant 0 : i32
    %dma_start3A_1053 = tpu.memref_slice %arg2[%dma_start3A_1050, %dma_start3A_1051, %dma_start3A_1052] : memref<24x6250x128xi8, #tpu.memory_space<vmem>> -> memref<1x6250x128xi8, #tpu.memory_space<vmem>>
    tpu.enqueue_dma source(%dma_start3A_1053 : memref<1x6250x128xi8, #tpu.memory_space<vmem>>) target(%dma_start3A_1049 : memref<1x6250x128xi8, #tpu.memory_space<hbm>>) target_semaphore(%dma_start3A_1045 : memref<!tpu.dma_semaphore, #tpu.memory_space<semaphore_mem>>)
    %dma_wait3A_1054 = arith.constant 12 : i32
    %dma_wait3A_1055 = tpu.memref_slice %arg4[%dma_wait3A_1054] : memref<24x!tpu.dma_semaphore, #tpu.memory_space<semaphore_mem>> -> memref<1x!tpu.dma_semaphore, #tpu.memory_space<semaphore_mem>>
    %dma_wait3A_1056 = tpu.memref_squeeze %dma_wait3A_1055 : memref<1x!tpu.dma_semaphore, #tpu.memory_space<semaphore_mem>> -> memref<!tpu.dma_semaphore, #tpu.memory_space<semaphore_mem>>
    %dma_wait3A_1057 = arith.constant 12 : i32
    %dma_wait3A_1058 = arith.constant 0 : i32
    %dma_wait3A_1059 = arith.constant 0 : i32
    %dma_wait3A_1060 = tpu.memref_slice %arg1[%dma_wait3A_1057, %dma_wait3A_1058, %dma_wait3A_1059] : memref<55x6250x128xi8, #tpu.memory_space<hbm>> -> memref<1x6250x128xi8, #tpu.memory_space<hbm>>
    %dma_wait3A_1061 = arith.constant 12 : i32
    %dma_wait3A_1062 = arith.constant 0 : i32
    %dma_wait3A_1063 = arith.constant 0 : i32
    %dma_wait3A_1064 = tpu.memref_slice %arg2[%dma_wait3A_1061, %dma_wait3A_1062, %dma_wait3A_1063] : memref<24x6250x128xi8, #tpu.memory_space<vmem>> -> memref<1x6250x128xi8, #tpu.memory_space<vmem>>
    tpu.wait_dma2 semaphore(%dma_wait3A_1056 : memref<!tpu.dma_semaphore, #tpu.memory_space<semaphore_mem>>) src(%dma_wait3A_1064 : memref<1x6250x128xi8, #tpu.memory_space<vmem>>) dst(%dma_wait3A_1060 : memref<1x6250x128xi8, #tpu.memory_space<hbm>>)
    %dma_start3A_1065 = arith.constant 12 : i32
    %dma_start3A_1066 = tpu.memref_slice %arg3[%dma_start3A_1065] : memref<24x!tpu.dma_semaphore, #tpu.memory_space<semaphore_mem>> -> memref<1x!tpu.dma_semaphore, #tpu.memory_space<semaphore_mem>>
    %dma_start3A_1067 = tpu.memref_squeeze %dma_start3A_1066 : memref<1x!tpu.dma_semaphore, #tpu.memory_space<semaphore_mem>> -> memref<!tpu.dma_semaphore, #tpu.memory_space<semaphore_mem>>
    %dma_start3A_1068 = arith.constant 12 : i32
    %dma_start3A_1069 = arith.constant 0 : i32
    %dma_start3A_1070 = arith.constant 0 : i32
    %dma_start3A_1071 = tpu.memref_slice %arg2[%dma_start3A_1068, %dma_start3A_1069, %dma_start3A_1070] : memref<24x6250x128xi8, #tpu.memory_space<vmem>> -> memref<1x6250x128xi8, #tpu.memory_space<vmem>>
    %dma_start3A_1072 = arith.constant 36 : i32
    %dma_start3A_1073 = arith.constant 0 : i32
    %dma_start3A_1074 = arith.constant 0 : i32
    %dma_start3A_1075 = tpu.memref_slice %arg0[%dma_start3A_1072, %dma_start3A_1073, %dma_start3A_1074] : memref<55x6250x128xi8, #tpu.memory_space<hbm>> -> memref<1x6250x128xi8, #tpu.memory_space<hbm>>
    tpu.enqueue_dma source(%dma_start3A_1075 : memref<1x6250x128xi8, #tpu.memory_space<hbm>>) target(%dma_start3A_1071 : memref<1x6250x128xi8, #tpu.memory_space<vmem>>) target_semaphore(%dma_start3A_1067 : memref<!tpu.dma_semaphore, #tpu.memory_space<semaphore_mem>>)
    %dma_wait3A_1076 = arith.constant 0 : i32
    %dma_wait3A_1077 = tpu.memref_slice %arg3[%dma_wait3A_1076] : memref<24x!tpu.dma_semaphore, #tpu.memory_space<semaphore_mem>> -> memref<1x!tpu.dma_semaphore, #tpu.memory_space<semaphore_mem>>
    %dma_wait3A_1078 = tpu.memref_squeeze %dma_wait3A_1077 : memref<1x!tpu.dma_semaphore, #tpu.memory_space<semaphore_mem>> -> memref<!tpu.dma_semaphore, #tpu.memory_space<semaphore_mem>>
    %dma_wait3A_1079 = arith.constant 0 : i32
    %dma_wait3A_1080 = arith.constant 0 : i32
    %dma_wait3A_1081 = arith.constant 0 : i32
    %dma_wait3A_1082 = tpu.memref_slice %arg2[%dma_wait3A_1079, %dma_wait3A_1080, %dma_wait3A_1081] : memref<24x6250x128xi8, #tpu.memory_space<vmem>> -> memref<1x6250x128xi8, #tpu.memory_space<vmem>>
    %dma_wait3A_1083 = arith.constant 24 : i32
    %dma_wait3A_1084 = arith.constant 0 : i32
    %dma_wait3A_1085 = arith.constant 0 : i32
    %dma_wait3A_1086 = tpu.memref_slice %arg0[%dma_wait3A_1083, %dma_wait3A_1084, %dma_wait3A_1085] : memref<55x6250x128xi8, #tpu.memory_space<hbm>> -> memref<1x6250x128xi8, #tpu.memory_space<hbm>>
    tpu.wait_dma2 semaphore(%dma_wait3A_1078 : memref<!tpu.dma_semaphore, #tpu.memory_space<semaphore_mem>>) src(%dma_wait3A_1086 : memref<1x6250x128xi8, #tpu.memory_space<hbm>>) dst(%dma_wait3A_1082 : memref<1x6250x128xi8, #tpu.memory_space<vmem>>)
    %dma_start3A_1087 = arith.constant 0 : i32
    %dma_start3A_1088 = tpu.memref_slice %arg4[%dma_start3A_1087] : memref<24x!tpu.dma_semaphore, #tpu.memory_space<semaphore_mem>> -> memref<1x!tpu.dma_semaphore, #tpu.memory_space<semaphore_mem>>
    %dma_start3A_1089 = tpu.memref_squeeze %dma_start3A_1088 : memref<1x!tpu.dma_semaphore, #tpu.memory_space<semaphore_mem>> -> memref<!tpu.dma_semaphore, #tpu.memory_space<semaphore_mem>>
    %dma_start3A_1090 = arith.constant 24 : i32
    %dma_start3A_1091 = arith.constant 0 : i32
    %dma_start3A_1092 = arith.constant 0 : i32
    %dma_start3A_1093 = tpu.memref_slice %arg1[%dma_start3A_1090, %dma_start3A_1091, %dma_start3A_1092] : memref<55x6250x128xi8, #tpu.memory_space<hbm>> -> memref<1x6250x128xi8, #tpu.memory_space<hbm>>
    %dma_start3A_1094 = arith.constant 0 : i32
    %dma_start3A_1095 = arith.constant 0 : i32
    %dma_start3A_1096 = arith.constant 0 : i32
    %dma_start3A_1097 = tpu.memref_slice %arg2[%dma_start3A_1094, %dma_start3A_1095, %dma_start3A_1096] : memref<24x6250x128xi8, #tpu.memory_space<vmem>> -> memref<1x6250x128xi8, #tpu.memory_space<vmem>>
    tpu.enqueue_dma source(%dma_start3A_1097 : memref<1x6250x128xi8, #tpu.memory_space<vmem>>) target(%dma_start3A_1093 : memref<1x6250x128xi8, #tpu.memory_space<hbm>>) target_semaphore(%dma_start3A_1089 : memref<!tpu.dma_semaphore, #tpu.memory_space<semaphore_mem>>)
    %dma_wait3A_1098 = arith.constant 13 : i32
    %dma_wait3A_1099 = tpu.memref_slice %arg4[%dma_wait3A_1098] : memref<24x!tpu.dma_semaphore, #tpu.memory_space<semaphore_mem>> -> memref<1x!tpu.dma_semaphore, #tpu.memory_space<semaphore_mem>>
    %dma_wait3A_1100 = tpu.memref_squeeze %dma_wait3A_1099 : memref<1x!tpu.dma_semaphore, #tpu.memory_space<semaphore_mem>> -> memref<!tpu.dma_semaphore, #tpu.memory_space<semaphore_mem>>
    %dma_wait3A_1101 = arith.constant 13 : i32
    %dma_wait3A_1102 = arith.constant 0 : i32
    %dma_wait3A_1103 = arith.constant 0 : i32
    %dma_wait3A_1104 = tpu.memref_slice %arg1[%dma_wait3A_1101, %dma_wait3A_1102, %dma_wait3A_1103] : memref<55x6250x128xi8, #tpu.memory_space<hbm>> -> memref<1x6250x128xi8, #tpu.memory_space<hbm>>
    %dma_wait3A_1105 = arith.constant 13 : i32
    %dma_wait3A_1106 = arith.constant 0 : i32
    %dma_wait3A_1107 = arith.constant 0 : i32
    %dma_wait3A_1108 = tpu.memref_slice %arg2[%dma_wait3A_1105, %dma_wait3A_1106, %dma_wait3A_1107] : memref<24x6250x128xi8, #tpu.memory_space<vmem>> -> memref<1x6250x128xi8, #tpu.memory_space<vmem>>
    tpu.wait_dma2 semaphore(%dma_wait3A_1100 : memref<!tpu.dma_semaphore, #tpu.memory_space<semaphore_mem>>) src(%dma_wait3A_1108 : memref<1x6250x128xi8, #tpu.memory_space<vmem>>) dst(%dma_wait3A_1104 : memref<1x6250x128xi8, #tpu.memory_space<hbm>>)
    %dma_start3A_1109 = arith.constant 13 : i32
    %dma_start3A_1110 = tpu.memref_slice %arg3[%dma_start3A_1109] : memref<24x!tpu.dma_semaphore, #tpu.memory_space<semaphore_mem>> -> memref<1x!tpu.dma_semaphore, #tpu.memory_space<semaphore_mem>>
    %dma_start3A_1111 = tpu.memref_squeeze %dma_start3A_1110 : memref<1x!tpu.dma_semaphore, #tpu.memory_space<semaphore_mem>> -> memref<!tpu.dma_semaphore, #tpu.memory_space<semaphore_mem>>
    %dma_start3A_1112 = arith.constant 13 : i32
    %dma_start3A_1113 = arith.constant 0 : i32
    %dma_start3A_1114 = arith.constant 0 : i32
    %dma_start3A_1115 = tpu.memref_slice %arg2[%dma_start3A_1112, %dma_start3A_1113, %dma_start3A_1114] : memref<24x6250x128xi8, #tpu.memory_space<vmem>> -> memref<1x6250x128xi8, #tpu.memory_space<vmem>>
    %dma_start3A_1116 = arith.constant 37 : i32
    %dma_start3A_1117 = arith.constant 0 : i32
    %dma_start3A_1118 = arith.constant 0 : i32
    %dma_start3A_1119 = tpu.memref_slice %arg0[%dma_start3A_1116, %dma_start3A_1117, %dma_start3A_1118] : memref<55x6250x128xi8, #tpu.memory_space<hbm>> -> memref<1x6250x128xi8, #tpu.memory_space<hbm>>
    tpu.enqueue_dma source(%dma_start3A_1119 : memref<1x6250x128xi8, #tpu.memory_space<hbm>>) target(%dma_start3A_1115 : memref<1x6250x128xi8, #tpu.memory_space<vmem>>) target_semaphore(%dma_start3A_1111 : memref<!tpu.dma_semaphore, #tpu.memory_space<semaphore_mem>>)
    %dma_wait3A_1120 = arith.constant 1 : i32
    %dma_wait3A_1121 = tpu.memref_slice %arg3[%dma_wait3A_1120] : memref<24x!tpu.dma_semaphore, #tpu.memory_space<semaphore_mem>> -> memref<1x!tpu.dma_semaphore, #tpu.memory_space<semaphore_mem>>
    %dma_wait3A_1122 = tpu.memref_squeeze %dma_wait3A_1121 : memref<1x!tpu.dma_semaphore, #tpu.memory_space<semaphore_mem>> -> memref<!tpu.dma_semaphore, #tpu.memory_space<semaphore_mem>>
    %dma_wait3A_1123 = arith.constant 1 : i32
    %dma_wait3A_1124 = arith.constant 0 : i32
    %dma_wait3A_1125 = arith.constant 0 : i32
    %dma_wait3A_1126 = tpu.memref_slice %arg2[%dma_wait3A_1123, %dma_wait3A_1124, %dma_wait3A_1125] : memref<24x6250x128xi8, #tpu.memory_space<vmem>> -> memref<1x6250x128xi8, #tpu.memory_space<vmem>>
    %dma_wait3A_1127 = arith.constant 25 : i32
    %dma_wait3A_1128 = arith.constant 0 : i32
    %dma_wait3A_1129 = arith.constant 0 : i32
    %dma_wait3A_1130 = tpu.memref_slice %arg0[%dma_wait3A_1127, %dma_wait3A_1128, %dma_wait3A_1129] : memref<55x6250x128xi8, #tpu.memory_space<hbm>> -> memref<1x6250x128xi8, #tpu.memory_space<hbm>>
    tpu.wait_dma2 semaphore(%dma_wait3A_1122 : memref<!tpu.dma_semaphore, #tpu.memory_space<semaphore_mem>>) src(%dma_wait3A_1130 : memref<1x6250x128xi8, #tpu.memory_space<hbm>>) dst(%dma_wait3A_1126 : memref<1x6250x128xi8, #tpu.memory_space<vmem>>)
    %dma_start3A_1131 = arith.constant 1 : i32
    %dma_start3A_1132 = tpu.memref_slice %arg4[%dma_start3A_1131] : memref<24x!tpu.dma_semaphore, #tpu.memory_space<semaphore_mem>> -> memref<1x!tpu.dma_semaphore, #tpu.memory_space<semaphore_mem>>
    %dma_start3A_1133 = tpu.memref_squeeze %dma_start3A_1132 : memref<1x!tpu.dma_semaphore, #tpu.memory_space<semaphore_mem>> -> memref<!tpu.dma_semaphore, #tpu.memory_space<semaphore_mem>>
    %dma_start3A_1134 = arith.constant 25 : i32
    %dma_start3A_1135 = arith.constant 0 : i32
    %dma_start3A_1136 = arith.constant 0 : i32
    %dma_start3A_1137 = tpu.memref_slice %arg1[%dma_start3A_1134, %dma_start3A_1135, %dma_start3A_1136] : memref<55x6250x128xi8, #tpu.memory_space<hbm>> -> memref<1x6250x128xi8, #tpu.memory_space<hbm>>
    %dma_start3A_1138 = arith.constant 1 : i32
    %dma_start3A_1139 = arith.constant 0 : i32
    %dma_start3A_1140 = arith.constant 0 : i32
    %dma_start3A_1141 = tpu.memref_slice %arg2[%dma_start3A_1138, %dma_start3A_1139, %dma_start3A_1140] : memref<24x6250x128xi8, #tpu.memory_space<vmem>> -> memref<1x6250x128xi8, #tpu.memory_space<vmem>>
    tpu.enqueue_dma source(%dma_start3A_1141 : memref<1x6250x128xi8, #tpu.memory_space<vmem>>) target(%dma_start3A_1137 : memref<1x6250x128xi8, #tpu.memory_space<hbm>>) target_semaphore(%dma_start3A_1133 : memref<!tpu.dma_semaphore, #tpu.memory_space<semaphore_mem>>)
    %dma_wait3A_1142 = arith.constant 14 : i32
    %dma_wait3A_1143 = tpu.memref_slice %arg4[%dma_wait3A_1142] : memref<24x!tpu.dma_semaphore, #tpu.memory_space<semaphore_mem>> -> memref<1x!tpu.dma_semaphore, #tpu.memory_space<semaphore_mem>>
    %dma_wait3A_1144 = tpu.memref_squeeze %dma_wait3A_1143 : memref<1x!tpu.dma_semaphore, #tpu.memory_space<semaphore_mem>> -> memref<!tpu.dma_semaphore, #tpu.memory_space<semaphore_mem>>
    %dma_wait3A_1145 = arith.constant 14 : i32
    %dma_wait3A_1146 = arith.constant 0 : i32
    %dma_wait3A_1147 = arith.constant 0 : i32
    %dma_wait3A_1148 = tpu.memref_slice %arg1[%dma_wait3A_1145, %dma_wait3A_1146, %dma_wait3A_1147] : memref<55x6250x128xi8, #tpu.memory_space<hbm>> -> memref<1x6250x128xi8, #tpu.memory_space<hbm>>
    %dma_wait3A_1149 = arith.constant 14 : i32
    %dma_wait3A_1150 = arith.constant 0 : i32
    %dma_wait3A_1151 = arith.constant 0 : i32
    %dma_wait3A_1152 = tpu.memref_slice %arg2[%dma_wait3A_1149, %dma_wait3A_1150, %dma_wait3A_1151] : memref<24x6250x128xi8, #tpu.memory_space<vmem>> -> memref<1x6250x128xi8, #tpu.memory_space<vmem>>
    tpu.wait_dma2 semaphore(%dma_wait3A_1144 : memref<!tpu.dma_semaphore, #tpu.memory_space<semaphore_mem>>) src(%dma_wait3A_1152 : memref<1x6250x128xi8, #tpu.memory_space<vmem>>) dst(%dma_wait3A_1148 : memref<1x6250x128xi8, #tpu.memory_space<hbm>>)
    %dma_start3A_1153 = arith.constant 14 : i32
    %dma_start3A_1154 = tpu.memref_slice %arg3[%dma_start3A_1153] : memref<24x!tpu.dma_semaphore, #tpu.memory_space<semaphore_mem>> -> memref<1x!tpu.dma_semaphore, #tpu.memory_space<semaphore_mem>>
    %dma_start3A_1155 = tpu.memref_squeeze %dma_start3A_1154 : memref<1x!tpu.dma_semaphore, #tpu.memory_space<semaphore_mem>> -> memref<!tpu.dma_semaphore, #tpu.memory_space<semaphore_mem>>
    %dma_start3A_1156 = arith.constant 14 : i32
    %dma_start3A_1157 = arith.constant 0 : i32
    %dma_start3A_1158 = arith.constant 0 : i32
    %dma_start3A_1159 = tpu.memref_slice %arg2[%dma_start3A_1156, %dma_start3A_1157, %dma_start3A_1158] : memref<24x6250x128xi8, #tpu.memory_space<vmem>> -> memref<1x6250x128xi8, #tpu.memory_space<vmem>>
    %dma_start3A_1160 = arith.constant 38 : i32
    %dma_start3A_1161 = arith.constant 0 : i32
    %dma_start3A_1162 = arith.constant 0 : i32
    %dma_start3A_1163 = tpu.memref_slice %arg0[%dma_start3A_1160, %dma_start3A_1161, %dma_start3A_1162] : memref<55x6250x128xi8, #tpu.memory_space<hbm>> -> memref<1x6250x128xi8, #tpu.memory_space<hbm>>
    tpu.enqueue_dma source(%dma_start3A_1163 : memref<1x6250x128xi8, #tpu.memory_space<hbm>>) target(%dma_start3A_1159 : memref<1x6250x128xi8, #tpu.memory_space<vmem>>) target_semaphore(%dma_start3A_1155 : memref<!tpu.dma_semaphore, #tpu.memory_space<semaphore_mem>>)
    %dma_wait3A_1164 = arith.constant 2 : i32
    %dma_wait3A_1165 = tpu.memref_slice %arg3[%dma_wait3A_1164] : memref<24x!tpu.dma_semaphore, #tpu.memory_space<semaphore_mem>> -> memref<1x!tpu.dma_semaphore, #tpu.memory_space<semaphore_mem>>
    %dma_wait3A_1166 = tpu.memref_squeeze %dma_wait3A_1165 : memref<1x!tpu.dma_semaphore, #tpu.memory_space<semaphore_mem>> -> memref<!tpu.dma_semaphore, #tpu.memory_space<semaphore_mem>>
    %dma_wait3A_1167 = arith.constant 2 : i32
    %dma_wait3A_1168 = arith.constant 0 : i32
    %dma_wait3A_1169 = arith.constant 0 : i32
    %dma_wait3A_1170 = tpu.memref_slice %arg2[%dma_wait3A_1167, %dma_wait3A_1168, %dma_wait3A_1169] : memref<24x6250x128xi8, #tpu.memory_space<vmem>> -> memref<1x6250x128xi8, #tpu.memory_space<vmem>>
    %dma_wait3A_1171 = arith.constant 26 : i32
    %dma_wait3A_1172 = arith.constant 0 : i32
    %dma_wait3A_1173 = arith.constant 0 : i32
    %dma_wait3A_1174 = tpu.memref_slice %arg0[%dma_wait3A_1171, %dma_wait3A_1172, %dma_wait3A_1173] : memref<55x6250x128xi8, #tpu.memory_space<hbm>> -> memref<1x6250x128xi8, #tpu.memory_space<hbm>>
    tpu.wait_dma2 semaphore(%dma_wait3A_1166 : memref<!tpu.dma_semaphore, #tpu.memory_space<semaphore_mem>>) src(%dma_wait3A_1174 : memref<1x6250x128xi8, #tpu.memory_space<hbm>>) dst(%dma_wait3A_1170 : memref<1x6250x128xi8, #tpu.memory_space<vmem>>)
    %dma_start3A_1175 = arith.constant 2 : i32
    %dma_start3A_1176 = tpu.memref_slice %arg4[%dma_start3A_1175] : memref<24x!tpu.dma_semaphore, #tpu.memory_space<semaphore_mem>> -> memref<1x!tpu.dma_semaphore, #tpu.memory_space<semaphore_mem>>
    %dma_start3A_1177 = tpu.memref_squeeze %dma_start3A_1176 : memref<1x!tpu.dma_semaphore, #tpu.memory_space<semaphore_mem>> -> memref<!tpu.dma_semaphore, #tpu.memory_space<semaphore_mem>>
    %dma_start3A_1178 = arith.constant 26 : i32
    %dma_start3A_1179 = arith.constant 0 : i32
    %dma_start3A_1180 = arith.constant 0 : i32
    %dma_start3A_1181 = tpu.memref_slice %arg1[%dma_start3A_1178, %dma_start3A_1179, %dma_start3A_1180] : memref<55x6250x128xi8, #tpu.memory_space<hbm>> -> memref<1x6250x128xi8, #tpu.memory_space<hbm>>
    %dma_start3A_1182 = arith.constant 2 : i32
    %dma_start3A_1183 = arith.constant 0 : i32
    %dma_start3A_1184 = arith.constant 0 : i32
    %dma_start3A_1185 = tpu.memref_slice %arg2[%dma_start3A_1182, %dma_start3A_1183, %dma_start3A_1184] : memref<24x6250x128xi8, #tpu.memory_space<vmem>> -> memref<1x6250x128xi8, #tpu.memory_space<vmem>>
    tpu.enqueue_dma source(%dma_start3A_1185 : memref<1x6250x128xi8, #tpu.memory_space<vmem>>) target(%dma_start3A_1181 : memref<1x6250x128xi8, #tpu.memory_space<hbm>>) target_semaphore(%dma_start3A_1177 : memref<!tpu.dma_semaphore, #tpu.memory_space<semaphore_mem>>)
    %dma_wait3A_1186 = arith.constant 15 : i32
    %dma_wait3A_1187 = tpu.memref_slice %arg4[%dma_wait3A_1186] : memref<24x!tpu.dma_semaphore, #tpu.memory_space<semaphore_mem>> -> memref<1x!tpu.dma_semaphore, #tpu.memory_space<semaphore_mem>>
    %dma_wait3A_1188 = tpu.memref_squeeze %dma_wait3A_1187 : memref<1x!tpu.dma_semaphore, #tpu.memory_space<semaphore_mem>> -> memref<!tpu.dma_semaphore, #tpu.memory_space<semaphore_mem>>
    %dma_wait3A_1189 = arith.constant 15 : i32
    %dma_wait3A_1190 = arith.constant 0 : i32
    %dma_wait3A_1191 = arith.constant 0 : i32
    %dma_wait3A_1192 = tpu.memref_slice %arg1[%dma_wait3A_1189, %dma_wait3A_1190, %dma_wait3A_1191] : memref<55x6250x128xi8, #tpu.memory_space<hbm>> -> memref<1x6250x128xi8, #tpu.memory_space<hbm>>
    %dma_wait3A_1193 = arith.constant 15 : i32
    %dma_wait3A_1194 = arith.constant 0 : i32
    %dma_wait3A_1195 = arith.constant 0 : i32
    %dma_wait3A_1196 = tpu.memref_slice %arg2[%dma_wait3A_1193, %dma_wait3A_1194, %dma_wait3A_1195] : memref<24x6250x128xi8, #tpu.memory_space<vmem>> -> memref<1x6250x128xi8, #tpu.memory_space<vmem>>
    tpu.wait_dma2 semaphore(%dma_wait3A_1188 : memref<!tpu.dma_semaphore, #tpu.memory_space<semaphore_mem>>) src(%dma_wait3A_1196 : memref<1x6250x128xi8, #tpu.memory_space<vmem>>) dst(%dma_wait3A_1192 : memref<1x6250x128xi8, #tpu.memory_space<hbm>>)
    %dma_start3A_1197 = arith.constant 15 : i32
    %dma_start3A_1198 = tpu.memref_slice %arg3[%dma_start3A_1197] : memref<24x!tpu.dma_semaphore, #tpu.memory_space<semaphore_mem>> -> memref<1x!tpu.dma_semaphore, #tpu.memory_space<semaphore_mem>>
    %dma_start3A_1199 = tpu.memref_squeeze %dma_start3A_1198 : memref<1x!tpu.dma_semaphore, #tpu.memory_space<semaphore_mem>> -> memref<!tpu.dma_semaphore, #tpu.memory_space<semaphore_mem>>
    %dma_start3A_1200 = arith.constant 15 : i32
    %dma_start3A_1201 = arith.constant 0 : i32
    %dma_start3A_1202 = arith.constant 0 : i32
    %dma_start3A_1203 = tpu.memref_slice %arg2[%dma_start3A_1200, %dma_start3A_1201, %dma_start3A_1202] : memref<24x6250x128xi8, #tpu.memory_space<vmem>> -> memref<1x6250x128xi8, #tpu.memory_space<vmem>>
    %dma_start3A_1204 = arith.constant 39 : i32
    %dma_start3A_1205 = arith.constant 0 : i32
    %dma_start3A_1206 = arith.constant 0 : i32
    %dma_start3A_1207 = tpu.memref_slice %arg0[%dma_start3A_1204, %dma_start3A_1205, %dma_start3A_1206] : memref<55x6250x128xi8, #tpu.memory_space<hbm>> -> memref<1x6250x128xi8, #tpu.memory_space<hbm>>
    tpu.enqueue_dma source(%dma_start3A_1207 : memref<1x6250x128xi8, #tpu.memory_space<hbm>>) target(%dma_start3A_1203 : memref<1x6250x128xi8, #tpu.memory_space<vmem>>) target_semaphore(%dma_start3A_1199 : memref<!tpu.dma_semaphore, #tpu.memory_space<semaphore_mem>>)
    %dma_wait3A_1208 = arith.constant 3 : i32
    %dma_wait3A_1209 = tpu.memref_slice %arg3[%dma_wait3A_1208] : memref<24x!tpu.dma_semaphore, #tpu.memory_space<semaphore_mem>> -> memref<1x!tpu.dma_semaphore, #tpu.memory_space<semaphore_mem>>
    %dma_wait3A_1210 = tpu.memref_squeeze %dma_wait3A_1209 : memref<1x!tpu.dma_semaphore, #tpu.memory_space<semaphore_mem>> -> memref<!tpu.dma_semaphore, #tpu.memory_space<semaphore_mem>>
    %dma_wait3A_1211 = arith.constant 3 : i32
    %dma_wait3A_1212 = arith.constant 0 : i32
    %dma_wait3A_1213 = arith.constant 0 : i32
    %dma_wait3A_1214 = tpu.memref_slice %arg2[%dma_wait3A_1211, %dma_wait3A_1212, %dma_wait3A_1213] : memref<24x6250x128xi8, #tpu.memory_space<vmem>> -> memref<1x6250x128xi8, #tpu.memory_space<vmem>>
    %dma_wait3A_1215 = arith.constant 27 : i32
    %dma_wait3A_1216 = arith.constant 0 : i32
    %dma_wait3A_1217 = arith.constant 0 : i32
    %dma_wait3A_1218 = tpu.memref_slice %arg0[%dma_wait3A_1215, %dma_wait3A_1216, %dma_wait3A_1217] : memref<55x6250x128xi8, #tpu.memory_space<hbm>> -> memref<1x6250x128xi8, #tpu.memory_space<hbm>>
    tpu.wait_dma2 semaphore(%dma_wait3A_1210 : memref<!tpu.dma_semaphore, #tpu.memory_space<semaphore_mem>>) src(%dma_wait3A_1218 : memref<1x6250x128xi8, #tpu.memory_space<hbm>>) dst(%dma_wait3A_1214 : memref<1x6250x128xi8, #tpu.memory_space<vmem>>)
    %dma_start3A_1219 = arith.constant 3 : i32
    %dma_start3A_1220 = tpu.memref_slice %arg4[%dma_start3A_1219] : memref<24x!tpu.dma_semaphore, #tpu.memory_space<semaphore_mem>> -> memref<1x!tpu.dma_semaphore, #tpu.memory_space<semaphore_mem>>
    %dma_start3A_1221 = tpu.memref_squeeze %dma_start3A_1220 : memref<1x!tpu.dma_semaphore, #tpu.memory_space<semaphore_mem>> -> memref<!tpu.dma_semaphore, #tpu.memory_space<semaphore_mem>>
    %dma_start3A_1222 = arith.constant 27 : i32
    %dma_start3A_1223 = arith.constant 0 : i32
    %dma_start3A_1224 = arith.constant 0 : i32
    %dma_start3A_1225 = tpu.memref_slice %arg1[%dma_start3A_1222, %dma_start3A_1223, %dma_start3A_1224] : memref<55x6250x128xi8, #tpu.memory_space<hbm>> -> memref<1x6250x128xi8, #tpu.memory_space<hbm>>
    %dma_start3A_1226 = arith.constant 3 : i32
    %dma_start3A_1227 = arith.constant 0 : i32
    %dma_start3A_1228 = arith.constant 0 : i32
    %dma_start3A_1229 = tpu.memref_slice %arg2[%dma_start3A_1226, %dma_start3A_1227, %dma_start3A_1228] : memref<24x6250x128xi8, #tpu.memory_space<vmem>> -> memref<1x6250x128xi8, #tpu.memory_space<vmem>>
    tpu.enqueue_dma source(%dma_start3A_1229 : memref<1x6250x128xi8, #tpu.memory_space<vmem>>) target(%dma_start3A_1225 : memref<1x6250x128xi8, #tpu.memory_space<hbm>>) target_semaphore(%dma_start3A_1221 : memref<!tpu.dma_semaphore, #tpu.memory_space<semaphore_mem>>)
    %dma_wait3A_1230 = arith.constant 16 : i32
    %dma_wait3A_1231 = tpu.memref_slice %arg4[%dma_wait3A_1230] : memref<24x!tpu.dma_semaphore, #tpu.memory_space<semaphore_mem>> -> memref<1x!tpu.dma_semaphore, #tpu.memory_space<semaphore_mem>>
    %dma_wait3A_1232 = tpu.memref_squeeze %dma_wait3A_1231 : memref<1x!tpu.dma_semaphore, #tpu.memory_space<semaphore_mem>> -> memref<!tpu.dma_semaphore, #tpu.memory_space<semaphore_mem>>
    %dma_wait3A_1233 = arith.constant 16 : i32
    %dma_wait3A_1234 = arith.constant 0 : i32
    %dma_wait3A_1235 = arith.constant 0 : i32
    %dma_wait3A_1236 = tpu.memref_slice %arg1[%dma_wait3A_1233, %dma_wait3A_1234, %dma_wait3A_1235] : memref<55x6250x128xi8, #tpu.memory_space<hbm>> -> memref<1x6250x128xi8, #tpu.memory_space<hbm>>
    %dma_wait3A_1237 = arith.constant 16 : i32
    %dma_wait3A_1238 = arith.constant 0 : i32
    %dma_wait3A_1239 = arith.constant 0 : i32
    %dma_wait3A_1240 = tpu.memref_slice %arg2[%dma_wait3A_1237, %dma_wait3A_1238, %dma_wait3A_1239] : memref<24x6250x128xi8, #tpu.memory_space<vmem>> -> memref<1x6250x128xi8, #tpu.memory_space<vmem>>
    tpu.wait_dma2 semaphore(%dma_wait3A_1232 : memref<!tpu.dma_semaphore, #tpu.memory_space<semaphore_mem>>) src(%dma_wait3A_1240 : memref<1x6250x128xi8, #tpu.memory_space<vmem>>) dst(%dma_wait3A_1236 : memref<1x6250x128xi8, #tpu.memory_space<hbm>>)
    %dma_start3A_1241 = arith.constant 16 : i32
    %dma_start3A_1242 = tpu.memref_slice %arg3[%dma_start3A_1241] : memref<24x!tpu.dma_semaphore, #tpu.memory_space<semaphore_mem>> -> memref<1x!tpu.dma_semaphore, #tpu.memory_space<semaphore_mem>>
    %dma_start3A_1243 = tpu.memref_squeeze %dma_start3A_1242 : memref<1x!tpu.dma_semaphore, #tpu.memory_space<semaphore_mem>> -> memref<!tpu.dma_semaphore, #tpu.memory_space<semaphore_mem>>
    %dma_start3A_1244 = arith.constant 16 : i32
    %dma_start3A_1245 = arith.constant 0 : i32
    %dma_start3A_1246 = arith.constant 0 : i32
    %dma_start3A_1247 = tpu.memref_slice %arg2[%dma_start3A_1244, %dma_start3A_1245, %dma_start3A_1246] : memref<24x6250x128xi8, #tpu.memory_space<vmem>> -> memref<1x6250x128xi8, #tpu.memory_space<vmem>>
    %dma_start3A_1248 = arith.constant 40 : i32
    %dma_start3A_1249 = arith.constant 0 : i32
    %dma_start3A_1250 = arith.constant 0 : i32
    %dma_start3A_1251 = tpu.memref_slice %arg0[%dma_start3A_1248, %dma_start3A_1249, %dma_start3A_1250] : memref<55x6250x128xi8, #tpu.memory_space<hbm>> -> memref<1x6250x128xi8, #tpu.memory_space<hbm>>
    tpu.enqueue_dma source(%dma_start3A_1251 : memref<1x6250x128xi8, #tpu.memory_space<hbm>>) target(%dma_start3A_1247 : memref<1x6250x128xi8, #tpu.memory_space<vmem>>) target_semaphore(%dma_start3A_1243 : memref<!tpu.dma_semaphore, #tpu.memory_space<semaphore_mem>>)
    %dma_wait3A_1252 = arith.constant 4 : i32
    %dma_wait3A_1253 = tpu.memref_slice %arg3[%dma_wait3A_1252] : memref<24x!tpu.dma_semaphore, #tpu.memory_space<semaphore_mem>> -> memref<1x!tpu.dma_semaphore, #tpu.memory_space<semaphore_mem>>
    %dma_wait3A_1254 = tpu.memref_squeeze %dma_wait3A_1253 : memref<1x!tpu.dma_semaphore, #tpu.memory_space<semaphore_mem>> -> memref<!tpu.dma_semaphore, #tpu.memory_space<semaphore_mem>>
    %dma_wait3A_1255 = arith.constant 4 : i32
    %dma_wait3A_1256 = arith.constant 0 : i32
    %dma_wait3A_1257 = arith.constant 0 : i32
    %dma_wait3A_1258 = tpu.memref_slice %arg2[%dma_wait3A_1255, %dma_wait3A_1256, %dma_wait3A_1257] : memref<24x6250x128xi8, #tpu.memory_space<vmem>> -> memref<1x6250x128xi8, #tpu.memory_space<vmem>>
    %dma_wait3A_1259 = arith.constant 28 : i32
    %dma_wait3A_1260 = arith.constant 0 : i32
    %dma_wait3A_1261 = arith.constant 0 : i32
    %dma_wait3A_1262 = tpu.memref_slice %arg0[%dma_wait3A_1259, %dma_wait3A_1260, %dma_wait3A_1261] : memref<55x6250x128xi8, #tpu.memory_space<hbm>> -> memref<1x6250x128xi8, #tpu.memory_space<hbm>>
    tpu.wait_dma2 semaphore(%dma_wait3A_1254 : memref<!tpu.dma_semaphore, #tpu.memory_space<semaphore_mem>>) src(%dma_wait3A_1262 : memref<1x6250x128xi8, #tpu.memory_space<hbm>>) dst(%dma_wait3A_1258 : memref<1x6250x128xi8, #tpu.memory_space<vmem>>)
    %dma_start3A_1263 = arith.constant 4 : i32
    %dma_start3A_1264 = tpu.memref_slice %arg4[%dma_start3A_1263] : memref<24x!tpu.dma_semaphore, #tpu.memory_space<semaphore_mem>> -> memref<1x!tpu.dma_semaphore, #tpu.memory_space<semaphore_mem>>
    %dma_start3A_1265 = tpu.memref_squeeze %dma_start3A_1264 : memref<1x!tpu.dma_semaphore, #tpu.memory_space<semaphore_mem>> -> memref<!tpu.dma_semaphore, #tpu.memory_space<semaphore_mem>>
    %dma_start3A_1266 = arith.constant 28 : i32
    %dma_start3A_1267 = arith.constant 0 : i32
    %dma_start3A_1268 = arith.constant 0 : i32
    %dma_start3A_1269 = tpu.memref_slice %arg1[%dma_start3A_1266, %dma_start3A_1267, %dma_start3A_1268] : memref<55x6250x128xi8, #tpu.memory_space<hbm>> -> memref<1x6250x128xi8, #tpu.memory_space<hbm>>
    %dma_start3A_1270 = arith.constant 4 : i32
    %dma_start3A_1271 = arith.constant 0 : i32
    %dma_start3A_1272 = arith.constant 0 : i32
    %dma_start3A_1273 = tpu.memref_slice %arg2[%dma_start3A_1270, %dma_start3A_1271, %dma_start3A_1272] : memref<24x6250x128xi8, #tpu.memory_space<vmem>> -> memref<1x6250x128xi8, #tpu.memory_space<vmem>>
    tpu.enqueue_dma source(%dma_start3A_1273 : memref<1x6250x128xi8, #tpu.memory_space<vmem>>) target(%dma_start3A_1269 : memref<1x6250x128xi8, #tpu.memory_space<hbm>>) target_semaphore(%dma_start3A_1265 : memref<!tpu.dma_semaphore, #tpu.memory_space<semaphore_mem>>)
    %dma_wait3A_1274 = arith.constant 17 : i32
    %dma_wait3A_1275 = tpu.memref_slice %arg4[%dma_wait3A_1274] : memref<24x!tpu.dma_semaphore, #tpu.memory_space<semaphore_mem>> -> memref<1x!tpu.dma_semaphore, #tpu.memory_space<semaphore_mem>>
    %dma_wait3A_1276 = tpu.memref_squeeze %dma_wait3A_1275 : memref<1x!tpu.dma_semaphore, #tpu.memory_space<semaphore_mem>> -> memref<!tpu.dma_semaphore, #tpu.memory_space<semaphore_mem>>
    %dma_wait3A_1277 = arith.constant 17 : i32
    %dma_wait3A_1278 = arith.constant 0 : i32
    %dma_wait3A_1279 = arith.constant 0 : i32
    %dma_wait3A_1280 = tpu.memref_slice %arg1[%dma_wait3A_1277, %dma_wait3A_1278, %dma_wait3A_1279] : memref<55x6250x128xi8, #tpu.memory_space<hbm>> -> memref<1x6250x128xi8, #tpu.memory_space<hbm>>
    %dma_wait3A_1281 = arith.constant 17 : i32
    %dma_wait3A_1282 = arith.constant 0 : i32
    %dma_wait3A_1283 = arith.constant 0 : i32
    %dma_wait3A_1284 = tpu.memref_slice %arg2[%dma_wait3A_1281, %dma_wait3A_1282, %dma_wait3A_1283] : memref<24x6250x128xi8, #tpu.memory_space<vmem>> -> memref<1x6250x128xi8, #tpu.memory_space<vmem>>
    tpu.wait_dma2 semaphore(%dma_wait3A_1276 : memref<!tpu.dma_semaphore, #tpu.memory_space<semaphore_mem>>) src(%dma_wait3A_1284 : memref<1x6250x128xi8, #tpu.memory_space<vmem>>) dst(%dma_wait3A_1280 : memref<1x6250x128xi8, #tpu.memory_space<hbm>>)
    %dma_start3A_1285 = arith.constant 17 : i32
    %dma_start3A_1286 = tpu.memref_slice %arg3[%dma_start3A_1285] : memref<24x!tpu.dma_semaphore, #tpu.memory_space<semaphore_mem>> -> memref<1x!tpu.dma_semaphore, #tpu.memory_space<semaphore_mem>>
    %dma_start3A_1287 = tpu.memref_squeeze %dma_start3A_1286 : memref<1x!tpu.dma_semaphore, #tpu.memory_space<semaphore_mem>> -> memref<!tpu.dma_semaphore, #tpu.memory_space<semaphore_mem>>
    %dma_start3A_1288 = arith.constant 17 : i32
    %dma_start3A_1289 = arith.constant 0 : i32
    %dma_start3A_1290 = arith.constant 0 : i32
    %dma_start3A_1291 = tpu.memref_slice %arg2[%dma_start3A_1288, %dma_start3A_1289, %dma_start3A_1290] : memref<24x6250x128xi8, #tpu.memory_space<vmem>> -> memref<1x6250x128xi8, #tpu.memory_space<vmem>>
    %dma_start3A_1292 = arith.constant 41 : i32
    %dma_start3A_1293 = arith.constant 0 : i32
    %dma_start3A_1294 = arith.constant 0 : i32
    %dma_start3A_1295 = tpu.memref_slice %arg0[%dma_start3A_1292, %dma_start3A_1293, %dma_start3A_1294] : memref<55x6250x128xi8, #tpu.memory_space<hbm>> -> memref<1x6250x128xi8, #tpu.memory_space<hbm>>
    tpu.enqueue_dma source(%dma_start3A_1295 : memref<1x6250x128xi8, #tpu.memory_space<hbm>>) target(%dma_start3A_1291 : memref<1x6250x128xi8, #tpu.memory_space<vmem>>) target_semaphore(%dma_start3A_1287 : memref<!tpu.dma_semaphore, #tpu.memory_space<semaphore_mem>>)
    %dma_wait3A_1296 = arith.constant 5 : i32
    %dma_wait3A_1297 = tpu.memref_slice %arg3[%dma_wait3A_1296] : memref<24x!tpu.dma_semaphore, #tpu.memory_space<semaphore_mem>> -> memref<1x!tpu.dma_semaphore, #tpu.memory_space<semaphore_mem>>
    %dma_wait3A_1298 = tpu.memref_squeeze %dma_wait3A_1297 : memref<1x!tpu.dma_semaphore, #tpu.memory_space<semaphore_mem>> -> memref<!tpu.dma_semaphore, #tpu.memory_space<semaphore_mem>>
    %dma_wait3A_1299 = arith.constant 5 : i32
    %dma_wait3A_1300 = arith.constant 0 : i32
    %dma_wait3A_1301 = arith.constant 0 : i32
    %dma_wait3A_1302 = tpu.memref_slice %arg2[%dma_wait3A_1299, %dma_wait3A_1300, %dma_wait3A_1301] : memref<24x6250x128xi8, #tpu.memory_space<vmem>> -> memref<1x6250x128xi8, #tpu.memory_space<vmem>>
    %dma_wait3A_1303 = arith.constant 29 : i32
    %dma_wait3A_1304 = arith.constant 0 : i32
    %dma_wait3A_1305 = arith.constant 0 : i32
    %dma_wait3A_1306 = tpu.memref_slice %arg0[%dma_wait3A_1303, %dma_wait3A_1304, %dma_wait3A_1305] : memref<55x6250x128xi8, #tpu.memory_space<hbm>> -> memref<1x6250x128xi8, #tpu.memory_space<hbm>>
    tpu.wait_dma2 semaphore(%dma_wait3A_1298 : memref<!tpu.dma_semaphore, #tpu.memory_space<semaphore_mem>>) src(%dma_wait3A_1306 : memref<1x6250x128xi8, #tpu.memory_space<hbm>>) dst(%dma_wait3A_1302 : memref<1x6250x128xi8, #tpu.memory_space<vmem>>)
    %dma_start3A_1307 = arith.constant 5 : i32
    %dma_start3A_1308 = tpu.memref_slice %arg4[%dma_start3A_1307] : memref<24x!tpu.dma_semaphore, #tpu.memory_space<semaphore_mem>> -> memref<1x!tpu.dma_semaphore, #tpu.memory_space<semaphore_mem>>
    %dma_start3A_1309 = tpu.memref_squeeze %dma_start3A_1308 : memref<1x!tpu.dma_semaphore, #tpu.memory_space<semaphore_mem>> -> memref<!tpu.dma_semaphore, #tpu.memory_space<semaphore_mem>>
    %dma_start3A_1310 = arith.constant 29 : i32
    %dma_start3A_1311 = arith.constant 0 : i32
    %dma_start3A_1312 = arith.constant 0 : i32
    %dma_start3A_1313 = tpu.memref_slice %arg1[%dma_start3A_1310, %dma_start3A_1311, %dma_start3A_1312] : memref<55x6250x128xi8, #tpu.memory_space<hbm>> -> memref<1x6250x128xi8, #tpu.memory_space<hbm>>
    %dma_start3A_1314 = arith.constant 5 : i32
    %dma_start3A_1315 = arith.constant 0 : i32
    %dma_start3A_1316 = arith.constant 0 : i32
    %dma_start3A_1317 = tpu.memref_slice %arg2[%dma_start3A_1314, %dma_start3A_1315, %dma_start3A_1316] : memref<24x6250x128xi8, #tpu.memory_space<vmem>> -> memref<1x6250x128xi8, #tpu.memory_space<vmem>>
    tpu.enqueue_dma source(%dma_start3A_1317 : memref<1x6250x128xi8, #tpu.memory_space<vmem>>) target(%dma_start3A_1313 : memref<1x6250x128xi8, #tpu.memory_space<hbm>>) target_semaphore(%dma_start3A_1309 : memref<!tpu.dma_semaphore, #tpu.memory_space<semaphore_mem>>)
    %dma_wait3A_1318 = arith.constant 18 : i32
    %dma_wait3A_1319 = tpu.memref_slice %arg4[%dma_wait3A_1318] : memref<24x!tpu.dma_semaphore, #tpu.memory_space<semaphore_mem>> -> memref<1x!tpu.dma_semaphore, #tpu.memory_space<semaphore_mem>>
    %dma_wait3A_1320 = tpu.memref_squeeze %dma_wait3A_1319 : memref<1x!tpu.dma_semaphore, #tpu.memory_space<semaphore_mem>> -> memref<!tpu.dma_semaphore, #tpu.memory_space<semaphore_mem>>
    %dma_wait3A_1321 = arith.constant 18 : i32
    %dma_wait3A_1322 = arith.constant 0 : i32
    %dma_wait3A_1323 = arith.constant 0 : i32
    %dma_wait3A_1324 = tpu.memref_slice %arg1[%dma_wait3A_1321, %dma_wait3A_1322, %dma_wait3A_1323] : memref<55x6250x128xi8, #tpu.memory_space<hbm>> -> memref<1x6250x128xi8, #tpu.memory_space<hbm>>
    %dma_wait3A_1325 = arith.constant 18 : i32
    %dma_wait3A_1326 = arith.constant 0 : i32
    %dma_wait3A_1327 = arith.constant 0 : i32
    %dma_wait3A_1328 = tpu.memref_slice %arg2[%dma_wait3A_1325, %dma_wait3A_1326, %dma_wait3A_1327] : memref<24x6250x128xi8, #tpu.memory_space<vmem>> -> memref<1x6250x128xi8, #tpu.memory_space<vmem>>
    tpu.wait_dma2 semaphore(%dma_wait3A_1320 : memref<!tpu.dma_semaphore, #tpu.memory_space<semaphore_mem>>) src(%dma_wait3A_1328 : memref<1x6250x128xi8, #tpu.memory_space<vmem>>) dst(%dma_wait3A_1324 : memref<1x6250x128xi8, #tpu.memory_space<hbm>>)
    %dma_start3A_1329 = arith.constant 18 : i32
    %dma_start3A_1330 = tpu.memref_slice %arg3[%dma_start3A_1329] : memref<24x!tpu.dma_semaphore, #tpu.memory_space<semaphore_mem>> -> memref<1x!tpu.dma_semaphore, #tpu.memory_space<semaphore_mem>>
    %dma_start3A_1331 = tpu.memref_squeeze %dma_start3A_1330 : memref<1x!tpu.dma_semaphore, #tpu.memory_space<semaphore_mem>> -> memref<!tpu.dma_semaphore, #tpu.memory_space<semaphore_mem>>
    %dma_start3A_1332 = arith.constant 18 : i32
    %dma_start3A_1333 = arith.constant 0 : i32
    %dma_start3A_1334 = arith.constant 0 : i32
    %dma_start3A_1335 = tpu.memref_slice %arg2[%dma_start3A_1332, %dma_start3A_1333, %dma_start3A_1334] : memref<24x6250x128xi8, #tpu.memory_space<vmem>> -> memref<1x6250x128xi8, #tpu.memory_space<vmem>>
    %dma_start3A_1336 = arith.constant 42 : i32
    %dma_start3A_1337 = arith.constant 0 : i32
    %dma_start3A_1338 = arith.constant 0 : i32
    %dma_start3A_1339 = tpu.memref_slice %arg0[%dma_start3A_1336, %dma_start3A_1337, %dma_start3A_1338] : memref<55x6250x128xi8, #tpu.memory_space<hbm>> -> memref<1x6250x128xi8, #tpu.memory_space<hbm>>
    tpu.enqueue_dma source(%dma_start3A_1339 : memref<1x6250x128xi8, #tpu.memory_space<hbm>>) target(%dma_start3A_1335 : memref<1x6250x128xi8, #tpu.memory_space<vmem>>) target_semaphore(%dma_start3A_1331 : memref<!tpu.dma_semaphore, #tpu.memory_space<semaphore_mem>>)
    %dma_wait3A_1340 = arith.constant 6 : i32
    %dma_wait3A_1341 = tpu.memref_slice %arg3[%dma_wait3A_1340] : memref<24x!tpu.dma_semaphore, #tpu.memory_space<semaphore_mem>> -> memref<1x!tpu.dma_semaphore, #tpu.memory_space<semaphore_mem>>
    %dma_wait3A_1342 = tpu.memref_squeeze %dma_wait3A_1341 : memref<1x!tpu.dma_semaphore, #tpu.memory_space<semaphore_mem>> -> memref<!tpu.dma_semaphore, #tpu.memory_space<semaphore_mem>>
    %dma_wait3A_1343 = arith.constant 6 : i32
    %dma_wait3A_1344 = arith.constant 0 : i32
    %dma_wait3A_1345 = arith.constant 0 : i32
    %dma_wait3A_1346 = tpu.memref_slice %arg2[%dma_wait3A_1343, %dma_wait3A_1344, %dma_wait3A_1345] : memref<24x6250x128xi8, #tpu.memory_space<vmem>> -> memref<1x6250x128xi8, #tpu.memory_space<vmem>>
    %dma_wait3A_1347 = arith.constant 30 : i32
    %dma_wait3A_1348 = arith.constant 0 : i32
    %dma_wait3A_1349 = arith.constant 0 : i32
    %dma_wait3A_1350 = tpu.memref_slice %arg0[%dma_wait3A_1347, %dma_wait3A_1348, %dma_wait3A_1349] : memref<55x6250x128xi8, #tpu.memory_space<hbm>> -> memref<1x6250x128xi8, #tpu.memory_space<hbm>>
    tpu.wait_dma2 semaphore(%dma_wait3A_1342 : memref<!tpu.dma_semaphore, #tpu.memory_space<semaphore_mem>>) src(%dma_wait3A_1350 : memref<1x6250x128xi8, #tpu.memory_space<hbm>>) dst(%dma_wait3A_1346 : memref<1x6250x128xi8, #tpu.memory_space<vmem>>)
    %dma_start3A_1351 = arith.constant 6 : i32
    %dma_start3A_1352 = tpu.memref_slice %arg4[%dma_start3A_1351] : memref<24x!tpu.dma_semaphore, #tpu.memory_space<semaphore_mem>> -> memref<1x!tpu.dma_semaphore, #tpu.memory_space<semaphore_mem>>
    %dma_start3A_1353 = tpu.memref_squeeze %dma_start3A_1352 : memref<1x!tpu.dma_semaphore, #tpu.memory_space<semaphore_mem>> -> memref<!tpu.dma_semaphore, #tpu.memory_space<semaphore_mem>>
    %dma_start3A_1354 = arith.constant 30 : i32
    %dma_start3A_1355 = arith.constant 0 : i32
    %dma_start3A_1356 = arith.constant 0 : i32
    %dma_start3A_1357 = tpu.memref_slice %arg1[%dma_start3A_1354, %dma_start3A_1355, %dma_start3A_1356] : memref<55x6250x128xi8, #tpu.memory_space<hbm>> -> memref<1x6250x128xi8, #tpu.memory_space<hbm>>
    %dma_start3A_1358 = arith.constant 6 : i32
    %dma_start3A_1359 = arith.constant 0 : i32
    %dma_start3A_1360 = arith.constant 0 : i32
    %dma_start3A_1361 = tpu.memref_slice %arg2[%dma_start3A_1358, %dma_start3A_1359, %dma_start3A_1360] : memref<24x6250x128xi8, #tpu.memory_space<vmem>> -> memref<1x6250x128xi8, #tpu.memory_space<vmem>>
    tpu.enqueue_dma source(%dma_start3A_1361 : memref<1x6250x128xi8, #tpu.memory_space<vmem>>) target(%dma_start3A_1357 : memref<1x6250x128xi8, #tpu.memory_space<hbm>>) target_semaphore(%dma_start3A_1353 : memref<!tpu.dma_semaphore, #tpu.memory_space<semaphore_mem>>)
    %dma_wait3A_1362 = arith.constant 19 : i32
    %dma_wait3A_1363 = tpu.memref_slice %arg4[%dma_wait3A_1362] : memref<24x!tpu.dma_semaphore, #tpu.memory_space<semaphore_mem>> -> memref<1x!tpu.dma_semaphore, #tpu.memory_space<semaphore_mem>>
    %dma_wait3A_1364 = tpu.memref_squeeze %dma_wait3A_1363 : memref<1x!tpu.dma_semaphore, #tpu.memory_space<semaphore_mem>> -> memref<!tpu.dma_semaphore, #tpu.memory_space<semaphore_mem>>
    %dma_wait3A_1365 = arith.constant 19 : i32
    %dma_wait3A_1366 = arith.constant 0 : i32
    %dma_wait3A_1367 = arith.constant 0 : i32
    %dma_wait3A_1368 = tpu.memref_slice %arg1[%dma_wait3A_1365, %dma_wait3A_1366, %dma_wait3A_1367] : memref<55x6250x128xi8, #tpu.memory_space<hbm>> -> memref<1x6250x128xi8, #tpu.memory_space<hbm>>
    %dma_wait3A_1369 = arith.constant 19 : i32
    %dma_wait3A_1370 = arith.constant 0 : i32
    %dma_wait3A_1371 = arith.constant 0 : i32
    %dma_wait3A_1372 = tpu.memref_slice %arg2[%dma_wait3A_1369, %dma_wait3A_1370, %dma_wait3A_1371] : memref<24x6250x128xi8, #tpu.memory_space<vmem>> -> memref<1x6250x128xi8, #tpu.memory_space<vmem>>
    tpu.wait_dma2 semaphore(%dma_wait3A_1364 : memref<!tpu.dma_semaphore, #tpu.memory_space<semaphore_mem>>) src(%dma_wait3A_1372 : memref<1x6250x128xi8, #tpu.memory_space<vmem>>) dst(%dma_wait3A_1368 : memref<1x6250x128xi8, #tpu.memory_space<hbm>>)
    %dma_start3A_1373 = arith.constant 19 : i32
    %dma_start3A_1374 = tpu.memref_slice %arg3[%dma_start3A_1373] : memref<24x!tpu.dma_semaphore, #tpu.memory_space<semaphore_mem>> -> memref<1x!tpu.dma_semaphore, #tpu.memory_space<semaphore_mem>>
    %dma_start3A_1375 = tpu.memref_squeeze %dma_start3A_1374 : memref<1x!tpu.dma_semaphore, #tpu.memory_space<semaphore_mem>> -> memref<!tpu.dma_semaphore, #tpu.memory_space<semaphore_mem>>
    %dma_start3A_1376 = arith.constant 19 : i32
    %dma_start3A_1377 = arith.constant 0 : i32
    %dma_start3A_1378 = arith.constant 0 : i32
    %dma_start3A_1379 = tpu.memref_slice %arg2[%dma_start3A_1376, %dma_start3A_1377, %dma_start3A_1378] : memref<24x6250x128xi8, #tpu.memory_space<vmem>> -> memref<1x6250x128xi8, #tpu.memory_space<vmem>>
    %dma_start3A_1380 = arith.constant 43 : i32
    %dma_start3A_1381 = arith.constant 0 : i32
    %dma_start3A_1382 = arith.constant 0 : i32
    %dma_start3A_1383 = tpu.memref_slice %arg0[%dma_start3A_1380, %dma_start3A_1381, %dma_start3A_1382] : memref<55x6250x128xi8, #tpu.memory_space<hbm>> -> memref<1x6250x128xi8, #tpu.memory_space<hbm>>
    tpu.enqueue_dma source(%dma_start3A_1383 : memref<1x6250x128xi8, #tpu.memory_space<hbm>>) target(%dma_start3A_1379 : memref<1x6250x128xi8, #tpu.memory_space<vmem>>) target_semaphore(%dma_start3A_1375 : memref<!tpu.dma_semaphore, #tpu.memory_space<semaphore_mem>>)
    %dma_wait3A_1384 = arith.constant 7 : i32
    %dma_wait3A_1385 = tpu.memref_slice %arg3[%dma_wait3A_1384] : memref<24x!tpu.dma_semaphore, #tpu.memory_space<semaphore_mem>> -> memref<1x!tpu.dma_semaphore, #tpu.memory_space<semaphore_mem>>
    %dma_wait3A_1386 = tpu.memref_squeeze %dma_wait3A_1385 : memref<1x!tpu.dma_semaphore, #tpu.memory_space<semaphore_mem>> -> memref<!tpu.dma_semaphore, #tpu.memory_space<semaphore_mem>>
    %dma_wait3A_1387 = arith.constant 7 : i32
    %dma_wait3A_1388 = arith.constant 0 : i32
    %dma_wait3A_1389 = arith.constant 0 : i32
    %dma_wait3A_1390 = tpu.memref_slice %arg2[%dma_wait3A_1387, %dma_wait3A_1388, %dma_wait3A_1389] : memref<24x6250x128xi8, #tpu.memory_space<vmem>> -> memref<1x6250x128xi8, #tpu.memory_space<vmem>>
    %dma_wait3A_1391 = arith.constant 31 : i32
    %dma_wait3A_1392 = arith.constant 0 : i32
    %dma_wait3A_1393 = arith.constant 0 : i32
    %dma_wait3A_1394 = tpu.memref_slice %arg0[%dma_wait3A_1391, %dma_wait3A_1392, %dma_wait3A_1393] : memref<55x6250x128xi8, #tpu.memory_space<hbm>> -> memref<1x6250x128xi8, #tpu.memory_space<hbm>>
    tpu.wait_dma2 semaphore(%dma_wait3A_1386 : memref<!tpu.dma_semaphore, #tpu.memory_space<semaphore_mem>>) src(%dma_wait3A_1394 : memref<1x6250x128xi8, #tpu.memory_space<hbm>>) dst(%dma_wait3A_1390 : memref<1x6250x128xi8, #tpu.memory_space<vmem>>)
    %dma_start3A_1395 = arith.constant 7 : i32
    %dma_start3A_1396 = tpu.memref_slice %arg4[%dma_start3A_1395] : memref<24x!tpu.dma_semaphore, #tpu.memory_space<semaphore_mem>> -> memref<1x!tpu.dma_semaphore, #tpu.memory_space<semaphore_mem>>
    %dma_start3A_1397 = tpu.memref_squeeze %dma_start3A_1396 : memref<1x!tpu.dma_semaphore, #tpu.memory_space<semaphore_mem>> -> memref<!tpu.dma_semaphore, #tpu.memory_space<semaphore_mem>>
    %dma_start3A_1398 = arith.constant 31 : i32
    %dma_start3A_1399 = arith.constant 0 : i32
    %dma_start3A_1400 = arith.constant 0 : i32
    %dma_start3A_1401 = tpu.memref_slice %arg1[%dma_start3A_1398, %dma_start3A_1399, %dma_start3A_1400] : memref<55x6250x128xi8, #tpu.memory_space<hbm>> -> memref<1x6250x128xi8, #tpu.memory_space<hbm>>
    %dma_start3A_1402 = arith.constant 7 : i32
    %dma_start3A_1403 = arith.constant 0 : i32
    %dma_start3A_1404 = arith.constant 0 : i32
    %dma_start3A_1405 = tpu.memref_slice %arg2[%dma_start3A_1402, %dma_start3A_1403, %dma_start3A_1404] : memref<24x6250x128xi8, #tpu.memory_space<vmem>> -> memref<1x6250x128xi8, #tpu.memory_space<vmem>>
    tpu.enqueue_dma source(%dma_start3A_1405 : memref<1x6250x128xi8, #tpu.memory_space<vmem>>) target(%dma_start3A_1401 : memref<1x6250x128xi8, #tpu.memory_space<hbm>>) target_semaphore(%dma_start3A_1397 : memref<!tpu.dma_semaphore, #tpu.memory_space<semaphore_mem>>)
    %dma_wait3A_1406 = arith.constant 20 : i32
    %dma_wait3A_1407 = tpu.memref_slice %arg4[%dma_wait3A_1406] : memref<24x!tpu.dma_semaphore, #tpu.memory_space<semaphore_mem>> -> memref<1x!tpu.dma_semaphore, #tpu.memory_space<semaphore_mem>>
    %dma_wait3A_1408 = tpu.memref_squeeze %dma_wait3A_1407 : memref<1x!tpu.dma_semaphore, #tpu.memory_space<semaphore_mem>> -> memref<!tpu.dma_semaphore, #tpu.memory_space<semaphore_mem>>
    %dma_wait3A_1409 = arith.constant 20 : i32
    %dma_wait3A_1410 = arith.constant 0 : i32
    %dma_wait3A_1411 = arith.constant 0 : i32
    %dma_wait3A_1412 = tpu.memref_slice %arg1[%dma_wait3A_1409, %dma_wait3A_1410, %dma_wait3A_1411] : memref<55x6250x128xi8, #tpu.memory_space<hbm>> -> memref<1x6250x128xi8, #tpu.memory_space<hbm>>
    %dma_wait3A_1413 = arith.constant 20 : i32
    %dma_wait3A_1414 = arith.constant 0 : i32
    %dma_wait3A_1415 = arith.constant 0 : i32
    %dma_wait3A_1416 = tpu.memref_slice %arg2[%dma_wait3A_1413, %dma_wait3A_1414, %dma_wait3A_1415] : memref<24x6250x128xi8, #tpu.memory_space<vmem>> -> memref<1x6250x128xi8, #tpu.memory_space<vmem>>
    tpu.wait_dma2 semaphore(%dma_wait3A_1408 : memref<!tpu.dma_semaphore, #tpu.memory_space<semaphore_mem>>) src(%dma_wait3A_1416 : memref<1x6250x128xi8, #tpu.memory_space<vmem>>) dst(%dma_wait3A_1412 : memref<1x6250x128xi8, #tpu.memory_space<hbm>>)
    %dma_start3A_1417 = arith.constant 20 : i32
    %dma_start3A_1418 = tpu.memref_slice %arg3[%dma_start3A_1417] : memref<24x!tpu.dma_semaphore, #tpu.memory_space<semaphore_mem>> -> memref<1x!tpu.dma_semaphore, #tpu.memory_space<semaphore_mem>>
    %dma_start3A_1419 = tpu.memref_squeeze %dma_start3A_1418 : memref<1x!tpu.dma_semaphore, #tpu.memory_space<semaphore_mem>> -> memref<!tpu.dma_semaphore, #tpu.memory_space<semaphore_mem>>
    %dma_start3A_1420 = arith.constant 20 : i32
    %dma_start3A_1421 = arith.constant 0 : i32
    %dma_start3A_1422 = arith.constant 0 : i32
    %dma_start3A_1423 = tpu.memref_slice %arg2[%dma_start3A_1420, %dma_start3A_1421, %dma_start3A_1422] : memref<24x6250x128xi8, #tpu.memory_space<vmem>> -> memref<1x6250x128xi8, #tpu.memory_space<vmem>>
    %dma_start3A_1424 = arith.constant 44 : i32
    %dma_start3A_1425 = arith.constant 0 : i32
    %dma_start3A_1426 = arith.constant 0 : i32
    %dma_start3A_1427 = tpu.memref_slice %arg0[%dma_start3A_1424, %dma_start3A_1425, %dma_start3A_1426] : memref<55x6250x128xi8, #tpu.memory_space<hbm>> -> memref<1x6250x128xi8, #tpu.memory_space<hbm>>
    tpu.enqueue_dma source(%dma_start3A_1427 : memref<1x6250x128xi8, #tpu.memory_space<hbm>>) target(%dma_start3A_1423 : memref<1x6250x128xi8, #tpu.memory_space<vmem>>) target_semaphore(%dma_start3A_1419 : memref<!tpu.dma_semaphore, #tpu.memory_space<semaphore_mem>>)
    %dma_wait3A_1428 = arith.constant 8 : i32
    %dma_wait3A_1429 = tpu.memref_slice %arg3[%dma_wait3A_1428] : memref<24x!tpu.dma_semaphore, #tpu.memory_space<semaphore_mem>> -> memref<1x!tpu.dma_semaphore, #tpu.memory_space<semaphore_mem>>
    %dma_wait3A_1430 = tpu.memref_squeeze %dma_wait3A_1429 : memref<1x!tpu.dma_semaphore, #tpu.memory_space<semaphore_mem>> -> memref<!tpu.dma_semaphore, #tpu.memory_space<semaphore_mem>>
    %dma_wait3A_1431 = arith.constant 8 : i32
    %dma_wait3A_1432 = arith.constant 0 : i32
    %dma_wait3A_1433 = arith.constant 0 : i32
    %dma_wait3A_1434 = tpu.memref_slice %arg2[%dma_wait3A_1431, %dma_wait3A_1432, %dma_wait3A_1433] : memref<24x6250x128xi8, #tpu.memory_space<vmem>> -> memref<1x6250x128xi8, #tpu.memory_space<vmem>>
    %dma_wait3A_1435 = arith.constant 32 : i32
    %dma_wait3A_1436 = arith.constant 0 : i32
    %dma_wait3A_1437 = arith.constant 0 : i32
    %dma_wait3A_1438 = tpu.memref_slice %arg0[%dma_wait3A_1435, %dma_wait3A_1436, %dma_wait3A_1437] : memref<55x6250x128xi8, #tpu.memory_space<hbm>> -> memref<1x6250x128xi8, #tpu.memory_space<hbm>>
    tpu.wait_dma2 semaphore(%dma_wait3A_1430 : memref<!tpu.dma_semaphore, #tpu.memory_space<semaphore_mem>>) src(%dma_wait3A_1438 : memref<1x6250x128xi8, #tpu.memory_space<hbm>>) dst(%dma_wait3A_1434 : memref<1x6250x128xi8, #tpu.memory_space<vmem>>)
    %dma_start3A_1439 = arith.constant 8 : i32
    %dma_start3A_1440 = tpu.memref_slice %arg4[%dma_start3A_1439] : memref<24x!tpu.dma_semaphore, #tpu.memory_space<semaphore_mem>> -> memref<1x!tpu.dma_semaphore, #tpu.memory_space<semaphore_mem>>
    %dma_start3A_1441 = tpu.memref_squeeze %dma_start3A_1440 : memref<1x!tpu.dma_semaphore, #tpu.memory_space<semaphore_mem>> -> memref<!tpu.dma_semaphore, #tpu.memory_space<semaphore_mem>>
    %dma_start3A_1442 = arith.constant 32 : i32
    %dma_start3A_1443 = arith.constant 0 : i32
    %dma_start3A_1444 = arith.constant 0 : i32
    %dma_start3A_1445 = tpu.memref_slice %arg1[%dma_start3A_1442, %dma_start3A_1443, %dma_start3A_1444] : memref<55x6250x128xi8, #tpu.memory_space<hbm>> -> memref<1x6250x128xi8, #tpu.memory_space<hbm>>
    %dma_start3A_1446 = arith.constant 8 : i32
    %dma_start3A_1447 = arith.constant 0 : i32
    %dma_start3A_1448 = arith.constant 0 : i32
    %dma_start3A_1449 = tpu.memref_slice %arg2[%dma_start3A_1446, %dma_start3A_1447, %dma_start3A_1448] : memref<24x6250x128xi8, #tpu.memory_space<vmem>> -> memref<1x6250x128xi8, #tpu.memory_space<vmem>>
    tpu.enqueue_dma source(%dma_start3A_1449 : memref<1x6250x128xi8, #tpu.memory_space<vmem>>) target(%dma_start3A_1445 : memref<1x6250x128xi8, #tpu.memory_space<hbm>>) target_semaphore(%dma_start3A_1441 : memref<!tpu.dma_semaphore, #tpu.memory_space<semaphore_mem>>)
    %dma_wait3A_1450 = arith.constant 21 : i32
    %dma_wait3A_1451 = tpu.memref_slice %arg4[%dma_wait3A_1450] : memref<24x!tpu.dma_semaphore, #tpu.memory_space<semaphore_mem>> -> memref<1x!tpu.dma_semaphore, #tpu.memory_space<semaphore_mem>>
    %dma_wait3A_1452 = tpu.memref_squeeze %dma_wait3A_1451 : memref<1x!tpu.dma_semaphore, #tpu.memory_space<semaphore_mem>> -> memref<!tpu.dma_semaphore, #tpu.memory_space<semaphore_mem>>
    %dma_wait3A_1453 = arith.constant 21 : i32
    %dma_wait3A_1454 = arith.constant 0 : i32
    %dma_wait3A_1455 = arith.constant 0 : i32
    %dma_wait3A_1456 = tpu.memref_slice %arg1[%dma_wait3A_1453, %dma_wait3A_1454, %dma_wait3A_1455] : memref<55x6250x128xi8, #tpu.memory_space<hbm>> -> memref<1x6250x128xi8, #tpu.memory_space<hbm>>
    %dma_wait3A_1457 = arith.constant 21 : i32
    %dma_wait3A_1458 = arith.constant 0 : i32
    %dma_wait3A_1459 = arith.constant 0 : i32
    %dma_wait3A_1460 = tpu.memref_slice %arg2[%dma_wait3A_1457, %dma_wait3A_1458, %dma_wait3A_1459] : memref<24x6250x128xi8, #tpu.memory_space<vmem>> -> memref<1x6250x128xi8, #tpu.memory_space<vmem>>
    tpu.wait_dma2 semaphore(%dma_wait3A_1452 : memref<!tpu.dma_semaphore, #tpu.memory_space<semaphore_mem>>) src(%dma_wait3A_1460 : memref<1x6250x128xi8, #tpu.memory_space<vmem>>) dst(%dma_wait3A_1456 : memref<1x6250x128xi8, #tpu.memory_space<hbm>>)
    %dma_start3A_1461 = arith.constant 21 : i32
    %dma_start3A_1462 = tpu.memref_slice %arg3[%dma_start3A_1461] : memref<24x!tpu.dma_semaphore, #tpu.memory_space<semaphore_mem>> -> memref<1x!tpu.dma_semaphore, #tpu.memory_space<semaphore_mem>>
    %dma_start3A_1463 = tpu.memref_squeeze %dma_start3A_1462 : memref<1x!tpu.dma_semaphore, #tpu.memory_space<semaphore_mem>> -> memref<!tpu.dma_semaphore, #tpu.memory_space<semaphore_mem>>
    %dma_start3A_1464 = arith.constant 21 : i32
    %dma_start3A_1465 = arith.constant 0 : i32
    %dma_start3A_1466 = arith.constant 0 : i32
    %dma_start3A_1467 = tpu.memref_slice %arg2[%dma_start3A_1464, %dma_start3A_1465, %dma_start3A_1466] : memref<24x6250x128xi8, #tpu.memory_space<vmem>> -> memref<1x6250x128xi8, #tpu.memory_space<vmem>>
    %dma_start3A_1468 = arith.constant 45 : i32
    %dma_start3A_1469 = arith.constant 0 : i32
    %dma_start3A_1470 = arith.constant 0 : i32
    %dma_start3A_1471 = tpu.memref_slice %arg0[%dma_start3A_1468, %dma_start3A_1469, %dma_start3A_1470] : memref<55x6250x128xi8, #tpu.memory_space<hbm>> -> memref<1x6250x128xi8, #tpu.memory_space<hbm>>
    tpu.enqueue_dma source(%dma_start3A_1471 : memref<1x6250x128xi8, #tpu.memory_space<hbm>>) target(%dma_start3A_1467 : memref<1x6250x128xi8, #tpu.memory_space<vmem>>) target_semaphore(%dma_start3A_1463 : memref<!tpu.dma_semaphore, #tpu.memory_space<semaphore_mem>>)
    %dma_wait3A_1472 = arith.constant 9 : i32
    %dma_wait3A_1473 = tpu.memref_slice %arg3[%dma_wait3A_1472] : memref<24x!tpu.dma_semaphore, #tpu.memory_space<semaphore_mem>> -> memref<1x!tpu.dma_semaphore, #tpu.memory_space<semaphore_mem>>
    %dma_wait3A_1474 = tpu.memref_squeeze %dma_wait3A_1473 : memref<1x!tpu.dma_semaphore, #tpu.memory_space<semaphore_mem>> -> memref<!tpu.dma_semaphore, #tpu.memory_space<semaphore_mem>>
    %dma_wait3A_1475 = arith.constant 9 : i32
    %dma_wait3A_1476 = arith.constant 0 : i32
    %dma_wait3A_1477 = arith.constant 0 : i32
    %dma_wait3A_1478 = tpu.memref_slice %arg2[%dma_wait3A_1475, %dma_wait3A_1476, %dma_wait3A_1477] : memref<24x6250x128xi8, #tpu.memory_space<vmem>> -> memref<1x6250x128xi8, #tpu.memory_space<vmem>>
    %dma_wait3A_1479 = arith.constant 33 : i32
    %dma_wait3A_1480 = arith.constant 0 : i32
    %dma_wait3A_1481 = arith.constant 0 : i32
    %dma_wait3A_1482 = tpu.memref_slice %arg0[%dma_wait3A_1479, %dma_wait3A_1480, %dma_wait3A_1481] : memref<55x6250x128xi8, #tpu.memory_space<hbm>> -> memref<1x6250x128xi8, #tpu.memory_space<hbm>>
    tpu.wait_dma2 semaphore(%dma_wait3A_1474 : memref<!tpu.dma_semaphore, #tpu.memory_space<semaphore_mem>>) src(%dma_wait3A_1482 : memref<1x6250x128xi8, #tpu.memory_space<hbm>>) dst(%dma_wait3A_1478 : memref<1x6250x128xi8, #tpu.memory_space<vmem>>)
    %dma_start3A_1483 = arith.constant 9 : i32
    %dma_start3A_1484 = tpu.memref_slice %arg4[%dma_start3A_1483] : memref<24x!tpu.dma_semaphore, #tpu.memory_space<semaphore_mem>> -> memref<1x!tpu.dma_semaphore, #tpu.memory_space<semaphore_mem>>
    %dma_start3A_1485 = tpu.memref_squeeze %dma_start3A_1484 : memref<1x!tpu.dma_semaphore, #tpu.memory_space<semaphore_mem>> -> memref<!tpu.dma_semaphore, #tpu.memory_space<semaphore_mem>>
    %dma_start3A_1486 = arith.constant 33 : i32
    %dma_start3A_1487 = arith.constant 0 : i32
    %dma_start3A_1488 = arith.constant 0 : i32
    %dma_start3A_1489 = tpu.memref_slice %arg1[%dma_start3A_1486, %dma_start3A_1487, %dma_start3A_1488] : memref<55x6250x128xi8, #tpu.memory_space<hbm>> -> memref<1x6250x128xi8, #tpu.memory_space<hbm>>
    %dma_start3A_1490 = arith.constant 9 : i32
    %dma_start3A_1491 = arith.constant 0 : i32
    %dma_start3A_1492 = arith.constant 0 : i32
    %dma_start3A_1493 = tpu.memref_slice %arg2[%dma_start3A_1490, %dma_start3A_1491, %dma_start3A_1492] : memref<24x6250x128xi8, #tpu.memory_space<vmem>> -> memref<1x6250x128xi8, #tpu.memory_space<vmem>>
    tpu.enqueue_dma source(%dma_start3A_1493 : memref<1x6250x128xi8, #tpu.memory_space<vmem>>) target(%dma_start3A_1489 : memref<1x6250x128xi8, #tpu.memory_space<hbm>>) target_semaphore(%dma_start3A_1485 : memref<!tpu.dma_semaphore, #tpu.memory_space<semaphore_mem>>)
    %dma_wait3A_1494 = arith.constant 22 : i32
    %dma_wait3A_1495 = tpu.memref_slice %arg4[%dma_wait3A_1494] : memref<24x!tpu.dma_semaphore, #tpu.memory_space<semaphore_mem>> -> memref<1x!tpu.dma_semaphore, #tpu.memory_space<semaphore_mem>>
    %dma_wait3A_1496 = tpu.memref_squeeze %dma_wait3A_1495 : memref<1x!tpu.dma_semaphore, #tpu.memory_space<semaphore_mem>> -> memref<!tpu.dma_semaphore, #tpu.memory_space<semaphore_mem>>
    %dma_wait3A_1497 = arith.constant 22 : i32
    %dma_wait3A_1498 = arith.constant 0 : i32
    %dma_wait3A_1499 = arith.constant 0 : i32
    %dma_wait3A_1500 = tpu.memref_slice %arg1[%dma_wait3A_1497, %dma_wait3A_1498, %dma_wait3A_1499] : memref<55x6250x128xi8, #tpu.memory_space<hbm>> -> memref<1x6250x128xi8, #tpu.memory_space<hbm>>
    %dma_wait3A_1501 = arith.constant 22 : i32
    %dma_wait3A_1502 = arith.constant 0 : i32
    %dma_wait3A_1503 = arith.constant 0 : i32
    %dma_wait3A_1504 = tpu.memref_slice %arg2[%dma_wait3A_1501, %dma_wait3A_1502, %dma_wait3A_1503] : memref<24x6250x128xi8, #tpu.memory_space<vmem>> -> memref<1x6250x128xi8, #tpu.memory_space<vmem>>
    tpu.wait_dma2 semaphore(%dma_wait3A_1496 : memref<!tpu.dma_semaphore, #tpu.memory_space<semaphore_mem>>) src(%dma_wait3A_1504 : memref<1x6250x128xi8, #tpu.memory_space<vmem>>) dst(%dma_wait3A_1500 : memref<1x6250x128xi8, #tpu.memory_space<hbm>>)
    %dma_start3A_1505 = arith.constant 22 : i32
    %dma_start3A_1506 = tpu.memref_slice %arg3[%dma_start3A_1505] : memref<24x!tpu.dma_semaphore, #tpu.memory_space<semaphore_mem>> -> memref<1x!tpu.dma_semaphore, #tpu.memory_space<semaphore_mem>>
    %dma_start3A_1507 = tpu.memref_squeeze %dma_start3A_1506 : memref<1x!tpu.dma_semaphore, #tpu.memory_space<semaphore_mem>> -> memref<!tpu.dma_semaphore, #tpu.memory_space<semaphore_mem>>
    %dma_start3A_1508 = arith.constant 22 : i32
    %dma_start3A_1509 = arith.constant 0 : i32
    %dma_start3A_1510 = arith.constant 0 : i32
    %dma_start3A_1511 = tpu.memref_slice %arg2[%dma_start3A_1508, %dma_start3A_1509, %dma_start3A_1510] : memref<24x6250x128xi8, #tpu.memory_space<vmem>> -> memref<1x6250x128xi8, #tpu.memory_space<vmem>>
    %dma_start3A_1512 = arith.constant 46 : i32
    %dma_start3A_1513 = arith.constant 0 : i32
    %dma_start3A_1514 = arith.constant 0 : i32
    %dma_start3A_1515 = tpu.memref_slice %arg0[%dma_start3A_1512, %dma_start3A_1513, %dma_start3A_1514] : memref<55x6250x128xi8, #tpu.memory_space<hbm>> -> memref<1x6250x128xi8, #tpu.memory_space<hbm>>
    tpu.enqueue_dma source(%dma_start3A_1515 : memref<1x6250x128xi8, #tpu.memory_space<hbm>>) target(%dma_start3A_1511 : memref<1x6250x128xi8, #tpu.memory_space<vmem>>) target_semaphore(%dma_start3A_1507 : memref<!tpu.dma_semaphore, #tpu.memory_space<semaphore_mem>>)
    %dma_wait3A_1516 = arith.constant 10 : i32
    %dma_wait3A_1517 = tpu.memref_slice %arg3[%dma_wait3A_1516] : memref<24x!tpu.dma_semaphore, #tpu.memory_space<semaphore_mem>> -> memref<1x!tpu.dma_semaphore, #tpu.memory_space<semaphore_mem>>
    %dma_wait3A_1518 = tpu.memref_squeeze %dma_wait3A_1517 : memref<1x!tpu.dma_semaphore, #tpu.memory_space<semaphore_mem>> -> memref<!tpu.dma_semaphore, #tpu.memory_space<semaphore_mem>>
    %dma_wait3A_1519 = arith.constant 10 : i32
    %dma_wait3A_1520 = arith.constant 0 : i32
    %dma_wait3A_1521 = arith.constant 0 : i32
    %dma_wait3A_1522 = tpu.memref_slice %arg2[%dma_wait3A_1519, %dma_wait3A_1520, %dma_wait3A_1521] : memref<24x6250x128xi8, #tpu.memory_space<vmem>> -> memref<1x6250x128xi8, #tpu.memory_space<vmem>>
    %dma_wait3A_1523 = arith.constant 34 : i32
    %dma_wait3A_1524 = arith.constant 0 : i32
    %dma_wait3A_1525 = arith.constant 0 : i32
    %dma_wait3A_1526 = tpu.memref_slice %arg0[%dma_wait3A_1523, %dma_wait3A_1524, %dma_wait3A_1525] : memref<55x6250x128xi8, #tpu.memory_space<hbm>> -> memref<1x6250x128xi8, #tpu.memory_space<hbm>>
    tpu.wait_dma2 semaphore(%dma_wait3A_1518 : memref<!tpu.dma_semaphore, #tpu.memory_space<semaphore_mem>>) src(%dma_wait3A_1526 : memref<1x6250x128xi8, #tpu.memory_space<hbm>>) dst(%dma_wait3A_1522 : memref<1x6250x128xi8, #tpu.memory_space<vmem>>)
    %dma_start3A_1527 = arith.constant 10 : i32
    %dma_start3A_1528 = tpu.memref_slice %arg4[%dma_start3A_1527] : memref<24x!tpu.dma_semaphore, #tpu.memory_space<semaphore_mem>> -> memref<1x!tpu.dma_semaphore, #tpu.memory_space<semaphore_mem>>
    %dma_start3A_1529 = tpu.memref_squeeze %dma_start3A_1528 : memref<1x!tpu.dma_semaphore, #tpu.memory_space<semaphore_mem>> -> memref<!tpu.dma_semaphore, #tpu.memory_space<semaphore_mem>>
    %dma_start3A_1530 = arith.constant 34 : i32
    %dma_start3A_1531 = arith.constant 0 : i32
    %dma_start3A_1532 = arith.constant 0 : i32
    %dma_start3A_1533 = tpu.memref_slice %arg1[%dma_start3A_1530, %dma_start3A_1531, %dma_start3A_1532] : memref<55x6250x128xi8, #tpu.memory_space<hbm>> -> memref<1x6250x128xi8, #tpu.memory_space<hbm>>
    %dma_start3A_1534 = arith.constant 10 : i32
    %dma_start3A_1535 = arith.constant 0 : i32
    %dma_start3A_1536 = arith.constant 0 : i32
    %dma_start3A_1537 = tpu.memref_slice %arg2[%dma_start3A_1534, %dma_start3A_1535, %dma_start3A_1536] : memref<24x6250x128xi8, #tpu.memory_space<vmem>> -> memref<1x6250x128xi8, #tpu.memory_space<vmem>>
    tpu.enqueue_dma source(%dma_start3A_1537 : memref<1x6250x128xi8, #tpu.memory_space<vmem>>) target(%dma_start3A_1533 : memref<1x6250x128xi8, #tpu.memory_space<hbm>>) target_semaphore(%dma_start3A_1529 : memref<!tpu.dma_semaphore, #tpu.memory_space<semaphore_mem>>)
    %dma_wait3A_1538 = arith.constant 23 : i32
    %dma_wait3A_1539 = tpu.memref_slice %arg4[%dma_wait3A_1538] : memref<24x!tpu.dma_semaphore, #tpu.memory_space<semaphore_mem>> -> memref<1x!tpu.dma_semaphore, #tpu.memory_space<semaphore_mem>>
    %dma_wait3A_1540 = tpu.memref_squeeze %dma_wait3A_1539 : memref<1x!tpu.dma_semaphore, #tpu.memory_space<semaphore_mem>> -> memref<!tpu.dma_semaphore, #tpu.memory_space<semaphore_mem>>
    %dma_wait3A_1541 = arith.constant 23 : i32
    %dma_wait3A_1542 = arith.constant 0 : i32
    %dma_wait3A_1543 = arith.constant 0 : i32
    %dma_wait3A_1544 = tpu.memref_slice %arg1[%dma_wait3A_1541, %dma_wait3A_1542, %dma_wait3A_1543] : memref<55x6250x128xi8, #tpu.memory_space<hbm>> -> memref<1x6250x128xi8, #tpu.memory_space<hbm>>
    %dma_wait3A_1545 = arith.constant 23 : i32
    %dma_wait3A_1546 = arith.constant 0 : i32
    %dma_wait3A_1547 = arith.constant 0 : i32
    %dma_wait3A_1548 = tpu.memref_slice %arg2[%dma_wait3A_1545, %dma_wait3A_1546, %dma_wait3A_1547] : memref<24x6250x128xi8, #tpu.memory_space<vmem>> -> memref<1x6250x128xi8, #tpu.memory_space<vmem>>
    tpu.wait_dma2 semaphore(%dma_wait3A_1540 : memref<!tpu.dma_semaphore, #tpu.memory_space<semaphore_mem>>) src(%dma_wait3A_1548 : memref<1x6250x128xi8, #tpu.memory_space<vmem>>) dst(%dma_wait3A_1544 : memref<1x6250x128xi8, #tpu.memory_space<hbm>>)
    %dma_start3A_1549 = arith.constant 23 : i32
    %dma_start3A_1550 = tpu.memref_slice %arg3[%dma_start3A_1549] : memref<24x!tpu.dma_semaphore, #tpu.memory_space<semaphore_mem>> -> memref<1x!tpu.dma_semaphore, #tpu.memory_space<semaphore_mem>>
    %dma_start3A_1551 = tpu.memref_squeeze %dma_start3A_1550 : memref<1x!tpu.dma_semaphore, #tpu.memory_space<semaphore_mem>> -> memref<!tpu.dma_semaphore, #tpu.memory_space<semaphore_mem>>
    %dma_start3A_1552 = arith.constant 23 : i32
    %dma_start3A_1553 = arith.constant 0 : i32
    %dma_start3A_1554 = arith.constant 0 : i32
    %dma_start3A_1555 = tpu.memref_slice %arg2[%dma_start3A_1552, %dma_start3A_1553, %dma_start3A_1554] : memref<24x6250x128xi8, #tpu.memory_space<vmem>> -> memref<1x6250x128xi8, #tpu.memory_space<vmem>>
    %dma_start3A_1556 = arith.constant 47 : i32
    %dma_start3A_1557 = arith.constant 0 : i32
    %dma_start3A_1558 = arith.constant 0 : i32
    %dma_start3A_1559 = tpu.memref_slice %arg0[%dma_start3A_1556, %dma_start3A_1557, %dma_start3A_1558] : memref<55x6250x128xi8, #tpu.memory_space<hbm>> -> memref<1x6250x128xi8, #tpu.memory_space<hbm>>
    tpu.enqueue_dma source(%dma_start3A_1559 : memref<1x6250x128xi8, #tpu.memory_space<hbm>>) target(%dma_start3A_1555 : memref<1x6250x128xi8, #tpu.memory_space<vmem>>) target_semaphore(%dma_start3A_1551 : memref<!tpu.dma_semaphore, #tpu.memory_space<semaphore_mem>>)
    %dma_wait3A_1560 = arith.constant 11 : i32
    %dma_wait3A_1561 = tpu.memref_slice %arg3[%dma_wait3A_1560] : memref<24x!tpu.dma_semaphore, #tpu.memory_space<semaphore_mem>> -> memref<1x!tpu.dma_semaphore, #tpu.memory_space<semaphore_mem>>
    %dma_wait3A_1562 = tpu.memref_squeeze %dma_wait3A_1561 : memref<1x!tpu.dma_semaphore, #tpu.memory_space<semaphore_mem>> -> memref<!tpu.dma_semaphore, #tpu.memory_space<semaphore_mem>>
    %dma_wait3A_1563 = arith.constant 11 : i32
    %dma_wait3A_1564 = arith.constant 0 : i32
    %dma_wait3A_1565 = arith.constant 0 : i32
    %dma_wait3A_1566 = tpu.memref_slice %arg2[%dma_wait3A_1563, %dma_wait3A_1564, %dma_wait3A_1565] : memref<24x6250x128xi8, #tpu.memory_space<vmem>> -> memref<1x6250x128xi8, #tpu.memory_space<vmem>>
    %dma_wait3A_1567 = arith.constant 35 : i32
    %dma_wait3A_1568 = arith.constant 0 : i32
    %dma_wait3A_1569 = arith.constant 0 : i32
    %dma_wait3A_1570 = tpu.memref_slice %arg0[%dma_wait3A_1567, %dma_wait3A_1568, %dma_wait3A_1569] : memref<55x6250x128xi8, #tpu.memory_space<hbm>> -> memref<1x6250x128xi8, #tpu.memory_space<hbm>>
    tpu.wait_dma2 semaphore(%dma_wait3A_1562 : memref<!tpu.dma_semaphore, #tpu.memory_space<semaphore_mem>>) src(%dma_wait3A_1570 : memref<1x6250x128xi8, #tpu.memory_space<hbm>>) dst(%dma_wait3A_1566 : memref<1x6250x128xi8, #tpu.memory_space<vmem>>)
    %dma_start3A_1571 = arith.constant 11 : i32
    %dma_start3A_1572 = tpu.memref_slice %arg4[%dma_start3A_1571] : memref<24x!tpu.dma_semaphore, #tpu.memory_space<semaphore_mem>> -> memref<1x!tpu.dma_semaphore, #tpu.memory_space<semaphore_mem>>
    %dma_start3A_1573 = tpu.memref_squeeze %dma_start3A_1572 : memref<1x!tpu.dma_semaphore, #tpu.memory_space<semaphore_mem>> -> memref<!tpu.dma_semaphore, #tpu.memory_space<semaphore_mem>>
    %dma_start3A_1574 = arith.constant 35 : i32
    %dma_start3A_1575 = arith.constant 0 : i32
    %dma_start3A_1576 = arith.constant 0 : i32
    %dma_start3A_1577 = tpu.memref_slice %arg1[%dma_start3A_1574, %dma_start3A_1575, %dma_start3A_1576] : memref<55x6250x128xi8, #tpu.memory_space<hbm>> -> memref<1x6250x128xi8, #tpu.memory_space<hbm>>
    %dma_start3A_1578 = arith.constant 11 : i32
    %dma_start3A_1579 = arith.constant 0 : i32
    %dma_start3A_1580 = arith.constant 0 : i32
    %dma_start3A_1581 = tpu.memref_slice %arg2[%dma_start3A_1578, %dma_start3A_1579, %dma_start3A_1580] : memref<24x6250x128xi8, #tpu.memory_space<vmem>> -> memref<1x6250x128xi8, #tpu.memory_space<vmem>>
    tpu.enqueue_dma source(%dma_start3A_1581 : memref<1x6250x128xi8, #tpu.memory_space<vmem>>) target(%dma_start3A_1577 : memref<1x6250x128xi8, #tpu.memory_space<hbm>>) target_semaphore(%dma_start3A_1573 : memref<!tpu.dma_semaphore, #tpu.memory_space<semaphore_mem>>)
    %dma_wait3A_1582 = arith.constant 0 : i32
    %dma_wait3A_1583 = tpu.memref_slice %arg4[%dma_wait3A_1582] : memref<24x!tpu.dma_semaphore, #tpu.memory_space<semaphore_mem>> -> memref<1x!tpu.dma_semaphore, #tpu.memory_space<semaphore_mem>>
    %dma_wait3A_1584 = tpu.memref_squeeze %dma_wait3A_1583 : memref<1x!tpu.dma_semaphore, #tpu.memory_space<semaphore_mem>> -> memref<!tpu.dma_semaphore, #tpu.memory_space<semaphore_mem>>
    %dma_wait3A_1585 = arith.constant 24 : i32
    %dma_wait3A_1586 = arith.constant 0 : i32
    %dma_wait3A_1587 = arith.constant 0 : i32
    %dma_wait3A_1588 = tpu.memref_slice %arg1[%dma_wait3A_1585, %dma_wait3A_1586, %dma_wait3A_1587] : memref<55x6250x128xi8, #tpu.memory_space<hbm>> -> memref<1x6250x128xi8, #tpu.memory_space<hbm>>
    %dma_wait3A_1589 = arith.constant 0 : i32
    %dma_wait3A_1590 = arith.constant 0 : i32
    %dma_wait3A_1591 = arith.constant 0 : i32
    %dma_wait3A_1592 = tpu.memref_slice %arg2[%dma_wait3A_1589, %dma_wait3A_1590, %dma_wait3A_1591] : memref<24x6250x128xi8, #tpu.memory_space<vmem>> -> memref<1x6250x128xi8, #tpu.memory_space<vmem>>
    tpu.wait_dma2 semaphore(%dma_wait3A_1584 : memref<!tpu.dma_semaphore, #tpu.memory_space<semaphore_mem>>) src(%dma_wait3A_1592 : memref<1x6250x128xi8, #tpu.memory_space<vmem>>) dst(%dma_wait3A_1588 : memref<1x6250x128xi8, #tpu.memory_space<hbm>>)
    %dma_start3A_1593 = arith.constant 0 : i32
    %dma_start3A_1594 = tpu.memref_slice %arg3[%dma_start3A_1593] : memref<24x!tpu.dma_semaphore, #tpu.memory_space<semaphore_mem>> -> memref<1x!tpu.dma_semaphore, #tpu.memory_space<semaphore_mem>>
    %dma_start3A_1595 = tpu.memref_squeeze %dma_start3A_1594 : memref<1x!tpu.dma_semaphore, #tpu.memory_space<semaphore_mem>> -> memref<!tpu.dma_semaphore, #tpu.memory_space<semaphore_mem>>
    %dma_start3A_1596 = arith.constant 0 : i32
    %dma_start3A_1597 = arith.constant 0 : i32
    %dma_start3A_1598 = arith.constant 0 : i32
    %dma_start3A_1599 = tpu.memref_slice %arg2[%dma_start3A_1596, %dma_start3A_1597, %dma_start3A_1598] : memref<24x6250x128xi8, #tpu.memory_space<vmem>> -> memref<1x6250x128xi8, #tpu.memory_space<vmem>>
    %dma_start3A_1600 = arith.constant 48 : i32
    %dma_start3A_1601 = arith.constant 0 : i32
    %dma_start3A_1602 = arith.constant 0 : i32
    %dma_start3A_1603 = tpu.memref_slice %arg0[%dma_start3A_1600, %dma_start3A_1601, %dma_start3A_1602] : memref<55x6250x128xi8, #tpu.memory_space<hbm>> -> memref<1x6250x128xi8, #tpu.memory_space<hbm>>
    tpu.enqueue_dma source(%dma_start3A_1603 : memref<1x6250x128xi8, #tpu.memory_space<hbm>>) target(%dma_start3A_1599 : memref<1x6250x128xi8, #tpu.memory_space<vmem>>) target_semaphore(%dma_start3A_1595 : memref<!tpu.dma_semaphore, #tpu.memory_space<semaphore_mem>>)
    %dma_wait3A_1604 = arith.constant 12 : i32
    %dma_wait3A_1605 = tpu.memref_slice %arg3[%dma_wait3A_1604] : memref<24x!tpu.dma_semaphore, #tpu.memory_space<semaphore_mem>> -> memref<1x!tpu.dma_semaphore, #tpu.memory_space<semaphore_mem>>
    %dma_wait3A_1606 = tpu.memref_squeeze %dma_wait3A_1605 : memref<1x!tpu.dma_semaphore, #tpu.memory_space<semaphore_mem>> -> memref<!tpu.dma_semaphore, #tpu.memory_space<semaphore_mem>>
    %dma_wait3A_1607 = arith.constant 12 : i32
    %dma_wait3A_1608 = arith.constant 0 : i32
    %dma_wait3A_1609 = arith.constant 0 : i32
    %dma_wait3A_1610 = tpu.memref_slice %arg2[%dma_wait3A_1607, %dma_wait3A_1608, %dma_wait3A_1609] : memref<24x6250x128xi8, #tpu.memory_space<vmem>> -> memref<1x6250x128xi8, #tpu.memory_space<vmem>>
    %dma_wait3A_1611 = arith.constant 36 : i32
    %dma_wait3A_1612 = arith.constant 0 : i32
    %dma_wait3A_1613 = arith.constant 0 : i32
    %dma_wait3A_1614 = tpu.memref_slice %arg0[%dma_wait3A_1611, %dma_wait3A_1612, %dma_wait3A_1613] : memref<55x6250x128xi8, #tpu.memory_space<hbm>> -> memref<1x6250x128xi8, #tpu.memory_space<hbm>>
    tpu.wait_dma2 semaphore(%dma_wait3A_1606 : memref<!tpu.dma_semaphore, #tpu.memory_space<semaphore_mem>>) src(%dma_wait3A_1614 : memref<1x6250x128xi8, #tpu.memory_space<hbm>>) dst(%dma_wait3A_1610 : memref<1x6250x128xi8, #tpu.memory_space<vmem>>)
    %dma_start3A_1615 = arith.constant 12 : i32
    %dma_start3A_1616 = tpu.memref_slice %arg4[%dma_start3A_1615] : memref<24x!tpu.dma_semaphore, #tpu.memory_space<semaphore_mem>> -> memref<1x!tpu.dma_semaphore, #tpu.memory_space<semaphore_mem>>
    %dma_start3A_1617 = tpu.memref_squeeze %dma_start3A_1616 : memref<1x!tpu.dma_semaphore, #tpu.memory_space<semaphore_mem>> -> memref<!tpu.dma_semaphore, #tpu.memory_space<semaphore_mem>>
    %dma_start3A_1618 = arith.constant 36 : i32
    %dma_start3A_1619 = arith.constant 0 : i32
    %dma_start3A_1620 = arith.constant 0 : i32
    %dma_start3A_1621 = tpu.memref_slice %arg1[%dma_start3A_1618, %dma_start3A_1619, %dma_start3A_1620] : memref<55x6250x128xi8, #tpu.memory_space<hbm>> -> memref<1x6250x128xi8, #tpu.memory_space<hbm>>
    %dma_start3A_1622 = arith.constant 12 : i32
    %dma_start3A_1623 = arith.constant 0 : i32
    %dma_start3A_1624 = arith.constant 0 : i32
    %dma_start3A_1625 = tpu.memref_slice %arg2[%dma_start3A_1622, %dma_start3A_1623, %dma_start3A_1624] : memref<24x6250x128xi8, #tpu.memory_space<vmem>> -> memref<1x6250x128xi8, #tpu.memory_space<vmem>>
    tpu.enqueue_dma source(%dma_start3A_1625 : memref<1x6250x128xi8, #tpu.memory_space<vmem>>) target(%dma_start3A_1621 : memref<1x6250x128xi8, #tpu.memory_space<hbm>>) target_semaphore(%dma_start3A_1617 : memref<!tpu.dma_semaphore, #tpu.memory_space<semaphore_mem>>)
    %dma_wait3A_1626 = arith.constant 1 : i32
    %dma_wait3A_1627 = tpu.memref_slice %arg4[%dma_wait3A_1626] : memref<24x!tpu.dma_semaphore, #tpu.memory_space<semaphore_mem>> -> memref<1x!tpu.dma_semaphore, #tpu.memory_space<semaphore_mem>>
    %dma_wait3A_1628 = tpu.memref_squeeze %dma_wait3A_1627 : memref<1x!tpu.dma_semaphore, #tpu.memory_space<semaphore_mem>> -> memref<!tpu.dma_semaphore, #tpu.memory_space<semaphore_mem>>
    %dma_wait3A_1629 = arith.constant 25 : i32
    %dma_wait3A_1630 = arith.constant 0 : i32
    %dma_wait3A_1631 = arith.constant 0 : i32
    %dma_wait3A_1632 = tpu.memref_slice %arg1[%dma_wait3A_1629, %dma_wait3A_1630, %dma_wait3A_1631] : memref<55x6250x128xi8, #tpu.memory_space<hbm>> -> memref<1x6250x128xi8, #tpu.memory_space<hbm>>
    %dma_wait3A_1633 = arith.constant 1 : i32
    %dma_wait3A_1634 = arith.constant 0 : i32
    %dma_wait3A_1635 = arith.constant 0 : i32
    %dma_wait3A_1636 = tpu.memref_slice %arg2[%dma_wait3A_1633, %dma_wait3A_1634, %dma_wait3A_1635] : memref<24x6250x128xi8, #tpu.memory_space<vmem>> -> memref<1x6250x128xi8, #tpu.memory_space<vmem>>
    tpu.wait_dma2 semaphore(%dma_wait3A_1628 : memref<!tpu.dma_semaphore, #tpu.memory_space<semaphore_mem>>) src(%dma_wait3A_1636 : memref<1x6250x128xi8, #tpu.memory_space<vmem>>) dst(%dma_wait3A_1632 : memref<1x6250x128xi8, #tpu.memory_space<hbm>>)
    %dma_start3A_1637 = arith.constant 1 : i32
    %dma_start3A_1638 = tpu.memref_slice %arg3[%dma_start3A_1637] : memref<24x!tpu.dma_semaphore, #tpu.memory_space<semaphore_mem>> -> memref<1x!tpu.dma_semaphore, #tpu.memory_space<semaphore_mem>>
    %dma_start3A_1639 = tpu.memref_squeeze %dma_start3A_1638 : memref<1x!tpu.dma_semaphore, #tpu.memory_space<semaphore_mem>> -> memref<!tpu.dma_semaphore, #tpu.memory_space<semaphore_mem>>
    %dma_start3A_1640 = arith.constant 1 : i32
    %dma_start3A_1641 = arith.constant 0 : i32
    %dma_start3A_1642 = arith.constant 0 : i32
    %dma_start3A_1643 = tpu.memref_slice %arg2[%dma_start3A_1640, %dma_start3A_1641, %dma_start3A_1642] : memref<24x6250x128xi8, #tpu.memory_space<vmem>> -> memref<1x6250x128xi8, #tpu.memory_space<vmem>>
    %dma_start3A_1644 = arith.constant 49 : i32
    %dma_start3A_1645 = arith.constant 0 : i32
    %dma_start3A_1646 = arith.constant 0 : i32
    %dma_start3A_1647 = tpu.memref_slice %arg0[%dma_start3A_1644, %dma_start3A_1645, %dma_start3A_1646] : memref<55x6250x128xi8, #tpu.memory_space<hbm>> -> memref<1x6250x128xi8, #tpu.memory_space<hbm>>
    tpu.enqueue_dma source(%dma_start3A_1647 : memref<1x6250x128xi8, #tpu.memory_space<hbm>>) target(%dma_start3A_1643 : memref<1x6250x128xi8, #tpu.memory_space<vmem>>) target_semaphore(%dma_start3A_1639 : memref<!tpu.dma_semaphore, #tpu.memory_space<semaphore_mem>>)
    %dma_wait3A_1648 = arith.constant 13 : i32
    %dma_wait3A_1649 = tpu.memref_slice %arg3[%dma_wait3A_1648] : memref<24x!tpu.dma_semaphore, #tpu.memory_space<semaphore_mem>> -> memref<1x!tpu.dma_semaphore, #tpu.memory_space<semaphore_mem>>
    %dma_wait3A_1650 = tpu.memref_squeeze %dma_wait3A_1649 : memref<1x!tpu.dma_semaphore, #tpu.memory_space<semaphore_mem>> -> memref<!tpu.dma_semaphore, #tpu.memory_space<semaphore_mem>>
    %dma_wait3A_1651 = arith.constant 13 : i32
    %dma_wait3A_1652 = arith.constant 0 : i32
    %dma_wait3A_1653 = arith.constant 0 : i32
    %dma_wait3A_1654 = tpu.memref_slice %arg2[%dma_wait3A_1651, %dma_wait3A_1652, %dma_wait3A_1653] : memref<24x6250x128xi8, #tpu.memory_space<vmem>> -> memref<1x6250x128xi8, #tpu.memory_space<vmem>>
    %dma_wait3A_1655 = arith.constant 37 : i32
    %dma_wait3A_1656 = arith.constant 0 : i32
    %dma_wait3A_1657 = arith.constant 0 : i32
    %dma_wait3A_1658 = tpu.memref_slice %arg0[%dma_wait3A_1655, %dma_wait3A_1656, %dma_wait3A_1657] : memref<55x6250x128xi8, #tpu.memory_space<hbm>> -> memref<1x6250x128xi8, #tpu.memory_space<hbm>>
    tpu.wait_dma2 semaphore(%dma_wait3A_1650 : memref<!tpu.dma_semaphore, #tpu.memory_space<semaphore_mem>>) src(%dma_wait3A_1658 : memref<1x6250x128xi8, #tpu.memory_space<hbm>>) dst(%dma_wait3A_1654 : memref<1x6250x128xi8, #tpu.memory_space<vmem>>)
    %dma_start3A_1659 = arith.constant 13 : i32
    %dma_start3A_1660 = tpu.memref_slice %arg4[%dma_start3A_1659] : memref<24x!tpu.dma_semaphore, #tpu.memory_space<semaphore_mem>> -> memref<1x!tpu.dma_semaphore, #tpu.memory_space<semaphore_mem>>
    %dma_start3A_1661 = tpu.memref_squeeze %dma_start3A_1660 : memref<1x!tpu.dma_semaphore, #tpu.memory_space<semaphore_mem>> -> memref<!tpu.dma_semaphore, #tpu.memory_space<semaphore_mem>>
    %dma_start3A_1662 = arith.constant 37 : i32
    %dma_start3A_1663 = arith.constant 0 : i32
    %dma_start3A_1664 = arith.constant 0 : i32
    %dma_start3A_1665 = tpu.memref_slice %arg1[%dma_start3A_1662, %dma_start3A_1663, %dma_start3A_1664] : memref<55x6250x128xi8, #tpu.memory_space<hbm>> -> memref<1x6250x128xi8, #tpu.memory_space<hbm>>
    %dma_start3A_1666 = arith.constant 13 : i32
    %dma_start3A_1667 = arith.constant 0 : i32
    %dma_start3A_1668 = arith.constant 0 : i32
    %dma_start3A_1669 = tpu.memref_slice %arg2[%dma_start3A_1666, %dma_start3A_1667, %dma_start3A_1668] : memref<24x6250x128xi8, #tpu.memory_space<vmem>> -> memref<1x6250x128xi8, #tpu.memory_space<vmem>>
    tpu.enqueue_dma source(%dma_start3A_1669 : memref<1x6250x128xi8, #tpu.memory_space<vmem>>) target(%dma_start3A_1665 : memref<1x6250x128xi8, #tpu.memory_space<hbm>>) target_semaphore(%dma_start3A_1661 : memref<!tpu.dma_semaphore, #tpu.memory_space<semaphore_mem>>)
    %dma_wait3A_1670 = arith.constant 2 : i32
    %dma_wait3A_1671 = tpu.memref_slice %arg4[%dma_wait3A_1670] : memref<24x!tpu.dma_semaphore, #tpu.memory_space<semaphore_mem>> -> memref<1x!tpu.dma_semaphore, #tpu.memory_space<semaphore_mem>>
    %dma_wait3A_1672 = tpu.memref_squeeze %dma_wait3A_1671 : memref<1x!tpu.dma_semaphore, #tpu.memory_space<semaphore_mem>> -> memref<!tpu.dma_semaphore, #tpu.memory_space<semaphore_mem>>
    %dma_wait3A_1673 = arith.constant 26 : i32
    %dma_wait3A_1674 = arith.constant 0 : i32
    %dma_wait3A_1675 = arith.constant 0 : i32
    %dma_wait3A_1676 = tpu.memref_slice %arg1[%dma_wait3A_1673, %dma_wait3A_1674, %dma_wait3A_1675] : memref<55x6250x128xi8, #tpu.memory_space<hbm>> -> memref<1x6250x128xi8, #tpu.memory_space<hbm>>
    %dma_wait3A_1677 = arith.constant 2 : i32
    %dma_wait3A_1678 = arith.constant 0 : i32
    %dma_wait3A_1679 = arith.constant 0 : i32
    %dma_wait3A_1680 = tpu.memref_slice %arg2[%dma_wait3A_1677, %dma_wait3A_1678, %dma_wait3A_1679] : memref<24x6250x128xi8, #tpu.memory_space<vmem>> -> memref<1x6250x128xi8, #tpu.memory_space<vmem>>
    tpu.wait_dma2 semaphore(%dma_wait3A_1672 : memref<!tpu.dma_semaphore, #tpu.memory_space<semaphore_mem>>) src(%dma_wait3A_1680 : memref<1x6250x128xi8, #tpu.memory_space<vmem>>) dst(%dma_wait3A_1676 : memref<1x6250x128xi8, #tpu.memory_space<hbm>>)
    %dma_start3A_1681 = arith.constant 2 : i32
    %dma_start3A_1682 = tpu.memref_slice %arg3[%dma_start3A_1681] : memref<24x!tpu.dma_semaphore, #tpu.memory_space<semaphore_mem>> -> memref<1x!tpu.dma_semaphore, #tpu.memory_space<semaphore_mem>>
    %dma_start3A_1683 = tpu.memref_squeeze %dma_start3A_1682 : memref<1x!tpu.dma_semaphore, #tpu.memory_space<semaphore_mem>> -> memref<!tpu.dma_semaphore, #tpu.memory_space<semaphore_mem>>
    %dma_start3A_1684 = arith.constant 2 : i32
    %dma_start3A_1685 = arith.constant 0 : i32
    %dma_start3A_1686 = arith.constant 0 : i32
    %dma_start3A_1687 = tpu.memref_slice %arg2[%dma_start3A_1684, %dma_start3A_1685, %dma_start3A_1686] : memref<24x6250x128xi8, #tpu.memory_space<vmem>> -> memref<1x6250x128xi8, #tpu.memory_space<vmem>>
    %dma_start3A_1688 = arith.constant 50 : i32
    %dma_start3A_1689 = arith.constant 0 : i32
    %dma_start3A_1690 = arith.constant 0 : i32
    %dma_start3A_1691 = tpu.memref_slice %arg0[%dma_start3A_1688, %dma_start3A_1689, %dma_start3A_1690] : memref<55x6250x128xi8, #tpu.memory_space<hbm>> -> memref<1x6250x128xi8, #tpu.memory_space<hbm>>
    tpu.enqueue_dma source(%dma_start3A_1691 : memref<1x6250x128xi8, #tpu.memory_space<hbm>>) target(%dma_start3A_1687 : memref<1x6250x128xi8, #tpu.memory_space<vmem>>) target_semaphore(%dma_start3A_1683 : memref<!tpu.dma_semaphore, #tpu.memory_space<semaphore_mem>>)
    %dma_wait3A_1692 = arith.constant 14 : i32
    %dma_wait3A_1693 = tpu.memref_slice %arg3[%dma_wait3A_1692] : memref<24x!tpu.dma_semaphore, #tpu.memory_space<semaphore_mem>> -> memref<1x!tpu.dma_semaphore, #tpu.memory_space<semaphore_mem>>
    %dma_wait3A_1694 = tpu.memref_squeeze %dma_wait3A_1693 : memref<1x!tpu.dma_semaphore, #tpu.memory_space<semaphore_mem>> -> memref<!tpu.dma_semaphore, #tpu.memory_space<semaphore_mem>>
    %dma_wait3A_1695 = arith.constant 14 : i32
    %dma_wait3A_1696 = arith.constant 0 : i32
    %dma_wait3A_1697 = arith.constant 0 : i32
    %dma_wait3A_1698 = tpu.memref_slice %arg2[%dma_wait3A_1695, %dma_wait3A_1696, %dma_wait3A_1697] : memref<24x6250x128xi8, #tpu.memory_space<vmem>> -> memref<1x6250x128xi8, #tpu.memory_space<vmem>>
    %dma_wait3A_1699 = arith.constant 38 : i32
    %dma_wait3A_1700 = arith.constant 0 : i32
    %dma_wait3A_1701 = arith.constant 0 : i32
    %dma_wait3A_1702 = tpu.memref_slice %arg0[%dma_wait3A_1699, %dma_wait3A_1700, %dma_wait3A_1701] : memref<55x6250x128xi8, #tpu.memory_space<hbm>> -> memref<1x6250x128xi8, #tpu.memory_space<hbm>>
    tpu.wait_dma2 semaphore(%dma_wait3A_1694 : memref<!tpu.dma_semaphore, #tpu.memory_space<semaphore_mem>>) src(%dma_wait3A_1702 : memref<1x6250x128xi8, #tpu.memory_space<hbm>>) dst(%dma_wait3A_1698 : memref<1x6250x128xi8, #tpu.memory_space<vmem>>)
    %dma_start3A_1703 = arith.constant 14 : i32
    %dma_start3A_1704 = tpu.memref_slice %arg4[%dma_start3A_1703] : memref<24x!tpu.dma_semaphore, #tpu.memory_space<semaphore_mem>> -> memref<1x!tpu.dma_semaphore, #tpu.memory_space<semaphore_mem>>
    %dma_start3A_1705 = tpu.memref_squeeze %dma_start3A_1704 : memref<1x!tpu.dma_semaphore, #tpu.memory_space<semaphore_mem>> -> memref<!tpu.dma_semaphore, #tpu.memory_space<semaphore_mem>>
    %dma_start3A_1706 = arith.constant 38 : i32
    %dma_start3A_1707 = arith.constant 0 : i32
    %dma_start3A_1708 = arith.constant 0 : i32
    %dma_start3A_1709 = tpu.memref_slice %arg1[%dma_start3A_1706, %dma_start3A_1707, %dma_start3A_1708] : memref<55x6250x128xi8, #tpu.memory_space<hbm>> -> memref<1x6250x128xi8, #tpu.memory_space<hbm>>
    %dma_start3A_1710 = arith.constant 14 : i32
    %dma_start3A_1711 = arith.constant 0 : i32
    %dma_start3A_1712 = arith.constant 0 : i32
    %dma_start3A_1713 = tpu.memref_slice %arg2[%dma_start3A_1710, %dma_start3A_1711, %dma_start3A_1712] : memref<24x6250x128xi8, #tpu.memory_space<vmem>> -> memref<1x6250x128xi8, #tpu.memory_space<vmem>>
    tpu.enqueue_dma source(%dma_start3A_1713 : memref<1x6250x128xi8, #tpu.memory_space<vmem>>) target(%dma_start3A_1709 : memref<1x6250x128xi8, #tpu.memory_space<hbm>>) target_semaphore(%dma_start3A_1705 : memref<!tpu.dma_semaphore, #tpu.memory_space<semaphore_mem>>)
    %dma_wait3A_1714 = arith.constant 3 : i32
    %dma_wait3A_1715 = tpu.memref_slice %arg4[%dma_wait3A_1714] : memref<24x!tpu.dma_semaphore, #tpu.memory_space<semaphore_mem>> -> memref<1x!tpu.dma_semaphore, #tpu.memory_space<semaphore_mem>>
    %dma_wait3A_1716 = tpu.memref_squeeze %dma_wait3A_1715 : memref<1x!tpu.dma_semaphore, #tpu.memory_space<semaphore_mem>> -> memref<!tpu.dma_semaphore, #tpu.memory_space<semaphore_mem>>
    %dma_wait3A_1717 = arith.constant 27 : i32
    %dma_wait3A_1718 = arith.constant 0 : i32
    %dma_wait3A_1719 = arith.constant 0 : i32
    %dma_wait3A_1720 = tpu.memref_slice %arg1[%dma_wait3A_1717, %dma_wait3A_1718, %dma_wait3A_1719] : memref<55x6250x128xi8, #tpu.memory_space<hbm>> -> memref<1x6250x128xi8, #tpu.memory_space<hbm>>
    %dma_wait3A_1721 = arith.constant 3 : i32
    %dma_wait3A_1722 = arith.constant 0 : i32
    %dma_wait3A_1723 = arith.constant 0 : i32
    %dma_wait3A_1724 = tpu.memref_slice %arg2[%dma_wait3A_1721, %dma_wait3A_1722, %dma_wait3A_1723] : memref<24x6250x128xi8, #tpu.memory_space<vmem>> -> memref<1x6250x128xi8, #tpu.memory_space<vmem>>
    tpu.wait_dma2 semaphore(%dma_wait3A_1716 : memref<!tpu.dma_semaphore, #tpu.memory_space<semaphore_mem>>) src(%dma_wait3A_1724 : memref<1x6250x128xi8, #tpu.memory_space<vmem>>) dst(%dma_wait3A_1720 : memref<1x6250x128xi8, #tpu.memory_space<hbm>>)
    %dma_start3A_1725 = arith.constant 3 : i32
    %dma_start3A_1726 = tpu.memref_slice %arg3[%dma_start3A_1725] : memref<24x!tpu.dma_semaphore, #tpu.memory_space<semaphore_mem>> -> memref<1x!tpu.dma_semaphore, #tpu.memory_space<semaphore_mem>>
    %dma_start3A_1727 = tpu.memref_squeeze %dma_start3A_1726 : memref<1x!tpu.dma_semaphore, #tpu.memory_space<semaphore_mem>> -> memref<!tpu.dma_semaphore, #tpu.memory_space<semaphore_mem>>
    %dma_start3A_1728 = arith.constant 3 : i32
    %dma_start3A_1729 = arith.constant 0 : i32
    %dma_start3A_1730 = arith.constant 0 : i32
    %dma_start3A_1731 = tpu.memref_slice %arg2[%dma_start3A_1728, %dma_start3A_1729, %dma_start3A_1730] : memref<24x6250x128xi8, #tpu.memory_space<vmem>> -> memref<1x6250x128xi8, #tpu.memory_space<vmem>>
    %dma_start3A_1732 = arith.constant 51 : i32
    %dma_start3A_1733 = arith.constant 0 : i32
    %dma_start3A_1734 = arith.constant 0 : i32
    %dma_start3A_1735 = tpu.memref_slice %arg0[%dma_start3A_1732, %dma_start3A_1733, %dma_start3A_1734] : memref<55x6250x128xi8, #tpu.memory_space<hbm>> -> memref<1x6250x128xi8, #tpu.memory_space<hbm>>
    tpu.enqueue_dma source(%dma_start3A_1735 : memref<1x6250x128xi8, #tpu.memory_space<hbm>>) target(%dma_start3A_1731 : memref<1x6250x128xi8, #tpu.memory_space<vmem>>) target_semaphore(%dma_start3A_1727 : memref<!tpu.dma_semaphore, #tpu.memory_space<semaphore_mem>>)
    %dma_wait3A_1736 = arith.constant 15 : i32
    %dma_wait3A_1737 = tpu.memref_slice %arg3[%dma_wait3A_1736] : memref<24x!tpu.dma_semaphore, #tpu.memory_space<semaphore_mem>> -> memref<1x!tpu.dma_semaphore, #tpu.memory_space<semaphore_mem>>
    %dma_wait3A_1738 = tpu.memref_squeeze %dma_wait3A_1737 : memref<1x!tpu.dma_semaphore, #tpu.memory_space<semaphore_mem>> -> memref<!tpu.dma_semaphore, #tpu.memory_space<semaphore_mem>>
    %dma_wait3A_1739 = arith.constant 15 : i32
    %dma_wait3A_1740 = arith.constant 0 : i32
    %dma_wait3A_1741 = arith.constant 0 : i32
    %dma_wait3A_1742 = tpu.memref_slice %arg2[%dma_wait3A_1739, %dma_wait3A_1740, %dma_wait3A_1741] : memref<24x6250x128xi8, #tpu.memory_space<vmem>> -> memref<1x6250x128xi8, #tpu.memory_space<vmem>>
    %dma_wait3A_1743 = arith.constant 39 : i32
    %dma_wait3A_1744 = arith.constant 0 : i32
    %dma_wait3A_1745 = arith.constant 0 : i32
    %dma_wait3A_1746 = tpu.memref_slice %arg0[%dma_wait3A_1743, %dma_wait3A_1744, %dma_wait3A_1745] : memref<55x6250x128xi8, #tpu.memory_space<hbm>> -> memref<1x6250x128xi8, #tpu.memory_space<hbm>>
    tpu.wait_dma2 semaphore(%dma_wait3A_1738 : memref<!tpu.dma_semaphore, #tpu.memory_space<semaphore_mem>>) src(%dma_wait3A_1746 : memref<1x6250x128xi8, #tpu.memory_space<hbm>>) dst(%dma_wait3A_1742 : memref<1x6250x128xi8, #tpu.memory_space<vmem>>)
    %dma_start3A_1747 = arith.constant 15 : i32
    %dma_start3A_1748 = tpu.memref_slice %arg4[%dma_start3A_1747] : memref<24x!tpu.dma_semaphore, #tpu.memory_space<semaphore_mem>> -> memref<1x!tpu.dma_semaphore, #tpu.memory_space<semaphore_mem>>
    %dma_start3A_1749 = tpu.memref_squeeze %dma_start3A_1748 : memref<1x!tpu.dma_semaphore, #tpu.memory_space<semaphore_mem>> -> memref<!tpu.dma_semaphore, #tpu.memory_space<semaphore_mem>>
    %dma_start3A_1750 = arith.constant 39 : i32
    %dma_start3A_1751 = arith.constant 0 : i32
    %dma_start3A_1752 = arith.constant 0 : i32
    %dma_start3A_1753 = tpu.memref_slice %arg1[%dma_start3A_1750, %dma_start3A_1751, %dma_start3A_1752] : memref<55x6250x128xi8, #tpu.memory_space<hbm>> -> memref<1x6250x128xi8, #tpu.memory_space<hbm>>
    %dma_start3A_1754 = arith.constant 15 : i32
    %dma_start3A_1755 = arith.constant 0 : i32
    %dma_start3A_1756 = arith.constant 0 : i32
    %dma_start3A_1757 = tpu.memref_slice %arg2[%dma_start3A_1754, %dma_start3A_1755, %dma_start3A_1756] : memref<24x6250x128xi8, #tpu.memory_space<vmem>> -> memref<1x6250x128xi8, #tpu.memory_space<vmem>>
    tpu.enqueue_dma source(%dma_start3A_1757 : memref<1x6250x128xi8, #tpu.memory_space<vmem>>) target(%dma_start3A_1753 : memref<1x6250x128xi8, #tpu.memory_space<hbm>>) target_semaphore(%dma_start3A_1749 : memref<!tpu.dma_semaphore, #tpu.memory_space<semaphore_mem>>)
    %dma_wait3A_1758 = arith.constant 4 : i32
    %dma_wait3A_1759 = tpu.memref_slice %arg4[%dma_wait3A_1758] : memref<24x!tpu.dma_semaphore, #tpu.memory_space<semaphore_mem>> -> memref<1x!tpu.dma_semaphore, #tpu.memory_space<semaphore_mem>>
    %dma_wait3A_1760 = tpu.memref_squeeze %dma_wait3A_1759 : memref<1x!tpu.dma_semaphore, #tpu.memory_space<semaphore_mem>> -> memref<!tpu.dma_semaphore, #tpu.memory_space<semaphore_mem>>
    %dma_wait3A_1761 = arith.constant 28 : i32
    %dma_wait3A_1762 = arith.constant 0 : i32
    %dma_wait3A_1763 = arith.constant 0 : i32
    %dma_wait3A_1764 = tpu.memref_slice %arg1[%dma_wait3A_1761, %dma_wait3A_1762, %dma_wait3A_1763] : memref<55x6250x128xi8, #tpu.memory_space<hbm>> -> memref<1x6250x128xi8, #tpu.memory_space<hbm>>
    %dma_wait3A_1765 = arith.constant 4 : i32
    %dma_wait3A_1766 = arith.constant 0 : i32
    %dma_wait3A_1767 = arith.constant 0 : i32
    %dma_wait3A_1768 = tpu.memref_slice %arg2[%dma_wait3A_1765, %dma_wait3A_1766, %dma_wait3A_1767] : memref<24x6250x128xi8, #tpu.memory_space<vmem>> -> memref<1x6250x128xi8, #tpu.memory_space<vmem>>
    tpu.wait_dma2 semaphore(%dma_wait3A_1760 : memref<!tpu.dma_semaphore, #tpu.memory_space<semaphore_mem>>) src(%dma_wait3A_1768 : memref<1x6250x128xi8, #tpu.memory_space<vmem>>) dst(%dma_wait3A_1764 : memref<1x6250x128xi8, #tpu.memory_space<hbm>>)
    %dma_start3A_1769 = arith.constant 4 : i32
    %dma_start3A_1770 = tpu.memref_slice %arg3[%dma_start3A_1769] : memref<24x!tpu.dma_semaphore, #tpu.memory_space<semaphore_mem>> -> memref<1x!tpu.dma_semaphore, #tpu.memory_space<semaphore_mem>>
    %dma_start3A_1771 = tpu.memref_squeeze %dma_start3A_1770 : memref<1x!tpu.dma_semaphore, #tpu.memory_space<semaphore_mem>> -> memref<!tpu.dma_semaphore, #tpu.memory_space<semaphore_mem>>
    %dma_start3A_1772 = arith.constant 4 : i32
    %dma_start3A_1773 = arith.constant 0 : i32
    %dma_start3A_1774 = arith.constant 0 : i32
    %dma_start3A_1775 = tpu.memref_slice %arg2[%dma_start3A_1772, %dma_start3A_1773, %dma_start3A_1774] : memref<24x6250x128xi8, #tpu.memory_space<vmem>> -> memref<1x6250x128xi8, #tpu.memory_space<vmem>>
    %dma_start3A_1776 = arith.constant 52 : i32
    %dma_start3A_1777 = arith.constant 0 : i32
    %dma_start3A_1778 = arith.constant 0 : i32
    %dma_start3A_1779 = tpu.memref_slice %arg0[%dma_start3A_1776, %dma_start3A_1777, %dma_start3A_1778] : memref<55x6250x128xi8, #tpu.memory_space<hbm>> -> memref<1x6250x128xi8, #tpu.memory_space<hbm>>
    tpu.enqueue_dma source(%dma_start3A_1779 : memref<1x6250x128xi8, #tpu.memory_space<hbm>>) target(%dma_start3A_1775 : memref<1x6250x128xi8, #tpu.memory_space<vmem>>) target_semaphore(%dma_start3A_1771 : memref<!tpu.dma_semaphore, #tpu.memory_space<semaphore_mem>>)
    %dma_wait3A_1780 = arith.constant 16 : i32
    %dma_wait3A_1781 = tpu.memref_slice %arg3[%dma_wait3A_1780] : memref<24x!tpu.dma_semaphore, #tpu.memory_space<semaphore_mem>> -> memref<1x!tpu.dma_semaphore, #tpu.memory_space<semaphore_mem>>
    %dma_wait3A_1782 = tpu.memref_squeeze %dma_wait3A_1781 : memref<1x!tpu.dma_semaphore, #tpu.memory_space<semaphore_mem>> -> memref<!tpu.dma_semaphore, #tpu.memory_space<semaphore_mem>>
    %dma_wait3A_1783 = arith.constant 16 : i32
    %dma_wait3A_1784 = arith.constant 0 : i32
    %dma_wait3A_1785 = arith.constant 0 : i32
    %dma_wait3A_1786 = tpu.memref_slice %arg2[%dma_wait3A_1783, %dma_wait3A_1784, %dma_wait3A_1785] : memref<24x6250x128xi8, #tpu.memory_space<vmem>> -> memref<1x6250x128xi8, #tpu.memory_space<vmem>>
    %dma_wait3A_1787 = arith.constant 40 : i32
    %dma_wait3A_1788 = arith.constant 0 : i32
    %dma_wait3A_1789 = arith.constant 0 : i32
    %dma_wait3A_1790 = tpu.memref_slice %arg0[%dma_wait3A_1787, %dma_wait3A_1788, %dma_wait3A_1789] : memref<55x6250x128xi8, #tpu.memory_space<hbm>> -> memref<1x6250x128xi8, #tpu.memory_space<hbm>>
    tpu.wait_dma2 semaphore(%dma_wait3A_1782 : memref<!tpu.dma_semaphore, #tpu.memory_space<semaphore_mem>>) src(%dma_wait3A_1790 : memref<1x6250x128xi8, #tpu.memory_space<hbm>>) dst(%dma_wait3A_1786 : memref<1x6250x128xi8, #tpu.memory_space<vmem>>)
    %dma_start3A_1791 = arith.constant 16 : i32
    %dma_start3A_1792 = tpu.memref_slice %arg4[%dma_start3A_1791] : memref<24x!tpu.dma_semaphore, #tpu.memory_space<semaphore_mem>> -> memref<1x!tpu.dma_semaphore, #tpu.memory_space<semaphore_mem>>
    %dma_start3A_1793 = tpu.memref_squeeze %dma_start3A_1792 : memref<1x!tpu.dma_semaphore, #tpu.memory_space<semaphore_mem>> -> memref<!tpu.dma_semaphore, #tpu.memory_space<semaphore_mem>>
    %dma_start3A_1794 = arith.constant 40 : i32
    %dma_start3A_1795 = arith.constant 0 : i32
    %dma_start3A_1796 = arith.constant 0 : i32
    %dma_start3A_1797 = tpu.memref_slice %arg1[%dma_start3A_1794, %dma_start3A_1795, %dma_start3A_1796] : memref<55x6250x128xi8, #tpu.memory_space<hbm>> -> memref<1x6250x128xi8, #tpu.memory_space<hbm>>
    %dma_start3A_1798 = arith.constant 16 : i32
    %dma_start3A_1799 = arith.constant 0 : i32
    %dma_start3A_1800 = arith.constant 0 : i32
    %dma_start3A_1801 = tpu.memref_slice %arg2[%dma_start3A_1798, %dma_start3A_1799, %dma_start3A_1800] : memref<24x6250x128xi8, #tpu.memory_space<vmem>> -> memref<1x6250x128xi8, #tpu.memory_space<vmem>>
    tpu.enqueue_dma source(%dma_start3A_1801 : memref<1x6250x128xi8, #tpu.memory_space<vmem>>) target(%dma_start3A_1797 : memref<1x6250x128xi8, #tpu.memory_space<hbm>>) target_semaphore(%dma_start3A_1793 : memref<!tpu.dma_semaphore, #tpu.memory_space<semaphore_mem>>)
    %dma_wait3A_1802 = arith.constant 5 : i32
    %dma_wait3A_1803 = tpu.memref_slice %arg4[%dma_wait3A_1802] : memref<24x!tpu.dma_semaphore, #tpu.memory_space<semaphore_mem>> -> memref<1x!tpu.dma_semaphore, #tpu.memory_space<semaphore_mem>>
    %dma_wait3A_1804 = tpu.memref_squeeze %dma_wait3A_1803 : memref<1x!tpu.dma_semaphore, #tpu.memory_space<semaphore_mem>> -> memref<!tpu.dma_semaphore, #tpu.memory_space<semaphore_mem>>
    %dma_wait3A_1805 = arith.constant 29 : i32
    %dma_wait3A_1806 = arith.constant 0 : i32
    %dma_wait3A_1807 = arith.constant 0 : i32
    %dma_wait3A_1808 = tpu.memref_slice %arg1[%dma_wait3A_1805, %dma_wait3A_1806, %dma_wait3A_1807] : memref<55x6250x128xi8, #tpu.memory_space<hbm>> -> memref<1x6250x128xi8, #tpu.memory_space<hbm>>
    %dma_wait3A_1809 = arith.constant 5 : i32
    %dma_wait3A_1810 = arith.constant 0 : i32
    %dma_wait3A_1811 = arith.constant 0 : i32
    %dma_wait3A_1812 = tpu.memref_slice %arg2[%dma_wait3A_1809, %dma_wait3A_1810, %dma_wait3A_1811] : memref<24x6250x128xi8, #tpu.memory_space<vmem>> -> memref<1x6250x128xi8, #tpu.memory_space<vmem>>
    tpu.wait_dma2 semaphore(%dma_wait3A_1804 : memref<!tpu.dma_semaphore, #tpu.memory_space<semaphore_mem>>) src(%dma_wait3A_1812 : memref<1x6250x128xi8, #tpu.memory_space<vmem>>) dst(%dma_wait3A_1808 : memref<1x6250x128xi8, #tpu.memory_space<hbm>>)
    %dma_start3A_1813 = arith.constant 5 : i32
    %dma_start3A_1814 = tpu.memref_slice %arg3[%dma_start3A_1813] : memref<24x!tpu.dma_semaphore, #tpu.memory_space<semaphore_mem>> -> memref<1x!tpu.dma_semaphore, #tpu.memory_space<semaphore_mem>>
    %dma_start3A_1815 = tpu.memref_squeeze %dma_start3A_1814 : memref<1x!tpu.dma_semaphore, #tpu.memory_space<semaphore_mem>> -> memref<!tpu.dma_semaphore, #tpu.memory_space<semaphore_mem>>
    %dma_start3A_1816 = arith.constant 5 : i32
    %dma_start3A_1817 = arith.constant 0 : i32
    %dma_start3A_1818 = arith.constant 0 : i32
    %dma_start3A_1819 = tpu.memref_slice %arg2[%dma_start3A_1816, %dma_start3A_1817, %dma_start3A_1818] : memref<24x6250x128xi8, #tpu.memory_space<vmem>> -> memref<1x6250x128xi8, #tpu.memory_space<vmem>>
    %dma_start3A_1820 = arith.constant 53 : i32
    %dma_start3A_1821 = arith.constant 0 : i32
    %dma_start3A_1822 = arith.constant 0 : i32
    %dma_start3A_1823 = tpu.memref_slice %arg0[%dma_start3A_1820, %dma_start3A_1821, %dma_start3A_1822] : memref<55x6250x128xi8, #tpu.memory_space<hbm>> -> memref<1x6250x128xi8, #tpu.memory_space<hbm>>
    tpu.enqueue_dma source(%dma_start3A_1823 : memref<1x6250x128xi8, #tpu.memory_space<hbm>>) target(%dma_start3A_1819 : memref<1x6250x128xi8, #tpu.memory_space<vmem>>) target_semaphore(%dma_start3A_1815 : memref<!tpu.dma_semaphore, #tpu.memory_space<semaphore_mem>>)
    %dma_wait3A_1824 = arith.constant 17 : i32
    %dma_wait3A_1825 = tpu.memref_slice %arg3[%dma_wait3A_1824] : memref<24x!tpu.dma_semaphore, #tpu.memory_space<semaphore_mem>> -> memref<1x!tpu.dma_semaphore, #tpu.memory_space<semaphore_mem>>
    %dma_wait3A_1826 = tpu.memref_squeeze %dma_wait3A_1825 : memref<1x!tpu.dma_semaphore, #tpu.memory_space<semaphore_mem>> -> memref<!tpu.dma_semaphore, #tpu.memory_space<semaphore_mem>>
    %dma_wait3A_1827 = arith.constant 17 : i32
    %dma_wait3A_1828 = arith.constant 0 : i32
    %dma_wait3A_1829 = arith.constant 0 : i32
    %dma_wait3A_1830 = tpu.memref_slice %arg2[%dma_wait3A_1827, %dma_wait3A_1828, %dma_wait3A_1829] : memref<24x6250x128xi8, #tpu.memory_space<vmem>> -> memref<1x6250x128xi8, #tpu.memory_space<vmem>>
    %dma_wait3A_1831 = arith.constant 41 : i32
    %dma_wait3A_1832 = arith.constant 0 : i32
    %dma_wait3A_1833 = arith.constant 0 : i32
    %dma_wait3A_1834 = tpu.memref_slice %arg0[%dma_wait3A_1831, %dma_wait3A_1832, %dma_wait3A_1833] : memref<55x6250x128xi8, #tpu.memory_space<hbm>> -> memref<1x6250x128xi8, #tpu.memory_space<hbm>>
    tpu.wait_dma2 semaphore(%dma_wait3A_1826 : memref<!tpu.dma_semaphore, #tpu.memory_space<semaphore_mem>>) src(%dma_wait3A_1834 : memref<1x6250x128xi8, #tpu.memory_space<hbm>>) dst(%dma_wait3A_1830 : memref<1x6250x128xi8, #tpu.memory_space<vmem>>)
    %dma_start3A_1835 = arith.constant 17 : i32
    %dma_start3A_1836 = tpu.memref_slice %arg4[%dma_start3A_1835] : memref<24x!tpu.dma_semaphore, #tpu.memory_space<semaphore_mem>> -> memref<1x!tpu.dma_semaphore, #tpu.memory_space<semaphore_mem>>
    %dma_start3A_1837 = tpu.memref_squeeze %dma_start3A_1836 : memref<1x!tpu.dma_semaphore, #tpu.memory_space<semaphore_mem>> -> memref<!tpu.dma_semaphore, #tpu.memory_space<semaphore_mem>>
    %dma_start3A_1838 = arith.constant 41 : i32
    %dma_start3A_1839 = arith.constant 0 : i32
    %dma_start3A_1840 = arith.constant 0 : i32
    %dma_start3A_1841 = tpu.memref_slice %arg1[%dma_start3A_1838, %dma_start3A_1839, %dma_start3A_1840] : memref<55x6250x128xi8, #tpu.memory_space<hbm>> -> memref<1x6250x128xi8, #tpu.memory_space<hbm>>
    %dma_start3A_1842 = arith.constant 17 : i32
    %dma_start3A_1843 = arith.constant 0 : i32
    %dma_start3A_1844 = arith.constant 0 : i32
    %dma_start3A_1845 = tpu.memref_slice %arg2[%dma_start3A_1842, %dma_start3A_1843, %dma_start3A_1844] : memref<24x6250x128xi8, #tpu.memory_space<vmem>> -> memref<1x6250x128xi8, #tpu.memory_space<vmem>>
    tpu.enqueue_dma source(%dma_start3A_1845 : memref<1x6250x128xi8, #tpu.memory_space<vmem>>) target(%dma_start3A_1841 : memref<1x6250x128xi8, #tpu.memory_space<hbm>>) target_semaphore(%dma_start3A_1837 : memref<!tpu.dma_semaphore, #tpu.memory_space<semaphore_mem>>)
    %dma_wait3A_1846 = arith.constant 6 : i32
    %dma_wait3A_1847 = tpu.memref_slice %arg4[%dma_wait3A_1846] : memref<24x!tpu.dma_semaphore, #tpu.memory_space<semaphore_mem>> -> memref<1x!tpu.dma_semaphore, #tpu.memory_space<semaphore_mem>>
    %dma_wait3A_1848 = tpu.memref_squeeze %dma_wait3A_1847 : memref<1x!tpu.dma_semaphore, #tpu.memory_space<semaphore_mem>> -> memref<!tpu.dma_semaphore, #tpu.memory_space<semaphore_mem>>
    %dma_wait3A_1849 = arith.constant 30 : i32
    %dma_wait3A_1850 = arith.constant 0 : i32
    %dma_wait3A_1851 = arith.constant 0 : i32
    %dma_wait3A_1852 = tpu.memref_slice %arg1[%dma_wait3A_1849, %dma_wait3A_1850, %dma_wait3A_1851] : memref<55x6250x128xi8, #tpu.memory_space<hbm>> -> memref<1x6250x128xi8, #tpu.memory_space<hbm>>
    %dma_wait3A_1853 = arith.constant 6 : i32
    %dma_wait3A_1854 = arith.constant 0 : i32
    %dma_wait3A_1855 = arith.constant 0 : i32
    %dma_wait3A_1856 = tpu.memref_slice %arg2[%dma_wait3A_1853, %dma_wait3A_1854, %dma_wait3A_1855] : memref<24x6250x128xi8, #tpu.memory_space<vmem>> -> memref<1x6250x128xi8, #tpu.memory_space<vmem>>
    tpu.wait_dma2 semaphore(%dma_wait3A_1848 : memref<!tpu.dma_semaphore, #tpu.memory_space<semaphore_mem>>) src(%dma_wait3A_1856 : memref<1x6250x128xi8, #tpu.memory_space<vmem>>) dst(%dma_wait3A_1852 : memref<1x6250x128xi8, #tpu.memory_space<hbm>>)
    %dma_start3A_1857 = arith.constant 6 : i32
    %dma_start3A_1858 = tpu.memref_slice %arg3[%dma_start3A_1857] : memref<24x!tpu.dma_semaphore, #tpu.memory_space<semaphore_mem>> -> memref<1x!tpu.dma_semaphore, #tpu.memory_space<semaphore_mem>>
    %dma_start3A_1859 = tpu.memref_squeeze %dma_start3A_1858 : memref<1x!tpu.dma_semaphore, #tpu.memory_space<semaphore_mem>> -> memref<!tpu.dma_semaphore, #tpu.memory_space<semaphore_mem>>
    %dma_start3A_1860 = arith.constant 6 : i32
    %dma_start3A_1861 = arith.constant 0 : i32
    %dma_start3A_1862 = arith.constant 0 : i32
    %dma_start3A_1863 = tpu.memref_slice %arg2[%dma_start3A_1860, %dma_start3A_1861, %dma_start3A_1862] : memref<24x6250x128xi8, #tpu.memory_space<vmem>> -> memref<1x6250x128xi8, #tpu.memory_space<vmem>>
    %dma_start3A_1864 = arith.constant 54 : i32
    %dma_start3A_1865 = arith.constant 0 : i32
    %dma_start3A_1866 = arith.constant 0 : i32
    %dma_start3A_1867 = tpu.memref_slice %arg0[%dma_start3A_1864, %dma_start3A_1865, %dma_start3A_1866] : memref<55x6250x128xi8, #tpu.memory_space<hbm>> -> memref<1x6250x128xi8, #tpu.memory_space<hbm>>
    tpu.enqueue_dma source(%dma_start3A_1867 : memref<1x6250x128xi8, #tpu.memory_space<hbm>>) target(%dma_start3A_1863 : memref<1x6250x128xi8, #tpu.memory_space<vmem>>) target_semaphore(%dma_start3A_1859 : memref<!tpu.dma_semaphore, #tpu.memory_space<semaphore_mem>>)
    %dma_wait3A_1868 = arith.constant 18 : i32
    %dma_wait3A_1869 = tpu.memref_slice %arg3[%dma_wait3A_1868] : memref<24x!tpu.dma_semaphore, #tpu.memory_space<semaphore_mem>> -> memref<1x!tpu.dma_semaphore, #tpu.memory_space<semaphore_mem>>
    %dma_wait3A_1870 = tpu.memref_squeeze %dma_wait3A_1869 : memref<1x!tpu.dma_semaphore, #tpu.memory_space<semaphore_mem>> -> memref<!tpu.dma_semaphore, #tpu.memory_space<semaphore_mem>>
    %dma_wait3A_1871 = arith.constant 18 : i32
    %dma_wait3A_1872 = arith.constant 0 : i32
    %dma_wait3A_1873 = arith.constant 0 : i32
    %dma_wait3A_1874 = tpu.memref_slice %arg2[%dma_wait3A_1871, %dma_wait3A_1872, %dma_wait3A_1873] : memref<24x6250x128xi8, #tpu.memory_space<vmem>> -> memref<1x6250x128xi8, #tpu.memory_space<vmem>>
    %dma_wait3A_1875 = arith.constant 42 : i32
    %dma_wait3A_1876 = arith.constant 0 : i32
    %dma_wait3A_1877 = arith.constant 0 : i32
    %dma_wait3A_1878 = tpu.memref_slice %arg0[%dma_wait3A_1875, %dma_wait3A_1876, %dma_wait3A_1877] : memref<55x6250x128xi8, #tpu.memory_space<hbm>> -> memref<1x6250x128xi8, #tpu.memory_space<hbm>>
    tpu.wait_dma2 semaphore(%dma_wait3A_1870 : memref<!tpu.dma_semaphore, #tpu.memory_space<semaphore_mem>>) src(%dma_wait3A_1878 : memref<1x6250x128xi8, #tpu.memory_space<hbm>>) dst(%dma_wait3A_1874 : memref<1x6250x128xi8, #tpu.memory_space<vmem>>)
    %dma_start3A_1879 = arith.constant 18 : i32
    %dma_start3A_1880 = tpu.memref_slice %arg4[%dma_start3A_1879] : memref<24x!tpu.dma_semaphore, #tpu.memory_space<semaphore_mem>> -> memref<1x!tpu.dma_semaphore, #tpu.memory_space<semaphore_mem>>
    %dma_start3A_1881 = tpu.memref_squeeze %dma_start3A_1880 : memref<1x!tpu.dma_semaphore, #tpu.memory_space<semaphore_mem>> -> memref<!tpu.dma_semaphore, #tpu.memory_space<semaphore_mem>>
    %dma_start3A_1882 = arith.constant 42 : i32
    %dma_start3A_1883 = arith.constant 0 : i32
    %dma_start3A_1884 = arith.constant 0 : i32
    %dma_start3A_1885 = tpu.memref_slice %arg1[%dma_start3A_1882, %dma_start3A_1883, %dma_start3A_1884] : memref<55x6250x128xi8, #tpu.memory_space<hbm>> -> memref<1x6250x128xi8, #tpu.memory_space<hbm>>
    %dma_start3A_1886 = arith.constant 18 : i32
    %dma_start3A_1887 = arith.constant 0 : i32
    %dma_start3A_1888 = arith.constant 0 : i32
    %dma_start3A_1889 = tpu.memref_slice %arg2[%dma_start3A_1886, %dma_start3A_1887, %dma_start3A_1888] : memref<24x6250x128xi8, #tpu.memory_space<vmem>> -> memref<1x6250x128xi8, #tpu.memory_space<vmem>>
    tpu.enqueue_dma source(%dma_start3A_1889 : memref<1x6250x128xi8, #tpu.memory_space<vmem>>) target(%dma_start3A_1885 : memref<1x6250x128xi8, #tpu.memory_space<hbm>>) target_semaphore(%dma_start3A_1881 : memref<!tpu.dma_semaphore, #tpu.memory_space<semaphore_mem>>)
    %dma_wait3A_1890 = arith.constant 19 : i32
    %dma_wait3A_1891 = tpu.memref_slice %arg3[%dma_wait3A_1890] : memref<24x!tpu.dma_semaphore, #tpu.memory_space<semaphore_mem>> -> memref<1x!tpu.dma_semaphore, #tpu.memory_space<semaphore_mem>>
    %dma_wait3A_1892 = tpu.memref_squeeze %dma_wait3A_1891 : memref<1x!tpu.dma_semaphore, #tpu.memory_space<semaphore_mem>> -> memref<!tpu.dma_semaphore, #tpu.memory_space<semaphore_mem>>
    %dma_wait3A_1893 = arith.constant 19 : i32
    %dma_wait3A_1894 = arith.constant 0 : i32
    %dma_wait3A_1895 = arith.constant 0 : i32
    %dma_wait3A_1896 = tpu.memref_slice %arg2[%dma_wait3A_1893, %dma_wait3A_1894, %dma_wait3A_1895] : memref<24x6250x128xi8, #tpu.memory_space<vmem>> -> memref<1x6250x128xi8, #tpu.memory_space<vmem>>
    %dma_wait3A_1897 = arith.constant 43 : i32
    %dma_wait3A_1898 = arith.constant 0 : i32
    %dma_wait3A_1899 = arith.constant 0 : i32
    %dma_wait3A_1900 = tpu.memref_slice %arg0[%dma_wait3A_1897, %dma_wait3A_1898, %dma_wait3A_1899] : memref<55x6250x128xi8, #tpu.memory_space<hbm>> -> memref<1x6250x128xi8, #tpu.memory_space<hbm>>
    tpu.wait_dma2 semaphore(%dma_wait3A_1892 : memref<!tpu.dma_semaphore, #tpu.memory_space<semaphore_mem>>) src(%dma_wait3A_1900 : memref<1x6250x128xi8, #tpu.memory_space<hbm>>) dst(%dma_wait3A_1896 : memref<1x6250x128xi8, #tpu.memory_space<vmem>>)
    %dma_start3A_1901 = arith.constant 19 : i32
    %dma_start3A_1902 = tpu.memref_slice %arg4[%dma_start3A_1901] : memref<24x!tpu.dma_semaphore, #tpu.memory_space<semaphore_mem>> -> memref<1x!tpu.dma_semaphore, #tpu.memory_space<semaphore_mem>>
    %dma_start3A_1903 = tpu.memref_squeeze %dma_start3A_1902 : memref<1x!tpu.dma_semaphore, #tpu.memory_space<semaphore_mem>> -> memref<!tpu.dma_semaphore, #tpu.memory_space<semaphore_mem>>
    %dma_start3A_1904 = arith.constant 43 : i32
    %dma_start3A_1905 = arith.constant 0 : i32
    %dma_start3A_1906 = arith.constant 0 : i32
    %dma_start3A_1907 = tpu.memref_slice %arg1[%dma_start3A_1904, %dma_start3A_1905, %dma_start3A_1906] : memref<55x6250x128xi8, #tpu.memory_space<hbm>> -> memref<1x6250x128xi8, #tpu.memory_space<hbm>>
    %dma_start3A_1908 = arith.constant 19 : i32
    %dma_start3A_1909 = arith.constant 0 : i32
    %dma_start3A_1910 = arith.constant 0 : i32
    %dma_start3A_1911 = tpu.memref_slice %arg2[%dma_start3A_1908, %dma_start3A_1909, %dma_start3A_1910] : memref<24x6250x128xi8, #tpu.memory_space<vmem>> -> memref<1x6250x128xi8, #tpu.memory_space<vmem>>
    tpu.enqueue_dma source(%dma_start3A_1911 : memref<1x6250x128xi8, #tpu.memory_space<vmem>>) target(%dma_start3A_1907 : memref<1x6250x128xi8, #tpu.memory_space<hbm>>) target_semaphore(%dma_start3A_1903 : memref<!tpu.dma_semaphore, #tpu.memory_space<semaphore_mem>>)
    %dma_wait3A_1912 = arith.constant 20 : i32
    %dma_wait3A_1913 = tpu.memref_slice %arg3[%dma_wait3A_1912] : memref<24x!tpu.dma_semaphore, #tpu.memory_space<semaphore_mem>> -> memref<1x!tpu.dma_semaphore, #tpu.memory_space<semaphore_mem>>
    %dma_wait3A_1914 = tpu.memref_squeeze %dma_wait3A_1913 : memref<1x!tpu.dma_semaphore, #tpu.memory_space<semaphore_mem>> -> memref<!tpu.dma_semaphore, #tpu.memory_space<semaphore_mem>>
    %dma_wait3A_1915 = arith.constant 20 : i32
    %dma_wait3A_1916 = arith.constant 0 : i32
    %dma_wait3A_1917 = arith.constant 0 : i32
    %dma_wait3A_1918 = tpu.memref_slice %arg2[%dma_wait3A_1915, %dma_wait3A_1916, %dma_wait3A_1917] : memref<24x6250x128xi8, #tpu.memory_space<vmem>> -> memref<1x6250x128xi8, #tpu.memory_space<vmem>>
    %dma_wait3A_1919 = arith.constant 44 : i32
    %dma_wait3A_1920 = arith.constant 0 : i32
    %dma_wait3A_1921 = arith.constant 0 : i32
    %dma_wait3A_1922 = tpu.memref_slice %arg0[%dma_wait3A_1919, %dma_wait3A_1920, %dma_wait3A_1921] : memref<55x6250x128xi8, #tpu.memory_space<hbm>> -> memref<1x6250x128xi8, #tpu.memory_space<hbm>>
    tpu.wait_dma2 semaphore(%dma_wait3A_1914 : memref<!tpu.dma_semaphore, #tpu.memory_space<semaphore_mem>>) src(%dma_wait3A_1922 : memref<1x6250x128xi8, #tpu.memory_space<hbm>>) dst(%dma_wait3A_1918 : memref<1x6250x128xi8, #tpu.memory_space<vmem>>)
    %dma_start3A_1923 = arith.constant 20 : i32
    %dma_start3A_1924 = tpu.memref_slice %arg4[%dma_start3A_1923] : memref<24x!tpu.dma_semaphore, #tpu.memory_space<semaphore_mem>> -> memref<1x!tpu.dma_semaphore, #tpu.memory_space<semaphore_mem>>
    %dma_start3A_1925 = tpu.memref_squeeze %dma_start3A_1924 : memref<1x!tpu.dma_semaphore, #tpu.memory_space<semaphore_mem>> -> memref<!tpu.dma_semaphore, #tpu.memory_space<semaphore_mem>>
    %dma_start3A_1926 = arith.constant 44 : i32
    %dma_start3A_1927 = arith.constant 0 : i32
    %dma_start3A_1928 = arith.constant 0 : i32
    %dma_start3A_1929 = tpu.memref_slice %arg1[%dma_start3A_1926, %dma_start3A_1927, %dma_start3A_1928] : memref<55x6250x128xi8, #tpu.memory_space<hbm>> -> memref<1x6250x128xi8, #tpu.memory_space<hbm>>
    %dma_start3A_1930 = arith.constant 20 : i32
    %dma_start3A_1931 = arith.constant 0 : i32
    %dma_start3A_1932 = arith.constant 0 : i32
    %dma_start3A_1933 = tpu.memref_slice %arg2[%dma_start3A_1930, %dma_start3A_1931, %dma_start3A_1932] : memref<24x6250x128xi8, #tpu.memory_space<vmem>> -> memref<1x6250x128xi8, #tpu.memory_space<vmem>>
    tpu.enqueue_dma source(%dma_start3A_1933 : memref<1x6250x128xi8, #tpu.memory_space<vmem>>) target(%dma_start3A_1929 : memref<1x6250x128xi8, #tpu.memory_space<hbm>>) target_semaphore(%dma_start3A_1925 : memref<!tpu.dma_semaphore, #tpu.memory_space<semaphore_mem>>)
    %dma_wait3A_1934 = arith.constant 21 : i32
    %dma_wait3A_1935 = tpu.memref_slice %arg3[%dma_wait3A_1934] : memref<24x!tpu.dma_semaphore, #tpu.memory_space<semaphore_mem>> -> memref<1x!tpu.dma_semaphore, #tpu.memory_space<semaphore_mem>>
    %dma_wait3A_1936 = tpu.memref_squeeze %dma_wait3A_1935 : memref<1x!tpu.dma_semaphore, #tpu.memory_space<semaphore_mem>> -> memref<!tpu.dma_semaphore, #tpu.memory_space<semaphore_mem>>
    %dma_wait3A_1937 = arith.constant 21 : i32
    %dma_wait3A_1938 = arith.constant 0 : i32
    %dma_wait3A_1939 = arith.constant 0 : i32
    %dma_wait3A_1940 = tpu.memref_slice %arg2[%dma_wait3A_1937, %dma_wait3A_1938, %dma_wait3A_1939] : memref<24x6250x128xi8, #tpu.memory_space<vmem>> -> memref<1x6250x128xi8, #tpu.memory_space<vmem>>
    %dma_wait3A_1941 = arith.constant 45 : i32
    %dma_wait3A_1942 = arith.constant 0 : i32
    %dma_wait3A_1943 = arith.constant 0 : i32
    %dma_wait3A_1944 = tpu.memref_slice %arg0[%dma_wait3A_1941, %dma_wait3A_1942, %dma_wait3A_1943] : memref<55x6250x128xi8, #tpu.memory_space<hbm>> -> memref<1x6250x128xi8, #tpu.memory_space<hbm>>
    tpu.wait_dma2 semaphore(%dma_wait3A_1936 : memref<!tpu.dma_semaphore, #tpu.memory_space<semaphore_mem>>) src(%dma_wait3A_1944 : memref<1x6250x128xi8, #tpu.memory_space<hbm>>) dst(%dma_wait3A_1940 : memref<1x6250x128xi8, #tpu.memory_space<vmem>>)
    %dma_start3A_1945 = arith.constant 21 : i32
    %dma_start3A_1946 = tpu.memref_slice %arg4[%dma_start3A_1945] : memref<24x!tpu.dma_semaphore, #tpu.memory_space<semaphore_mem>> -> memref<1x!tpu.dma_semaphore, #tpu.memory_space<semaphore_mem>>
    %dma_start3A_1947 = tpu.memref_squeeze %dma_start3A_1946 : memref<1x!tpu.dma_semaphore, #tpu.memory_space<semaphore_mem>> -> memref<!tpu.dma_semaphore, #tpu.memory_space<semaphore_mem>>
    %dma_start3A_1948 = arith.constant 45 : i32
    %dma_start3A_1949 = arith.constant 0 : i32
    %dma_start3A_1950 = arith.constant 0 : i32
    %dma_start3A_1951 = tpu.memref_slice %arg1[%dma_start3A_1948, %dma_start3A_1949, %dma_start3A_1950] : memref<55x6250x128xi8, #tpu.memory_space<hbm>> -> memref<1x6250x128xi8, #tpu.memory_space<hbm>>
    %dma_start3A_1952 = arith.constant 21 : i32
    %dma_start3A_1953 = arith.constant 0 : i32
    %dma_start3A_1954 = arith.constant 0 : i32
    %dma_start3A_1955 = tpu.memref_slice %arg2[%dma_start3A_1952, %dma_start3A_1953, %dma_start3A_1954] : memref<24x6250x128xi8, #tpu.memory_space<vmem>> -> memref<1x6250x128xi8, #tpu.memory_space<vmem>>
    tpu.enqueue_dma source(%dma_start3A_1955 : memref<1x6250x128xi8, #tpu.memory_space<vmem>>) target(%dma_start3A_1951 : memref<1x6250x128xi8, #tpu.memory_space<hbm>>) target_semaphore(%dma_start3A_1947 : memref<!tpu.dma_semaphore, #tpu.memory_space<semaphore_mem>>)
    %dma_wait3A_1956 = arith.constant 22 : i32
    %dma_wait3A_1957 = tpu.memref_slice %arg3[%dma_wait3A_1956] : memref<24x!tpu.dma_semaphore, #tpu.memory_space<semaphore_mem>> -> memref<1x!tpu.dma_semaphore, #tpu.memory_space<semaphore_mem>>
    %dma_wait3A_1958 = tpu.memref_squeeze %dma_wait3A_1957 : memref<1x!tpu.dma_semaphore, #tpu.memory_space<semaphore_mem>> -> memref<!tpu.dma_semaphore, #tpu.memory_space<semaphore_mem>>
    %dma_wait3A_1959 = arith.constant 22 : i32
    %dma_wait3A_1960 = arith.constant 0 : i32
    %dma_wait3A_1961 = arith.constant 0 : i32
    %dma_wait3A_1962 = tpu.memref_slice %arg2[%dma_wait3A_1959, %dma_wait3A_1960, %dma_wait3A_1961] : memref<24x6250x128xi8, #tpu.memory_space<vmem>> -> memref<1x6250x128xi8, #tpu.memory_space<vmem>>
    %dma_wait3A_1963 = arith.constant 46 : i32
    %dma_wait3A_1964 = arith.constant 0 : i32
    %dma_wait3A_1965 = arith.constant 0 : i32
    %dma_wait3A_1966 = tpu.memref_slice %arg0[%dma_wait3A_1963, %dma_wait3A_1964, %dma_wait3A_1965] : memref<55x6250x128xi8, #tpu.memory_space<hbm>> -> memref<1x6250x128xi8, #tpu.memory_space<hbm>>
    tpu.wait_dma2 semaphore(%dma_wait3A_1958 : memref<!tpu.dma_semaphore, #tpu.memory_space<semaphore_mem>>) src(%dma_wait3A_1966 : memref<1x6250x128xi8, #tpu.memory_space<hbm>>) dst(%dma_wait3A_1962 : memref<1x6250x128xi8, #tpu.memory_space<vmem>>)
    %dma_start3A_1967 = arith.constant 22 : i32
    %dma_start3A_1968 = tpu.memref_slice %arg4[%dma_start3A_1967] : memref<24x!tpu.dma_semaphore, #tpu.memory_space<semaphore_mem>> -> memref<1x!tpu.dma_semaphore, #tpu.memory_space<semaphore_mem>>
    %dma_start3A_1969 = tpu.memref_squeeze %dma_start3A_1968 : memref<1x!tpu.dma_semaphore, #tpu.memory_space<semaphore_mem>> -> memref<!tpu.dma_semaphore, #tpu.memory_space<semaphore_mem>>
    %dma_start3A_1970 = arith.constant 46 : i32
    %dma_start3A_1971 = arith.constant 0 : i32
    %dma_start3A_1972 = arith.constant 0 : i32
    %dma_start3A_1973 = tpu.memref_slice %arg1[%dma_start3A_1970, %dma_start3A_1971, %dma_start3A_1972] : memref<55x6250x128xi8, #tpu.memory_space<hbm>> -> memref<1x6250x128xi8, #tpu.memory_space<hbm>>
    %dma_start3A_1974 = arith.constant 22 : i32
    %dma_start3A_1975 = arith.constant 0 : i32
    %dma_start3A_1976 = arith.constant 0 : i32
    %dma_start3A_1977 = tpu.memref_slice %arg2[%dma_start3A_1974, %dma_start3A_1975, %dma_start3A_1976] : memref<24x6250x128xi8, #tpu.memory_space<vmem>> -> memref<1x6250x128xi8, #tpu.memory_space<vmem>>
    tpu.enqueue_dma source(%dma_start3A_1977 : memref<1x6250x128xi8, #tpu.memory_space<vmem>>) target(%dma_start3A_1973 : memref<1x6250x128xi8, #tpu.memory_space<hbm>>) target_semaphore(%dma_start3A_1969 : memref<!tpu.dma_semaphore, #tpu.memory_space<semaphore_mem>>)
    %dma_wait3A_1978 = arith.constant 23 : i32
    %dma_wait3A_1979 = tpu.memref_slice %arg3[%dma_wait3A_1978] : memref<24x!tpu.dma_semaphore, #tpu.memory_space<semaphore_mem>> -> memref<1x!tpu.dma_semaphore, #tpu.memory_space<semaphore_mem>>
    %dma_wait3A_1980 = tpu.memref_squeeze %dma_wait3A_1979 : memref<1x!tpu.dma_semaphore, #tpu.memory_space<semaphore_mem>> -> memref<!tpu.dma_semaphore, #tpu.memory_space<semaphore_mem>>
    %dma_wait3A_1981 = arith.constant 23 : i32
    %dma_wait3A_1982 = arith.constant 0 : i32
    %dma_wait3A_1983 = arith.constant 0 : i32
    %dma_wait3A_1984 = tpu.memref_slice %arg2[%dma_wait3A_1981, %dma_wait3A_1982, %dma_wait3A_1983] : memref<24x6250x128xi8, #tpu.memory_space<vmem>> -> memref<1x6250x128xi8, #tpu.memory_space<vmem>>
    %dma_wait3A_1985 = arith.constant 47 : i32
    %dma_wait3A_1986 = arith.constant 0 : i32
    %dma_wait3A_1987 = arith.constant 0 : i32
    %dma_wait3A_1988 = tpu.memref_slice %arg0[%dma_wait3A_1985, %dma_wait3A_1986, %dma_wait3A_1987] : memref<55x6250x128xi8, #tpu.memory_space<hbm>> -> memref<1x6250x128xi8, #tpu.memory_space<hbm>>
    tpu.wait_dma2 semaphore(%dma_wait3A_1980 : memref<!tpu.dma_semaphore, #tpu.memory_space<semaphore_mem>>) src(%dma_wait3A_1988 : memref<1x6250x128xi8, #tpu.memory_space<hbm>>) dst(%dma_wait3A_1984 : memref<1x6250x128xi8, #tpu.memory_space<vmem>>)
    %dma_start3A_1989 = arith.constant 23 : i32
    %dma_start3A_1990 = tpu.memref_slice %arg4[%dma_start3A_1989] : memref<24x!tpu.dma_semaphore, #tpu.memory_space<semaphore_mem>> -> memref<1x!tpu.dma_semaphore, #tpu.memory_space<semaphore_mem>>
    %dma_start3A_1991 = tpu.memref_squeeze %dma_start3A_1990 : memref<1x!tpu.dma_semaphore, #tpu.memory_space<semaphore_mem>> -> memref<!tpu.dma_semaphore, #tpu.memory_space<semaphore_mem>>
    %dma_start3A_1992 = arith.constant 47 : i32
    %dma_start3A_1993 = arith.constant 0 : i32
    %dma_start3A_1994 = arith.constant 0 : i32
    %dma_start3A_1995 = tpu.memref_slice %arg1[%dma_start3A_1992, %dma_start3A_1993, %dma_start3A_1994] : memref<55x6250x128xi8, #tpu.memory_space<hbm>> -> memref<1x6250x128xi8, #tpu.memory_space<hbm>>
    %dma_start3A_1996 = arith.constant 23 : i32
    %dma_start3A_1997 = arith.constant 0 : i32
    %dma_start3A_1998 = arith.constant 0 : i32
    %dma_start3A_1999 = tpu.memref_slice %arg2[%dma_start3A_1996, %dma_start3A_1997, %dma_start3A_1998] : memref<24x6250x128xi8, #tpu.memory_space<vmem>> -> memref<1x6250x128xi8, #tpu.memory_space<vmem>>
    tpu.enqueue_dma source(%dma_start3A_1999 : memref<1x6250x128xi8, #tpu.memory_space<vmem>>) target(%dma_start3A_1995 : memref<1x6250x128xi8, #tpu.memory_space<hbm>>) target_semaphore(%dma_start3A_1991 : memref<!tpu.dma_semaphore, #tpu.memory_space<semaphore_mem>>)
    %dma_wait3A_2000 = arith.constant 0 : i32
    %dma_wait3A_2001 = tpu.memref_slice %arg3[%dma_wait3A_2000] : memref<24x!tpu.dma_semaphore, #tpu.memory_space<semaphore_mem>> -> memref<1x!tpu.dma_semaphore, #tpu.memory_space<semaphore_mem>>
    %dma_wait3A_2002 = tpu.memref_squeeze %dma_wait3A_2001 : memref<1x!tpu.dma_semaphore, #tpu.memory_space<semaphore_mem>> -> memref<!tpu.dma_semaphore, #tpu.memory_space<semaphore_mem>>
    %dma_wait3A_2003 = arith.constant 0 : i32
    %dma_wait3A_2004 = arith.constant 0 : i32
    %dma_wait3A_2005 = arith.constant 0 : i32
    %dma_wait3A_2006 = tpu.memref_slice %arg2[%dma_wait3A_2003, %dma_wait3A_2004, %dma_wait3A_2005] : memref<24x6250x128xi8, #tpu.memory_space<vmem>> -> memref<1x6250x128xi8, #tpu.memory_space<vmem>>
    %dma_wait3A_2007 = arith.constant 48 : i32
    %dma_wait3A_2008 = arith.constant 0 : i32
    %dma_wait3A_2009 = arith.constant 0 : i32
    %dma_wait3A_2010 = tpu.memref_slice %arg0[%dma_wait3A_2007, %dma_wait3A_2008, %dma_wait3A_2009] : memref<55x6250x128xi8, #tpu.memory_space<hbm>> -> memref<1x6250x128xi8, #tpu.memory_space<hbm>>
    tpu.wait_dma2 semaphore(%dma_wait3A_2002 : memref<!tpu.dma_semaphore, #tpu.memory_space<semaphore_mem>>) src(%dma_wait3A_2010 : memref<1x6250x128xi8, #tpu.memory_space<hbm>>) dst(%dma_wait3A_2006 : memref<1x6250x128xi8, #tpu.memory_space<vmem>>)
    %dma_start3A_2011 = arith.constant 0 : i32
    %dma_start3A_2012 = tpu.memref_slice %arg4[%dma_start3A_2011] : memref<24x!tpu.dma_semaphore, #tpu.memory_space<semaphore_mem>> -> memref<1x!tpu.dma_semaphore, #tpu.memory_space<semaphore_mem>>
    %dma_start3A_2013 = tpu.memref_squeeze %dma_start3A_2012 : memref<1x!tpu.dma_semaphore, #tpu.memory_space<semaphore_mem>> -> memref<!tpu.dma_semaphore, #tpu.memory_space<semaphore_mem>>
    %dma_start3A_2014 = arith.constant 48 : i32
    %dma_start3A_2015 = arith.constant 0 : i32
    %dma_start3A_2016 = arith.constant 0 : i32
    %dma_start3A_2017 = tpu.memref_slice %arg1[%dma_start3A_2014, %dma_start3A_2015, %dma_start3A_2016] : memref<55x6250x128xi8, #tpu.memory_space<hbm>> -> memref<1x6250x128xi8, #tpu.memory_space<hbm>>
    %dma_start3A_2018 = arith.constant 0 : i32
    %dma_start3A_2019 = arith.constant 0 : i32
    %dma_start3A_2020 = arith.constant 0 : i32
    %dma_start3A_2021 = tpu.memref_slice %arg2[%dma_start3A_2018, %dma_start3A_2019, %dma_start3A_2020] : memref<24x6250x128xi8, #tpu.memory_space<vmem>> -> memref<1x6250x128xi8, #tpu.memory_space<vmem>>
    tpu.enqueue_dma source(%dma_start3A_2021 : memref<1x6250x128xi8, #tpu.memory_space<vmem>>) target(%dma_start3A_2017 : memref<1x6250x128xi8, #tpu.memory_space<hbm>>) target_semaphore(%dma_start3A_2013 : memref<!tpu.dma_semaphore, #tpu.memory_space<semaphore_mem>>)
    %dma_wait3A_2022 = arith.constant 1 : i32
    %dma_wait3A_2023 = tpu.memref_slice %arg3[%dma_wait3A_2022] : memref<24x!tpu.dma_semaphore, #tpu.memory_space<semaphore_mem>> -> memref<1x!tpu.dma_semaphore, #tpu.memory_space<semaphore_mem>>
    %dma_wait3A_2024 = tpu.memref_squeeze %dma_wait3A_2023 : memref<1x!tpu.dma_semaphore, #tpu.memory_space<semaphore_mem>> -> memref<!tpu.dma_semaphore, #tpu.memory_space<semaphore_mem>>
    %dma_wait3A_2025 = arith.constant 1 : i32
    %dma_wait3A_2026 = arith.constant 0 : i32
    %dma_wait3A_2027 = arith.constant 0 : i32
    %dma_wait3A_2028 = tpu.memref_slice %arg2[%dma_wait3A_2025, %dma_wait3A_2026, %dma_wait3A_2027] : memref<24x6250x128xi8, #tpu.memory_space<vmem>> -> memref<1x6250x128xi8, #tpu.memory_space<vmem>>
    %dma_wait3A_2029 = arith.constant 49 : i32
    %dma_wait3A_2030 = arith.constant 0 : i32
    %dma_wait3A_2031 = arith.constant 0 : i32
    %dma_wait3A_2032 = tpu.memref_slice %arg0[%dma_wait3A_2029, %dma_wait3A_2030, %dma_wait3A_2031] : memref<55x6250x128xi8, #tpu.memory_space<hbm>> -> memref<1x6250x128xi8, #tpu.memory_space<hbm>>
    tpu.wait_dma2 semaphore(%dma_wait3A_2024 : memref<!tpu.dma_semaphore, #tpu.memory_space<semaphore_mem>>) src(%dma_wait3A_2032 : memref<1x6250x128xi8, #tpu.memory_space<hbm>>) dst(%dma_wait3A_2028 : memref<1x6250x128xi8, #tpu.memory_space<vmem>>)
    %dma_start3A_2033 = arith.constant 1 : i32
    %dma_start3A_2034 = tpu.memref_slice %arg4[%dma_start3A_2033] : memref<24x!tpu.dma_semaphore, #tpu.memory_space<semaphore_mem>> -> memref<1x!tpu.dma_semaphore, #tpu.memory_space<semaphore_mem>>
    %dma_start3A_2035 = tpu.memref_squeeze %dma_start3A_2034 : memref<1x!tpu.dma_semaphore, #tpu.memory_space<semaphore_mem>> -> memref<!tpu.dma_semaphore, #tpu.memory_space<semaphore_mem>>
    %dma_start3A_2036 = arith.constant 49 : i32
    %dma_start3A_2037 = arith.constant 0 : i32
    %dma_start3A_2038 = arith.constant 0 : i32
    %dma_start3A_2039 = tpu.memref_slice %arg1[%dma_start3A_2036, %dma_start3A_2037, %dma_start3A_2038] : memref<55x6250x128xi8, #tpu.memory_space<hbm>> -> memref<1x6250x128xi8, #tpu.memory_space<hbm>>
    %dma_start3A_2040 = arith.constant 1 : i32
    %dma_start3A_2041 = arith.constant 0 : i32
    %dma_start3A_2042 = arith.constant 0 : i32
    %dma_start3A_2043 = tpu.memref_slice %arg2[%dma_start3A_2040, %dma_start3A_2041, %dma_start3A_2042] : memref<24x6250x128xi8, #tpu.memory_space<vmem>> -> memref<1x6250x128xi8, #tpu.memory_space<vmem>>
    tpu.enqueue_dma source(%dma_start3A_2043 : memref<1x6250x128xi8, #tpu.memory_space<vmem>>) target(%dma_start3A_2039 : memref<1x6250x128xi8, #tpu.memory_space<hbm>>) target_semaphore(%dma_start3A_2035 : memref<!tpu.dma_semaphore, #tpu.memory_space<semaphore_mem>>)
    %dma_wait3A_2044 = arith.constant 2 : i32
    %dma_wait3A_2045 = tpu.memref_slice %arg3[%dma_wait3A_2044] : memref<24x!tpu.dma_semaphore, #tpu.memory_space<semaphore_mem>> -> memref<1x!tpu.dma_semaphore, #tpu.memory_space<semaphore_mem>>
    %dma_wait3A_2046 = tpu.memref_squeeze %dma_wait3A_2045 : memref<1x!tpu.dma_semaphore, #tpu.memory_space<semaphore_mem>> -> memref<!tpu.dma_semaphore, #tpu.memory_space<semaphore_mem>>
    %dma_wait3A_2047 = arith.constant 2 : i32
    %dma_wait3A_2048 = arith.constant 0 : i32
    %dma_wait3A_2049 = arith.constant 0 : i32
    %dma_wait3A_2050 = tpu.memref_slice %arg2[%dma_wait3A_2047, %dma_wait3A_2048, %dma_wait3A_2049] : memref<24x6250x128xi8, #tpu.memory_space<vmem>> -> memref<1x6250x128xi8, #tpu.memory_space<vmem>>
    %dma_wait3A_2051 = arith.constant 50 : i32
    %dma_wait3A_2052 = arith.constant 0 : i32
    %dma_wait3A_2053 = arith.constant 0 : i32
    %dma_wait3A_2054 = tpu.memref_slice %arg0[%dma_wait3A_2051, %dma_wait3A_2052, %dma_wait3A_2053] : memref<55x6250x128xi8, #tpu.memory_space<hbm>> -> memref<1x6250x128xi8, #tpu.memory_space<hbm>>
    tpu.wait_dma2 semaphore(%dma_wait3A_2046 : memref<!tpu.dma_semaphore, #tpu.memory_space<semaphore_mem>>) src(%dma_wait3A_2054 : memref<1x6250x128xi8, #tpu.memory_space<hbm>>) dst(%dma_wait3A_2050 : memref<1x6250x128xi8, #tpu.memory_space<vmem>>)
    %dma_start3A_2055 = arith.constant 2 : i32
    %dma_start3A_2056 = tpu.memref_slice %arg4[%dma_start3A_2055] : memref<24x!tpu.dma_semaphore, #tpu.memory_space<semaphore_mem>> -> memref<1x!tpu.dma_semaphore, #tpu.memory_space<semaphore_mem>>
    %dma_start3A_2057 = tpu.memref_squeeze %dma_start3A_2056 : memref<1x!tpu.dma_semaphore, #tpu.memory_space<semaphore_mem>> -> memref<!tpu.dma_semaphore, #tpu.memory_space<semaphore_mem>>
    %dma_start3A_2058 = arith.constant 50 : i32
    %dma_start3A_2059 = arith.constant 0 : i32
    %dma_start3A_2060 = arith.constant 0 : i32
    %dma_start3A_2061 = tpu.memref_slice %arg1[%dma_start3A_2058, %dma_start3A_2059, %dma_start3A_2060] : memref<55x6250x128xi8, #tpu.memory_space<hbm>> -> memref<1x6250x128xi8, #tpu.memory_space<hbm>>
    %dma_start3A_2062 = arith.constant 2 : i32
    %dma_start3A_2063 = arith.constant 0 : i32
    %dma_start3A_2064 = arith.constant 0 : i32
    %dma_start3A_2065 = tpu.memref_slice %arg2[%dma_start3A_2062, %dma_start3A_2063, %dma_start3A_2064] : memref<24x6250x128xi8, #tpu.memory_space<vmem>> -> memref<1x6250x128xi8, #tpu.memory_space<vmem>>
    tpu.enqueue_dma source(%dma_start3A_2065 : memref<1x6250x128xi8, #tpu.memory_space<vmem>>) target(%dma_start3A_2061 : memref<1x6250x128xi8, #tpu.memory_space<hbm>>) target_semaphore(%dma_start3A_2057 : memref<!tpu.dma_semaphore, #tpu.memory_space<semaphore_mem>>)
    %dma_wait3A_2066 = arith.constant 3 : i32
    %dma_wait3A_2067 = tpu.memref_slice %arg3[%dma_wait3A_2066] : memref<24x!tpu.dma_semaphore, #tpu.memory_space<semaphore_mem>> -> memref<1x!tpu.dma_semaphore, #tpu.memory_space<semaphore_mem>>
    %dma_wait3A_2068 = tpu.memref_squeeze %dma_wait3A_2067 : memref<1x!tpu.dma_semaphore, #tpu.memory_space<semaphore_mem>> -> memref<!tpu.dma_semaphore, #tpu.memory_space<semaphore_mem>>
    %dma_wait3A_2069 = arith.constant 3 : i32
    %dma_wait3A_2070 = arith.constant 0 : i32
    %dma_wait3A_2071 = arith.constant 0 : i32
    %dma_wait3A_2072 = tpu.memref_slice %arg2[%dma_wait3A_2069, %dma_wait3A_2070, %dma_wait3A_2071] : memref<24x6250x128xi8, #tpu.memory_space<vmem>> -> memref<1x6250x128xi8, #tpu.memory_space<vmem>>
    %dma_wait3A_2073 = arith.constant 51 : i32
    %dma_wait3A_2074 = arith.constant 0 : i32
    %dma_wait3A_2075 = arith.constant 0 : i32
    %dma_wait3A_2076 = tpu.memref_slice %arg0[%dma_wait3A_2073, %dma_wait3A_2074, %dma_wait3A_2075] : memref<55x6250x128xi8, #tpu.memory_space<hbm>> -> memref<1x6250x128xi8, #tpu.memory_space<hbm>>
    tpu.wait_dma2 semaphore(%dma_wait3A_2068 : memref<!tpu.dma_semaphore, #tpu.memory_space<semaphore_mem>>) src(%dma_wait3A_2076 : memref<1x6250x128xi8, #tpu.memory_space<hbm>>) dst(%dma_wait3A_2072 : memref<1x6250x128xi8, #tpu.memory_space<vmem>>)
    %dma_start3A_2077 = arith.constant 3 : i32
    %dma_start3A_2078 = tpu.memref_slice %arg4[%dma_start3A_2077] : memref<24x!tpu.dma_semaphore, #tpu.memory_space<semaphore_mem>> -> memref<1x!tpu.dma_semaphore, #tpu.memory_space<semaphore_mem>>
    %dma_start3A_2079 = tpu.memref_squeeze %dma_start3A_2078 : memref<1x!tpu.dma_semaphore, #tpu.memory_space<semaphore_mem>> -> memref<!tpu.dma_semaphore, #tpu.memory_space<semaphore_mem>>
    %dma_start3A_2080 = arith.constant 51 : i32
    %dma_start3A_2081 = arith.constant 0 : i32
    %dma_start3A_2082 = arith.constant 0 : i32
    %dma_start3A_2083 = tpu.memref_slice %arg1[%dma_start3A_2080, %dma_start3A_2081, %dma_start3A_2082] : memref<55x6250x128xi8, #tpu.memory_space<hbm>> -> memref<1x6250x128xi8, #tpu.memory_space<hbm>>
    %dma_start3A_2084 = arith.constant 3 : i32
    %dma_start3A_2085 = arith.constant 0 : i32
    %dma_start3A_2086 = arith.constant 0 : i32
    %dma_start3A_2087 = tpu.memref_slice %arg2[%dma_start3A_2084, %dma_start3A_2085, %dma_start3A_2086] : memref<24x6250x128xi8, #tpu.memory_space<vmem>> -> memref<1x6250x128xi8, #tpu.memory_space<vmem>>
    tpu.enqueue_dma source(%dma_start3A_2087 : memref<1x6250x128xi8, #tpu.memory_space<vmem>>) target(%dma_start3A_2083 : memref<1x6250x128xi8, #tpu.memory_space<hbm>>) target_semaphore(%dma_start3A_2079 : memref<!tpu.dma_semaphore, #tpu.memory_space<semaphore_mem>>)
    %dma_wait3A_2088 = arith.constant 4 : i32
    %dma_wait3A_2089 = tpu.memref_slice %arg3[%dma_wait3A_2088] : memref<24x!tpu.dma_semaphore, #tpu.memory_space<semaphore_mem>> -> memref<1x!tpu.dma_semaphore, #tpu.memory_space<semaphore_mem>>
    %dma_wait3A_2090 = tpu.memref_squeeze %dma_wait3A_2089 : memref<1x!tpu.dma_semaphore, #tpu.memory_space<semaphore_mem>> -> memref<!tpu.dma_semaphore, #tpu.memory_space<semaphore_mem>>
    %dma_wait3A_2091 = arith.constant 4 : i32
    %dma_wait3A_2092 = arith.constant 0 : i32
    %dma_wait3A_2093 = arith.constant 0 : i32
    %dma_wait3A_2094 = tpu.memref_slice %arg2[%dma_wait3A_2091, %dma_wait3A_2092, %dma_wait3A_2093] : memref<24x6250x128xi8, #tpu.memory_space<vmem>> -> memref<1x6250x128xi8, #tpu.memory_space<vmem>>
    %dma_wait3A_2095 = arith.constant 52 : i32
    %dma_wait3A_2096 = arith.constant 0 : i32
    %dma_wait3A_2097 = arith.constant 0 : i32
    %dma_wait3A_2098 = tpu.memref_slice %arg0[%dma_wait3A_2095, %dma_wait3A_2096, %dma_wait3A_2097] : memref<55x6250x128xi8, #tpu.memory_space<hbm>> -> memref<1x6250x128xi8, #tpu.memory_space<hbm>>
    tpu.wait_dma2 semaphore(%dma_wait3A_2090 : memref<!tpu.dma_semaphore, #tpu.memory_space<semaphore_mem>>) src(%dma_wait3A_2098 : memref<1x6250x128xi8, #tpu.memory_space<hbm>>) dst(%dma_wait3A_2094 : memref<1x6250x128xi8, #tpu.memory_space<vmem>>)
    %dma_start3A_2099 = arith.constant 4 : i32
    %dma_start3A_2100 = tpu.memref_slice %arg4[%dma_start3A_2099] : memref<24x!tpu.dma_semaphore, #tpu.memory_space<semaphore_mem>> -> memref<1x!tpu.dma_semaphore, #tpu.memory_space<semaphore_mem>>
    %dma_start3A_2101 = tpu.memref_squeeze %dma_start3A_2100 : memref<1x!tpu.dma_semaphore, #tpu.memory_space<semaphore_mem>> -> memref<!tpu.dma_semaphore, #tpu.memory_space<semaphore_mem>>
    %dma_start3A_2102 = arith.constant 52 : i32
    %dma_start3A_2103 = arith.constant 0 : i32
    %dma_start3A_2104 = arith.constant 0 : i32
    %dma_start3A_2105 = tpu.memref_slice %arg1[%dma_start3A_2102, %dma_start3A_2103, %dma_start3A_2104] : memref<55x6250x128xi8, #tpu.memory_space<hbm>> -> memref<1x6250x128xi8, #tpu.memory_space<hbm>>
    %dma_start3A_2106 = arith.constant 4 : i32
    %dma_start3A_2107 = arith.constant 0 : i32
    %dma_start3A_2108 = arith.constant 0 : i32
    %dma_start3A_2109 = tpu.memref_slice %arg2[%dma_start3A_2106, %dma_start3A_2107, %dma_start3A_2108] : memref<24x6250x128xi8, #tpu.memory_space<vmem>> -> memref<1x6250x128xi8, #tpu.memory_space<vmem>>
    tpu.enqueue_dma source(%dma_start3A_2109 : memref<1x6250x128xi8, #tpu.memory_space<vmem>>) target(%dma_start3A_2105 : memref<1x6250x128xi8, #tpu.memory_space<hbm>>) target_semaphore(%dma_start3A_2101 : memref<!tpu.dma_semaphore, #tpu.memory_space<semaphore_mem>>)
    %dma_wait3A_2110 = arith.constant 5 : i32
    %dma_wait3A_2111 = tpu.memref_slice %arg3[%dma_wait3A_2110] : memref<24x!tpu.dma_semaphore, #tpu.memory_space<semaphore_mem>> -> memref<1x!tpu.dma_semaphore, #tpu.memory_space<semaphore_mem>>
    %dma_wait3A_2112 = tpu.memref_squeeze %dma_wait3A_2111 : memref<1x!tpu.dma_semaphore, #tpu.memory_space<semaphore_mem>> -> memref<!tpu.dma_semaphore, #tpu.memory_space<semaphore_mem>>
    %dma_wait3A_2113 = arith.constant 5 : i32
    %dma_wait3A_2114 = arith.constant 0 : i32
    %dma_wait3A_2115 = arith.constant 0 : i32
    %dma_wait3A_2116 = tpu.memref_slice %arg2[%dma_wait3A_2113, %dma_wait3A_2114, %dma_wait3A_2115] : memref<24x6250x128xi8, #tpu.memory_space<vmem>> -> memref<1x6250x128xi8, #tpu.memory_space<vmem>>
    %dma_wait3A_2117 = arith.constant 53 : i32
    %dma_wait3A_2118 = arith.constant 0 : i32
    %dma_wait3A_2119 = arith.constant 0 : i32
    %dma_wait3A_2120 = tpu.memref_slice %arg0[%dma_wait3A_2117, %dma_wait3A_2118, %dma_wait3A_2119] : memref<55x6250x128xi8, #tpu.memory_space<hbm>> -> memref<1x6250x128xi8, #tpu.memory_space<hbm>>
    tpu.wait_dma2 semaphore(%dma_wait3A_2112 : memref<!tpu.dma_semaphore, #tpu.memory_space<semaphore_mem>>) src(%dma_wait3A_2120 : memref<1x6250x128xi8, #tpu.memory_space<hbm>>) dst(%dma_wait3A_2116 : memref<1x6250x128xi8, #tpu.memory_space<vmem>>)
    %dma_start3A_2121 = arith.constant 5 : i32
    %dma_start3A_2122 = tpu.memref_slice %arg4[%dma_start3A_2121] : memref<24x!tpu.dma_semaphore, #tpu.memory_space<semaphore_mem>> -> memref<1x!tpu.dma_semaphore, #tpu.memory_space<semaphore_mem>>
    %dma_start3A_2123 = tpu.memref_squeeze %dma_start3A_2122 : memref<1x!tpu.dma_semaphore, #tpu.memory_space<semaphore_mem>> -> memref<!tpu.dma_semaphore, #tpu.memory_space<semaphore_mem>>
    %dma_start3A_2124 = arith.constant 53 : i32
    %dma_start3A_2125 = arith.constant 0 : i32
    %dma_start3A_2126 = arith.constant 0 : i32
    %dma_start3A_2127 = tpu.memref_slice %arg1[%dma_start3A_2124, %dma_start3A_2125, %dma_start3A_2126] : memref<55x6250x128xi8, #tpu.memory_space<hbm>> -> memref<1x6250x128xi8, #tpu.memory_space<hbm>>
    %dma_start3A_2128 = arith.constant 5 : i32
    %dma_start3A_2129 = arith.constant 0 : i32
    %dma_start3A_2130 = arith.constant 0 : i32
    %dma_start3A_2131 = tpu.memref_slice %arg2[%dma_start3A_2128, %dma_start3A_2129, %dma_start3A_2130] : memref<24x6250x128xi8, #tpu.memory_space<vmem>> -> memref<1x6250x128xi8, #tpu.memory_space<vmem>>
    tpu.enqueue_dma source(%dma_start3A_2131 : memref<1x6250x128xi8, #tpu.memory_space<vmem>>) target(%dma_start3A_2127 : memref<1x6250x128xi8, #tpu.memory_space<hbm>>) target_semaphore(%dma_start3A_2123 : memref<!tpu.dma_semaphore, #tpu.memory_space<semaphore_mem>>)
    %dma_wait3A_2132 = arith.constant 6 : i32
    %dma_wait3A_2133 = tpu.memref_slice %arg3[%dma_wait3A_2132] : memref<24x!tpu.dma_semaphore, #tpu.memory_space<semaphore_mem>> -> memref<1x!tpu.dma_semaphore, #tpu.memory_space<semaphore_mem>>
    %dma_wait3A_2134 = tpu.memref_squeeze %dma_wait3A_2133 : memref<1x!tpu.dma_semaphore, #tpu.memory_space<semaphore_mem>> -> memref<!tpu.dma_semaphore, #tpu.memory_space<semaphore_mem>>
    %dma_wait3A_2135 = arith.constant 6 : i32
    %dma_wait3A_2136 = arith.constant 0 : i32
    %dma_wait3A_2137 = arith.constant 0 : i32
    %dma_wait3A_2138 = tpu.memref_slice %arg2[%dma_wait3A_2135, %dma_wait3A_2136, %dma_wait3A_2137] : memref<24x6250x128xi8, #tpu.memory_space<vmem>> -> memref<1x6250x128xi8, #tpu.memory_space<vmem>>
    %dma_wait3A_2139 = arith.constant 54 : i32
    %dma_wait3A_2140 = arith.constant 0 : i32
    %dma_wait3A_2141 = arith.constant 0 : i32
    %dma_wait3A_2142 = tpu.memref_slice %arg0[%dma_wait3A_2139, %dma_wait3A_2140, %dma_wait3A_2141] : memref<55x6250x128xi8, #tpu.memory_space<hbm>> -> memref<1x6250x128xi8, #tpu.memory_space<hbm>>
    tpu.wait_dma2 semaphore(%dma_wait3A_2134 : memref<!tpu.dma_semaphore, #tpu.memory_space<semaphore_mem>>) src(%dma_wait3A_2142 : memref<1x6250x128xi8, #tpu.memory_space<hbm>>) dst(%dma_wait3A_2138 : memref<1x6250x128xi8, #tpu.memory_space<vmem>>)
    %dma_start3A_2143 = arith.constant 6 : i32
    %dma_start3A_2144 = tpu.memref_slice %arg4[%dma_start3A_2143] : memref<24x!tpu.dma_semaphore, #tpu.memory_space<semaphore_mem>> -> memref<1x!tpu.dma_semaphore, #tpu.memory_space<semaphore_mem>>
    %dma_start3A_2145 = tpu.memref_squeeze %dma_start3A_2144 : memref<1x!tpu.dma_semaphore, #tpu.memory_space<semaphore_mem>> -> memref<!tpu.dma_semaphore, #tpu.memory_space<semaphore_mem>>
    %dma_start3A_2146 = arith.constant 54 : i32
    %dma_start3A_2147 = arith.constant 0 : i32
    %dma_start3A_2148 = arith.constant 0 : i32
    %dma_start3A_2149 = tpu.memref_slice %arg1[%dma_start3A_2146, %dma_start3A_2147, %dma_start3A_2148] : memref<55x6250x128xi8, #tpu.memory_space<hbm>> -> memref<1x6250x128xi8, #tpu.memory_space<hbm>>
    %dma_start3A_2150 = arith.constant 6 : i32
    %dma_start3A_2151 = arith.constant 0 : i32
    %dma_start3A_2152 = arith.constant 0 : i32
    %dma_start3A_2153 = tpu.memref_slice %arg2[%dma_start3A_2150, %dma_start3A_2151, %dma_start3A_2152] : memref<24x6250x128xi8, #tpu.memory_space<vmem>> -> memref<1x6250x128xi8, #tpu.memory_space<vmem>>
    tpu.enqueue_dma source(%dma_start3A_2153 : memref<1x6250x128xi8, #tpu.memory_space<vmem>>) target(%dma_start3A_2149 : memref<1x6250x128xi8, #tpu.memory_space<hbm>>) target_semaphore(%dma_start3A_2145 : memref<!tpu.dma_semaphore, #tpu.memory_space<semaphore_mem>>)
    %dma_wait3A_2154 = arith.constant 7 : i32
    %dma_wait3A_2155 = tpu.memref_slice %arg4[%dma_wait3A_2154] : memref<24x!tpu.dma_semaphore, #tpu.memory_space<semaphore_mem>> -> memref<1x!tpu.dma_semaphore, #tpu.memory_space<semaphore_mem>>
    %dma_wait3A_2156 = tpu.memref_squeeze %dma_wait3A_2155 : memref<1x!tpu.dma_semaphore, #tpu.memory_space<semaphore_mem>> -> memref<!tpu.dma_semaphore, #tpu.memory_space<semaphore_mem>>
    %dma_wait3A_2157 = arith.constant 31 : i32
    %dma_wait3A_2158 = arith.constant 0 : i32
    %dma_wait3A_2159 = arith.constant 0 : i32
    %dma_wait3A_2160 = tpu.memref_slice %arg1[%dma_wait3A_2157, %dma_wait3A_2158, %dma_wait3A_2159] : memref<55x6250x128xi8, #tpu.memory_space<hbm>> -> memref<1x6250x128xi8, #tpu.memory_space<hbm>>
    %dma_wait3A_2161 = arith.constant 7 : i32
    %dma_wait3A_2162 = arith.constant 0 : i32
    %dma_wait3A_2163 = arith.constant 0 : i32
    %dma_wait3A_2164 = tpu.memref_slice %arg2[%dma_wait3A_2161, %dma_wait3A_2162, %dma_wait3A_2163] : memref<24x6250x128xi8, #tpu.memory_space<vmem>> -> memref<1x6250x128xi8, #tpu.memory_space<vmem>>
    tpu.wait_dma2 semaphore(%dma_wait3A_2156 : memref<!tpu.dma_semaphore, #tpu.memory_space<semaphore_mem>>) src(%dma_wait3A_2164 : memref<1x6250x128xi8, #tpu.memory_space<vmem>>) dst(%dma_wait3A_2160 : memref<1x6250x128xi8, #tpu.memory_space<hbm>>)
    %dma_wait3A_2165 = arith.constant 8 : i32
    %dma_wait3A_2166 = tpu.memref_slice %arg4[%dma_wait3A_2165] : memref<24x!tpu.dma_semaphore, #tpu.memory_space<semaphore_mem>> -> memref<1x!tpu.dma_semaphore, #tpu.memory_space<semaphore_mem>>
    %dma_wait3A_2167 = tpu.memref_squeeze %dma_wait3A_2166 : memref<1x!tpu.dma_semaphore, #tpu.memory_space<semaphore_mem>> -> memref<!tpu.dma_semaphore, #tpu.memory_space<semaphore_mem>>
    %dma_wait3A_2168 = arith.constant 32 : i32
    %dma_wait3A_2169 = arith.constant 0 : i32
    %dma_wait3A_2170 = arith.constant 0 : i32
    %dma_wait3A_2171 = tpu.memref_slice %arg1[%dma_wait3A_2168, %dma_wait3A_2169, %dma_wait3A_2170] : memref<55x6250x128xi8, #tpu.memory_space<hbm>> -> memref<1x6250x128xi8, #tpu.memory_space<hbm>>
    %dma_wait3A_2172 = arith.constant 8 : i32
    %dma_wait3A_2173 = arith.constant 0 : i32
    %dma_wait3A_2174 = arith.constant 0 : i32
    %dma_wait3A_2175 = tpu.memref_slice %arg2[%dma_wait3A_2172, %dma_wait3A_2173, %dma_wait3A_2174] : memref<24x6250x128xi8, #tpu.memory_space<vmem>> -> memref<1x6250x128xi8, #tpu.memory_space<vmem>>
    tpu.wait_dma2 semaphore(%dma_wait3A_2167 : memref<!tpu.dma_semaphore, #tpu.memory_space<semaphore_mem>>) src(%dma_wait3A_2175 : memref<1x6250x128xi8, #tpu.memory_space<vmem>>) dst(%dma_wait3A_2171 : memref<1x6250x128xi8, #tpu.memory_space<hbm>>)
    %dma_wait3A_2176 = arith.constant 9 : i32
    %dma_wait3A_2177 = tpu.memref_slice %arg4[%dma_wait3A_2176] : memref<24x!tpu.dma_semaphore, #tpu.memory_space<semaphore_mem>> -> memref<1x!tpu.dma_semaphore, #tpu.memory_space<semaphore_mem>>
    %dma_wait3A_2178 = tpu.memref_squeeze %dma_wait3A_2177 : memref<1x!tpu.dma_semaphore, #tpu.memory_space<semaphore_mem>> -> memref<!tpu.dma_semaphore, #tpu.memory_space<semaphore_mem>>
    %dma_wait3A_2179 = arith.constant 33 : i32
    %dma_wait3A_2180 = arith.constant 0 : i32
    %dma_wait3A_2181 = arith.constant 0 : i32
    %dma_wait3A_2182 = tpu.memref_slice %arg1[%dma_wait3A_2179, %dma_wait3A_2180, %dma_wait3A_2181] : memref<55x6250x128xi8, #tpu.memory_space<hbm>> -> memref<1x6250x128xi8, #tpu.memory_space<hbm>>
    %dma_wait3A_2183 = arith.constant 9 : i32
    %dma_wait3A_2184 = arith.constant 0 : i32
    %dma_wait3A_2185 = arith.constant 0 : i32
    %dma_wait3A_2186 = tpu.memref_slice %arg2[%dma_wait3A_2183, %dma_wait3A_2184, %dma_wait3A_2185] : memref<24x6250x128xi8, #tpu.memory_space<vmem>> -> memref<1x6250x128xi8, #tpu.memory_space<vmem>>
    tpu.wait_dma2 semaphore(%dma_wait3A_2178 : memref<!tpu.dma_semaphore, #tpu.memory_space<semaphore_mem>>) src(%dma_wait3A_2186 : memref<1x6250x128xi8, #tpu.memory_space<vmem>>) dst(%dma_wait3A_2182 : memref<1x6250x128xi8, #tpu.memory_space<hbm>>)
    %dma_wait3A_2187 = arith.constant 10 : i32
    %dma_wait3A_2188 = tpu.memref_slice %arg4[%dma_wait3A_2187] : memref<24x!tpu.dma_semaphore, #tpu.memory_space<semaphore_mem>> -> memref<1x!tpu.dma_semaphore, #tpu.memory_space<semaphore_mem>>
    %dma_wait3A_2189 = tpu.memref_squeeze %dma_wait3A_2188 : memref<1x!tpu.dma_semaphore, #tpu.memory_space<semaphore_mem>> -> memref<!tpu.dma_semaphore, #tpu.memory_space<semaphore_mem>>
    %dma_wait3A_2190 = arith.constant 34 : i32
    %dma_wait3A_2191 = arith.constant 0 : i32
    %dma_wait3A_2192 = arith.constant 0 : i32
    %dma_wait3A_2193 = tpu.memref_slice %arg1[%dma_wait3A_2190, %dma_wait3A_2191, %dma_wait3A_2192] : memref<55x6250x128xi8, #tpu.memory_space<hbm>> -> memref<1x6250x128xi8, #tpu.memory_space<hbm>>
    %dma_wait3A_2194 = arith.constant 10 : i32
    %dma_wait3A_2195 = arith.constant 0 : i32
    %dma_wait3A_2196 = arith.constant 0 : i32
    %dma_wait3A_2197 = tpu.memref_slice %arg2[%dma_wait3A_2194, %dma_wait3A_2195, %dma_wait3A_2196] : memref<24x6250x128xi8, #tpu.memory_space<vmem>> -> memref<1x6250x128xi8, #tpu.memory_space<vmem>>
    tpu.wait_dma2 semaphore(%dma_wait3A_2189 : memref<!tpu.dma_semaphore, #tpu.memory_space<semaphore_mem>>) src(%dma_wait3A_2197 : memref<1x6250x128xi8, #tpu.memory_space<vmem>>) dst(%dma_wait3A_2193 : memref<1x6250x128xi8, #tpu.memory_space<hbm>>)
    %dma_wait3A_2198 = arith.constant 11 : i32
    %dma_wait3A_2199 = tpu.memref_slice %arg4[%dma_wait3A_2198] : memref<24x!tpu.dma_semaphore, #tpu.memory_space<semaphore_mem>> -> memref<1x!tpu.dma_semaphore, #tpu.memory_space<semaphore_mem>>
    %dma_wait3A_2200 = tpu.memref_squeeze %dma_wait3A_2199 : memref<1x!tpu.dma_semaphore, #tpu.memory_space<semaphore_mem>> -> memref<!tpu.dma_semaphore, #tpu.memory_space<semaphore_mem>>
    %dma_wait3A_2201 = arith.constant 35 : i32
    %dma_wait3A_2202 = arith.constant 0 : i32
    %dma_wait3A_2203 = arith.constant 0 : i32
    %dma_wait3A_2204 = tpu.memref_slice %arg1[%dma_wait3A_2201, %dma_wait3A_2202, %dma_wait3A_2203] : memref<55x6250x128xi8, #tpu.memory_space<hbm>> -> memref<1x6250x128xi8, #tpu.memory_space<hbm>>
    %dma_wait3A_2205 = arith.constant 11 : i32
    %dma_wait3A_2206 = arith.constant 0 : i32
    %dma_wait3A_2207 = arith.constant 0 : i32
    %dma_wait3A_2208 = tpu.memref_slice %arg2[%dma_wait3A_2205, %dma_wait3A_2206, %dma_wait3A_2207] : memref<24x6250x128xi8, #tpu.memory_space<vmem>> -> memref<1x6250x128xi8, #tpu.memory_space<vmem>>
    tpu.wait_dma2 semaphore(%dma_wait3A_2200 : memref<!tpu.dma_semaphore, #tpu.memory_space<semaphore_mem>>) src(%dma_wait3A_2208 : memref<1x6250x128xi8, #tpu.memory_space<vmem>>) dst(%dma_wait3A_2204 : memref<1x6250x128xi8, #tpu.memory_space<hbm>>)
    %dma_wait3A_2209 = arith.constant 12 : i32
    %dma_wait3A_2210 = tpu.memref_slice %arg4[%dma_wait3A_2209] : memref<24x!tpu.dma_semaphore, #tpu.memory_space<semaphore_mem>> -> memref<1x!tpu.dma_semaphore, #tpu.memory_space<semaphore_mem>>
    %dma_wait3A_2211 = tpu.memref_squeeze %dma_wait3A_2210 : memref<1x!tpu.dma_semaphore, #tpu.memory_space<semaphore_mem>> -> memref<!tpu.dma_semaphore, #tpu.memory_space<semaphore_mem>>
    %dma_wait3A_2212 = arith.constant 36 : i32
    %dma_wait3A_2213 = arith.constant 0 : i32
    %dma_wait3A_2214 = arith.constant 0 : i32
    %dma_wait3A_2215 = tpu.memref_slice %arg1[%dma_wait3A_2212, %dma_wait3A_2213, %dma_wait3A_2214] : memref<55x6250x128xi8, #tpu.memory_space<hbm>> -> memref<1x6250x128xi8, #tpu.memory_space<hbm>>
    %dma_wait3A_2216 = arith.constant 12 : i32
    %dma_wait3A_2217 = arith.constant 0 : i32
    %dma_wait3A_2218 = arith.constant 0 : i32
    %dma_wait3A_2219 = tpu.memref_slice %arg2[%dma_wait3A_2216, %dma_wait3A_2217, %dma_wait3A_2218] : memref<24x6250x128xi8, #tpu.memory_space<vmem>> -> memref<1x6250x128xi8, #tpu.memory_space<vmem>>
    tpu.wait_dma2 semaphore(%dma_wait3A_2211 : memref<!tpu.dma_semaphore, #tpu.memory_space<semaphore_mem>>) src(%dma_wait3A_2219 : memref<1x6250x128xi8, #tpu.memory_space<vmem>>) dst(%dma_wait3A_2215 : memref<1x6250x128xi8, #tpu.memory_space<hbm>>)
    %dma_wait3A_2220 = arith.constant 13 : i32
    %dma_wait3A_2221 = tpu.memref_slice %arg4[%dma_wait3A_2220] : memref<24x!tpu.dma_semaphore, #tpu.memory_space<semaphore_mem>> -> memref<1x!tpu.dma_semaphore, #tpu.memory_space<semaphore_mem>>
    %dma_wait3A_2222 = tpu.memref_squeeze %dma_wait3A_2221 : memref<1x!tpu.dma_semaphore, #tpu.memory_space<semaphore_mem>> -> memref<!tpu.dma_semaphore, #tpu.memory_space<semaphore_mem>>
    %dma_wait3A_2223 = arith.constant 37 : i32
    %dma_wait3A_2224 = arith.constant 0 : i32
    %dma_wait3A_2225 = arith.constant 0 : i32
    %dma_wait3A_2226 = tpu.memref_slice %arg1[%dma_wait3A_2223, %dma_wait3A_2224, %dma_wait3A_2225] : memref<55x6250x128xi8, #tpu.memory_space<hbm>> -> memref<1x6250x128xi8, #tpu.memory_space<hbm>>
    %dma_wait3A_2227 = arith.constant 13 : i32
    %dma_wait3A_2228 = arith.constant 0 : i32
    %dma_wait3A_2229 = arith.constant 0 : i32
    %dma_wait3A_2230 = tpu.memref_slice %arg2[%dma_wait3A_2227, %dma_wait3A_2228, %dma_wait3A_2229] : memref<24x6250x128xi8, #tpu.memory_space<vmem>> -> memref<1x6250x128xi8, #tpu.memory_space<vmem>>
    tpu.wait_dma2 semaphore(%dma_wait3A_2222 : memref<!tpu.dma_semaphore, #tpu.memory_space<semaphore_mem>>) src(%dma_wait3A_2230 : memref<1x6250x128xi8, #tpu.memory_space<vmem>>) dst(%dma_wait3A_2226 : memref<1x6250x128xi8, #tpu.memory_space<hbm>>)
    %dma_wait3A_2231 = arith.constant 14 : i32
    %dma_wait3A_2232 = tpu.memref_slice %arg4[%dma_wait3A_2231] : memref<24x!tpu.dma_semaphore, #tpu.memory_space<semaphore_mem>> -> memref<1x!tpu.dma_semaphore, #tpu.memory_space<semaphore_mem>>
    %dma_wait3A_2233 = tpu.memref_squeeze %dma_wait3A_2232 : memref<1x!tpu.dma_semaphore, #tpu.memory_space<semaphore_mem>> -> memref<!tpu.dma_semaphore, #tpu.memory_space<semaphore_mem>>
    %dma_wait3A_2234 = arith.constant 38 : i32
    %dma_wait3A_2235 = arith.constant 0 : i32
    %dma_wait3A_2236 = arith.constant 0 : i32
    %dma_wait3A_2237 = tpu.memref_slice %arg1[%dma_wait3A_2234, %dma_wait3A_2235, %dma_wait3A_2236] : memref<55x6250x128xi8, #tpu.memory_space<hbm>> -> memref<1x6250x128xi8, #tpu.memory_space<hbm>>
    %dma_wait3A_2238 = arith.constant 14 : i32
    %dma_wait3A_2239 = arith.constant 0 : i32
    %dma_wait3A_2240 = arith.constant 0 : i32
    %dma_wait3A_2241 = tpu.memref_slice %arg2[%dma_wait3A_2238, %dma_wait3A_2239, %dma_wait3A_2240] : memref<24x6250x128xi8, #tpu.memory_space<vmem>> -> memref<1x6250x128xi8, #tpu.memory_space<vmem>>
    tpu.wait_dma2 semaphore(%dma_wait3A_2233 : memref<!tpu.dma_semaphore, #tpu.memory_space<semaphore_mem>>) src(%dma_wait3A_2241 : memref<1x6250x128xi8, #tpu.memory_space<vmem>>) dst(%dma_wait3A_2237 : memref<1x6250x128xi8, #tpu.memory_space<hbm>>)
    %dma_wait3A_2242 = arith.constant 15 : i32
    %dma_wait3A_2243 = tpu.memref_slice %arg4[%dma_wait3A_2242] : memref<24x!tpu.dma_semaphore, #tpu.memory_space<semaphore_mem>> -> memref<1x!tpu.dma_semaphore, #tpu.memory_space<semaphore_mem>>
    %dma_wait3A_2244 = tpu.memref_squeeze %dma_wait3A_2243 : memref<1x!tpu.dma_semaphore, #tpu.memory_space<semaphore_mem>> -> memref<!tpu.dma_semaphore, #tpu.memory_space<semaphore_mem>>
    %dma_wait3A_2245 = arith.constant 39 : i32
    %dma_wait3A_2246 = arith.constant 0 : i32
    %dma_wait3A_2247 = arith.constant 0 : i32
    %dma_wait3A_2248 = tpu.memref_slice %arg1[%dma_wait3A_2245, %dma_wait3A_2246, %dma_wait3A_2247] : memref<55x6250x128xi8, #tpu.memory_space<hbm>> -> memref<1x6250x128xi8, #tpu.memory_space<hbm>>
    %dma_wait3A_2249 = arith.constant 15 : i32
    %dma_wait3A_2250 = arith.constant 0 : i32
    %dma_wait3A_2251 = arith.constant 0 : i32
    %dma_wait3A_2252 = tpu.memref_slice %arg2[%dma_wait3A_2249, %dma_wait3A_2250, %dma_wait3A_2251] : memref<24x6250x128xi8, #tpu.memory_space<vmem>> -> memref<1x6250x128xi8, #tpu.memory_space<vmem>>
    tpu.wait_dma2 semaphore(%dma_wait3A_2244 : memref<!tpu.dma_semaphore, #tpu.memory_space<semaphore_mem>>) src(%dma_wait3A_2252 : memref<1x6250x128xi8, #tpu.memory_space<vmem>>) dst(%dma_wait3A_2248 : memref<1x6250x128xi8, #tpu.memory_space<hbm>>)
    %dma_wait3A_2253 = arith.constant 16 : i32
    %dma_wait3A_2254 = tpu.memref_slice %arg4[%dma_wait3A_2253] : memref<24x!tpu.dma_semaphore, #tpu.memory_space<semaphore_mem>> -> memref<1x!tpu.dma_semaphore, #tpu.memory_space<semaphore_mem>>
    %dma_wait3A_2255 = tpu.memref_squeeze %dma_wait3A_2254 : memref<1x!tpu.dma_semaphore, #tpu.memory_space<semaphore_mem>> -> memref<!tpu.dma_semaphore, #tpu.memory_space<semaphore_mem>>
    %dma_wait3A_2256 = arith.constant 40 : i32
    %dma_wait3A_2257 = arith.constant 0 : i32
    %dma_wait3A_2258 = arith.constant 0 : i32
    %dma_wait3A_2259 = tpu.memref_slice %arg1[%dma_wait3A_2256, %dma_wait3A_2257, %dma_wait3A_2258] : memref<55x6250x128xi8, #tpu.memory_space<hbm>> -> memref<1x6250x128xi8, #tpu.memory_space<hbm>>
    %dma_wait3A_2260 = arith.constant 16 : i32
    %dma_wait3A_2261 = arith.constant 0 : i32
    %dma_wait3A_2262 = arith.constant 0 : i32
    %dma_wait3A_2263 = tpu.memref_slice %arg2[%dma_wait3A_2260, %dma_wait3A_2261, %dma_wait3A_2262] : memref<24x6250x128xi8, #tpu.memory_space<vmem>> -> memref<1x6250x128xi8, #tpu.memory_space<vmem>>
    tpu.wait_dma2 semaphore(%dma_wait3A_2255 : memref<!tpu.dma_semaphore, #tpu.memory_space<semaphore_mem>>) src(%dma_wait3A_2263 : memref<1x6250x128xi8, #tpu.memory_space<vmem>>) dst(%dma_wait3A_2259 : memref<1x6250x128xi8, #tpu.memory_space<hbm>>)
    %dma_wait3A_2264 = arith.constant 17 : i32
    %dma_wait3A_2265 = tpu.memref_slice %arg4[%dma_wait3A_2264] : memref<24x!tpu.dma_semaphore, #tpu.memory_space<semaphore_mem>> -> memref<1x!tpu.dma_semaphore, #tpu.memory_space<semaphore_mem>>
    %dma_wait3A_2266 = tpu.memref_squeeze %dma_wait3A_2265 : memref<1x!tpu.dma_semaphore, #tpu.memory_space<semaphore_mem>> -> memref<!tpu.dma_semaphore, #tpu.memory_space<semaphore_mem>>
    %dma_wait3A_2267 = arith.constant 41 : i32
    %dma_wait3A_2268 = arith.constant 0 : i32
    %dma_wait3A_2269 = arith.constant 0 : i32
    %dma_wait3A_2270 = tpu.memref_slice %arg1[%dma_wait3A_2267, %dma_wait3A_2268, %dma_wait3A_2269] : memref<55x6250x128xi8, #tpu.memory_space<hbm>> -> memref<1x6250x128xi8, #tpu.memory_space<hbm>>
    %dma_wait3A_2271 = arith.constant 17 : i32
    %dma_wait3A_2272 = arith.constant 0 : i32
    %dma_wait3A_2273 = arith.constant 0 : i32
    %dma_wait3A_2274 = tpu.memref_slice %arg2[%dma_wait3A_2271, %dma_wait3A_2272, %dma_wait3A_2273] : memref<24x6250x128xi8, #tpu.memory_space<vmem>> -> memref<1x6250x128xi8, #tpu.memory_space<vmem>>
    tpu.wait_dma2 semaphore(%dma_wait3A_2266 : memref<!tpu.dma_semaphore, #tpu.memory_space<semaphore_mem>>) src(%dma_wait3A_2274 : memref<1x6250x128xi8, #tpu.memory_space<vmem>>) dst(%dma_wait3A_2270 : memref<1x6250x128xi8, #tpu.memory_space<hbm>>)
    %dma_wait3A_2275 = arith.constant 18 : i32
    %dma_wait3A_2276 = tpu.memref_slice %arg4[%dma_wait3A_2275] : memref<24x!tpu.dma_semaphore, #tpu.memory_space<semaphore_mem>> -> memref<1x!tpu.dma_semaphore, #tpu.memory_space<semaphore_mem>>
    %dma_wait3A_2277 = tpu.memref_squeeze %dma_wait3A_2276 : memref<1x!tpu.dma_semaphore, #tpu.memory_space<semaphore_mem>> -> memref<!tpu.dma_semaphore, #tpu.memory_space<semaphore_mem>>
    %dma_wait3A_2278 = arith.constant 42 : i32
    %dma_wait3A_2279 = arith.constant 0 : i32
    %dma_wait3A_2280 = arith.constant 0 : i32
    %dma_wait3A_2281 = tpu.memref_slice %arg1[%dma_wait3A_2278, %dma_wait3A_2279, %dma_wait3A_2280] : memref<55x6250x128xi8, #tpu.memory_space<hbm>> -> memref<1x6250x128xi8, #tpu.memory_space<hbm>>
    %dma_wait3A_2282 = arith.constant 18 : i32
    %dma_wait3A_2283 = arith.constant 0 : i32
    %dma_wait3A_2284 = arith.constant 0 : i32
    %dma_wait3A_2285 = tpu.memref_slice %arg2[%dma_wait3A_2282, %dma_wait3A_2283, %dma_wait3A_2284] : memref<24x6250x128xi8, #tpu.memory_space<vmem>> -> memref<1x6250x128xi8, #tpu.memory_space<vmem>>
    tpu.wait_dma2 semaphore(%dma_wait3A_2277 : memref<!tpu.dma_semaphore, #tpu.memory_space<semaphore_mem>>) src(%dma_wait3A_2285 : memref<1x6250x128xi8, #tpu.memory_space<vmem>>) dst(%dma_wait3A_2281 : memref<1x6250x128xi8, #tpu.memory_space<hbm>>)
    %dma_wait3A_2286 = arith.constant 19 : i32
    %dma_wait3A_2287 = tpu.memref_slice %arg4[%dma_wait3A_2286] : memref<24x!tpu.dma_semaphore, #tpu.memory_space<semaphore_mem>> -> memref<1x!tpu.dma_semaphore, #tpu.memory_space<semaphore_mem>>
    %dma_wait3A_2288 = tpu.memref_squeeze %dma_wait3A_2287 : memref<1x!tpu.dma_semaphore, #tpu.memory_space<semaphore_mem>> -> memref<!tpu.dma_semaphore, #tpu.memory_space<semaphore_mem>>
    %dma_wait3A_2289 = arith.constant 43 : i32
    %dma_wait3A_2290 = arith.constant 0 : i32
    %dma_wait3A_2291 = arith.constant 0 : i32
    %dma_wait3A_2292 = tpu.memref_slice %arg1[%dma_wait3A_2289, %dma_wait3A_2290, %dma_wait3A_2291] : memref<55x6250x128xi8, #tpu.memory_space<hbm>> -> memref<1x6250x128xi8, #tpu.memory_space<hbm>>
    %dma_wait3A_2293 = arith.constant 19 : i32
    %dma_wait3A_2294 = arith.constant 0 : i32
    %dma_wait3A_2295 = arith.constant 0 : i32
    %dma_wait3A_2296 = tpu.memref_slice %arg2[%dma_wait3A_2293, %dma_wait3A_2294, %dma_wait3A_2295] : memref<24x6250x128xi8, #tpu.memory_space<vmem>> -> memref<1x6250x128xi8, #tpu.memory_space<vmem>>
    tpu.wait_dma2 semaphore(%dma_wait3A_2288 : memref<!tpu.dma_semaphore, #tpu.memory_space<semaphore_mem>>) src(%dma_wait3A_2296 : memref<1x6250x128xi8, #tpu.memory_space<vmem>>) dst(%dma_wait3A_2292 : memref<1x6250x128xi8, #tpu.memory_space<hbm>>)
    %dma_wait3A_2297 = arith.constant 20 : i32
    %dma_wait3A_2298 = tpu.memref_slice %arg4[%dma_wait3A_2297] : memref<24x!tpu.dma_semaphore, #tpu.memory_space<semaphore_mem>> -> memref<1x!tpu.dma_semaphore, #tpu.memory_space<semaphore_mem>>
    %dma_wait3A_2299 = tpu.memref_squeeze %dma_wait3A_2298 : memref<1x!tpu.dma_semaphore, #tpu.memory_space<semaphore_mem>> -> memref<!tpu.dma_semaphore, #tpu.memory_space<semaphore_mem>>
    %dma_wait3A_2300 = arith.constant 44 : i32
    %dma_wait3A_2301 = arith.constant 0 : i32
    %dma_wait3A_2302 = arith.constant 0 : i32
    %dma_wait3A_2303 = tpu.memref_slice %arg1[%dma_wait3A_2300, %dma_wait3A_2301, %dma_wait3A_2302] : memref<55x6250x128xi8, #tpu.memory_space<hbm>> -> memref<1x6250x128xi8, #tpu.memory_space<hbm>>
    %dma_wait3A_2304 = arith.constant 20 : i32
    %dma_wait3A_2305 = arith.constant 0 : i32
    %dma_wait3A_2306 = arith.constant 0 : i32
    %dma_wait3A_2307 = tpu.memref_slice %arg2[%dma_wait3A_2304, %dma_wait3A_2305, %dma_wait3A_2306] : memref<24x6250x128xi8, #tpu.memory_space<vmem>> -> memref<1x6250x128xi8, #tpu.memory_space<vmem>>
    tpu.wait_dma2 semaphore(%dma_wait3A_2299 : memref<!tpu.dma_semaphore, #tpu.memory_space<semaphore_mem>>) src(%dma_wait3A_2307 : memref<1x6250x128xi8, #tpu.memory_space<vmem>>) dst(%dma_wait3A_2303 : memref<1x6250x128xi8, #tpu.memory_space<hbm>>)
    %dma_wait3A_2308 = arith.constant 21 : i32
    %dma_wait3A_2309 = tpu.memref_slice %arg4[%dma_wait3A_2308] : memref<24x!tpu.dma_semaphore, #tpu.memory_space<semaphore_mem>> -> memref<1x!tpu.dma_semaphore, #tpu.memory_space<semaphore_mem>>
    %dma_wait3A_2310 = tpu.memref_squeeze %dma_wait3A_2309 : memref<1x!tpu.dma_semaphore, #tpu.memory_space<semaphore_mem>> -> memref<!tpu.dma_semaphore, #tpu.memory_space<semaphore_mem>>
    %dma_wait3A_2311 = arith.constant 45 : i32
    %dma_wait3A_2312 = arith.constant 0 : i32
    %dma_wait3A_2313 = arith.constant 0 : i32
    %dma_wait3A_2314 = tpu.memref_slice %arg1[%dma_wait3A_2311, %dma_wait3A_2312, %dma_wait3A_2313] : memref<55x6250x128xi8, #tpu.memory_space<hbm>> -> memref<1x6250x128xi8, #tpu.memory_space<hbm>>
    %dma_wait3A_2315 = arith.constant 21 : i32
    %dma_wait3A_2316 = arith.constant 0 : i32
    %dma_wait3A_2317 = arith.constant 0 : i32
    %dma_wait3A_2318 = tpu.memref_slice %arg2[%dma_wait3A_2315, %dma_wait3A_2316, %dma_wait3A_2317] : memref<24x6250x128xi8, #tpu.memory_space<vmem>> -> memref<1x6250x128xi8, #tpu.memory_space<vmem>>
    tpu.wait_dma2 semaphore(%dma_wait3A_2310 : memref<!tpu.dma_semaphore, #tpu.memory_space<semaphore_mem>>) src(%dma_wait3A_2318 : memref<1x6250x128xi8, #tpu.memory_space<vmem>>) dst(%dma_wait3A_2314 : memref<1x6250x128xi8, #tpu.memory_space<hbm>>)
    %dma_wait3A_2319 = arith.constant 22 : i32
    %dma_wait3A_2320 = tpu.memref_slice %arg4[%dma_wait3A_2319] : memref<24x!tpu.dma_semaphore, #tpu.memory_space<semaphore_mem>> -> memref<1x!tpu.dma_semaphore, #tpu.memory_space<semaphore_mem>>
    %dma_wait3A_2321 = tpu.memref_squeeze %dma_wait3A_2320 : memref<1x!tpu.dma_semaphore, #tpu.memory_space<semaphore_mem>> -> memref<!tpu.dma_semaphore, #tpu.memory_space<semaphore_mem>>
    %dma_wait3A_2322 = arith.constant 46 : i32
    %dma_wait3A_2323 = arith.constant 0 : i32
    %dma_wait3A_2324 = arith.constant 0 : i32
    %dma_wait3A_2325 = tpu.memref_slice %arg1[%dma_wait3A_2322, %dma_wait3A_2323, %dma_wait3A_2324] : memref<55x6250x128xi8, #tpu.memory_space<hbm>> -> memref<1x6250x128xi8, #tpu.memory_space<hbm>>
    %dma_wait3A_2326 = arith.constant 22 : i32
    %dma_wait3A_2327 = arith.constant 0 : i32
    %dma_wait3A_2328 = arith.constant 0 : i32
    %dma_wait3A_2329 = tpu.memref_slice %arg2[%dma_wait3A_2326, %dma_wait3A_2327, %dma_wait3A_2328] : memref<24x6250x128xi8, #tpu.memory_space<vmem>> -> memref<1x6250x128xi8, #tpu.memory_space<vmem>>
    tpu.wait_dma2 semaphore(%dma_wait3A_2321 : memref<!tpu.dma_semaphore, #tpu.memory_space<semaphore_mem>>) src(%dma_wait3A_2329 : memref<1x6250x128xi8, #tpu.memory_space<vmem>>) dst(%dma_wait3A_2325 : memref<1x6250x128xi8, #tpu.memory_space<hbm>>)
    %dma_wait3A_2330 = arith.constant 23 : i32
    %dma_wait3A_2331 = tpu.memref_slice %arg4[%dma_wait3A_2330] : memref<24x!tpu.dma_semaphore, #tpu.memory_space<semaphore_mem>> -> memref<1x!tpu.dma_semaphore, #tpu.memory_space<semaphore_mem>>
    %dma_wait3A_2332 = tpu.memref_squeeze %dma_wait3A_2331 : memref<1x!tpu.dma_semaphore, #tpu.memory_space<semaphore_mem>> -> memref<!tpu.dma_semaphore, #tpu.memory_space<semaphore_mem>>
    %dma_wait3A_2333 = arith.constant 47 : i32
    %dma_wait3A_2334 = arith.constant 0 : i32
    %dma_wait3A_2335 = arith.constant 0 : i32
    %dma_wait3A_2336 = tpu.memref_slice %arg1[%dma_wait3A_2333, %dma_wait3A_2334, %dma_wait3A_2335] : memref<55x6250x128xi8, #tpu.memory_space<hbm>> -> memref<1x6250x128xi8, #tpu.memory_space<hbm>>
    %dma_wait3A_2337 = arith.constant 23 : i32
    %dma_wait3A_2338 = arith.constant 0 : i32
    %dma_wait3A_2339 = arith.constant 0 : i32
    %dma_wait3A_2340 = tpu.memref_slice %arg2[%dma_wait3A_2337, %dma_wait3A_2338, %dma_wait3A_2339] : memref<24x6250x128xi8, #tpu.memory_space<vmem>> -> memref<1x6250x128xi8, #tpu.memory_space<vmem>>
    tpu.wait_dma2 semaphore(%dma_wait3A_2332 : memref<!tpu.dma_semaphore, #tpu.memory_space<semaphore_mem>>) src(%dma_wait3A_2340 : memref<1x6250x128xi8, #tpu.memory_space<vmem>>) dst(%dma_wait3A_2336 : memref<1x6250x128xi8, #tpu.memory_space<hbm>>)
    %dma_wait3A_2341 = arith.constant 0 : i32
    %dma_wait3A_2342 = tpu.memref_slice %arg4[%dma_wait3A_2341] : memref<24x!tpu.dma_semaphore, #tpu.memory_space<semaphore_mem>> -> memref<1x!tpu.dma_semaphore, #tpu.memory_space<semaphore_mem>>
    %dma_wait3A_2343 = tpu.memref_squeeze %dma_wait3A_2342 : memref<1x!tpu.dma_semaphore, #tpu.memory_space<semaphore_mem>> -> memref<!tpu.dma_semaphore, #tpu.memory_space<semaphore_mem>>
    %dma_wait3A_2344 = arith.constant 48 : i32
    %dma_wait3A_2345 = arith.constant 0 : i32
    %dma_wait3A_2346 = arith.constant 0 : i32
    %dma_wait3A_2347 = tpu.memref_slice %arg1[%dma_wait3A_2344, %dma_wait3A_2345, %dma_wait3A_2346] : memref<55x6250x128xi8, #tpu.memory_space<hbm>> -> memref<1x6250x128xi8, #tpu.memory_space<hbm>>
    %dma_wait3A_2348 = arith.constant 0 : i32
    %dma_wait3A_2349 = arith.constant 0 : i32
    %dma_wait3A_2350 = arith.constant 0 : i32
    %dma_wait3A_2351 = tpu.memref_slice %arg2[%dma_wait3A_2348, %dma_wait3A_2349, %dma_wait3A_2350] : memref<24x6250x128xi8, #tpu.memory_space<vmem>> -> memref<1x6250x128xi8, #tpu.memory_space<vmem>>
    tpu.wait_dma2 semaphore(%dma_wait3A_2343 : memref<!tpu.dma_semaphore, #tpu.memory_space<semaphore_mem>>) src(%dma_wait3A_2351 : memref<1x6250x128xi8, #tpu.memory_space<vmem>>) dst(%dma_wait3A_2347 : memref<1x6250x128xi8, #tpu.memory_space<hbm>>)
    %dma_wait3A_2352 = arith.constant 1 : i32
    %dma_wait3A_2353 = tpu.memref_slice %arg4[%dma_wait3A_2352] : memref<24x!tpu.dma_semaphore, #tpu.memory_space<semaphore_mem>> -> memref<1x!tpu.dma_semaphore, #tpu.memory_space<semaphore_mem>>
    %dma_wait3A_2354 = tpu.memref_squeeze %dma_wait3A_2353 : memref<1x!tpu.dma_semaphore, #tpu.memory_space<semaphore_mem>> -> memref<!tpu.dma_semaphore, #tpu.memory_space<semaphore_mem>>
    %dma_wait3A_2355 = arith.constant 49 : i32
    %dma_wait3A_2356 = arith.constant 0 : i32
    %dma_wait3A_2357 = arith.constant 0 : i32
    %dma_wait3A_2358 = tpu.memref_slice %arg1[%dma_wait3A_2355, %dma_wait3A_2356, %dma_wait3A_2357] : memref<55x6250x128xi8, #tpu.memory_space<hbm>> -> memref<1x6250x128xi8, #tpu.memory_space<hbm>>
    %dma_wait3A_2359 = arith.constant 1 : i32
    %dma_wait3A_2360 = arith.constant 0 : i32
    %dma_wait3A_2361 = arith.constant 0 : i32
    %dma_wait3A_2362 = tpu.memref_slice %arg2[%dma_wait3A_2359, %dma_wait3A_2360, %dma_wait3A_2361] : memref<24x6250x128xi8, #tpu.memory_space<vmem>> -> memref<1x6250x128xi8, #tpu.memory_space<vmem>>
    tpu.wait_dma2 semaphore(%dma_wait3A_2354 : memref<!tpu.dma_semaphore, #tpu.memory_space<semaphore_mem>>) src(%dma_wait3A_2362 : memref<1x6250x128xi8, #tpu.memory_space<vmem>>) dst(%dma_wait3A_2358 : memref<1x6250x128xi8, #tpu.memory_space<hbm>>)
    %dma_wait3A_2363 = arith.constant 2 : i32
    %dma_wait3A_2364 = tpu.memref_slice %arg4[%dma_wait3A_2363] : memref<24x!tpu.dma_semaphore, #tpu.memory_space<semaphore_mem>> -> memref<1x!tpu.dma_semaphore, #tpu.memory_space<semaphore_mem>>
    %dma_wait3A_2365 = tpu.memref_squeeze %dma_wait3A_2364 : memref<1x!tpu.dma_semaphore, #tpu.memory_space<semaphore_mem>> -> memref<!tpu.dma_semaphore, #tpu.memory_space<semaphore_mem>>
    %dma_wait3A_2366 = arith.constant 50 : i32
    %dma_wait3A_2367 = arith.constant 0 : i32
    %dma_wait3A_2368 = arith.constant 0 : i32
    %dma_wait3A_2369 = tpu.memref_slice %arg1[%dma_wait3A_2366, %dma_wait3A_2367, %dma_wait3A_2368] : memref<55x6250x128xi8, #tpu.memory_space<hbm>> -> memref<1x6250x128xi8, #tpu.memory_space<hbm>>
    %dma_wait3A_2370 = arith.constant 2 : i32
    %dma_wait3A_2371 = arith.constant 0 : i32
    %dma_wait3A_2372 = arith.constant 0 : i32
    %dma_wait3A_2373 = tpu.memref_slice %arg2[%dma_wait3A_2370, %dma_wait3A_2371, %dma_wait3A_2372] : memref<24x6250x128xi8, #tpu.memory_space<vmem>> -> memref<1x6250x128xi8, #tpu.memory_space<vmem>>
    tpu.wait_dma2 semaphore(%dma_wait3A_2365 : memref<!tpu.dma_semaphore, #tpu.memory_space<semaphore_mem>>) src(%dma_wait3A_2373 : memref<1x6250x128xi8, #tpu.memory_space<vmem>>) dst(%dma_wait3A_2369 : memref<1x6250x128xi8, #tpu.memory_space<hbm>>)
    %dma_wait3A_2374 = arith.constant 3 : i32
    %dma_wait3A_2375 = tpu.memref_slice %arg4[%dma_wait3A_2374] : memref<24x!tpu.dma_semaphore, #tpu.memory_space<semaphore_mem>> -> memref<1x!tpu.dma_semaphore, #tpu.memory_space<semaphore_mem>>
    %dma_wait3A_2376 = tpu.memref_squeeze %dma_wait3A_2375 : memref<1x!tpu.dma_semaphore, #tpu.memory_space<semaphore_mem>> -> memref<!tpu.dma_semaphore, #tpu.memory_space<semaphore_mem>>
    %dma_wait3A_2377 = arith.constant 51 : i32
    %dma_wait3A_2378 = arith.constant 0 : i32
    %dma_wait3A_2379 = arith.constant 0 : i32
    %dma_wait3A_2380 = tpu.memref_slice %arg1[%dma_wait3A_2377, %dma_wait3A_2378, %dma_wait3A_2379] : memref<55x6250x128xi8, #tpu.memory_space<hbm>> -> memref<1x6250x128xi8, #tpu.memory_space<hbm>>
    %dma_wait3A_2381 = arith.constant 3 : i32
    %dma_wait3A_2382 = arith.constant 0 : i32
    %dma_wait3A_2383 = arith.constant 0 : i32
    %dma_wait3A_2384 = tpu.memref_slice %arg2[%dma_wait3A_2381, %dma_wait3A_2382, %dma_wait3A_2383] : memref<24x6250x128xi8, #tpu.memory_space<vmem>> -> memref<1x6250x128xi8, #tpu.memory_space<vmem>>
    tpu.wait_dma2 semaphore(%dma_wait3A_2376 : memref<!tpu.dma_semaphore, #tpu.memory_space<semaphore_mem>>) src(%dma_wait3A_2384 : memref<1x6250x128xi8, #tpu.memory_space<vmem>>) dst(%dma_wait3A_2380 : memref<1x6250x128xi8, #tpu.memory_space<hbm>>)
    %dma_wait3A_2385 = arith.constant 4 : i32
    %dma_wait3A_2386 = tpu.memref_slice %arg4[%dma_wait3A_2385] : memref<24x!tpu.dma_semaphore, #tpu.memory_space<semaphore_mem>> -> memref<1x!tpu.dma_semaphore, #tpu.memory_space<semaphore_mem>>
    %dma_wait3A_2387 = tpu.memref_squeeze %dma_wait3A_2386 : memref<1x!tpu.dma_semaphore, #tpu.memory_space<semaphore_mem>> -> memref<!tpu.dma_semaphore, #tpu.memory_space<semaphore_mem>>
    %dma_wait3A_2388 = arith.constant 52 : i32
    %dma_wait3A_2389 = arith.constant 0 : i32
    %dma_wait3A_2390 = arith.constant 0 : i32
    %dma_wait3A_2391 = tpu.memref_slice %arg1[%dma_wait3A_2388, %dma_wait3A_2389, %dma_wait3A_2390] : memref<55x6250x128xi8, #tpu.memory_space<hbm>> -> memref<1x6250x128xi8, #tpu.memory_space<hbm>>
    %dma_wait3A_2392 = arith.constant 4 : i32
    %dma_wait3A_2393 = arith.constant 0 : i32
    %dma_wait3A_2394 = arith.constant 0 : i32
    %dma_wait3A_2395 = tpu.memref_slice %arg2[%dma_wait3A_2392, %dma_wait3A_2393, %dma_wait3A_2394] : memref<24x6250x128xi8, #tpu.memory_space<vmem>> -> memref<1x6250x128xi8, #tpu.memory_space<vmem>>
    tpu.wait_dma2 semaphore(%dma_wait3A_2387 : memref<!tpu.dma_semaphore, #tpu.memory_space<semaphore_mem>>) src(%dma_wait3A_2395 : memref<1x6250x128xi8, #tpu.memory_space<vmem>>) dst(%dma_wait3A_2391 : memref<1x6250x128xi8, #tpu.memory_space<hbm>>)
    %dma_wait3A_2396 = arith.constant 5 : i32
    %dma_wait3A_2397 = tpu.memref_slice %arg4[%dma_wait3A_2396] : memref<24x!tpu.dma_semaphore, #tpu.memory_space<semaphore_mem>> -> memref<1x!tpu.dma_semaphore, #tpu.memory_space<semaphore_mem>>
    %dma_wait3A_2398 = tpu.memref_squeeze %dma_wait3A_2397 : memref<1x!tpu.dma_semaphore, #tpu.memory_space<semaphore_mem>> -> memref<!tpu.dma_semaphore, #tpu.memory_space<semaphore_mem>>
    %dma_wait3A_2399 = arith.constant 53 : i32
    %dma_wait3A_2400 = arith.constant 0 : i32
    %dma_wait3A_2401 = arith.constant 0 : i32
    %dma_wait3A_2402 = tpu.memref_slice %arg1[%dma_wait3A_2399, %dma_wait3A_2400, %dma_wait3A_2401] : memref<55x6250x128xi8, #tpu.memory_space<hbm>> -> memref<1x6250x128xi8, #tpu.memory_space<hbm>>
    %dma_wait3A_2403 = arith.constant 5 : i32
    %dma_wait3A_2404 = arith.constant 0 : i32
    %dma_wait3A_2405 = arith.constant 0 : i32
    %dma_wait3A_2406 = tpu.memref_slice %arg2[%dma_wait3A_2403, %dma_wait3A_2404, %dma_wait3A_2405] : memref<24x6250x128xi8, #tpu.memory_space<vmem>> -> memref<1x6250x128xi8, #tpu.memory_space<vmem>>
    tpu.wait_dma2 semaphore(%dma_wait3A_2398 : memref<!tpu.dma_semaphore, #tpu.memory_space<semaphore_mem>>) src(%dma_wait3A_2406 : memref<1x6250x128xi8, #tpu.memory_space<vmem>>) dst(%dma_wait3A_2402 : memref<1x6250x128xi8, #tpu.memory_space<hbm>>)
    %dma_wait3A_2407 = arith.constant 6 : i32
    %dma_wait3A_2408 = tpu.memref_slice %arg4[%dma_wait3A_2407] : memref<24x!tpu.dma_semaphore, #tpu.memory_space<semaphore_mem>> -> memref<1x!tpu.dma_semaphore, #tpu.memory_space<semaphore_mem>>
    %dma_wait3A_2409 = tpu.memref_squeeze %dma_wait3A_2408 : memref<1x!tpu.dma_semaphore, #tpu.memory_space<semaphore_mem>> -> memref<!tpu.dma_semaphore, #tpu.memory_space<semaphore_mem>>
    %dma_wait3A_2410 = arith.constant 54 : i32
    %dma_wait3A_2411 = arith.constant 0 : i32
    %dma_wait3A_2412 = arith.constant 0 : i32
    %dma_wait3A_2413 = tpu.memref_slice %arg1[%dma_wait3A_2410, %dma_wait3A_2411, %dma_wait3A_2412] : memref<55x6250x128xi8, #tpu.memory_space<hbm>> -> memref<1x6250x128xi8, #tpu.memory_space<hbm>>
    %dma_wait3A_2414 = arith.constant 6 : i32
    %dma_wait3A_2415 = arith.constant 0 : i32
    %dma_wait3A_2416 = arith.constant 0 : i32
    %dma_wait3A_2417 = tpu.memref_slice %arg2[%dma_wait3A_2414, %dma_wait3A_2415, %dma_wait3A_2416] : memref<24x6250x128xi8, #tpu.memory_space<vmem>> -> memref<1x6250x128xi8, #tpu.memory_space<vmem>>
    tpu.wait_dma2 semaphore(%dma_wait3A_2409 : memref<!tpu.dma_semaphore, #tpu.memory_space<semaphore_mem>>) src(%dma_wait3A_2417 : memref<1x6250x128xi8, #tpu.memory_space<vmem>>) dst(%dma_wait3A_2413 : memref<1x6250x128xi8, #tpu.memory_space<hbm>>)
    return
  }
}

</mosaic_0001>

<sc_bundles>
// kernel: sparse-core-data-format-call.1.cloned.1.call-start
scs
called_computation.1_lowered:
.L_overlay_start_0:
0x0: {  	s1 =	sld [smem:$0x3FD9]  }
0x1: {  	s2 =	sld [smem:$0x3FFE];
	_ =	sdelay $0x1  }
0x2: {  	s3 =	srdreg.scid  }
0x3: {  	s0 =	sand.u32 $0x1, s3  }
0x4: {  	s17 =	sshll.u32 s0, $0xA;
	s1 =	sadd.s32 s2, s1  }
0x5: {  	s1 =	sadd.s32 s1, s17  }
0x6: {  	[smem:$0x3FC7] =	sst s1  }
0x7: {  	_ = 	snop  }
0x8: {  	(tm) =	ssettm $0x1  }
0x9: {  	s18 =	sld [smem:$0x3FFB];
	_ =	sdelay $0x3  }
0xa: {  	_ =	strace s18  }
0xb: {  	s1 =	sld [smem:$0x3FFC];
	_ =	sdelay $0x3  }
0xc: {  	_ =	strace s1  }
0xd: {  	s1 =	sld [smem:$0x3FFD];
	_ =	sdelay $0x3  }
0xe: {  	_ =	strace s1  }
0xf: {  	_ =	strace $0x8FFFFFFF  }
0x10: {  	s19 =	sld [smem:$0x3FDB];
	_ =	sdelay $0x1  }
0x11: {  	s20 =	simm.s32 $_scs_section_size  }
0x12: {  	s4 =	simm.s32 $_size__tile_overlayer_lowered;
	s5 =	simm.s32 $_tile_overlayer_lowered  }
0x13: {  	s23 =	simm.s32 $0x1BFF;
	s22 =	sshll.u32 s5, $0x1;
	s1 =	sadd.s32 s20, s19  }
0x14: {  	s6 =	simm.s32 $0x0;
	s21 =	sshll.u32 s4, $0x1;
	s4 =	sadd.s32 s22, s1  }
0x15: {  	[timem:s6], [sflag:s23] =	dma.local [hbm:s4], s21  }
0x16: {  	_ =	swait.ge [sflag:s23], s21  }
0x17: {  	s2 =	ssub.s32 $0x0, s21;
	[sflag:s23] =	ssyncset.done $0x0  }
0x18: {  	[sflag:s23] =	ssyncadd.s32 s2;
	_ =	sdelay $0x1  }
0x19: {  	s24 =	simm.s32 $0x1B8B  }
0x1a: {  	_ =	swait.ge [sflag:s24], $0x1  }
0x1b: {  	[sflag:s24] =	ssyncset.done $0x0  }
0x1c: {  	s26 =	simm.s32 $0x1B8E;
	s25 =	sld [smem:$0x3FFE];
	[sflag:s24] =	ssyncadd.s32 $0xFFFFFFFF  }
0x1d: {  	s27 =	simm.s32 $execute0_lowered;
	[smem:$0x3FD2] =	sst s26  }
0x1e: {  	s4 =	sshll.u32 s27, $0x1;
	_ =	strace $0x80000046;
	[dreg:$0x1] =	wrdreg $0xFFFFFFFF  }
0x1f: {  	s28 =	simm.s32 $_size_execute0_lowered;
	s1 =	sadd.s32 s1, s4;
	[dreg:$0x0] =	wrdreg $0x0  }
0x20: {  	s4 =	sshll.u32 s28, $0x1;
	[dreg:$0x2] =	wrdreg s1  }
0x21: {  	[dreg:$0x3] =	wrdreg s4  }
0x22: {  	[dreg:$0x4] =	wrdreg $0xC0  }
0x23: {  	_ =	task [dreg:s6], $0x5FFFF  }
0x24: {  	[dreg:$0x1] =	wrdreg $0xFFFFFFFF  }
0x25: {  	[dreg:$0x0] =	wrdreg $0x60  }
0x26: {  	[dreg:$0x2] =	wrdreg s25  }
0x27: {  	[dreg:$0x3] =	wrdreg $0x9  }
0x28: {  	_ =	task.clear_ibuf [dreg:s6], $0x4FFFF;
	_ =	strace $0x90000046  }
0x29: {  	s29 =	simm.s32 $0x9;
	_ =	strace $0x80000048  }
0x2a: {  	_ =	swait.ge [sflag:s29], $0x1  }
0x2b: {  	[sflag:s29] =	ssyncadd.s32 $0xFFFFFFFF  }
0x2c: {  	_ =	strace $0x90000048  }
0x2d: {  	_ =	sfence  }
0x2e: {  	s30 =	sld [smem:$0x0];
	_ =	sdelay $0x2  }
0x2f: {  	s31 =	sshll.u32 s3, $0xD;
	s3 =	sshrl.u32 s3, $0x2  }
0x30: {  	s2 =	sand.u32 $0x4000, s31;
	s1 =	sadd.s32 s3, s30  }
0x31: {  	s0 =	sor.u32 s2, s0;
	s1 =	sshll.u32 s1, $0x11  }
0x32: {  	s0 =	sor.u32 s1, s0  }
0x33: {  	s0 =	sadd.s32 $0x8F2B, s0  }
0x34: {  	[sflag:s0] =	ssyncadd.remote.s32 $0x1  }
0x35: {  	_ =	sfence.sel $0xFFFF  }
0x36: {  	[dreg:$0x0] =	wrdreg $0xFFFFFFFF;
	(pc) =	sbr.abs _section_cstart, $3  }
0x37: {  	[dreg:$0x1] =	wrdreg $0xFFFFFFFF  }
0x38: {  	_ =	task.clear_ibuf [dreg:s6], $0x2FFFF;
	_ =	strace $0x9FFFFFFF  }
0x39: {  	(tm) =	ssettm $0x7FFFFFFF  }
tec
execute0_lowered:
.L_overlay_start_1:
0x0: {  	(tag) =	ssettag $0x1  }
0x1: {  	s0 =	srdreg.scid;
	s6 =	rddreg [dreg:$0x0]  }
0x2: {  	s7 =	simm.s32 $0x2;
	s12 =	simm.s32 $0x0;
	s1 =	sshll.u32 s0, $0x4  }
0x3: {  	p0 =	por $0x0, $0x0;
	s0 =	stileid.u32;
	s1 =	sand.u32 $0x10, s1  }
0x4: {  	s8 =	simm.s32 $0x55C00;
	s13 =	simm.s32 $0x0;
	s2 =	sor.u32 s0, s1  }
.Ltmp0:
0x5: {  	s9 =	simm.s32 $0x0;
	s3 =	ssub.s32 $0x56, s2;
	(pc) =	sbr.rel .LBB1_1-.Ltmp0, $4  }
0x6: {  	s11 =	simm.s32 $0x0;
	s1 =	rddreg [dreg:$0x1];
	s4 =	sshrl.u32 s3, $0x5  }
0x7: {  	_ =	strace $0x80000047;
	s3 =	simm.s32 $0x1;
	s4 =	smul.u32 $0x31, s4  }
0x8: {  	s5 =	sadd.s32 $0x400, s6;
	s6 =	sadd.s32 $0x540600, s6;
	[sflag:s3] =	ssyncpa.u1 $0x0  }
0x9: {  	s10 =	smov.u32 s2;
	[sflag:s7] =	ssyncpa.u1 $0x0;
	s7 =	sadd.s32 $0x1, s4  }
.LBB1_4:
0xa: {  	s16 =	sshrl.u32 s13, $0x3  }
0xb: {  	s17 =	sshll.u32 s12, $0x3;
	s16 =	smul.u32 $0xC400, s16  }
0xc: {  	s28 =	sshll.u32 s13, $0x7;
	s17 =	sand.u32 $0xFFFFFC00, s17  }
0xd: {  	s13 =	sand.u32 $0x380, s28;
	s16 =	sadd.s32 s16, s17  }
0xe: {  	s29 =	sand.u32 $0x7F, s12;
	s13 =	sor.u32 s13, s16  }
0xf: {  	s12 =	sor.u32 s29, s13;
	s13 =	smulhi.u32 $0x5397829D, s13  }
0x10: {  	s30 =	smulhi.u32 $0x5397829D, s12  }
0x11: {  	s13 =	sshrl.u32 s13, $0xB  }
0x12: {  	s16 =	sshrl.u32 s30, $0xB;
	s31 =	smulhi.u32 $0x4924925, s13  }
0x13: {  	s16 =	smul.u32 $0x1880, s16  }
0x14: {  	s17 =	smul.u32 $0x38, s31;
	_ =	sdelay $0x1  }
0x15: {  	s12 =	ssub.s32 s12, s16;
	s13 =	ssub.s32 s13, s17  }
0x16: {  	s16 =	sshrl.u32 s12, $0x3;
	s12 =	sand.u32 $0x7, s12;
	s13 =	smul.u32 $0x310, s13  }
0x17: {  	s16 =	sadd.s32 s6, s16;
	s12 =	sshll.u32 s12, $0x12  }
0x18: {  	[tilespmem:s15+$0x0 ss:$0x81] =	vst.msk $0xffff, v0;
	s12 =	sor.u32 $0x80, s12;
	s13 =	sadd.s32 s13, s16  }
0x19: {  	[hbm4b:s13+s12] =	stream.strided.scatter [tilespmem:s14], [sflag:$0x2], $0x1000, s8, s12, $0x20;
	[tilespmem:$0x4040] =	vst v63  }
.LBB1_5:
0x1a: {  	s14 =	sadd.s32 $0x80, s9  }
0x1b: {  	s12 =	sadd.s32 $0x20, s10;
	s16 =	smov.u32 s10;
	p2 =	sgt.s32 s14, $0x1869  }
0x1c: {  	s16 =	smov.u32 @p2 s12  }
0x1d: {  	s14 =	simm.s32 @p2 $0x0;
	p2 =	sgt.s32 s16, $0x36  }
0x1e: {  	s16 =	smov.u32 @p2 s2;
	p2 =	sne.s32 s11, s7  }
.Ltmp1:
0x1f: {  	p1 =	slt.u32 s11, $0x2;
	(pc) =	sbr.rel @!p2 .LBB1_6-.Ltmp1, $4  }
0x20: {  	s15 =	simm.s32 @!p1 $0x2  }
0x21: {  	s13 =	smov.u32 s10;
	p0 =	por !p0, !p0;
	_ =	swait.ge @!p1 [sflag:s15], $0x1000  }
0x22: {  	s12 =	smov.u32 s9;
	[sflag:s15] =	ssyncset.done @!p1 $0x0;
	s9 =	smov.u32 s14  }
0x23: {  	s11 =	sadd.s32 $0x1, s11;
	[sflag:s15] =	ssyncadd.s32 @!p1 $0xFFFFF000;
	s10 =	smov.u32 s16  }
.LBB1_1:
0x24: {  	p1 =	sge.u32 s11, s4  }
0x25: {  	s16 =	smov.u32 s10;
	s18 =	smov.u32 s9;
	p2 =	sgt.s32 @!p1 s10, $0x36  }
0x26: {  	s14 =	sand.u32 @!p1 $0x1FFFFFF, s9;
	s17 =	sshra.s32 @!p1 s10, $0x1F;
	p2 =	por !p2, p1  }
0x27: {  	s19 =	sshra.s32 @!p1 s9, $0x1F;
	s16 =	simm.s32 @p2 $0x36;
	p2 =	sgt.s32 @!p1 s9, $0x17F0  }
0x28: {  	s15 =	smulhi.u32 @!p1 $0x29E71ED, s14;
	s17 =	sand.u32 @!p1 s17, s10;
	p2 =	por !p2, p1  }
0x29: {  	s16 =	ssub.s32 @!p1 s16, s17;
	s17 =	sand.u32 @!p1 s19, s9;
	s18 =	simm.s32 @p2 $0x17F0  }
0x2a: {  	s16 =	sadd.s32 @!p1 $0xFFFFFFCA, s16;
	s17 =	ssub.s32 @!p1 s18, s17  }
0x2b: {  	s15 =	sshrl.u32 @!p1 s15, $0x6;
	p2 =	sgt.s32 @!p1 s16, $0x0;
	s18 =	sadd.s32 @!p1 $0xFFFFE810, s17  }
0x2c: {  	s16 =	sshll.u32 @!p1 s16, $0x5;
	s17 =	ssub.s32 @!p1 $0x1870, s17;
	p3 =	sgt.s32 @!p1 s18, $0x7F  }
0x2d: {  	s16 =	ssub.s32 @!p1 $0x20, s16;
	p2 =	por !p2, p1;
	p3 =	por !p3, p1  }
0x2e: {  	s15 =	smul.u32 @!p1 $0x1870, s15;
	s16 =	simm.s32 @!p2 $0x0;
	s17 =	simm.s32 @!p3 $0x0  }
0x2f: {  	s18 =	sxor.u32 @!p1 $0xFFFFFFFF, s11;
	s16 =	smul.u32 @!p1 s17, s16  }
0x30: {  	s14 =	ssub.s32 @!p1 s14, s15;
	s17 =	sshll.u32 @!p1 s18, $0xC;
	s18 =	smul.u32 @!p1 $0x18700, s10  }
0x31: {  	s31 =	sadd.s32 $0xFFFFFFFF, s11;
	s14 =	sshll.u32 @!p1 s14, $0x4  }
0x32: {  	s17 =	sand.u32 @!p1 $0x1000, s17;
	s15 =	sand.u32 @!p1 $0x3FFFFFE0, s16;
	s16 =	sadd.s32 @!p1 s5, s18  }
0x33: {  	s18 =	simm.s32 @!p1 $0x80;
	s14 =	sadd.s32 @!p1 s14, s16;
	s16 =	simm.s32 @!p1 $0x20  }
0x34: {  	[tilespmem:s17], [sflag:$0x1] =	stream.strided.gather @!p1 [hbm4b:s14+s16], s15, s18, s16, $0x38;
	[tilespmem:$0x4040] =	vst v63  }
0x35: {  	p1 =	sge.u32 s31, s4  }
.Ltmp2:
0x36: {  	_ = 	snop;
	(pc) =	sbr.rel @p1 .LBB1_5-.Ltmp2, $1  }
0x37: {  	_ =	sdelay $0x3  }
0x38: {  	p1 =	sgt.s32 s13, $0x36;
	s14 =	smov.u32 s13  }
0x39: {  	s15 =	sshra.s32 s13, $0x1F;
	s16 =	smov.u32 s12;
	s17 =	sshra.s32 s12, $0x1F  }
0x3a: {  	s14 =	simm.s32 @!p1 $0x36;
	s15 =	sand.u32 s15, s13;
	p1 =	sgt.s32 s12, $0x17F0  }
0x3b: {  	s27 =	sand.u32 s17, s12;
	s14 =	ssub.s32 s14, s15;
	s16 =	simm.s32 @!p1 $0x17F0  }
0x3c: {  	s14 =	sadd.s32 $0xFFFFFFCA, s14;
	s15 =	ssub.s32 s16, s27  }
0x3d: {  	p1 =	sgt.s32 s14, $0x0;
	s16 =	sadd.s32 $0xFFFFE810, s15;
	s14 =	sshll.u32 s14, $0x5  }
0x3e: {  	s15 =	ssub.s32 $0x1870, s15;
	p2 =	sgt.s32 s16, $0x7F;
	s14 =	ssub.s32 $0x20, s14  }
0x3f: {  	s15 =	simm.s32 @p2 $0x0;
	s14 =	simm.s32 @p1 $0x0  }
0x40: {  	s14 =	smul.u32 s15, s14;
	_ =	sdelay $0x1  }
0x41: {  	s15 =	simm.s32 $0x1;
	s14 =	sand.u32 $0x3FFFFFE0, s14  }
0x42: {  	s15 =	simm.s32 @!p0 $0x0;
	_ =	swait.ge [sflag:s3], s14  }
0x43: {  	s28 =	sshll.u32 s15, $0xC;
	s14 =	ssub.s32 $0x0, s14;
	[sflag:s3] =	ssyncset.done $0x0  }
0x44: {  	s18 =	sor.u32 $0x10, s28;
	[sflag:s3] =	ssyncadd.s32 s14  }
0x45: {  	s29 =	smul.u32 $0x4080, s15;
	v1 =	vld [tilespmem:s18+$0x0]  }
0x46: {  	s30 =	sand.u32 $0x1, s11;
	v0 =	vld [tilespmem:s18+$0xFFFFFFF0]  }
0x47: {  	s15 =	smul.u32 $0x4080, s30;
	s14 =	sshrl.u32 s29, $0x2  }
0x48: {  	s16 =	sor.u32 $0x2000, s14  }
0x49: {  	s31 =	sshrl.u32 s15, $0x2;
	s15 =	sadd.s32 $0x0, s16  }
0x4a: {  	s17 =	simm.s32 $0x4;
	s14 =	sor.u32 $0x2000, s31;
	s18 =	sadd.s32 $0x20, s18;
	[tilespmem:s15+$0x810 ss:$0x81] =	vst.msk $0xffff, v1  }
.LBB1_3:
0x4b: {  	v1 =	vld [tilespmem:s18+$0x0];
	p1 =	sne.s32 s17, $0x1FC;
	[tilespmem:s15+$0x0 ss:$0x81] =	vst.msk $0xffff, v0;
	s15 =	smov.u32 s17;
	s17 =	sadd.s32 $0x4, s17  }
.Ltmp3:
0x4c: {  	v0 =	vld [tilespmem:s18+$0xFFFFFFF0];
	(pc) =	sbr.rel @p1 .LBB1_3-.Ltmp3, $4  }
0x4d: {  	_ = 	snop  }
0x4e: {  	s15 =	sshra.s32 s15, $0x2  }
0x4f: {  	s15 =	sadd.s32 s15, s16  }
0x50: {  	s18 =	sadd.s32 $0x20, s18;
	[tilespmem:s15+$0x810 ss:$0x81] =	vst.msk $0xffff, v1  }
.Ltmp4:
0x51: {  	_ = 	snop;
	(pc) =	sbr.rel .LBB1_4-.Ltmp4, $1  }
0x52: {  	_ =	sdelay $0x3  }
.LBB1_6:
0x53: {  	_ =	sfence.sel $0x180000  }
0x54: {  	s2 =	simm.s32 $0x1;
	[bflag:$0x0] =	sbarrier.arrive $0xFFFF  }
0x55: {  	s31 =	simm.s32 $0x2;
	[sflag:s2] =	ssyncpa.u1 $0x1  }
0x56: {  	[sflag:s31] =	ssyncpa.u1 $0x1  }
0x57: {  	p0 =	sne.s32 s0, $0x0;
	_ =	strace $0x90000047  }
0x58: {  	s0 =	sadd.s32 @!p0 $0x100000, s1;
	[bflag:$0x2] =	sbarrier.arrive $0xFFFF  }
0x59: {  	[sflag:s0] =	ssyncadd.tile.s32 @!p0 $0x1;
	_ =	shalt  }
.Lfunc_end1:
_tile_overlayer_lowered:
.L_overlay_start_2:
0x5a: {  	(tag) =	ssettag $0x2  }
0x5b: {  	s0 =	rddreg [dreg:$0x0];
	s2 =	stileid.u32  }
0x5c: {  	s1 =	rddreg [dreg:$0x1];
	p0 =	sne.s32 s2, $0x0  }
0x5d: {  	s3 =	rddreg [dreg:$0x2];
	[bflag:$0x3] =	sbarrier.arrive $0xFFFF;
	s2 =	simm.s32 @!p0 $0x1C01  }
0x5e: {  	[timem:s3], [sflag:s2] =	dma.local @!p0 [hbm:s0], s1  }
0x5f: {  	s0 =	simm.s32 @!p0 $0x1  }
0x60: {  	_ =	swait.ge @!p0 [sflag:s0], s1  }
0x61: {  	s1 =	ssub.s32 @!p0 $0x0, s1;
	[sflag:s0] =	ssyncset.done @!p0 $0x0  }
0x62: {  	[sflag:s0] =	ssyncadd.s32 @!p0 s1  }
0x63: {  	[bflag:$0x3] =	sbarrier.arrive $0xFFFF  }
0x64: {  	_ =	shalt  }

// kernel: sparse-core-data-format-call.cloned.1.call-start
scs
called_computation_lowered:
.L_overlay_start_0:
0x0: {  	s1 =	sld [smem:$0x3FD9]  }
0x1: {  	s2 =	sld [smem:$0x3FFE];
	_ =	sdelay $0x1  }
0x2: {  	s3 =	srdreg.scid  }
0x3: {  	s0 =	sand.u32 $0x1, s3  }
0x4: {  	s17 =	sshll.u32 s0, $0xA;
	s1 =	sadd.s32 s2, s1  }
0x5: {  	s1 =	sadd.s32 s1, s17  }
0x6: {  	[smem:$0x3FC7] =	sst s1  }
0x7: {  	_ = 	snop  }
0x8: {  	(tm) =	ssettm $0x1  }
0x9: {  	s18 =	sld [smem:$0x3FFB];
	_ =	sdelay $0x3  }
0xa: {  	_ =	strace s18  }
0xb: {  	s1 =	sld [smem:$0x3FFC];
	_ =	sdelay $0x3  }
0xc: {  	_ =	strace s1  }
0xd: {  	s1 =	sld [smem:$0x3FFD];
	_ =	sdelay $0x3  }
0xe: {  	_ =	strace s1  }
0xf: {  	_ =	strace $0x8FFFFFFF  }
0x10: {  	s19 =	sld [smem:$0x3FDB];
	_ =	sdelay $0x1  }
0x11: {  	s20 =	simm.s32 $_scs_section_size  }
0x12: {  	s4 =	simm.s32 $_size__tile_overlayer_lowered;
	s5 =	simm.s32 $_tile_overlayer_lowered  }
0x13: {  	s23 =	simm.s32 $0x1BFF;
	s22 =	sshll.u32 s5, $0x1;
	s1 =	sadd.s32 s20, s19  }
0x14: {  	s6 =	simm.s32 $0x0;
	s21 =	sshll.u32 s4, $0x1;
	s4 =	sadd.s32 s22, s1  }
0x15: {  	[timem:s6], [sflag:s23] =	dma.local [hbm:s4], s21  }
0x16: {  	_ =	swait.ge [sflag:s23], s21  }
0x17: {  	s2 =	ssub.s32 $0x0, s21;
	[sflag:s23] =	ssyncset.done $0x0  }
0x18: {  	[sflag:s23] =	ssyncadd.s32 s2;
	_ =	sdelay $0x1  }
0x19: {  	s24 =	simm.s32 $0x1B8B  }
0x1a: {  	_ =	swait.ge [sflag:s24], $0x1  }
0x1b: {  	[sflag:s24] =	ssyncset.done $0x0  }
0x1c: {  	s26 =	simm.s32 $0x1B8E;
	s25 =	sld [smem:$0x3FFE];
	[sflag:s24] =	ssyncadd.s32 $0xFFFFFFFF  }
0x1d: {  	s27 =	simm.s32 $execute0_lowered;
	[smem:$0x3FD2] =	sst s26  }
0x1e: {  	s4 =	sshll.u32 s27, $0x1;
	_ =	strace $0x80000049;
	[dreg:$0x1] =	wrdreg $0xFFFFFFFF  }
0x1f: {  	s28 =	simm.s32 $_size_execute0_lowered;
	s1 =	sadd.s32 s1, s4;
	[dreg:$0x0] =	wrdreg $0x0  }
0x20: {  	s4 =	sshll.u32 s28, $0x1;
	[dreg:$0x2] =	wrdreg s1  }
0x21: {  	[dreg:$0x3] =	wrdreg s4  }
0x22: {  	[dreg:$0x4] =	wrdreg $0xC0  }
0x23: {  	_ =	task [dreg:s6], $0x5FFFF  }
0x24: {  	[dreg:$0x1] =	wrdreg $0xFFFFFFFF  }
0x25: {  	[dreg:$0x0] =	wrdreg $0x60  }
0x26: {  	[dreg:$0x2] =	wrdreg s25  }
0x27: {  	[dreg:$0x3] =	wrdreg $0x9  }
0x28: {  	_ =	task.clear_ibuf [dreg:s6], $0x4FFFF;
	_ =	strace $0x90000049  }
0x29: {  	s29 =	simm.s32 $0x9;
	_ =	strace $0x8000004B  }
0x2a: {  	_ =	swait.ge [sflag:s29], $0x1  }
0x2b: {  	[sflag:s29] =	ssyncadd.s32 $0xFFFFFFFF  }
0x2c: {  	_ =	strace $0x9000004B  }
0x2d: {  	_ =	sfence  }
0x2e: {  	s30 =	sld [smem:$0x0];
	_ =	sdelay $0x2  }
0x2f: {  	s31 =	sshll.u32 s3, $0xD;
	s3 =	sshrl.u32 s3, $0x2  }
0x30: {  	s2 =	sand.u32 $0x4000, s31;
	s1 =	sadd.s32 s3, s30  }
0x31: {  	s0 =	sor.u32 s2, s0;
	s1 =	sshll.u32 s1, $0x11  }
0x32: {  	s0 =	sor.u32 s1, s0  }
0x33: {  	s0 =	sadd.s32 $0x8F2B, s0  }
0x34: {  	[sflag:s0] =	ssyncadd.remote.s32 $0x1  }
0x35: {  	_ =	sfence.sel $0xFFFF  }
0x36: {  	[dreg:$0x0] =	wrdreg $0xFFFFFFFF;
	(pc) =	sbr.abs _section_cstart, $3  }
0x37: {  	[dreg:$0x1] =	wrdreg $0xFFFFFFFF  }
0x38: {  	_ =	task.clear_ibuf [dreg:s6], $0x2FFFF;
	_ =	strace $0x9FFFFFFF  }
0x39: {  	(tm) =	ssettm $0x7FFFFFFF  }
tec
execute0_lowered:
.L_overlay_start_1:
0x0: {  	(tag) =	ssettag $0x1  }
0x1: {  	s0 =	srdreg.scid;
	s6 =	rddreg [dreg:$0x0];
	s4 =	simm.s32 $0x1  }
0x2: {  	s7 =	simm.s32 $0x2;
	s15 =	simm.s32 $0x0;
	p0 =	por $0x0, $0x0  }
0x3: {  	s17 =	simm.s32 $0x0;
	s16 =	simm.s32 $0x0;
	s1 =	sshll.u32 s0, $0x4  }
0x4: {  	s8 =	simm.s32 $0x0;
	s0 =	stileid.u32;
	s1 =	sand.u32 $0x10, s1  }
0x5: {  	s9 =	simm.s32 $0x0;
	s10 =	simm.s32 $0x0;
	s2 =	sor.u32 s0, s1  }
.Ltmp0:
0x6: {  	s11 =	simm.s32 $0x0;
	s3 =	ssub.s32 $0x56, s2;
	(pc) =	sbr.rel .LBB1_1-.Ltmp0, $4  }
0x7: {  	s13 =	simm.s32 $0x0;
	s14 =	simm.s32 $0x0;
	s5 =	sshrl.u32 s3, $0x5  }
0x8: {  	s1 =	rddreg [dreg:$0x1];
	_ =	strace $0x8000004A;
	s5 =	smul.u32 $0x31, s5  }
0x9: {  	[sflag:s4] =	ssyncpa.u1 $0x0;
	s12 =	smov.u32 s2;
	s3 =	sadd.s32 $0x697600, s6  }
0xa: {  	s6 =	sadd.s32 $0x400, s6;
	[sflag:s7] =	ssyncpa.u1 $0x0;
	s7 =	sadd.s32 $0x1, s5  }
.LBB1_4:
0xb: {  	s23 =	sshll.u32 s8, $0x7;
	s24 =	sshll.u32 s10, $0x3  }
0xc: {  	p1 =	sgt.s32 s9, $0x36;
	s26 =	sshra.s32 s9, $0x1F;
	s22 =	sshra.s32 s22, $0x2  }
0xd: {  	s29 =	ssub.s32 $0x0, s10;
	s25 =	sand.u32 $0xFFFFFC00, s23;
	s24 =	sand.u32 $0xFFFFFC00, s24  }
0xe: {  	[tilespmem:s20+$0x2040 ss:$0x81] =	vst.msk $0xffff, v4;
	s30 =	sshra.s32 s8, $0x1F;
	s23 =	sand.u32 $0x380, s23;
	s24 =	sadd.s32 s24, s25  }
0xf: {  	[tilespmem:s20+$0x2850 ss:$0x81] =	vst.msk $0xffff, v3;
	s21 =	sadd.s32 s22, s21;
	s23 =	sor.u32 s23, s24;
	s24 =	smov.u32 s9  }
0x10: {  	[tilespmem:s20+$0x3060 ss:$0x81] =	vst.msk $0xffff, v2;
	s25 =	sand.u32 s26, s9;
	s23 =	sshrl.u32 s23, $0x7;
	s24 =	simm.s32 @!p1 $0x36  }
0x11: {  	v5 =	vld [tilespmem:s19+$0xFFFFFFD0];
	[tilespmem:s20+$0x0 ss:$0x81] =	vst.msk $0xffff, v0;
	s20 =	sand.u32 s30, s8;
	s26 =	smulhi.u32 $0x29E71ED, s23;
	s24 =	ssub.s32 s24, s25  }
0x12: {  	v58 =	vld [tilespmem:s19+$0xFFFFFFE0];
	s27 =	sadd.s32 $0xFFFFFFCA, s24;
	s22 =	ssub.s32 $0x37, s24;
	s24 =	smov.u32 s8  }
0x13: {  	v59 =	vld [tilespmem:s19+$0xFFFFFFF0];
	s28 =	sshrl.u32 s26, $0x6;
	p1 =	sgt.s32 s27, $0x0;
	s26 =	smin.u32 s10, s29  }
0x14: {  	v60 =	vld [tilespmem:s19+$0x0];
	s27 =	smul.u32 $0x18700, s9;
	s22 =	simm.s32 @p1 $0x0;
	p1 =	sgt.s32 s8, $0x17F0  }
0x15: {  	v61 =	vld [tilespmem:s19+$0x10];
	[tilespmem:s21+$0x3870 ss:$0x81] =	vst.msk $0xffff, v1;
	s24 =	simm.s32 @!p1 $0x17F0;
	p1 =	sgt.s32 s26, $0x7F;
	s26 =	ssub.s32 $0x80, s26  }
0x16: {  	v62 =	vld [tilespmem:s19+$0x20];
	[tilespmem:s21+$0x810 ss:$0x81] =	vst.msk $0xffff, v5;
	s31 =	smul.u32 $0x1870, s28;
	s20 =	ssub.s32 s24, s20;
	s26 =	simm.s32 @p1 $0x0  }
0x17: {  	v63 =	vld [tilespmem:s19+$0xFFFFFFC0];
	[tilespmem:s21+$0x1020 ss:$0x81] =	vst.msk $0xffff, v58;
	s25 =	smul.u32 s26, s22;
	s26 =	sadd.s32 $0xFFFFE810, s20  }
0x18: {  	[tilespmem:s21+$0x1830 ss:$0x81] =	vst.msk $0xffff, v59;
	s28 =	sshrl.u32 s10, $0x3;
	s20 =	ssub.s32 $0x1870, s20;
	p1 =	sgt.s32 s26, $0x7F  }
0x19: {  	[tilespmem:s21+$0x2040 ss:$0x81] =	vst.msk $0xffff, v60;
	s29 =	sand.u32 $0xF, s28;
	s20 =	simm.s32 @p1 $0x0  }
0x1a: {  	[tilespmem:s21+$0x2850 ss:$0x81] =	vst.msk $0xffff, v61;
	s23 =	ssub.s32 s23, s31;
	s22 =	sadd.s32 s6, s27;
	s19 =	smul.u32 s20, s25  }
0x1b: {  	[tilespmem:s21+$0x3060 ss:$0x81] =	vst.msk $0xffff, v62;
	s30 =	sshll.u32 s23, $0x4;
	s20 =	sadd.s32 s29, s22  }
0x1c: {  	[tilespmem:s21+$0x0 ss:$0x81] =	vst.msk $0xffff, v63;
	s31 =	sand.u32 $0x7, s10;
	s20 =	sadd.s32 s30, s20;
	s19 =	sand.u32 $0x3FFFFFFF, s19  }
0x1d: {  	[hbm4b:s20+s31] =	stream.linear.scatter [tilespmem:s18], [sflag:$0x2], s19, $0x20;
	[tilespmem:$0x10100] =	vst v63  }
.LBB1_5:
0x1e: {  	p1 =	slt.u32 s14, $0x2  }
0x1f: {  	p2 =	sgt.s32 @!p1 s17, $0x36  }
0x20: {  	s18 =	smov.u32 s17;
	s19 =	sshra.s32 @!p1 s17, $0x1F;
	p2 =	por !p2, p1  }
0x21: {  	s17 =	sand.u32 @!p1 s19, s17;
	s18 =	simm.s32 @p2 $0x36  }
0x22: {  	p3 =	sgt.s32 @!p1 s15, $0x17F0;
	s17 =	ssub.s32 @!p1 s18, s17  }
0x23: {  	p3 =	por !p3, p1;
	s19 =	smov.u32 s15;
	s18 =	sadd.s32 @!p1 $0xFFFFFFCA, s17  }
0x24: {  	s17 =	ssub.s32 @!p1 $0x37, s17;
	p2 =	sgt.s32 @!p1 s18, $0x0;
	s18 =	sshra.s32 @!p1 s15, $0x1F  }
0x25: {  	s15 =	sand.u32 @!p1 s18, s15;
	s18 =	ssub.s32 @!p1 $0x0, s16;
	p2 =	por !p2, p1  }
0x26: {  	s19 =	simm.s32 @p3 $0x17F0;
	s16 =	smin.u32 @!p1 s16, s18;
	s17 =	simm.s32 @!p2 $0x0  }
0x27: {  	s15 =	ssub.s32 @!p1 s19, s15;
	s19 =	smov.u32 s12;
	p2 =	sgt.s32 @!p1 s16, $0x7F  }
0x28: {  	s18 =	sadd.s32 @!p1 $0xFFFFE810, s15;
	s16 =	ssub.s32 @!p1 $0x80, s16;
	p2 =	por !p2, p1  }
0x29: {  	s15 =	ssub.s32 @!p1 $0x1870, s15;
	p3 =	sgt.s32 @!p1 s18, $0x7F;
	s16 =	simm.s32 @!p2 $0x0  }
0x2a: {  	s18 =	sadd.s32 $0x80, s11;
	p2 =	por !p3, p1;
	s16 =	smul.u32 @!p1 s16, s17  }
0x2b: {  	s15 =	simm.s32 @!p2 $0x0;
	p2 =	sgt.s32 s18, $0x1869;
	s17 =	sadd.s32 $0x20, s12  }
0x2c: {  	s20 =	smov.u32 s13;
	s19 =	smov.u32 @p2 s17  }
0x2d: {  	s15 =	smul.u32 @!p1 s15, s16;
	p3 =	sgt.s32 s19, $0x36;
	s16 =	sadd.s32 $0x80, s13  }
0x2e: {  	p0 =	por !p0, !p0;
	s21 =	simm.s32 @!p1 $0x2;
	s20 =	smov.u32 @p3 s16  }
0x2f: {  	s18 =	simm.s32 @p2 $0x0;
	s17 =	smov.u32 s9;
	p2 =	sgt.s32 s20, $0x7F  }
0x30: {  	s9 =	smov.u32 s12;
	s20 =	simm.s32 @p2 $0x0;
	p2 =	sne.s32 s14, s7  }
.Ltmp1:
0x31: {  	s19 =	smov.u32 @p3 s2;
	s16 =	smov.u32 s10;
	(pc) =	sbr.rel @!p2 .LBB1_6-.Ltmp1, $4  }
0x32: {  	s10 =	smov.u32 s13;
	s15 =	sand.u32 @!p1 $0x3FFFFFFF, s15;
	s12 =	smov.u32 s19  }
0x33: {  	_ =	swait.ge @!p1 [sflag:s21], s15;
	s22 =	ssub.s32 @!p1 $0x0, s15;
	s15 =	smov.u32 s8  }
0x34: {  	s14 =	sadd.s32 $0x1, s14;
	s8 =	smov.u32 s11;
	[sflag:s21] =	ssyncset.done @!p1 $0x0  }
0x35: {  	s11 =	smov.u32 s18;
	s13 =	smov.u32 s20;
	[sflag:s21] =	ssyncadd.s32 @!p1 s22  }
.LBB1_1:
0x36: {  	p1 =	sge.u32 s14, s5  }
0x37: {  	s18 =	sshrl.u32 @!p1 s12, $0x3  }
0x38: {  	s19 =	sshll.u32 @!p1 s11, $0x3;
	s18 =	smul.u32 @!p1 $0xC400, s18  }
0x39: {  	s20 =	sshll.u32 @!p1 s12, $0x7;
	s19 =	sand.u32 @!p1 $0xFFFFFC00, s19  }
0x3a: {  	s18 =	sadd.s32 @!p1 s18, s19;
	s19 =	sand.u32 @!p1 $0x380, s20  }
0x3b: {  	s18 =	sor.u32 @!p1 s19, s18  }
0x3c: {  	s19 =	sand.u32 @!p1 $0x7F, s11;
	s20 =	smulhi.u32 @!p1 $0x5397829D, s18  }
0x3d: {  	s18 =	sor.u32 @!p1 s19, s18  }
0x3e: {  	s19 =	smulhi.u32 @!p1 $0x5397829D, s18;
	s20 =	sshrl.u32 @!p1 s20, $0xB  }
0x3f: {  	s21 =	smulhi.u32 @!p1 $0x4924925, s20;
	_ =	sdelay $0x1  }
0x40: {  	s19 =	sshrl.u32 @!p1 s19, $0xB;
	s21 =	smul.u32 @!p1 $0x38, s21  }
0x41: {  	s31 =	sadd.s32 $0xFFFFFFFF, s14;
	s19 =	smul.u32 @!p1 $0x1880, s19  }
0x42: {  	s22 =	sxor.u32 @!p1 $0xFFFFFFFF, s14;
	s20 =	ssub.s32 @!p1 s20, s21;
	s21 =	smul.u32 @!p1 $0xAB80, s13  }
0x43: {  	s22 =	sshll.u32 @!p1 s22, $0xE;
	s18 =	ssub.s32 @!p1 s18, s19;
	s19 =	smul.u32 @!p1 $0x310, s20  }
0x44: {  	s20 =	sand.u32 @!p1 $0x4000, s22;
	s22 =	sand.u32 @!p1 $0x7, s18;
	s21 =	sadd.s32 @!p1 s3, s21  }
0x45: {  	s18 =	sshrl.u32 @!p1 s18, $0x3;
	s19 =	sadd.s32 @!p1 s19, s21;
	s21 =	sshll.u32 @!p1 s22, $0x12  }
0x46: {  	s18 =	sadd.s32 @!p1 s18, s19;
	s19 =	sor.u32 @!p1 $0x80, s21;
	s21 =	simm.s32 @!p1 $0x55C00  }
0x47: {  	[tilespmem:s20], [sflag:$0x1] =	stream.strided.gather @!p1 [hbm4b:s18+s19], $0x4000, s21, s19, $0x38;
	[tilespmem:$0x10100] =	vst v63  }
0x48: {  	p1 =	sge.u32 s31, s5  }
.Ltmp2:
0x49: {  	_ = 	snop;
	(pc) =	sbr.rel @p1 .LBB1_5-.Ltmp2, $1  }
0x4a: {  	_ =	sdelay $0x3  }
0x4b: {  	s18 =	simm.s32 $0x1  }
0x4c: {  	_ =	swait.ge [sflag:s4], $0x4000;
	s18 =	simm.s32 @!p0 $0x0  }
0x4d: {  	[sflag:s4] =	ssyncset.done $0x0;
	s19 =	sshll.u32 s18, $0xE  }
0x4e: {  	[sflag:s4] =	ssyncadd.s32 $0xFFFFC000;
	s19 =	sor.u32 $0x40, s19  }
0x4f: {  	s18 =	smul.u32 $0x10200, s18;
	v0 =	vld [tilespmem:s19+$0x30]  }
0x50: {  	v1 =	vld [tilespmem:s19+$0xFFFFFFD0]  }
0x51: {  	s18 =	sshrl.u32 s18, $0x2;
	v5 =	vld [tilespmem:s19+$0xFFFFFFE0]  }
0x52: {  	v6 =	vld [tilespmem:s19+$0xFFFFFFF0];
	s21 =	sor.u32 $0x8000, s18  }
0x53: {  	s31 =	sand.u32 $0x1, s14;
	v4 =	vld [tilespmem:s19+$0x0];
	s20 =	sadd.s32 $0x0, s21  }
0x54: {  	v3 =	vld [tilespmem:s19+$0x10];
	s18 =	smul.u32 $0x10200, s31;
	[tilespmem:s20+$0x3870 ss:$0x81] =	vst.msk $0xffff, v0  }
0x55: {  	v2 =	vld [tilespmem:s19+$0x20];
	[tilespmem:s20+$0x810 ss:$0x81] =	vst.msk $0xffff, v1  }
0x56: {  	s18 =	sshrl.u32 s18, $0x2;
	v0 =	vld [tilespmem:s19+$0xFFFFFFC0];
	[tilespmem:s20+$0x1020 ss:$0x81] =	vst.msk $0xffff, v5;
	s19 =	sadd.s32 $0x80, s19  }
0x57: {  	s22 =	simm.s32 $0x4;
	s23 =	simm.s32 $0x8;
	s18 =	sor.u32 $0x8000, s18;
	[tilespmem:s20+$0x1830 ss:$0x81] =	vst.msk $0xffff, v6;
	v1 =	vld [tilespmem:s19+$0x30]  }
.LBB1_3:
0x58: {  	p1 =	sne.s32 s23, $0x1FC;
	v5 =	vld [tilespmem:s19+$0xFFFFFFD0];
	[tilespmem:s20+$0x2040 ss:$0x81] =	vst.msk $0xffff, v4  }
0x59: {  	v6 =	vld [tilespmem:s19+$0xFFFFFFE0];
	[tilespmem:s20+$0x2850 ss:$0x81] =	vst.msk $0xffff, v3  }
0x5a: {  	s24 =	sshra.s32 s22, $0x2;
	s22 =	smov.u32 s23;
	v7 =	vld [tilespmem:s19+$0xFFFFFFF0];
	[tilespmem:s20+$0x3060 ss:$0x81] =	vst.msk $0xffff, v2  }
.Ltmp3:
0x5b: {  	v4 =	vld [tilespmem:s19+$0x0];
	[tilespmem:s20+$0x0 ss:$0x81] =	vst.msk $0xffff, v0;
	s20 =	sadd.s32 s24, s21;
	(pc) =	sbr.rel @p1 .LBB1_3-.Ltmp3, $4  }
0x5c: {  	v3 =	vld [tilespmem:s19+$0x10];
	[tilespmem:s20+$0x3870 ss:$0x81] =	vst.msk $0xffff, v1  }
0x5d: {  	[tilespmem:s20+$0x810 ss:$0x81] =	vst.msk $0xffff, v5;
	v2 =	vld [tilespmem:s19+$0x20]  }
0x5e: {  	v0 =	vld [tilespmem:s19+$0xFFFFFFC0];
	[tilespmem:s20+$0x1020 ss:$0x81] =	vst.msk $0xffff, v6;
	s19 =	sadd.s32 $0x80, s19  }
0x5f: {  	s23 =	sadd.s32 $0x4, s23;
	v1 =	vld [tilespmem:s19+$0x30];
	[tilespmem:s20+$0x1830 ss:$0x81] =	vst.msk $0xffff, v7  }
.Ltmp4:
0x60: {  	_ = 	snop;
	(pc) =	sbr.rel .LBB1_4-.Ltmp4, $1  }
0x61: {  	_ =	sdelay $0x3  }
.LBB1_6:
0x62: {  	_ =	sfence.sel $0x180000  }
0x63: {  	s2 =	simm.s32 $0x1;
	[bflag:$0x0] =	sbarrier.arrive $0xFFFF  }
0x64: {  	s31 =	simm.s32 $0x2;
	[sflag:s2] =	ssyncpa.u1 $0x1  }
0x65: {  	[sflag:s31] =	ssyncpa.u1 $0x1  }
0x66: {  	p0 =	sne.s32 s0, $0x0;
	_ =	strace $0x9000004A  }
0x67: {  	s0 =	sadd.s32 @!p0 $0x100000, s1;
	[bflag:$0x2] =	sbarrier.arrive $0xFFFF  }
0x68: {  	[sflag:s0] =	ssyncadd.tile.s32 @!p0 $0x1;
	_ =	shalt  }
.Lfunc_end1:
_tile_overlayer_lowered:
.L_overlay_start_2:
0x69: {  	(tag) =	ssettag $0x2  }
0x6a: {  	s0 =	rddreg [dreg:$0x0];
	s2 =	stileid.u32  }
0x6b: {  	s1 =	rddreg [dreg:$0x1];
	p0 =	sne.s32 s2, $0x0  }
0x6c: {  	s3 =	rddreg [dreg:$0x2];
	[bflag:$0x3] =	sbarrier.arrive $0xFFFF;
	s2 =	simm.s32 @!p0 $0x1C01  }
0x6d: {  	[timem:s3], [sflag:s2] =	dma.local @!p0 [hbm:s0], s1  }
0x6e: {  	s0 =	simm.s32 @!p0 $0x1  }
0x6f: {  	_ =	swait.ge @!p0 [sflag:s0], s1  }
0x70: {  	s1 =	ssub.s32 @!p0 $0x0, s1;
	[sflag:s0] =	ssyncset.done @!p0 $0x0  }
0x71: {  	[sflag:s0] =	ssyncadd.s32 @!p0 s1  }
0x72: {  	[bflag:$0x3] =	sbarrier.arrive $0xFFFF  }
0x73: {  	_ =	shalt  }

</sc_bundles>
